<compile_context>
chip_gen: v7x
topology: tpu7x:2x2x1
jax: 0.10.2.dev20260603
libtpu: 0.0.44.dev20260713+nightly
codegen_flags: <defaults>
</compile_context>

<pallas_src>
import jax
import jax.numpy as jnp
from jax import lax
from jax.experimental import pallas as pl
from jax.experimental.pallas import tpu as pltpu, tpu_sc as plsc

B = 16384
D = 64
NC, NS, L = 2, 16, 16
NW = NC * NS
RPW = B // NW
SUB = 64
NSUB = RPW // SUB
BLK = 128
NBG = B // BLK
TD = D // 8


def _body(h_hbm, r_hbm, t_hbm, n_hbm, ent_hbm, rel_hbm, score_hbm, neg_hbm,
          hs, rs, ts, ns,
          hi2, ri2, ti2, ni2,
          hb0, rb0, tb0, nb0, hb1, rb1, tb1, nb1,
          so0, no0, so1, no1,
          isem, gsem0, gsem1, osem0, osem1):
    wid = lax.axis_index("s") * NC + lax.axis_index("c")
    base_w = wid * RPW

    cps = [pltpu.async_copy(h_hbm.at[pl.ds(base_w, RPW)], hs, isem),
           pltpu.async_copy(r_hbm.at[pl.ds(base_w, RPW)], rs, isem),
           pltpu.async_copy(t_hbm.at[pl.ds(base_w, RPW)], ts, isem),
           pltpu.async_copy(n_hbm.at[pl.ds(base_w, RPW)], ns, isem)]
    for c in cps:
        c.wait()

    for src, idx2 in ((hs, hi2), (rs, ri2), (ts, ti2), (ns, ni2)):
        for v in range(RPW // L):
            sub, lo = (v * L) // SUB, (v * L) % SUB
            idx2[sub, pl.ds(lo, L)] = src[pl.ds(v * L, L)]

    gsets = ((hb0, rb0, tb0, nb0, gsem0),
             (hb1, rb1, tb1, nb1, gsem1))
    osets = ((so0, no0, osem0), (so1, no1, osem1))

    def start_gathers(k):
        hb, rb, tb, nb, gsem = gsets[k % 2]
        return [pltpu.async_copy(ent_hbm.at[hi2.at[k]], hb, gsem),
                pltpu.async_copy(rel_hbm.at[ri2.at[k]], rb, gsem),
                pltpu.async_copy(ent_hbm.at[ti2.at[k]], tb, gsem),
                pltpu.async_copy(ent_hbm.at[ni2.at[k]], nb, gsem)]

    iota = lax.iota(jnp.int32, L)
    cjhi = [(iota + j * L) // 8 for j in range(D // L)]
    cjlo = [((iota + j * L) % 8) * BLK for j in range(D // L)]
    pend_g = {0: start_gathers(0)}
    pend_o = {}
    for k in range(NSUB):
        hb, rb, tb, nb, _ = gsets[k % 2]
        blk = k // 2
        outS, outN, osem = osets[blk % 2]
        if k + 1 < NSUB:
            pend_g[k + 1] = start_gathers(k + 1)
        if k % 2 == 0:
            for c in pend_o.pop(blk - 2, ()):
                c.wait()
        for c in pend_g.pop(k):
            c.wait()

        half = (k % 2) * SUB

        @plsc.parallel_loop(0, SUB)
        def _compute(i):
            co = (i + half) + jnp.zeros((L,), jnp.int32)
            for j in range(D // L):
                sl = pl.ds(j * L, L)
                s = hb[i, sl] + rb[i, sl]
                col = cjlo[j] + co
                plsc.store_scatter(outS, [cjhi[j], col], s - tb[i, sl])
                plsc.store_scatter(outN, [cjhi[j], col], s - nb[i, sl])

        if k % 2 == 1:
            bg = (base_w + blk * BLK) // BLK
            pend_o[blk] = [
                pltpu.async_copy(outS, score_hbm.at[:, bg], osem),
                pltpu.async_copy(outN, neg_hbm.at[:, bg], osem)]
    for b in sorted(pend_o):
        for c in pend_o[b]:
            c.wait()


def kernel(h, r, t, neg_idx, entity_table, relation_table):
    mesh = plsc.VectorSubcoreMesh(
        core_axis_name="c", subcore_axis_name="s",
        num_cores=NC, num_subcores=NS)
    f = pl.kernel(
        _body,
        out_type=(jax.ShapeDtypeStruct((TD, NBG, 8 * BLK), jnp.float32),
                  jax.ShapeDtypeStruct((TD, NBG, 8 * BLK), jnp.float32)),
        mesh=mesh,
        compiler_params=pltpu.CompilerParams(
            needs_layout_passes=False, use_tc_tiling_on_sc=False),
        scratch_types=[
            pltpu.VMEM((RPW,), jnp.int32),
            pltpu.VMEM((RPW,), jnp.int32),
            pltpu.VMEM((RPW,), jnp.int32),
            pltpu.VMEM((RPW,), jnp.int32),
            pltpu.VMEM((NSUB, SUB), jnp.int32),
            pltpu.VMEM((NSUB, SUB), jnp.int32),
            pltpu.VMEM((NSUB, SUB), jnp.int32),
            pltpu.VMEM((NSUB, SUB), jnp.int32),
            pltpu.VMEM((SUB, D), jnp.float32),
            pltpu.VMEM((SUB, D), jnp.float32),
            pltpu.VMEM((SUB, D), jnp.float32),
            pltpu.VMEM((SUB, D), jnp.float32),
            pltpu.VMEM((SUB, D), jnp.float32),
            pltpu.VMEM((SUB, D), jnp.float32),
            pltpu.VMEM((SUB, D), jnp.float32),
            pltpu.VMEM((SUB, D), jnp.float32),
            pltpu.VMEM((TD, 8 * BLK), jnp.float32),
            pltpu.VMEM((TD, 8 * BLK), jnp.float32),
            pltpu.VMEM((TD, 8 * BLK), jnp.float32),
            pltpu.VMEM((TD, 8 * BLK), jnp.float32),
            pltpu.SemaphoreType.DMA,
            pltpu.SemaphoreType.DMA,
            pltpu.SemaphoreType.DMA,
            pltpu.SemaphoreType.DMA,
            pltpu.SemaphoreType.DMA,
        ],
    )
    score4, neg4 = f(h.astype(jnp.int32), r.astype(jnp.int32),
                     t.astype(jnp.int32), neg_idx.astype(jnp.int32),
                     entity_table, relation_table)

    def unpack(o):
        o = o.reshape(TD, NBG, 8, BLK).transpose(0, 2, 1, 3)
        return o.reshape(D, B).T[:, None, :]

    return unpack(score4), unpack(neg4)

# --- scband reference (transcript-rebuilt; emitter-appended) ---
"""Pipeline reference for scband-trans-e-11046655885954 (READ-ONLY COPY).

The authoritative reference and input builder live on the scoring server;
editing this copy changes nothing except your own understanding.
"""

import jax, jax.numpy as jnp
import numpy as np

NUM_ENTITIES = 100000
NUM_RELATIONS = 1000
EMBED_DIM = 64
BATCH = 16384


def setup_inputs(seed: int = 0) -> dict:
    key = jax.random.key(seed)
    k_h, k_r, k_t, k_neg, k_ent, k_rel = jax.random.split(key, 6)
    h = jax.random.randint(k_h, (BATCH,), 0, NUM_ENTITIES, dtype=jnp.int64 if jax.config.jax_enable_x64 else jnp.int32)
    r = jax.random.randint(k_r, (BATCH,), 0, NUM_RELATIONS, dtype=h.dtype)
    t = jax.random.randint(k_t, (BATCH,), 0, NUM_ENTITIES, dtype=h.dtype)
    # negative-sample indices (random.randint in original forward); fixed key for determinism
    neg_idx = jax.random.randint(k_neg, (BATCH,), 0, NUM_ENTITIES, dtype=h.dtype)
    # xavier_normal init: std = sqrt(2 / (fan_in + fan_out))
    std_e = float(np.sqrt(2.0 / (NUM_ENTITIES + EMBED_DIM)))
    std_r = float(np.sqrt(2.0 / (NUM_RELATIONS + EMBED_DIM)))
    entity_table = jax.random.normal(k_ent, (NUM_ENTITIES, EMBED_DIM), dtype=jnp.float32) * std_e
    relation_table = jax.random.normal(k_rel, (NUM_RELATIONS, EMBED_DIM), dtype=jnp.float32) * std_r
    # relation table L2-normalized at construction time (as in __init__)
    relation_table = relation_table / jnp.clip(jnp.linalg.norm(relation_table, axis=-1, keepdims=True), 1e-12)
    return {"h": h, "r": r, "t": t, "neg_idx": neg_idx, "entity_table": entity_table, "relation_table": relation_table}


def reference(h, r, t, neg_idx, entity_table, relation_table):
    # word2index maps are identity (vocab indices are already integer ids)
    # torch indexing with shape [B,1] LongTensor -> embeddings shape [B,1,D]
    h_e = jnp.take(entity_table, h, axis=0)[:, None, :]
    t_e = jnp.take(entity_table, t, axis=0)[:, None, :]
    r_e = jnp.take(relation_table, r, axis=0)[:, None, :]
    neg_e = jnp.take(entity_table, neg_idx, axis=0)[:, None, :]
    score = h_e + r_e - t_e
    neg_score = h_e + r_e - neg_e
    return (score, neg_score)

if __name__ == "__main__":
    import jax
    _d = setup_inputs()
    print(jax.jit(kernel)(*tuple(_d.values())))

</pallas_src>

<mosaic_0001>
#map = affine_map<(d0, d1) -> (0)>
#map1 = affine_map<(d0, d1) -> (0, 0)>
#map2 = affine_map<(d0, d1) -> (0, 0, 0)>
module attributes {stable_mosaic.version = 14 : i64} {
  func.func @_body(%arg0: i32, %arg1: i32, %arg2: memref<16384xi32, #tpu.memory_space<hbm>>, %arg3: memref<16384xi32, #tpu.memory_space<hbm>>, %arg4: memref<16384xi32, #tpu.memory_space<hbm>>, %arg5: memref<16384xi32, #tpu.memory_space<hbm>>, %arg6: memref<100000x64xf32, #tpu.memory_space<hbm>>, %arg7: memref<1000x64xf32, #tpu.memory_space<hbm>>, %arg8: memref<8x128x1024xf32, #tpu.memory_space<hbm>>, %arg9: memref<8x128x1024xf32, #tpu.memory_space<hbm>>, %arg10: memref<512xi32, #tpu.memory_space<vmem>>, %arg11: memref<512xi32, #tpu.memory_space<vmem>>, %arg12: memref<512xi32, #tpu.memory_space<vmem>>, %arg13: memref<512xi32, #tpu.memory_space<vmem>>, %arg14: memref<8x64xi32, #tpu.memory_space<vmem>>, %arg15: memref<8x64xi32, #tpu.memory_space<vmem>>, %arg16: memref<8x64xi32, #tpu.memory_space<vmem>>, %arg17: memref<8x64xi32, #tpu.memory_space<vmem>>, %arg18: memref<64x64xf32, #tpu.memory_space<vmem>>, %arg19: memref<64x64xf32, #tpu.memory_space<vmem>>, %arg20: memref<64x64xf32, #tpu.memory_space<vmem>>, %arg21: memref<64x64xf32, #tpu.memory_space<vmem>>, %arg22: memref<64x64xf32, #tpu.memory_space<vmem>>, %arg23: memref<64x64xf32, #tpu.memory_space<vmem>>, %arg24: memref<64x64xf32, #tpu.memory_space<vmem>>, %arg25: memref<64x64xf32, #tpu.memory_space<vmem>>, %arg26: memref<8x1024xf32, #tpu.memory_space<vmem>>, %arg27: memref<8x1024xf32, #tpu.memory_space<vmem>>, %arg28: memref<8x1024xf32, #tpu.memory_space<vmem>>, %arg29: memref<8x1024xf32, #tpu.memory_space<vmem>>, %arg30: memref<!tpu.dma_semaphore, #tpu.memory_space<semaphore_mem>>, %arg31: memref<!tpu.dma_semaphore, #tpu.memory_space<semaphore_mem>>, %arg32: memref<!tpu.dma_semaphore, #tpu.memory_space<semaphore_mem>>, %arg33: memref<!tpu.dma_semaphore, #tpu.memory_space<semaphore_mem>>, %arg34: memref<!tpu.dma_semaphore, #tpu.memory_space<semaphore_mem>>) attributes {dimension_semantics = [#tpu.dimension_semantics<core_parallel>, #tpu.dimension_semantics<subcore_parallel>], iteration_bounds = array<i64: 2, 16>, scalar_prefetch = 0 : i64, scratch_operands = 25 : i64, tpu.core_type = #tpu.core_type<sc_vector_subcore>, window_params = [{transform_indices = #map}, {transform_indices = #map}, {transform_indices = #map}, {transform_indices = #map}, {transform_indices = #map1}, {transform_indices = #map1}, {transform_indices = #map2}, {transform_indices = #map2}]} {
    %mul3A = arith.constant 2 : i32
    %mul3A_0 = arith.muli %arg1, %mul3A : i32
    %add3A = arith.addi %mul3A_0, %arg0 : i32
    %mul3A_1 = arith.constant 512 : i32
    %mul3A_2 = arith.muli %add3A, %mul3A_1 : i32
    %dma_start3A = tpu.memref_slice %arg2[%mul3A_2] : memref<16384xi32, #tpu.memory_space<hbm>> -> memref<512xi32, #tpu.memory_space<hbm>>
    %dma_start3A_3 = tpu.memref_slice %arg2[%mul3A_2] : memref<16384xi32, #tpu.memory_space<hbm>> -> memref<512xi32, #tpu.memory_space<hbm>>
    tpu.enqueue_dma source(%dma_start3A_3 : memref<512xi32, #tpu.memory_space<hbm>>) target(%arg10 : memref<512xi32, #tpu.memory_space<vmem>>) target_semaphore(%arg30 : memref<!tpu.dma_semaphore, #tpu.memory_space<semaphore_mem>>)
    %dma_start3A_4 = tpu.memref_slice %arg3[%mul3A_2] : memref<16384xi32, #tpu.memory_space<hbm>> -> memref<512xi32, #tpu.memory_space<hbm>>
    %dma_start3A_5 = tpu.memref_slice %arg3[%mul3A_2] : memref<16384xi32, #tpu.memory_space<hbm>> -> memref<512xi32, #tpu.memory_space<hbm>>
    tpu.enqueue_dma source(%dma_start3A_5 : memref<512xi32, #tpu.memory_space<hbm>>) target(%arg11 : memref<512xi32, #tpu.memory_space<vmem>>) target_semaphore(%arg30 : memref<!tpu.dma_semaphore, #tpu.memory_space<semaphore_mem>>)
    %dma_start3A_6 = tpu.memref_slice %arg4[%mul3A_2] : memref<16384xi32, #tpu.memory_space<hbm>> -> memref<512xi32, #tpu.memory_space<hbm>>
    %dma_start3A_7 = tpu.memref_slice %arg4[%mul3A_2] : memref<16384xi32, #tpu.memory_space<hbm>> -> memref<512xi32, #tpu.memory_space<hbm>>
    tpu.enqueue_dma source(%dma_start3A_7 : memref<512xi32, #tpu.memory_space<hbm>>) target(%arg12 : memref<512xi32, #tpu.memory_space<vmem>>) target_semaphore(%arg30 : memref<!tpu.dma_semaphore, #tpu.memory_space<semaphore_mem>>)
    %dma_start3A_8 = tpu.memref_slice %arg5[%mul3A_2] : memref<16384xi32, #tpu.memory_space<hbm>> -> memref<512xi32, #tpu.memory_space<hbm>>
    %dma_start3A_9 = tpu.memref_slice %arg5[%mul3A_2] : memref<16384xi32, #tpu.memory_space<hbm>> -> memref<512xi32, #tpu.memory_space<hbm>>
    tpu.enqueue_dma source(%dma_start3A_9 : memref<512xi32, #tpu.memory_space<hbm>>) target(%arg13 : memref<512xi32, #tpu.memory_space<vmem>>) target_semaphore(%arg30 : memref<!tpu.dma_semaphore, #tpu.memory_space<semaphore_mem>>)
    %dma_wait3A = tpu.memref_slice %arg2[%mul3A_2] : memref<16384xi32, #tpu.memory_space<hbm>> -> memref<512xi32, #tpu.memory_space<hbm>>
    %dma_wait3A_10 = tpu.memref_slice %arg2[%mul3A_2] : memref<16384xi32, #tpu.memory_space<hbm>> -> memref<512xi32, #tpu.memory_space<hbm>>
    tpu.wait_dma2 semaphore(%arg30 : memref<!tpu.dma_semaphore, #tpu.memory_space<semaphore_mem>>) src(%dma_wait3A_10 : memref<512xi32, #tpu.memory_space<hbm>>) dst(%arg10 : memref<512xi32, #tpu.memory_space<vmem>>)
    %dma_wait3A_11 = tpu.memref_slice %arg3[%mul3A_2] : memref<16384xi32, #tpu.memory_space<hbm>> -> memref<512xi32, #tpu.memory_space<hbm>>
    %dma_wait3A_12 = tpu.memref_slice %arg3[%mul3A_2] : memref<16384xi32, #tpu.memory_space<hbm>> -> memref<512xi32, #tpu.memory_space<hbm>>
    tpu.wait_dma2 semaphore(%arg30 : memref<!tpu.dma_semaphore, #tpu.memory_space<semaphore_mem>>) src(%dma_wait3A_12 : memref<512xi32, #tpu.memory_space<hbm>>) dst(%arg11 : memref<512xi32, #tpu.memory_space<vmem>>)
    %dma_wait3A_13 = tpu.memref_slice %arg4[%mul3A_2] : memref<16384xi32, #tpu.memory_space<hbm>> -> memref<512xi32, #tpu.memory_space<hbm>>
    %dma_wait3A_14 = tpu.memref_slice %arg4[%mul3A_2] : memref<16384xi32, #tpu.memory_space<hbm>> -> memref<512xi32, #tpu.memory_space<hbm>>
    tpu.wait_dma2 semaphore(%arg30 : memref<!tpu.dma_semaphore, #tpu.memory_space<semaphore_mem>>) src(%dma_wait3A_14 : memref<512xi32, #tpu.memory_space<hbm>>) dst(%arg12 : memref<512xi32, #tpu.memory_space<vmem>>)
    %dma_wait3A_15 = tpu.memref_slice %arg5[%mul3A_2] : memref<16384xi32, #tpu.memory_space<hbm>> -> memref<512xi32, #tpu.memory_space<hbm>>
    %dma_wait3A_16 = tpu.memref_slice %arg5[%mul3A_2] : memref<16384xi32, #tpu.memory_space<hbm>> -> memref<512xi32, #tpu.memory_space<hbm>>
    tpu.wait_dma2 semaphore(%arg30 : memref<!tpu.dma_semaphore, #tpu.memory_space<semaphore_mem>>) src(%dma_wait3A_16 : memref<512xi32, #tpu.memory_space<hbm>>) dst(%arg13 : memref<512xi32, #tpu.memory_space<vmem>>)
    %get3A = arith.constant 0 : index
    %get3A_17 = tpu.vector_load %arg10[%get3A] {strides = array<i32>} : memref<512xi32, #tpu.memory_space<vmem>>, vector<16xi32>,
    %swap3A = arith.constant 0 : i32
    %swap3A_18 = arith.index_cast %swap3A : i32 to index
    %swap3A_19 = arith.constant 0 : index
    %swap3A_20 = tpu.vector_load %arg14[%swap3A_18, %swap3A_19] {strides = array<i32>} : memref<8x64xi32, #tpu.memory_space<vmem>>, vector<16xi32>,
    tpu.vector_store %arg14[%swap3A_18, %swap3A_19], %get3A_17 {strides = array<i32>} : memref<8x64xi32, #tpu.memory_space<vmem>>, vector<16xi32>,
    %get3A_21 = arith.constant 16 : index
    %get3A_22 = tpu.vector_load %arg10[%get3A_21] {strides = array<i32>} : memref<512xi32, #tpu.memory_space<vmem>>, vector<16xi32>,
    %swap3A_23 = arith.constant 0 : i32
    %swap3A_24 = arith.index_cast %swap3A_23 : i32 to index
    %swap3A_25 = arith.constant 16 : index
    %swap3A_26 = tpu.vector_load %arg14[%swap3A_24, %swap3A_25] {strides = array<i32>} : memref<8x64xi32, #tpu.memory_space<vmem>>, vector<16xi32>,
    tpu.vector_store %arg14[%swap3A_24, %swap3A_25], %get3A_22 {strides = array<i32>} : memref<8x64xi32, #tpu.memory_space<vmem>>, vector<16xi32>,
    %get3A_27 = arith.constant 32 : index
    %get3A_28 = tpu.vector_load %arg10[%get3A_27] {strides = array<i32>} : memref<512xi32, #tpu.memory_space<vmem>>, vector<16xi32>,
    %swap3A_29 = arith.constant 0 : i32
    %swap3A_30 = arith.index_cast %swap3A_29 : i32 to index
    %swap3A_31 = arith.constant 32 : index
    %swap3A_32 = tpu.vector_load %arg14[%swap3A_30, %swap3A_31] {strides = array<i32>} : memref<8x64xi32, #tpu.memory_space<vmem>>, vector<16xi32>,
    tpu.vector_store %arg14[%swap3A_30, %swap3A_31], %get3A_28 {strides = array<i32>} : memref<8x64xi32, #tpu.memory_space<vmem>>, vector<16xi32>,
    %get3A_33 = arith.constant 48 : index
    %get3A_34 = tpu.vector_load %arg10[%get3A_33] {strides = array<i32>} : memref<512xi32, #tpu.memory_space<vmem>>, vector<16xi32>,
    %swap3A_35 = arith.constant 0 : i32
    %swap3A_36 = arith.index_cast %swap3A_35 : i32 to index
    %swap3A_37 = arith.constant 48 : index
    %swap3A_38 = tpu.vector_load %arg14[%swap3A_36, %swap3A_37] {strides = array<i32>} : memref<8x64xi32, #tpu.memory_space<vmem>>, vector<16xi32>,
    tpu.vector_store %arg14[%swap3A_36, %swap3A_37], %get3A_34 {strides = array<i32>} : memref<8x64xi32, #tpu.memory_space<vmem>>, vector<16xi32>,
    %get3A_39 = arith.constant 64 : index
    %get3A_40 = tpu.vector_load %arg10[%get3A_39] {strides = array<i32>} : memref<512xi32, #tpu.memory_space<vmem>>, vector<16xi32>,
    %swap3A_41 = arith.constant 1 : i32
    %swap3A_42 = arith.index_cast %swap3A_41 : i32 to index
    %swap3A_43 = arith.constant 0 : index
    %swap3A_44 = tpu.vector_load %arg14[%swap3A_42, %swap3A_43] {strides = array<i32>} : memref<8x64xi32, #tpu.memory_space<vmem>>, vector<16xi32>,
    tpu.vector_store %arg14[%swap3A_42, %swap3A_43], %get3A_40 {strides = array<i32>} : memref<8x64xi32, #tpu.memory_space<vmem>>, vector<16xi32>,
    %get3A_45 = arith.constant 80 : index
    %get3A_46 = tpu.vector_load %arg10[%get3A_45] {strides = array<i32>} : memref<512xi32, #tpu.memory_space<vmem>>, vector<16xi32>,
    %swap3A_47 = arith.constant 1 : i32
    %swap3A_48 = arith.index_cast %swap3A_47 : i32 to index
    %swap3A_49 = arith.constant 16 : index
    %swap3A_50 = tpu.vector_load %arg14[%swap3A_48, %swap3A_49] {strides = array<i32>} : memref<8x64xi32, #tpu.memory_space<vmem>>, vector<16xi32>,
    tpu.vector_store %arg14[%swap3A_48, %swap3A_49], %get3A_46 {strides = array<i32>} : memref<8x64xi32, #tpu.memory_space<vmem>>, vector<16xi32>,
    %get3A_51 = arith.constant 96 : index
    %get3A_52 = tpu.vector_load %arg10[%get3A_51] {strides = array<i32>} : memref<512xi32, #tpu.memory_space<vmem>>, vector<16xi32>,
    %swap3A_53 = arith.constant 1 : i32
    %swap3A_54 = arith.index_cast %swap3A_53 : i32 to index
    %swap3A_55 = arith.constant 32 : index
    %swap3A_56 = tpu.vector_load %arg14[%swap3A_54, %swap3A_55] {strides = array<i32>} : memref<8x64xi32, #tpu.memory_space<vmem>>, vector<16xi32>,
    tpu.vector_store %arg14[%swap3A_54, %swap3A_55], %get3A_52 {strides = array<i32>} : memref<8x64xi32, #tpu.memory_space<vmem>>, vector<16xi32>,
    %get3A_57 = arith.constant 112 : index
    %get3A_58 = tpu.vector_load %arg10[%get3A_57] {strides = array<i32>} : memref<512xi32, #tpu.memory_space<vmem>>, vector<16xi32>,
    %swap3A_59 = arith.constant 1 : i32
    %swap3A_60 = arith.index_cast %swap3A_59 : i32 to index
    %swap3A_61 = arith.constant 48 : index
    %swap3A_62 = tpu.vector_load %arg14[%swap3A_60, %swap3A_61] {strides = array<i32>} : memref<8x64xi32, #tpu.memory_space<vmem>>, vector<16xi32>,
    tpu.vector_store %arg14[%swap3A_60, %swap3A_61], %get3A_58 {strides = array<i32>} : memref<8x64xi32, #tpu.memory_space<vmem>>, vector<16xi32>,
    %get3A_63 = arith.constant 128 : index
    %get3A_64 = tpu.vector_load %arg10[%get3A_63] {strides = array<i32>} : memref<512xi32, #tpu.memory_space<vmem>>, vector<16xi32>,
    %swap3A_65 = arith.constant 2 : i32
    %swap3A_66 = arith.index_cast %swap3A_65 : i32 to index
    %swap3A_67 = arith.constant 0 : index
    %swap3A_68 = tpu.vector_load %arg14[%swap3A_66, %swap3A_67] {strides = array<i32>} : memref<8x64xi32, #tpu.memory_space<vmem>>, vector<16xi32>,
    tpu.vector_store %arg14[%swap3A_66, %swap3A_67], %get3A_64 {strides = array<i32>} : memref<8x64xi32, #tpu.memory_space<vmem>>, vector<16xi32>,
    %get3A_69 = arith.constant 144 : index
    %get3A_70 = tpu.vector_load %arg10[%get3A_69] {strides = array<i32>} : memref<512xi32, #tpu.memory_space<vmem>>, vector<16xi32>,
    %swap3A_71 = arith.constant 2 : i32
    %swap3A_72 = arith.index_cast %swap3A_71 : i32 to index
    %swap3A_73 = arith.constant 16 : index
    %swap3A_74 = tpu.vector_load %arg14[%swap3A_72, %swap3A_73] {strides = array<i32>} : memref<8x64xi32, #tpu.memory_space<vmem>>, vector<16xi32>,
    tpu.vector_store %arg14[%swap3A_72, %swap3A_73], %get3A_70 {strides = array<i32>} : memref<8x64xi32, #tpu.memory_space<vmem>>, vector<16xi32>,
    %get3A_75 = arith.constant 160 : index
    %get3A_76 = tpu.vector_load %arg10[%get3A_75] {strides = array<i32>} : memref<512xi32, #tpu.memory_space<vmem>>, vector<16xi32>,
    %swap3A_77 = arith.constant 2 : i32
    %swap3A_78 = arith.index_cast %swap3A_77 : i32 to index
    %swap3A_79 = arith.constant 32 : index
    %swap3A_80 = tpu.vector_load %arg14[%swap3A_78, %swap3A_79] {strides = array<i32>} : memref<8x64xi32, #tpu.memory_space<vmem>>, vector<16xi32>,
    tpu.vector_store %arg14[%swap3A_78, %swap3A_79], %get3A_76 {strides = array<i32>} : memref<8x64xi32, #tpu.memory_space<vmem>>, vector<16xi32>,
    %get3A_81 = arith.constant 176 : index
    %get3A_82 = tpu.vector_load %arg10[%get3A_81] {strides = array<i32>} : memref<512xi32, #tpu.memory_space<vmem>>, vector<16xi32>,
    %swap3A_83 = arith.constant 2 : i32
    %swap3A_84 = arith.index_cast %swap3A_83 : i32 to index
    %swap3A_85 = arith.constant 48 : index
    %swap3A_86 = tpu.vector_load %arg14[%swap3A_84, %swap3A_85] {strides = array<i32>} : memref<8x64xi32, #tpu.memory_space<vmem>>, vector<16xi32>,
    tpu.vector_store %arg14[%swap3A_84, %swap3A_85], %get3A_82 {strides = array<i32>} : memref<8x64xi32, #tpu.memory_space<vmem>>, vector<16xi32>,
    %get3A_87 = arith.constant 192 : index
    %get3A_88 = tpu.vector_load %arg10[%get3A_87] {strides = array<i32>} : memref<512xi32, #tpu.memory_space<vmem>>, vector<16xi32>,
    %swap3A_89 = arith.constant 3 : i32
    %swap3A_90 = arith.index_cast %swap3A_89 : i32 to index
    %swap3A_91 = arith.constant 0 : index
    %swap3A_92 = tpu.vector_load %arg14[%swap3A_90, %swap3A_91] {strides = array<i32>} : memref<8x64xi32, #tpu.memory_space<vmem>>, vector<16xi32>,
    tpu.vector_store %arg14[%swap3A_90, %swap3A_91], %get3A_88 {strides = array<i32>} : memref<8x64xi32, #tpu.memory_space<vmem>>, vector<16xi32>,
    %get3A_93 = arith.constant 208 : index
    %get3A_94 = tpu.vector_load %arg10[%get3A_93] {strides = array<i32>} : memref<512xi32, #tpu.memory_space<vmem>>, vector<16xi32>,
    %swap3A_95 = arith.constant 3 : i32
    %swap3A_96 = arith.index_cast %swap3A_95 : i32 to index
    %swap3A_97 = arith.constant 16 : index
    %swap3A_98 = tpu.vector_load %arg14[%swap3A_96, %swap3A_97] {strides = array<i32>} : memref<8x64xi32, #tpu.memory_space<vmem>>, vector<16xi32>,
    tpu.vector_store %arg14[%swap3A_96, %swap3A_97], %get3A_94 {strides = array<i32>} : memref<8x64xi32, #tpu.memory_space<vmem>>, vector<16xi32>,
    %get3A_99 = arith.constant 224 : index
    %get3A_100 = tpu.vector_load %arg10[%get3A_99] {strides = array<i32>} : memref<512xi32, #tpu.memory_space<vmem>>, vector<16xi32>,
    %swap3A_101 = arith.constant 3 : i32
    %swap3A_102 = arith.index_cast %swap3A_101 : i32 to index
    %swap3A_103 = arith.constant 32 : index
    %swap3A_104 = tpu.vector_load %arg14[%swap3A_102, %swap3A_103] {strides = array<i32>} : memref<8x64xi32, #tpu.memory_space<vmem>>, vector<16xi32>,
    tpu.vector_store %arg14[%swap3A_102, %swap3A_103], %get3A_100 {strides = array<i32>} : memref<8x64xi32, #tpu.memory_space<vmem>>, vector<16xi32>,
    %get3A_105 = arith.constant 240 : index
    %get3A_106 = tpu.vector_load %arg10[%get3A_105] {strides = array<i32>} : memref<512xi32, #tpu.memory_space<vmem>>, vector<16xi32>,
    %swap3A_107 = arith.constant 3 : i32
    %swap3A_108 = arith.index_cast %swap3A_107 : i32 to index
    %swap3A_109 = arith.constant 48 : index
    %swap3A_110 = tpu.vector_load %arg14[%swap3A_108, %swap3A_109] {strides = array<i32>} : memref<8x64xi32, #tpu.memory_space<vmem>>, vector<16xi32>,
    tpu.vector_store %arg14[%swap3A_108, %swap3A_109], %get3A_106 {strides = array<i32>} : memref<8x64xi32, #tpu.memory_space<vmem>>, vector<16xi32>,
    %get3A_111 = arith.constant 256 : index
    %get3A_112 = tpu.vector_load %arg10[%get3A_111] {strides = array<i32>} : memref<512xi32, #tpu.memory_space<vmem>>, vector<16xi32>,
    %swap3A_113 = arith.constant 4 : i32
    %swap3A_114 = arith.index_cast %swap3A_113 : i32 to index
    %swap3A_115 = arith.constant 0 : index
    %swap3A_116 = tpu.vector_load %arg14[%swap3A_114, %swap3A_115] {strides = array<i32>} : memref<8x64xi32, #tpu.memory_space<vmem>>, vector<16xi32>,
    tpu.vector_store %arg14[%swap3A_114, %swap3A_115], %get3A_112 {strides = array<i32>} : memref<8x64xi32, #tpu.memory_space<vmem>>, vector<16xi32>,
    %get3A_117 = arith.constant 272 : index
    %get3A_118 = tpu.vector_load %arg10[%get3A_117] {strides = array<i32>} : memref<512xi32, #tpu.memory_space<vmem>>, vector<16xi32>,
    %swap3A_119 = arith.constant 4 : i32
    %swap3A_120 = arith.index_cast %swap3A_119 : i32 to index
    %swap3A_121 = arith.constant 16 : index
    %swap3A_122 = tpu.vector_load %arg14[%swap3A_120, %swap3A_121] {strides = array<i32>} : memref<8x64xi32, #tpu.memory_space<vmem>>, vector<16xi32>,
    tpu.vector_store %arg14[%swap3A_120, %swap3A_121], %get3A_118 {strides = array<i32>} : memref<8x64xi32, #tpu.memory_space<vmem>>, vector<16xi32>,
    %get3A_123 = arith.constant 288 : index
    %get3A_124 = tpu.vector_load %arg10[%get3A_123] {strides = array<i32>} : memref<512xi32, #tpu.memory_space<vmem>>, vector<16xi32>,
    %swap3A_125 = arith.constant 4 : i32
    %swap3A_126 = arith.index_cast %swap3A_125 : i32 to index
    %swap3A_127 = arith.constant 32 : index
    %swap3A_128 = tpu.vector_load %arg14[%swap3A_126, %swap3A_127] {strides = array<i32>} : memref<8x64xi32, #tpu.memory_space<vmem>>, vector<16xi32>,
    tpu.vector_store %arg14[%swap3A_126, %swap3A_127], %get3A_124 {strides = array<i32>} : memref<8x64xi32, #tpu.memory_space<vmem>>, vector<16xi32>,
    %get3A_129 = arith.constant 304 : index
    %get3A_130 = tpu.vector_load %arg10[%get3A_129] {strides = array<i32>} : memref<512xi32, #tpu.memory_space<vmem>>, vector<16xi32>,
    %swap3A_131 = arith.constant 4 : i32
    %swap3A_132 = arith.index_cast %swap3A_131 : i32 to index
    %swap3A_133 = arith.constant 48 : index
    %swap3A_134 = tpu.vector_load %arg14[%swap3A_132, %swap3A_133] {strides = array<i32>} : memref<8x64xi32, #tpu.memory_space<vmem>>, vector<16xi32>,
    tpu.vector_store %arg14[%swap3A_132, %swap3A_133], %get3A_130 {strides = array<i32>} : memref<8x64xi32, #tpu.memory_space<vmem>>, vector<16xi32>,
    %get3A_135 = arith.constant 320 : index
    %get3A_136 = tpu.vector_load %arg10[%get3A_135] {strides = array<i32>} : memref<512xi32, #tpu.memory_space<vmem>>, vector<16xi32>,
    %swap3A_137 = arith.constant 5 : i32
    %swap3A_138 = arith.index_cast %swap3A_137 : i32 to index
    %swap3A_139 = arith.constant 0 : index
    %swap3A_140 = tpu.vector_load %arg14[%swap3A_138, %swap3A_139] {strides = array<i32>} : memref<8x64xi32, #tpu.memory_space<vmem>>, vector<16xi32>,
    tpu.vector_store %arg14[%swap3A_138, %swap3A_139], %get3A_136 {strides = array<i32>} : memref<8x64xi32, #tpu.memory_space<vmem>>, vector<16xi32>,
    %get3A_141 = arith.constant 336 : index
    %get3A_142 = tpu.vector_load %arg10[%get3A_141] {strides = array<i32>} : memref<512xi32, #tpu.memory_space<vmem>>, vector<16xi32>,
    %swap3A_143 = arith.constant 5 : i32
    %swap3A_144 = arith.index_cast %swap3A_143 : i32 to index
    %swap3A_145 = arith.constant 16 : index
    %swap3A_146 = tpu.vector_load %arg14[%swap3A_144, %swap3A_145] {strides = array<i32>} : memref<8x64xi32, #tpu.memory_space<vmem>>, vector<16xi32>,
    tpu.vector_store %arg14[%swap3A_144, %swap3A_145], %get3A_142 {strides = array<i32>} : memref<8x64xi32, #tpu.memory_space<vmem>>, vector<16xi32>,
    %get3A_147 = arith.constant 352 : index
    %get3A_148 = tpu.vector_load %arg10[%get3A_147] {strides = array<i32>} : memref<512xi32, #tpu.memory_space<vmem>>, vector<16xi32>,
    %swap3A_149 = arith.constant 5 : i32
    %swap3A_150 = arith.index_cast %swap3A_149 : i32 to index
    %swap3A_151 = arith.constant 32 : index
    %swap3A_152 = tpu.vector_load %arg14[%swap3A_150, %swap3A_151] {strides = array<i32>} : memref<8x64xi32, #tpu.memory_space<vmem>>, vector<16xi32>,
    tpu.vector_store %arg14[%swap3A_150, %swap3A_151], %get3A_148 {strides = array<i32>} : memref<8x64xi32, #tpu.memory_space<vmem>>, vector<16xi32>,
    %get3A_153 = arith.constant 368 : index
    %get3A_154 = tpu.vector_load %arg10[%get3A_153] {strides = array<i32>} : memref<512xi32, #tpu.memory_space<vmem>>, vector<16xi32>,
    %swap3A_155 = arith.constant 5 : i32
    %swap3A_156 = arith.index_cast %swap3A_155 : i32 to index
    %swap3A_157 = arith.constant 48 : index
    %swap3A_158 = tpu.vector_load %arg14[%swap3A_156, %swap3A_157] {strides = array<i32>} : memref<8x64xi32, #tpu.memory_space<vmem>>, vector<16xi32>,
    tpu.vector_store %arg14[%swap3A_156, %swap3A_157], %get3A_154 {strides = array<i32>} : memref<8x64xi32, #tpu.memory_space<vmem>>, vector<16xi32>,
    %get3A_159 = arith.constant 384 : index
    %get3A_160 = tpu.vector_load %arg10[%get3A_159] {strides = array<i32>} : memref<512xi32, #tpu.memory_space<vmem>>, vector<16xi32>,
    %swap3A_161 = arith.constant 6 : i32
    %swap3A_162 = arith.index_cast %swap3A_161 : i32 to index
    %swap3A_163 = arith.constant 0 : index
    %swap3A_164 = tpu.vector_load %arg14[%swap3A_162, %swap3A_163] {strides = array<i32>} : memref<8x64xi32, #tpu.memory_space<vmem>>, vector<16xi32>,
    tpu.vector_store %arg14[%swap3A_162, %swap3A_163], %get3A_160 {strides = array<i32>} : memref<8x64xi32, #tpu.memory_space<vmem>>, vector<16xi32>,
    %get3A_165 = arith.constant 400 : index
    %get3A_166 = tpu.vector_load %arg10[%get3A_165] {strides = array<i32>} : memref<512xi32, #tpu.memory_space<vmem>>, vector<16xi32>,
    %swap3A_167 = arith.constant 6 : i32
    %swap3A_168 = arith.index_cast %swap3A_167 : i32 to index
    %swap3A_169 = arith.constant 16 : index
    %swap3A_170 = tpu.vector_load %arg14[%swap3A_168, %swap3A_169] {strides = array<i32>} : memref<8x64xi32, #tpu.memory_space<vmem>>, vector<16xi32>,
    tpu.vector_store %arg14[%swap3A_168, %swap3A_169], %get3A_166 {strides = array<i32>} : memref<8x64xi32, #tpu.memory_space<vmem>>, vector<16xi32>,
    %get3A_171 = arith.constant 416 : index
    %get3A_172 = tpu.vector_load %arg10[%get3A_171] {strides = array<i32>} : memref<512xi32, #tpu.memory_space<vmem>>, vector<16xi32>,
    %swap3A_173 = arith.constant 6 : i32
    %swap3A_174 = arith.index_cast %swap3A_173 : i32 to index
    %swap3A_175 = arith.constant 32 : index
    %swap3A_176 = tpu.vector_load %arg14[%swap3A_174, %swap3A_175] {strides = array<i32>} : memref<8x64xi32, #tpu.memory_space<vmem>>, vector<16xi32>,
    tpu.vector_store %arg14[%swap3A_174, %swap3A_175], %get3A_172 {strides = array<i32>} : memref<8x64xi32, #tpu.memory_space<vmem>>, vector<16xi32>,
    %get3A_177 = arith.constant 432 : index
    %get3A_178 = tpu.vector_load %arg10[%get3A_177] {strides = array<i32>} : memref<512xi32, #tpu.memory_space<vmem>>, vector<16xi32>,
    %swap3A_179 = arith.constant 6 : i32
    %swap3A_180 = arith.index_cast %swap3A_179 : i32 to index
    %swap3A_181 = arith.constant 48 : index
    %swap3A_182 = tpu.vector_load %arg14[%swap3A_180, %swap3A_181] {strides = array<i32>} : memref<8x64xi32, #tpu.memory_space<vmem>>, vector<16xi32>,
    tpu.vector_store %arg14[%swap3A_180, %swap3A_181], %get3A_178 {strides = array<i32>} : memref<8x64xi32, #tpu.memory_space<vmem>>, vector<16xi32>,
    %get3A_183 = arith.constant 448 : index
    %get3A_184 = tpu.vector_load %arg10[%get3A_183] {strides = array<i32>} : memref<512xi32, #tpu.memory_space<vmem>>, vector<16xi32>,
    %swap3A_185 = arith.constant 7 : i32
    %swap3A_186 = arith.index_cast %swap3A_185 : i32 to index
    %swap3A_187 = arith.constant 0 : index
    %swap3A_188 = tpu.vector_load %arg14[%swap3A_186, %swap3A_187] {strides = array<i32>} : memref<8x64xi32, #tpu.memory_space<vmem>>, vector<16xi32>,
    tpu.vector_store %arg14[%swap3A_186, %swap3A_187], %get3A_184 {strides = array<i32>} : memref<8x64xi32, #tpu.memory_space<vmem>>, vector<16xi32>,
    %get3A_189 = arith.constant 464 : index
    %get3A_190 = tpu.vector_load %arg10[%get3A_189] {strides = array<i32>} : memref<512xi32, #tpu.memory_space<vmem>>, vector<16xi32>,
    %swap3A_191 = arith.constant 7 : i32
    %swap3A_192 = arith.index_cast %swap3A_191 : i32 to index
    %swap3A_193 = arith.constant 16 : index
    %swap3A_194 = tpu.vector_load %arg14[%swap3A_192, %swap3A_193] {strides = array<i32>} : memref<8x64xi32, #tpu.memory_space<vmem>>, vector<16xi32>,
    tpu.vector_store %arg14[%swap3A_192, %swap3A_193], %get3A_190 {strides = array<i32>} : memref<8x64xi32, #tpu.memory_space<vmem>>, vector<16xi32>,
    %get3A_195 = arith.constant 480 : index
    %get3A_196 = tpu.vector_load %arg10[%get3A_195] {strides = array<i32>} : memref<512xi32, #tpu.memory_space<vmem>>, vector<16xi32>,
    %swap3A_197 = arith.constant 7 : i32
    %swap3A_198 = arith.index_cast %swap3A_197 : i32 to index
    %swap3A_199 = arith.constant 32 : index
    %swap3A_200 = tpu.vector_load %arg14[%swap3A_198, %swap3A_199] {strides = array<i32>} : memref<8x64xi32, #tpu.memory_space<vmem>>, vector<16xi32>,
    tpu.vector_store %arg14[%swap3A_198, %swap3A_199], %get3A_196 {strides = array<i32>} : memref<8x64xi32, #tpu.memory_space<vmem>>, vector<16xi32>,
    %get3A_201 = arith.constant 496 : index
    %get3A_202 = tpu.vector_load %arg10[%get3A_201] {strides = array<i32>} : memref<512xi32, #tpu.memory_space<vmem>>, vector<16xi32>,
    %swap3A_203 = arith.constant 7 : i32
    %swap3A_204 = arith.index_cast %swap3A_203 : i32 to index
    %swap3A_205 = arith.constant 48 : index
    %swap3A_206 = tpu.vector_load %arg14[%swap3A_204, %swap3A_205] {strides = array<i32>} : memref<8x64xi32, #tpu.memory_space<vmem>>, vector<16xi32>,
    tpu.vector_store %arg14[%swap3A_204, %swap3A_205], %get3A_202 {strides = array<i32>} : memref<8x64xi32, #tpu.memory_space<vmem>>, vector<16xi32>,
    %get3A_207 = arith.constant 0 : index
    %get3A_208 = tpu.vector_load %arg11[%get3A_207] {strides = array<i32>} : memref<512xi32, #tpu.memory_space<vmem>>, vector<16xi32>,
    %swap3A_209 = arith.constant 0 : i32
    %swap3A_210 = arith.index_cast %swap3A_209 : i32 to index
    %swap3A_211 = arith.constant 0 : index
    %swap3A_212 = tpu.vector_load %arg15[%swap3A_210, %swap3A_211] {strides = array<i32>} : memref<8x64xi32, #tpu.memory_space<vmem>>, vector<16xi32>,
    tpu.vector_store %arg15[%swap3A_210, %swap3A_211], %get3A_208 {strides = array<i32>} : memref<8x64xi32, #tpu.memory_space<vmem>>, vector<16xi32>,
    %get3A_213 = arith.constant 16 : index
    %get3A_214 = tpu.vector_load %arg11[%get3A_213] {strides = array<i32>} : memref<512xi32, #tpu.memory_space<vmem>>, vector<16xi32>,
    %swap3A_215 = arith.constant 0 : i32
    %swap3A_216 = arith.index_cast %swap3A_215 : i32 to index
    %swap3A_217 = arith.constant 16 : index
    %swap3A_218 = tpu.vector_load %arg15[%swap3A_216, %swap3A_217] {strides = array<i32>} : memref<8x64xi32, #tpu.memory_space<vmem>>, vector<16xi32>,
    tpu.vector_store %arg15[%swap3A_216, %swap3A_217], %get3A_214 {strides = array<i32>} : memref<8x64xi32, #tpu.memory_space<vmem>>, vector<16xi32>,
    %get3A_219 = arith.constant 32 : index
    %get3A_220 = tpu.vector_load %arg11[%get3A_219] {strides = array<i32>} : memref<512xi32, #tpu.memory_space<vmem>>, vector<16xi32>,
    %swap3A_221 = arith.constant 0 : i32
    %swap3A_222 = arith.index_cast %swap3A_221 : i32 to index
    %swap3A_223 = arith.constant 32 : index
    %swap3A_224 = tpu.vector_load %arg15[%swap3A_222, %swap3A_223] {strides = array<i32>} : memref<8x64xi32, #tpu.memory_space<vmem>>, vector<16xi32>,
    tpu.vector_store %arg15[%swap3A_222, %swap3A_223], %get3A_220 {strides = array<i32>} : memref<8x64xi32, #tpu.memory_space<vmem>>, vector<16xi32>,
    %get3A_225 = arith.constant 48 : index
    %get3A_226 = tpu.vector_load %arg11[%get3A_225] {strides = array<i32>} : memref<512xi32, #tpu.memory_space<vmem>>, vector<16xi32>,
    %swap3A_227 = arith.constant 0 : i32
    %swap3A_228 = arith.index_cast %swap3A_227 : i32 to index
    %swap3A_229 = arith.constant 48 : index
    %swap3A_230 = tpu.vector_load %arg15[%swap3A_228, %swap3A_229] {strides = array<i32>} : memref<8x64xi32, #tpu.memory_space<vmem>>, vector<16xi32>,
    tpu.vector_store %arg15[%swap3A_228, %swap3A_229], %get3A_226 {strides = array<i32>} : memref<8x64xi32, #tpu.memory_space<vmem>>, vector<16xi32>,
    %get3A_231 = arith.constant 64 : index
    %get3A_232 = tpu.vector_load %arg11[%get3A_231] {strides = array<i32>} : memref<512xi32, #tpu.memory_space<vmem>>, vector<16xi32>,
    %swap3A_233 = arith.constant 1 : i32
    %swap3A_234 = arith.index_cast %swap3A_233 : i32 to index
    %swap3A_235 = arith.constant 0 : index
    %swap3A_236 = tpu.vector_load %arg15[%swap3A_234, %swap3A_235] {strides = array<i32>} : memref<8x64xi32, #tpu.memory_space<vmem>>, vector<16xi32>,
    tpu.vector_store %arg15[%swap3A_234, %swap3A_235], %get3A_232 {strides = array<i32>} : memref<8x64xi32, #tpu.memory_space<vmem>>, vector<16xi32>,
    %get3A_237 = arith.constant 80 : index
    %get3A_238 = tpu.vector_load %arg11[%get3A_237] {strides = array<i32>} : memref<512xi32, #tpu.memory_space<vmem>>, vector<16xi32>,
    %swap3A_239 = arith.constant 1 : i32
    %swap3A_240 = arith.index_cast %swap3A_239 : i32 to index
    %swap3A_241 = arith.constant 16 : index
    %swap3A_242 = tpu.vector_load %arg15[%swap3A_240, %swap3A_241] {strides = array<i32>} : memref<8x64xi32, #tpu.memory_space<vmem>>, vector<16xi32>,
    tpu.vector_store %arg15[%swap3A_240, %swap3A_241], %get3A_238 {strides = array<i32>} : memref<8x64xi32, #tpu.memory_space<vmem>>, vector<16xi32>,
    %get3A_243 = arith.constant 96 : index
    %get3A_244 = tpu.vector_load %arg11[%get3A_243] {strides = array<i32>} : memref<512xi32, #tpu.memory_space<vmem>>, vector<16xi32>,
    %swap3A_245 = arith.constant 1 : i32
    %swap3A_246 = arith.index_cast %swap3A_245 : i32 to index
    %swap3A_247 = arith.constant 32 : index
    %swap3A_248 = tpu.vector_load %arg15[%swap3A_246, %swap3A_247] {strides = array<i32>} : memref<8x64xi32, #tpu.memory_space<vmem>>, vector<16xi32>,
    tpu.vector_store %arg15[%swap3A_246, %swap3A_247], %get3A_244 {strides = array<i32>} : memref<8x64xi32, #tpu.memory_space<vmem>>, vector<16xi32>,
    %get3A_249 = arith.constant 112 : index
    %get3A_250 = tpu.vector_load %arg11[%get3A_249] {strides = array<i32>} : memref<512xi32, #tpu.memory_space<vmem>>, vector<16xi32>,
    %swap3A_251 = arith.constant 1 : i32
    %swap3A_252 = arith.index_cast %swap3A_251 : i32 to index
    %swap3A_253 = arith.constant 48 : index
    %swap3A_254 = tpu.vector_load %arg15[%swap3A_252, %swap3A_253] {strides = array<i32>} : memref<8x64xi32, #tpu.memory_space<vmem>>, vector<16xi32>,
    tpu.vector_store %arg15[%swap3A_252, %swap3A_253], %get3A_250 {strides = array<i32>} : memref<8x64xi32, #tpu.memory_space<vmem>>, vector<16xi32>,
    %get3A_255 = arith.constant 128 : index
    %get3A_256 = tpu.vector_load %arg11[%get3A_255] {strides = array<i32>} : memref<512xi32, #tpu.memory_space<vmem>>, vector<16xi32>,
    %swap3A_257 = arith.constant 2 : i32
    %swap3A_258 = arith.index_cast %swap3A_257 : i32 to index
    %swap3A_259 = arith.constant 0 : index
    %swap3A_260 = tpu.vector_load %arg15[%swap3A_258, %swap3A_259] {strides = array<i32>} : memref<8x64xi32, #tpu.memory_space<vmem>>, vector<16xi32>,
    tpu.vector_store %arg15[%swap3A_258, %swap3A_259], %get3A_256 {strides = array<i32>} : memref<8x64xi32, #tpu.memory_space<vmem>>, vector<16xi32>,
    %get3A_261 = arith.constant 144 : index
    %get3A_262 = tpu.vector_load %arg11[%get3A_261] {strides = array<i32>} : memref<512xi32, #tpu.memory_space<vmem>>, vector<16xi32>,
    %swap3A_263 = arith.constant 2 : i32
    %swap3A_264 = arith.index_cast %swap3A_263 : i32 to index
    %swap3A_265 = arith.constant 16 : index
    %swap3A_266 = tpu.vector_load %arg15[%swap3A_264, %swap3A_265] {strides = array<i32>} : memref<8x64xi32, #tpu.memory_space<vmem>>, vector<16xi32>,
    tpu.vector_store %arg15[%swap3A_264, %swap3A_265], %get3A_262 {strides = array<i32>} : memref<8x64xi32, #tpu.memory_space<vmem>>, vector<16xi32>,
    %get3A_267 = arith.constant 160 : index
    %get3A_268 = tpu.vector_load %arg11[%get3A_267] {strides = array<i32>} : memref<512xi32, #tpu.memory_space<vmem>>, vector<16xi32>,
    %swap3A_269 = arith.constant 2 : i32
    %swap3A_270 = arith.index_cast %swap3A_269 : i32 to index
    %swap3A_271 = arith.constant 32 : index
    %swap3A_272 = tpu.vector_load %arg15[%swap3A_270, %swap3A_271] {strides = array<i32>} : memref<8x64xi32, #tpu.memory_space<vmem>>, vector<16xi32>,
    tpu.vector_store %arg15[%swap3A_270, %swap3A_271], %get3A_268 {strides = array<i32>} : memref<8x64xi32, #tpu.memory_space<vmem>>, vector<16xi32>,
    %get3A_273 = arith.constant 176 : index
    %get3A_274 = tpu.vector_load %arg11[%get3A_273] {strides = array<i32>} : memref<512xi32, #tpu.memory_space<vmem>>, vector<16xi32>,
    %swap3A_275 = arith.constant 2 : i32
    %swap3A_276 = arith.index_cast %swap3A_275 : i32 to index
    %swap3A_277 = arith.constant 48 : index
    %swap3A_278 = tpu.vector_load %arg15[%swap3A_276, %swap3A_277] {strides = array<i32>} : memref<8x64xi32, #tpu.memory_space<vmem>>, vector<16xi32>,
    tpu.vector_store %arg15[%swap3A_276, %swap3A_277], %get3A_274 {strides = array<i32>} : memref<8x64xi32, #tpu.memory_space<vmem>>, vector<16xi32>,
    %get3A_279 = arith.constant 192 : index
    %get3A_280 = tpu.vector_load %arg11[%get3A_279] {strides = array<i32>} : memref<512xi32, #tpu.memory_space<vmem>>, vector<16xi32>,
    %swap3A_281 = arith.constant 3 : i32
    %swap3A_282 = arith.index_cast %swap3A_281 : i32 to index
    %swap3A_283 = arith.constant 0 : index
    %swap3A_284 = tpu.vector_load %arg15[%swap3A_282, %swap3A_283] {strides = array<i32>} : memref<8x64xi32, #tpu.memory_space<vmem>>, vector<16xi32>,
    tpu.vector_store %arg15[%swap3A_282, %swap3A_283], %get3A_280 {strides = array<i32>} : memref<8x64xi32, #tpu.memory_space<vmem>>, vector<16xi32>,
    %get3A_285 = arith.constant 208 : index
    %get3A_286 = tpu.vector_load %arg11[%get3A_285] {strides = array<i32>} : memref<512xi32, #tpu.memory_space<vmem>>, vector<16xi32>,
    %swap3A_287 = arith.constant 3 : i32
    %swap3A_288 = arith.index_cast %swap3A_287 : i32 to index
    %swap3A_289 = arith.constant 16 : index
    %swap3A_290 = tpu.vector_load %arg15[%swap3A_288, %swap3A_289] {strides = array<i32>} : memref<8x64xi32, #tpu.memory_space<vmem>>, vector<16xi32>,
    tpu.vector_store %arg15[%swap3A_288, %swap3A_289], %get3A_286 {strides = array<i32>} : memref<8x64xi32, #tpu.memory_space<vmem>>, vector<16xi32>,
    %get3A_291 = arith.constant 224 : index
    %get3A_292 = tpu.vector_load %arg11[%get3A_291] {strides = array<i32>} : memref<512xi32, #tpu.memory_space<vmem>>, vector<16xi32>,
    %swap3A_293 = arith.constant 3 : i32
    %swap3A_294 = arith.index_cast %swap3A_293 : i32 to index
    %swap3A_295 = arith.constant 32 : index
    %swap3A_296 = tpu.vector_load %arg15[%swap3A_294, %swap3A_295] {strides = array<i32>} : memref<8x64xi32, #tpu.memory_space<vmem>>, vector<16xi32>,
    tpu.vector_store %arg15[%swap3A_294, %swap3A_295], %get3A_292 {strides = array<i32>} : memref<8x64xi32, #tpu.memory_space<vmem>>, vector<16xi32>,
    %get3A_297 = arith.constant 240 : index
    %get3A_298 = tpu.vector_load %arg11[%get3A_297] {strides = array<i32>} : memref<512xi32, #tpu.memory_space<vmem>>, vector<16xi32>,
    %swap3A_299 = arith.constant 3 : i32
    %swap3A_300 = arith.index_cast %swap3A_299 : i32 to index
    %swap3A_301 = arith.constant 48 : index
    %swap3A_302 = tpu.vector_load %arg15[%swap3A_300, %swap3A_301] {strides = array<i32>} : memref<8x64xi32, #tpu.memory_space<vmem>>, vector<16xi32>,
    tpu.vector_store %arg15[%swap3A_300, %swap3A_301], %get3A_298 {strides = array<i32>} : memref<8x64xi32, #tpu.memory_space<vmem>>, vector<16xi32>,
    %get3A_303 = arith.constant 256 : index
    %get3A_304 = tpu.vector_load %arg11[%get3A_303] {strides = array<i32>} : memref<512xi32, #tpu.memory_space<vmem>>, vector<16xi32>,
    %swap3A_305 = arith.constant 4 : i32
    %swap3A_306 = arith.index_cast %swap3A_305 : i32 to index
    %swap3A_307 = arith.constant 0 : index
    %swap3A_308 = tpu.vector_load %arg15[%swap3A_306, %swap3A_307] {strides = array<i32>} : memref<8x64xi32, #tpu.memory_space<vmem>>, vector<16xi32>,
    tpu.vector_store %arg15[%swap3A_306, %swap3A_307], %get3A_304 {strides = array<i32>} : memref<8x64xi32, #tpu.memory_space<vmem>>, vector<16xi32>,
    %get3A_309 = arith.constant 272 : index
    %get3A_310 = tpu.vector_load %arg11[%get3A_309] {strides = array<i32>} : memref<512xi32, #tpu.memory_space<vmem>>, vector<16xi32>,
    %swap3A_311 = arith.constant 4 : i32
    %swap3A_312 = arith.index_cast %swap3A_311 : i32 to index
    %swap3A_313 = arith.constant 16 : index
    %swap3A_314 = tpu.vector_load %arg15[%swap3A_312, %swap3A_313] {strides = array<i32>} : memref<8x64xi32, #tpu.memory_space<vmem>>, vector<16xi32>,
    tpu.vector_store %arg15[%swap3A_312, %swap3A_313], %get3A_310 {strides = array<i32>} : memref<8x64xi32, #tpu.memory_space<vmem>>, vector<16xi32>,
    %get3A_315 = arith.constant 288 : index
    %get3A_316 = tpu.vector_load %arg11[%get3A_315] {strides = array<i32>} : memref<512xi32, #tpu.memory_space<vmem>>, vector<16xi32>,
    %swap3A_317 = arith.constant 4 : i32
    %swap3A_318 = arith.index_cast %swap3A_317 : i32 to index
    %swap3A_319 = arith.constant 32 : index
    %swap3A_320 = tpu.vector_load %arg15[%swap3A_318, %swap3A_319] {strides = array<i32>} : memref<8x64xi32, #tpu.memory_space<vmem>>, vector<16xi32>,
    tpu.vector_store %arg15[%swap3A_318, %swap3A_319], %get3A_316 {strides = array<i32>} : memref<8x64xi32, #tpu.memory_space<vmem>>, vector<16xi32>,
    %get3A_321 = arith.constant 304 : index
    %get3A_322 = tpu.vector_load %arg11[%get3A_321] {strides = array<i32>} : memref<512xi32, #tpu.memory_space<vmem>>, vector<16xi32>,
    %swap3A_323 = arith.constant 4 : i32
    %swap3A_324 = arith.index_cast %swap3A_323 : i32 to index
    %swap3A_325 = arith.constant 48 : index
    %swap3A_326 = tpu.vector_load %arg15[%swap3A_324, %swap3A_325] {strides = array<i32>} : memref<8x64xi32, #tpu.memory_space<vmem>>, vector<16xi32>,
    tpu.vector_store %arg15[%swap3A_324, %swap3A_325], %get3A_322 {strides = array<i32>} : memref<8x64xi32, #tpu.memory_space<vmem>>, vector<16xi32>,
    %get3A_327 = arith.constant 320 : index
    %get3A_328 = tpu.vector_load %arg11[%get3A_327] {strides = array<i32>} : memref<512xi32, #tpu.memory_space<vmem>>, vector<16xi32>,
    %swap3A_329 = arith.constant 5 : i32
    %swap3A_330 = arith.index_cast %swap3A_329 : i32 to index
    %swap3A_331 = arith.constant 0 : index
    %swap3A_332 = tpu.vector_load %arg15[%swap3A_330, %swap3A_331] {strides = array<i32>} : memref<8x64xi32, #tpu.memory_space<vmem>>, vector<16xi32>,
    tpu.vector_store %arg15[%swap3A_330, %swap3A_331], %get3A_328 {strides = array<i32>} : memref<8x64xi32, #tpu.memory_space<vmem>>, vector<16xi32>,
    %get3A_333 = arith.constant 336 : index
    %get3A_334 = tpu.vector_load %arg11[%get3A_333] {strides = array<i32>} : memref<512xi32, #tpu.memory_space<vmem>>, vector<16xi32>,
    %swap3A_335 = arith.constant 5 : i32
    %swap3A_336 = arith.index_cast %swap3A_335 : i32 to index
    %swap3A_337 = arith.constant 16 : index
    %swap3A_338 = tpu.vector_load %arg15[%swap3A_336, %swap3A_337] {strides = array<i32>} : memref<8x64xi32, #tpu.memory_space<vmem>>, vector<16xi32>,
    tpu.vector_store %arg15[%swap3A_336, %swap3A_337], %get3A_334 {strides = array<i32>} : memref<8x64xi32, #tpu.memory_space<vmem>>, vector<16xi32>,
    %get3A_339 = arith.constant 352 : index
    %get3A_340 = tpu.vector_load %arg11[%get3A_339] {strides = array<i32>} : memref<512xi32, #tpu.memory_space<vmem>>, vector<16xi32>,
    %swap3A_341 = arith.constant 5 : i32
    %swap3A_342 = arith.index_cast %swap3A_341 : i32 to index
    %swap3A_343 = arith.constant 32 : index
    %swap3A_344 = tpu.vector_load %arg15[%swap3A_342, %swap3A_343] {strides = array<i32>} : memref<8x64xi32, #tpu.memory_space<vmem>>, vector<16xi32>,
    tpu.vector_store %arg15[%swap3A_342, %swap3A_343], %get3A_340 {strides = array<i32>} : memref<8x64xi32, #tpu.memory_space<vmem>>, vector<16xi32>,
    %get3A_345 = arith.constant 368 : index
    %get3A_346 = tpu.vector_load %arg11[%get3A_345] {strides = array<i32>} : memref<512xi32, #tpu.memory_space<vmem>>, vector<16xi32>,
    %swap3A_347 = arith.constant 5 : i32
    %swap3A_348 = arith.index_cast %swap3A_347 : i32 to index
    %swap3A_349 = arith.constant 48 : index
    %swap3A_350 = tpu.vector_load %arg15[%swap3A_348, %swap3A_349] {strides = array<i32>} : memref<8x64xi32, #tpu.memory_space<vmem>>, vector<16xi32>,
    tpu.vector_store %arg15[%swap3A_348, %swap3A_349], %get3A_346 {strides = array<i32>} : memref<8x64xi32, #tpu.memory_space<vmem>>, vector<16xi32>,
    %get3A_351 = arith.constant 384 : index
    %get3A_352 = tpu.vector_load %arg11[%get3A_351] {strides = array<i32>} : memref<512xi32, #tpu.memory_space<vmem>>, vector<16xi32>,
    %swap3A_353 = arith.constant 6 : i32
    %swap3A_354 = arith.index_cast %swap3A_353 : i32 to index
    %swap3A_355 = arith.constant 0 : index
    %swap3A_356 = tpu.vector_load %arg15[%swap3A_354, %swap3A_355] {strides = array<i32>} : memref<8x64xi32, #tpu.memory_space<vmem>>, vector<16xi32>,
    tpu.vector_store %arg15[%swap3A_354, %swap3A_355], %get3A_352 {strides = array<i32>} : memref<8x64xi32, #tpu.memory_space<vmem>>, vector<16xi32>,
    %get3A_357 = arith.constant 400 : index
    %get3A_358 = tpu.vector_load %arg11[%get3A_357] {strides = array<i32>} : memref<512xi32, #tpu.memory_space<vmem>>, vector<16xi32>,
    %swap3A_359 = arith.constant 6 : i32
    %swap3A_360 = arith.index_cast %swap3A_359 : i32 to index
    %swap3A_361 = arith.constant 16 : index
    %swap3A_362 = tpu.vector_load %arg15[%swap3A_360, %swap3A_361] {strides = array<i32>} : memref<8x64xi32, #tpu.memory_space<vmem>>, vector<16xi32>,
    tpu.vector_store %arg15[%swap3A_360, %swap3A_361], %get3A_358 {strides = array<i32>} : memref<8x64xi32, #tpu.memory_space<vmem>>, vector<16xi32>,
    %get3A_363 = arith.constant 416 : index
    %get3A_364 = tpu.vector_load %arg11[%get3A_363] {strides = array<i32>} : memref<512xi32, #tpu.memory_space<vmem>>, vector<16xi32>,
    %swap3A_365 = arith.constant 6 : i32
    %swap3A_366 = arith.index_cast %swap3A_365 : i32 to index
    %swap3A_367 = arith.constant 32 : index
    %swap3A_368 = tpu.vector_load %arg15[%swap3A_366, %swap3A_367] {strides = array<i32>} : memref<8x64xi32, #tpu.memory_space<vmem>>, vector<16xi32>,
    tpu.vector_store %arg15[%swap3A_366, %swap3A_367], %get3A_364 {strides = array<i32>} : memref<8x64xi32, #tpu.memory_space<vmem>>, vector<16xi32>,
    %get3A_369 = arith.constant 432 : index
    %get3A_370 = tpu.vector_load %arg11[%get3A_369] {strides = array<i32>} : memref<512xi32, #tpu.memory_space<vmem>>, vector<16xi32>,
    %swap3A_371 = arith.constant 6 : i32
    %swap3A_372 = arith.index_cast %swap3A_371 : i32 to index
    %swap3A_373 = arith.constant 48 : index
    %swap3A_374 = tpu.vector_load %arg15[%swap3A_372, %swap3A_373] {strides = array<i32>} : memref<8x64xi32, #tpu.memory_space<vmem>>, vector<16xi32>,
    tpu.vector_store %arg15[%swap3A_372, %swap3A_373], %get3A_370 {strides = array<i32>} : memref<8x64xi32, #tpu.memory_space<vmem>>, vector<16xi32>,
    %get3A_375 = arith.constant 448 : index
    %get3A_376 = tpu.vector_load %arg11[%get3A_375] {strides = array<i32>} : memref<512xi32, #tpu.memory_space<vmem>>, vector<16xi32>,
    %swap3A_377 = arith.constant 7 : i32
    %swap3A_378 = arith.index_cast %swap3A_377 : i32 to index
    %swap3A_379 = arith.constant 0 : index
    %swap3A_380 = tpu.vector_load %arg15[%swap3A_378, %swap3A_379] {strides = array<i32>} : memref<8x64xi32, #tpu.memory_space<vmem>>, vector<16xi32>,
    tpu.vector_store %arg15[%swap3A_378, %swap3A_379], %get3A_376 {strides = array<i32>} : memref<8x64xi32, #tpu.memory_space<vmem>>, vector<16xi32>,
    %get3A_381 = arith.constant 464 : index
    %get3A_382 = tpu.vector_load %arg11[%get3A_381] {strides = array<i32>} : memref<512xi32, #tpu.memory_space<vmem>>, vector<16xi32>,
    %swap3A_383 = arith.constant 7 : i32
    %swap3A_384 = arith.index_cast %swap3A_383 : i32 to index
    %swap3A_385 = arith.constant 16 : index
    %swap3A_386 = tpu.vector_load %arg15[%swap3A_384, %swap3A_385] {strides = array<i32>} : memref<8x64xi32, #tpu.memory_space<vmem>>, vector<16xi32>,
    tpu.vector_store %arg15[%swap3A_384, %swap3A_385], %get3A_382 {strides = array<i32>} : memref<8x64xi32, #tpu.memory_space<vmem>>, vector<16xi32>,
    %get3A_387 = arith.constant 480 : index
    %get3A_388 = tpu.vector_load %arg11[%get3A_387] {strides = array<i32>} : memref<512xi32, #tpu.memory_space<vmem>>, vector<16xi32>,
    %swap3A_389 = arith.constant 7 : i32
    %swap3A_390 = arith.index_cast %swap3A_389 : i32 to index
    %swap3A_391 = arith.constant 32 : index
    %swap3A_392 = tpu.vector_load %arg15[%swap3A_390, %swap3A_391] {strides = array<i32>} : memref<8x64xi32, #tpu.memory_space<vmem>>, vector<16xi32>,
    tpu.vector_store %arg15[%swap3A_390, %swap3A_391], %get3A_388 {strides = array<i32>} : memref<8x64xi32, #tpu.memory_space<vmem>>, vector<16xi32>,
    %get3A_393 = arith.constant 496 : index
    %get3A_394 = tpu.vector_load %arg11[%get3A_393] {strides = array<i32>} : memref<512xi32, #tpu.memory_space<vmem>>, vector<16xi32>,
    %swap3A_395 = arith.constant 7 : i32
    %swap3A_396 = arith.index_cast %swap3A_395 : i32 to index
    %swap3A_397 = arith.constant 48 : index
    %swap3A_398 = tpu.vector_load %arg15[%swap3A_396, %swap3A_397] {strides = array<i32>} : memref<8x64xi32, #tpu.memory_space<vmem>>, vector<16xi32>,
    tpu.vector_store %arg15[%swap3A_396, %swap3A_397], %get3A_394 {strides = array<i32>} : memref<8x64xi32, #tpu.memory_space<vmem>>, vector<16xi32>,
    %get3A_399 = arith.constant 0 : index
    %get3A_400 = tpu.vector_load %arg12[%get3A_399] {strides = array<i32>} : memref<512xi32, #tpu.memory_space<vmem>>, vector<16xi32>,
    %swap3A_401 = arith.constant 0 : i32
    %swap3A_402 = arith.index_cast %swap3A_401 : i32 to index
    %swap3A_403 = arith.constant 0 : index
    %swap3A_404 = tpu.vector_load %arg16[%swap3A_402, %swap3A_403] {strides = array<i32>} : memref<8x64xi32, #tpu.memory_space<vmem>>, vector<16xi32>,
    tpu.vector_store %arg16[%swap3A_402, %swap3A_403], %get3A_400 {strides = array<i32>} : memref<8x64xi32, #tpu.memory_space<vmem>>, vector<16xi32>,
    %get3A_405 = arith.constant 16 : index
    %get3A_406 = tpu.vector_load %arg12[%get3A_405] {strides = array<i32>} : memref<512xi32, #tpu.memory_space<vmem>>, vector<16xi32>,
    %swap3A_407 = arith.constant 0 : i32
    %swap3A_408 = arith.index_cast %swap3A_407 : i32 to index
    %swap3A_409 = arith.constant 16 : index
    %swap3A_410 = tpu.vector_load %arg16[%swap3A_408, %swap3A_409] {strides = array<i32>} : memref<8x64xi32, #tpu.memory_space<vmem>>, vector<16xi32>,
    tpu.vector_store %arg16[%swap3A_408, %swap3A_409], %get3A_406 {strides = array<i32>} : memref<8x64xi32, #tpu.memory_space<vmem>>, vector<16xi32>,
    %get3A_411 = arith.constant 32 : index
    %get3A_412 = tpu.vector_load %arg12[%get3A_411] {strides = array<i32>} : memref<512xi32, #tpu.memory_space<vmem>>, vector<16xi32>,
    %swap3A_413 = arith.constant 0 : i32
    %swap3A_414 = arith.index_cast %swap3A_413 : i32 to index
    %swap3A_415 = arith.constant 32 : index
    %swap3A_416 = tpu.vector_load %arg16[%swap3A_414, %swap3A_415] {strides = array<i32>} : memref<8x64xi32, #tpu.memory_space<vmem>>, vector<16xi32>,
    tpu.vector_store %arg16[%swap3A_414, %swap3A_415], %get3A_412 {strides = array<i32>} : memref<8x64xi32, #tpu.memory_space<vmem>>, vector<16xi32>,
    %get3A_417 = arith.constant 48 : index
    %get3A_418 = tpu.vector_load %arg12[%get3A_417] {strides = array<i32>} : memref<512xi32, #tpu.memory_space<vmem>>, vector<16xi32>,
    %swap3A_419 = arith.constant 0 : i32
    %swap3A_420 = arith.index_cast %swap3A_419 : i32 to index
    %swap3A_421 = arith.constant 48 : index
    %swap3A_422 = tpu.vector_load %arg16[%swap3A_420, %swap3A_421] {strides = array<i32>} : memref<8x64xi32, #tpu.memory_space<vmem>>, vector<16xi32>,
    tpu.vector_store %arg16[%swap3A_420, %swap3A_421], %get3A_418 {strides = array<i32>} : memref<8x64xi32, #tpu.memory_space<vmem>>, vector<16xi32>,
    %get3A_423 = arith.constant 64 : index
    %get3A_424 = tpu.vector_load %arg12[%get3A_423] {strides = array<i32>} : memref<512xi32, #tpu.memory_space<vmem>>, vector<16xi32>,
    %swap3A_425 = arith.constant 1 : i32
    %swap3A_426 = arith.index_cast %swap3A_425 : i32 to index
    %swap3A_427 = arith.constant 0 : index
    %swap3A_428 = tpu.vector_load %arg16[%swap3A_426, %swap3A_427] {strides = array<i32>} : memref<8x64xi32, #tpu.memory_space<vmem>>, vector<16xi32>,
    tpu.vector_store %arg16[%swap3A_426, %swap3A_427], %get3A_424 {strides = array<i32>} : memref<8x64xi32, #tpu.memory_space<vmem>>, vector<16xi32>,
    %get3A_429 = arith.constant 80 : index
    %get3A_430 = tpu.vector_load %arg12[%get3A_429] {strides = array<i32>} : memref<512xi32, #tpu.memory_space<vmem>>, vector<16xi32>,
    %swap3A_431 = arith.constant 1 : i32
    %swap3A_432 = arith.index_cast %swap3A_431 : i32 to index
    %swap3A_433 = arith.constant 16 : index
    %swap3A_434 = tpu.vector_load %arg16[%swap3A_432, %swap3A_433] {strides = array<i32>} : memref<8x64xi32, #tpu.memory_space<vmem>>, vector<16xi32>,
    tpu.vector_store %arg16[%swap3A_432, %swap3A_433], %get3A_430 {strides = array<i32>} : memref<8x64xi32, #tpu.memory_space<vmem>>, vector<16xi32>,
    %get3A_435 = arith.constant 96 : index
    %get3A_436 = tpu.vector_load %arg12[%get3A_435] {strides = array<i32>} : memref<512xi32, #tpu.memory_space<vmem>>, vector<16xi32>,
    %swap3A_437 = arith.constant 1 : i32
    %swap3A_438 = arith.index_cast %swap3A_437 : i32 to index
    %swap3A_439 = arith.constant 32 : index
    %swap3A_440 = tpu.vector_load %arg16[%swap3A_438, %swap3A_439] {strides = array<i32>} : memref<8x64xi32, #tpu.memory_space<vmem>>, vector<16xi32>,
    tpu.vector_store %arg16[%swap3A_438, %swap3A_439], %get3A_436 {strides = array<i32>} : memref<8x64xi32, #tpu.memory_space<vmem>>, vector<16xi32>,
    %get3A_441 = arith.constant 112 : index
    %get3A_442 = tpu.vector_load %arg12[%get3A_441] {strides = array<i32>} : memref<512xi32, #tpu.memory_space<vmem>>, vector<16xi32>,
    %swap3A_443 = arith.constant 1 : i32
    %swap3A_444 = arith.index_cast %swap3A_443 : i32 to index
    %swap3A_445 = arith.constant 48 : index
    %swap3A_446 = tpu.vector_load %arg16[%swap3A_444, %swap3A_445] {strides = array<i32>} : memref<8x64xi32, #tpu.memory_space<vmem>>, vector<16xi32>,
    tpu.vector_store %arg16[%swap3A_444, %swap3A_445], %get3A_442 {strides = array<i32>} : memref<8x64xi32, #tpu.memory_space<vmem>>, vector<16xi32>,
    %get3A_447 = arith.constant 128 : index
    %get3A_448 = tpu.vector_load %arg12[%get3A_447] {strides = array<i32>} : memref<512xi32, #tpu.memory_space<vmem>>, vector<16xi32>,
    %swap3A_449 = arith.constant 2 : i32
    %swap3A_450 = arith.index_cast %swap3A_449 : i32 to index
    %swap3A_451 = arith.constant 0 : index
    %swap3A_452 = tpu.vector_load %arg16[%swap3A_450, %swap3A_451] {strides = array<i32>} : memref<8x64xi32, #tpu.memory_space<vmem>>, vector<16xi32>,
    tpu.vector_store %arg16[%swap3A_450, %swap3A_451], %get3A_448 {strides = array<i32>} : memref<8x64xi32, #tpu.memory_space<vmem>>, vector<16xi32>,
    %get3A_453 = arith.constant 144 : index
    %get3A_454 = tpu.vector_load %arg12[%get3A_453] {strides = array<i32>} : memref<512xi32, #tpu.memory_space<vmem>>, vector<16xi32>,
    %swap3A_455 = arith.constant 2 : i32
    %swap3A_456 = arith.index_cast %swap3A_455 : i32 to index
    %swap3A_457 = arith.constant 16 : index
    %swap3A_458 = tpu.vector_load %arg16[%swap3A_456, %swap3A_457] {strides = array<i32>} : memref<8x64xi32, #tpu.memory_space<vmem>>, vector<16xi32>,
    tpu.vector_store %arg16[%swap3A_456, %swap3A_457], %get3A_454 {strides = array<i32>} : memref<8x64xi32, #tpu.memory_space<vmem>>, vector<16xi32>,
    %get3A_459 = arith.constant 160 : index
    %get3A_460 = tpu.vector_load %arg12[%get3A_459] {strides = array<i32>} : memref<512xi32, #tpu.memory_space<vmem>>, vector<16xi32>,
    %swap3A_461 = arith.constant 2 : i32
    %swap3A_462 = arith.index_cast %swap3A_461 : i32 to index
    %swap3A_463 = arith.constant 32 : index
    %swap3A_464 = tpu.vector_load %arg16[%swap3A_462, %swap3A_463] {strides = array<i32>} : memref<8x64xi32, #tpu.memory_space<vmem>>, vector<16xi32>,
    tpu.vector_store %arg16[%swap3A_462, %swap3A_463], %get3A_460 {strides = array<i32>} : memref<8x64xi32, #tpu.memory_space<vmem>>, vector<16xi32>,
    %get3A_465 = arith.constant 176 : index
    %get3A_466 = tpu.vector_load %arg12[%get3A_465] {strides = array<i32>} : memref<512xi32, #tpu.memory_space<vmem>>, vector<16xi32>,
    %swap3A_467 = arith.constant 2 : i32
    %swap3A_468 = arith.index_cast %swap3A_467 : i32 to index
    %swap3A_469 = arith.constant 48 : index
    %swap3A_470 = tpu.vector_load %arg16[%swap3A_468, %swap3A_469] {strides = array<i32>} : memref<8x64xi32, #tpu.memory_space<vmem>>, vector<16xi32>,
    tpu.vector_store %arg16[%swap3A_468, %swap3A_469], %get3A_466 {strides = array<i32>} : memref<8x64xi32, #tpu.memory_space<vmem>>, vector<16xi32>,
    %get3A_471 = arith.constant 192 : index
    %get3A_472 = tpu.vector_load %arg12[%get3A_471] {strides = array<i32>} : memref<512xi32, #tpu.memory_space<vmem>>, vector<16xi32>,
    %swap3A_473 = arith.constant 3 : i32
    %swap3A_474 = arith.index_cast %swap3A_473 : i32 to index
    %swap3A_475 = arith.constant 0 : index
    %swap3A_476 = tpu.vector_load %arg16[%swap3A_474, %swap3A_475] {strides = array<i32>} : memref<8x64xi32, #tpu.memory_space<vmem>>, vector<16xi32>,
    tpu.vector_store %arg16[%swap3A_474, %swap3A_475], %get3A_472 {strides = array<i32>} : memref<8x64xi32, #tpu.memory_space<vmem>>, vector<16xi32>,
    %get3A_477 = arith.constant 208 : index
    %get3A_478 = tpu.vector_load %arg12[%get3A_477] {strides = array<i32>} : memref<512xi32, #tpu.memory_space<vmem>>, vector<16xi32>,
    %swap3A_479 = arith.constant 3 : i32
    %swap3A_480 = arith.index_cast %swap3A_479 : i32 to index
    %swap3A_481 = arith.constant 16 : index
    %swap3A_482 = tpu.vector_load %arg16[%swap3A_480, %swap3A_481] {strides = array<i32>} : memref<8x64xi32, #tpu.memory_space<vmem>>, vector<16xi32>,
    tpu.vector_store %arg16[%swap3A_480, %swap3A_481], %get3A_478 {strides = array<i32>} : memref<8x64xi32, #tpu.memory_space<vmem>>, vector<16xi32>,
    %get3A_483 = arith.constant 224 : index
    %get3A_484 = tpu.vector_load %arg12[%get3A_483] {strides = array<i32>} : memref<512xi32, #tpu.memory_space<vmem>>, vector<16xi32>,
    %swap3A_485 = arith.constant 3 : i32
    %swap3A_486 = arith.index_cast %swap3A_485 : i32 to index
    %swap3A_487 = arith.constant 32 : index
    %swap3A_488 = tpu.vector_load %arg16[%swap3A_486, %swap3A_487] {strides = array<i32>} : memref<8x64xi32, #tpu.memory_space<vmem>>, vector<16xi32>,
    tpu.vector_store %arg16[%swap3A_486, %swap3A_487], %get3A_484 {strides = array<i32>} : memref<8x64xi32, #tpu.memory_space<vmem>>, vector<16xi32>,
    %get3A_489 = arith.constant 240 : index
    %get3A_490 = tpu.vector_load %arg12[%get3A_489] {strides = array<i32>} : memref<512xi32, #tpu.memory_space<vmem>>, vector<16xi32>,
    %swap3A_491 = arith.constant 3 : i32
    %swap3A_492 = arith.index_cast %swap3A_491 : i32 to index
    %swap3A_493 = arith.constant 48 : index
    %swap3A_494 = tpu.vector_load %arg16[%swap3A_492, %swap3A_493] {strides = array<i32>} : memref<8x64xi32, #tpu.memory_space<vmem>>, vector<16xi32>,
    tpu.vector_store %arg16[%swap3A_492, %swap3A_493], %get3A_490 {strides = array<i32>} : memref<8x64xi32, #tpu.memory_space<vmem>>, vector<16xi32>,
    %get3A_495 = arith.constant 256 : index
    %get3A_496 = tpu.vector_load %arg12[%get3A_495] {strides = array<i32>} : memref<512xi32, #tpu.memory_space<vmem>>, vector<16xi32>,
    %swap3A_497 = arith.constant 4 : i32
    %swap3A_498 = arith.index_cast %swap3A_497 : i32 to index
    %swap3A_499 = arith.constant 0 : index
    %swap3A_500 = tpu.vector_load %arg16[%swap3A_498, %swap3A_499] {strides = array<i32>} : memref<8x64xi32, #tpu.memory_space<vmem>>, vector<16xi32>,
    tpu.vector_store %arg16[%swap3A_498, %swap3A_499], %get3A_496 {strides = array<i32>} : memref<8x64xi32, #tpu.memory_space<vmem>>, vector<16xi32>,
    %get3A_501 = arith.constant 272 : index
    %get3A_502 = tpu.vector_load %arg12[%get3A_501] {strides = array<i32>} : memref<512xi32, #tpu.memory_space<vmem>>, vector<16xi32>,
    %swap3A_503 = arith.constant 4 : i32
    %swap3A_504 = arith.index_cast %swap3A_503 : i32 to index
    %swap3A_505 = arith.constant 16 : index
    %swap3A_506 = tpu.vector_load %arg16[%swap3A_504, %swap3A_505] {strides = array<i32>} : memref<8x64xi32, #tpu.memory_space<vmem>>, vector<16xi32>,
    tpu.vector_store %arg16[%swap3A_504, %swap3A_505], %get3A_502 {strides = array<i32>} : memref<8x64xi32, #tpu.memory_space<vmem>>, vector<16xi32>,
    %get3A_507 = arith.constant 288 : index
    %get3A_508 = tpu.vector_load %arg12[%get3A_507] {strides = array<i32>} : memref<512xi32, #tpu.memory_space<vmem>>, vector<16xi32>,
    %swap3A_509 = arith.constant 4 : i32
    %swap3A_510 = arith.index_cast %swap3A_509 : i32 to index
    %swap3A_511 = arith.constant 32 : index
    %swap3A_512 = tpu.vector_load %arg16[%swap3A_510, %swap3A_511] {strides = array<i32>} : memref<8x64xi32, #tpu.memory_space<vmem>>, vector<16xi32>,
    tpu.vector_store %arg16[%swap3A_510, %swap3A_511], %get3A_508 {strides = array<i32>} : memref<8x64xi32, #tpu.memory_space<vmem>>, vector<16xi32>,
    %get3A_513 = arith.constant 304 : index
    %get3A_514 = tpu.vector_load %arg12[%get3A_513] {strides = array<i32>} : memref<512xi32, #tpu.memory_space<vmem>>, vector<16xi32>,
    %swap3A_515 = arith.constant 4 : i32
    %swap3A_516 = arith.index_cast %swap3A_515 : i32 to index
    %swap3A_517 = arith.constant 48 : index
    %swap3A_518 = tpu.vector_load %arg16[%swap3A_516, %swap3A_517] {strides = array<i32>} : memref<8x64xi32, #tpu.memory_space<vmem>>, vector<16xi32>,
    tpu.vector_store %arg16[%swap3A_516, %swap3A_517], %get3A_514 {strides = array<i32>} : memref<8x64xi32, #tpu.memory_space<vmem>>, vector<16xi32>,
    %get3A_519 = arith.constant 320 : index
    %get3A_520 = tpu.vector_load %arg12[%get3A_519] {strides = array<i32>} : memref<512xi32, #tpu.memory_space<vmem>>, vector<16xi32>,
    %swap3A_521 = arith.constant 5 : i32
    %swap3A_522 = arith.index_cast %swap3A_521 : i32 to index
    %swap3A_523 = arith.constant 0 : index
    %swap3A_524 = tpu.vector_load %arg16[%swap3A_522, %swap3A_523] {strides = array<i32>} : memref<8x64xi32, #tpu.memory_space<vmem>>, vector<16xi32>,
    tpu.vector_store %arg16[%swap3A_522, %swap3A_523], %get3A_520 {strides = array<i32>} : memref<8x64xi32, #tpu.memory_space<vmem>>, vector<16xi32>,
    %get3A_525 = arith.constant 336 : index
    %get3A_526 = tpu.vector_load %arg12[%get3A_525] {strides = array<i32>} : memref<512xi32, #tpu.memory_space<vmem>>, vector<16xi32>,
    %swap3A_527 = arith.constant 5 : i32
    %swap3A_528 = arith.index_cast %swap3A_527 : i32 to index
    %swap3A_529 = arith.constant 16 : index
    %swap3A_530 = tpu.vector_load %arg16[%swap3A_528, %swap3A_529] {strides = array<i32>} : memref<8x64xi32, #tpu.memory_space<vmem>>, vector<16xi32>,
    tpu.vector_store %arg16[%swap3A_528, %swap3A_529], %get3A_526 {strides = array<i32>} : memref<8x64xi32, #tpu.memory_space<vmem>>, vector<16xi32>,
    %get3A_531 = arith.constant 352 : index
    %get3A_532 = tpu.vector_load %arg12[%get3A_531] {strides = array<i32>} : memref<512xi32, #tpu.memory_space<vmem>>, vector<16xi32>,
    %swap3A_533 = arith.constant 5 : i32
    %swap3A_534 = arith.index_cast %swap3A_533 : i32 to index
    %swap3A_535 = arith.constant 32 : index
    %swap3A_536 = tpu.vector_load %arg16[%swap3A_534, %swap3A_535] {strides = array<i32>} : memref<8x64xi32, #tpu.memory_space<vmem>>, vector<16xi32>,
    tpu.vector_store %arg16[%swap3A_534, %swap3A_535], %get3A_532 {strides = array<i32>} : memref<8x64xi32, #tpu.memory_space<vmem>>, vector<16xi32>,
    %get3A_537 = arith.constant 368 : index
    %get3A_538 = tpu.vector_load %arg12[%get3A_537] {strides = array<i32>} : memref<512xi32, #tpu.memory_space<vmem>>, vector<16xi32>,
    %swap3A_539 = arith.constant 5 : i32
    %swap3A_540 = arith.index_cast %swap3A_539 : i32 to index
    %swap3A_541 = arith.constant 48 : index
    %swap3A_542 = tpu.vector_load %arg16[%swap3A_540, %swap3A_541] {strides = array<i32>} : memref<8x64xi32, #tpu.memory_space<vmem>>, vector<16xi32>,
    tpu.vector_store %arg16[%swap3A_540, %swap3A_541], %get3A_538 {strides = array<i32>} : memref<8x64xi32, #tpu.memory_space<vmem>>, vector<16xi32>,
    %get3A_543 = arith.constant 384 : index
    %get3A_544 = tpu.vector_load %arg12[%get3A_543] {strides = array<i32>} : memref<512xi32, #tpu.memory_space<vmem>>, vector<16xi32>,
    %swap3A_545 = arith.constant 6 : i32
    %swap3A_546 = arith.index_cast %swap3A_545 : i32 to index
    %swap3A_547 = arith.constant 0 : index
    %swap3A_548 = tpu.vector_load %arg16[%swap3A_546, %swap3A_547] {strides = array<i32>} : memref<8x64xi32, #tpu.memory_space<vmem>>, vector<16xi32>,
    tpu.vector_store %arg16[%swap3A_546, %swap3A_547], %get3A_544 {strides = array<i32>} : memref<8x64xi32, #tpu.memory_space<vmem>>, vector<16xi32>,
    %get3A_549 = arith.constant 400 : index
    %get3A_550 = tpu.vector_load %arg12[%get3A_549] {strides = array<i32>} : memref<512xi32, #tpu.memory_space<vmem>>, vector<16xi32>,
    %swap3A_551 = arith.constant 6 : i32
    %swap3A_552 = arith.index_cast %swap3A_551 : i32 to index
    %swap3A_553 = arith.constant 16 : index
    %swap3A_554 = tpu.vector_load %arg16[%swap3A_552, %swap3A_553] {strides = array<i32>} : memref<8x64xi32, #tpu.memory_space<vmem>>, vector<16xi32>,
    tpu.vector_store %arg16[%swap3A_552, %swap3A_553], %get3A_550 {strides = array<i32>} : memref<8x64xi32, #tpu.memory_space<vmem>>, vector<16xi32>,
    %get3A_555 = arith.constant 416 : index
    %get3A_556 = tpu.vector_load %arg12[%get3A_555] {strides = array<i32>} : memref<512xi32, #tpu.memory_space<vmem>>, vector<16xi32>,
    %swap3A_557 = arith.constant 6 : i32
    %swap3A_558 = arith.index_cast %swap3A_557 : i32 to index
    %swap3A_559 = arith.constant 32 : index
    %swap3A_560 = tpu.vector_load %arg16[%swap3A_558, %swap3A_559] {strides = array<i32>} : memref<8x64xi32, #tpu.memory_space<vmem>>, vector<16xi32>,
    tpu.vector_store %arg16[%swap3A_558, %swap3A_559], %get3A_556 {strides = array<i32>} : memref<8x64xi32, #tpu.memory_space<vmem>>, vector<16xi32>,
    %get3A_561 = arith.constant 432 : index
    %get3A_562 = tpu.vector_load %arg12[%get3A_561] {strides = array<i32>} : memref<512xi32, #tpu.memory_space<vmem>>, vector<16xi32>,
    %swap3A_563 = arith.constant 6 : i32
    %swap3A_564 = arith.index_cast %swap3A_563 : i32 to index
    %swap3A_565 = arith.constant 48 : index
    %swap3A_566 = tpu.vector_load %arg16[%swap3A_564, %swap3A_565] {strides = array<i32>} : memref<8x64xi32, #tpu.memory_space<vmem>>, vector<16xi32>,
    tpu.vector_store %arg16[%swap3A_564, %swap3A_565], %get3A_562 {strides = array<i32>} : memref<8x64xi32, #tpu.memory_space<vmem>>, vector<16xi32>,
    %get3A_567 = arith.constant 448 : index
    %get3A_568 = tpu.vector_load %arg12[%get3A_567] {strides = array<i32>} : memref<512xi32, #tpu.memory_space<vmem>>, vector<16xi32>,
    %swap3A_569 = arith.constant 7 : i32
    %swap3A_570 = arith.index_cast %swap3A_569 : i32 to index
    %swap3A_571 = arith.constant 0 : index
    %swap3A_572 = tpu.vector_load %arg16[%swap3A_570, %swap3A_571] {strides = array<i32>} : memref<8x64xi32, #tpu.memory_space<vmem>>, vector<16xi32>,
    tpu.vector_store %arg16[%swap3A_570, %swap3A_571], %get3A_568 {strides = array<i32>} : memref<8x64xi32, #tpu.memory_space<vmem>>, vector<16xi32>,
    %get3A_573 = arith.constant 464 : index
    %get3A_574 = tpu.vector_load %arg12[%get3A_573] {strides = array<i32>} : memref<512xi32, #tpu.memory_space<vmem>>, vector<16xi32>,
    %swap3A_575 = arith.constant 7 : i32
    %swap3A_576 = arith.index_cast %swap3A_575 : i32 to index
    %swap3A_577 = arith.constant 16 : index
    %swap3A_578 = tpu.vector_load %arg16[%swap3A_576, %swap3A_577] {strides = array<i32>} : memref<8x64xi32, #tpu.memory_space<vmem>>, vector<16xi32>,
    tpu.vector_store %arg16[%swap3A_576, %swap3A_577], %get3A_574 {strides = array<i32>} : memref<8x64xi32, #tpu.memory_space<vmem>>, vector<16xi32>,
    %get3A_579 = arith.constant 480 : index
    %get3A_580 = tpu.vector_load %arg12[%get3A_579] {strides = array<i32>} : memref<512xi32, #tpu.memory_space<vmem>>, vector<16xi32>,
    %swap3A_581 = arith.constant 7 : i32
    %swap3A_582 = arith.index_cast %swap3A_581 : i32 to index
    %swap3A_583 = arith.constant 32 : index
    %swap3A_584 = tpu.vector_load %arg16[%swap3A_582, %swap3A_583] {strides = array<i32>} : memref<8x64xi32, #tpu.memory_space<vmem>>, vector<16xi32>,
    tpu.vector_store %arg16[%swap3A_582, %swap3A_583], %get3A_580 {strides = array<i32>} : memref<8x64xi32, #tpu.memory_space<vmem>>, vector<16xi32>,
    %get3A_585 = arith.constant 496 : index
    %get3A_586 = tpu.vector_load %arg12[%get3A_585] {strides = array<i32>} : memref<512xi32, #tpu.memory_space<vmem>>, vector<16xi32>,
    %swap3A_587 = arith.constant 7 : i32
    %swap3A_588 = arith.index_cast %swap3A_587 : i32 to index
    %swap3A_589 = arith.constant 48 : index
    %swap3A_590 = tpu.vector_load %arg16[%swap3A_588, %swap3A_589] {strides = array<i32>} : memref<8x64xi32, #tpu.memory_space<vmem>>, vector<16xi32>,
    tpu.vector_store %arg16[%swap3A_588, %swap3A_589], %get3A_586 {strides = array<i32>} : memref<8x64xi32, #tpu.memory_space<vmem>>, vector<16xi32>,
    %get3A_591 = arith.constant 0 : index
    %get3A_592 = tpu.vector_load %arg13[%get3A_591] {strides = array<i32>} : memref<512xi32, #tpu.memory_space<vmem>>, vector<16xi32>,
    %swap3A_593 = arith.constant 0 : i32
    %swap3A_594 = arith.index_cast %swap3A_593 : i32 to index
    %swap3A_595 = arith.constant 0 : index
    %swap3A_596 = tpu.vector_load %arg17[%swap3A_594, %swap3A_595] {strides = array<i32>} : memref<8x64xi32, #tpu.memory_space<vmem>>, vector<16xi32>,
    tpu.vector_store %arg17[%swap3A_594, %swap3A_595], %get3A_592 {strides = array<i32>} : memref<8x64xi32, #tpu.memory_space<vmem>>, vector<16xi32>,
    %get3A_597 = arith.constant 16 : index
    %get3A_598 = tpu.vector_load %arg13[%get3A_597] {strides = array<i32>} : memref<512xi32, #tpu.memory_space<vmem>>, vector<16xi32>,
    %swap3A_599 = arith.constant 0 : i32
    %swap3A_600 = arith.index_cast %swap3A_599 : i32 to index
    %swap3A_601 = arith.constant 16 : index
    %swap3A_602 = tpu.vector_load %arg17[%swap3A_600, %swap3A_601] {strides = array<i32>} : memref<8x64xi32, #tpu.memory_space<vmem>>, vector<16xi32>,
    tpu.vector_store %arg17[%swap3A_600, %swap3A_601], %get3A_598 {strides = array<i32>} : memref<8x64xi32, #tpu.memory_space<vmem>>, vector<16xi32>,
    %get3A_603 = arith.constant 32 : index
    %get3A_604 = tpu.vector_load %arg13[%get3A_603] {strides = array<i32>} : memref<512xi32, #tpu.memory_space<vmem>>, vector<16xi32>,
    %swap3A_605 = arith.constant 0 : i32
    %swap3A_606 = arith.index_cast %swap3A_605 : i32 to index
    %swap3A_607 = arith.constant 32 : index
    %swap3A_608 = tpu.vector_load %arg17[%swap3A_606, %swap3A_607] {strides = array<i32>} : memref<8x64xi32, #tpu.memory_space<vmem>>, vector<16xi32>,
    tpu.vector_store %arg17[%swap3A_606, %swap3A_607], %get3A_604 {strides = array<i32>} : memref<8x64xi32, #tpu.memory_space<vmem>>, vector<16xi32>,
    %get3A_609 = arith.constant 48 : index
    %get3A_610 = tpu.vector_load %arg13[%get3A_609] {strides = array<i32>} : memref<512xi32, #tpu.memory_space<vmem>>, vector<16xi32>,
    %swap3A_611 = arith.constant 0 : i32
    %swap3A_612 = arith.index_cast %swap3A_611 : i32 to index
    %swap3A_613 = arith.constant 48 : index
    %swap3A_614 = tpu.vector_load %arg17[%swap3A_612, %swap3A_613] {strides = array<i32>} : memref<8x64xi32, #tpu.memory_space<vmem>>, vector<16xi32>,
    tpu.vector_store %arg17[%swap3A_612, %swap3A_613], %get3A_610 {strides = array<i32>} : memref<8x64xi32, #tpu.memory_space<vmem>>, vector<16xi32>,
    %get3A_615 = arith.constant 64 : index
    %get3A_616 = tpu.vector_load %arg13[%get3A_615] {strides = array<i32>} : memref<512xi32, #tpu.memory_space<vmem>>, vector<16xi32>,
    %swap3A_617 = arith.constant 1 : i32
    %swap3A_618 = arith.index_cast %swap3A_617 : i32 to index
    %swap3A_619 = arith.constant 0 : index
    %swap3A_620 = tpu.vector_load %arg17[%swap3A_618, %swap3A_619] {strides = array<i32>} : memref<8x64xi32, #tpu.memory_space<vmem>>, vector<16xi32>,
    tpu.vector_store %arg17[%swap3A_618, %swap3A_619], %get3A_616 {strides = array<i32>} : memref<8x64xi32, #tpu.memory_space<vmem>>, vector<16xi32>,
    %get3A_621 = arith.constant 80 : index
    %get3A_622 = tpu.vector_load %arg13[%get3A_621] {strides = array<i32>} : memref<512xi32, #tpu.memory_space<vmem>>, vector<16xi32>,
    %swap3A_623 = arith.constant 1 : i32
    %swap3A_624 = arith.index_cast %swap3A_623 : i32 to index
    %swap3A_625 = arith.constant 16 : index
    %swap3A_626 = tpu.vector_load %arg17[%swap3A_624, %swap3A_625] {strides = array<i32>} : memref<8x64xi32, #tpu.memory_space<vmem>>, vector<16xi32>,
    tpu.vector_store %arg17[%swap3A_624, %swap3A_625], %get3A_622 {strides = array<i32>} : memref<8x64xi32, #tpu.memory_space<vmem>>, vector<16xi32>,
    %get3A_627 = arith.constant 96 : index
    %get3A_628 = tpu.vector_load %arg13[%get3A_627] {strides = array<i32>} : memref<512xi32, #tpu.memory_space<vmem>>, vector<16xi32>,
    %swap3A_629 = arith.constant 1 : i32
    %swap3A_630 = arith.index_cast %swap3A_629 : i32 to index
    %swap3A_631 = arith.constant 32 : index
    %swap3A_632 = tpu.vector_load %arg17[%swap3A_630, %swap3A_631] {strides = array<i32>} : memref<8x64xi32, #tpu.memory_space<vmem>>, vector<16xi32>,
    tpu.vector_store %arg17[%swap3A_630, %swap3A_631], %get3A_628 {strides = array<i32>} : memref<8x64xi32, #tpu.memory_space<vmem>>, vector<16xi32>,
    %get3A_633 = arith.constant 112 : index
    %get3A_634 = tpu.vector_load %arg13[%get3A_633] {strides = array<i32>} : memref<512xi32, #tpu.memory_space<vmem>>, vector<16xi32>,
    %swap3A_635 = arith.constant 1 : i32
    %swap3A_636 = arith.index_cast %swap3A_635 : i32 to index
    %swap3A_637 = arith.constant 48 : index
    %swap3A_638 = tpu.vector_load %arg17[%swap3A_636, %swap3A_637] {strides = array<i32>} : memref<8x64xi32, #tpu.memory_space<vmem>>, vector<16xi32>,
    tpu.vector_store %arg17[%swap3A_636, %swap3A_637], %get3A_634 {strides = array<i32>} : memref<8x64xi32, #tpu.memory_space<vmem>>, vector<16xi32>,
    %get3A_639 = arith.constant 128 : index
    %get3A_640 = tpu.vector_load %arg13[%get3A_639] {strides = array<i32>} : memref<512xi32, #tpu.memory_space<vmem>>, vector<16xi32>,
    %swap3A_641 = arith.constant 2 : i32
    %swap3A_642 = arith.index_cast %swap3A_641 : i32 to index
    %swap3A_643 = arith.constant 0 : index
    %swap3A_644 = tpu.vector_load %arg17[%swap3A_642, %swap3A_643] {strides = array<i32>} : memref<8x64xi32, #tpu.memory_space<vmem>>, vector<16xi32>,
    tpu.vector_store %arg17[%swap3A_642, %swap3A_643], %get3A_640 {strides = array<i32>} : memref<8x64xi32, #tpu.memory_space<vmem>>, vector<16xi32>,
    %get3A_645 = arith.constant 144 : index
    %get3A_646 = tpu.vector_load %arg13[%get3A_645] {strides = array<i32>} : memref<512xi32, #tpu.memory_space<vmem>>, vector<16xi32>,
    %swap3A_647 = arith.constant 2 : i32
    %swap3A_648 = arith.index_cast %swap3A_647 : i32 to index
    %swap3A_649 = arith.constant 16 : index
    %swap3A_650 = tpu.vector_load %arg17[%swap3A_648, %swap3A_649] {strides = array<i32>} : memref<8x64xi32, #tpu.memory_space<vmem>>, vector<16xi32>,
    tpu.vector_store %arg17[%swap3A_648, %swap3A_649], %get3A_646 {strides = array<i32>} : memref<8x64xi32, #tpu.memory_space<vmem>>, vector<16xi32>,
    %get3A_651 = arith.constant 160 : index
    %get3A_652 = tpu.vector_load %arg13[%get3A_651] {strides = array<i32>} : memref<512xi32, #tpu.memory_space<vmem>>, vector<16xi32>,
    %swap3A_653 = arith.constant 2 : i32
    %swap3A_654 = arith.index_cast %swap3A_653 : i32 to index
    %swap3A_655 = arith.constant 32 : index
    %swap3A_656 = tpu.vector_load %arg17[%swap3A_654, %swap3A_655] {strides = array<i32>} : memref<8x64xi32, #tpu.memory_space<vmem>>, vector<16xi32>,
    tpu.vector_store %arg17[%swap3A_654, %swap3A_655], %get3A_652 {strides = array<i32>} : memref<8x64xi32, #tpu.memory_space<vmem>>, vector<16xi32>,
    %get3A_657 = arith.constant 176 : index
    %get3A_658 = tpu.vector_load %arg13[%get3A_657] {strides = array<i32>} : memref<512xi32, #tpu.memory_space<vmem>>, vector<16xi32>,
    %swap3A_659 = arith.constant 2 : i32
    %swap3A_660 = arith.index_cast %swap3A_659 : i32 to index
    %swap3A_661 = arith.constant 48 : index
    %swap3A_662 = tpu.vector_load %arg17[%swap3A_660, %swap3A_661] {strides = array<i32>} : memref<8x64xi32, #tpu.memory_space<vmem>>, vector<16xi32>,
    tpu.vector_store %arg17[%swap3A_660, %swap3A_661], %get3A_658 {strides = array<i32>} : memref<8x64xi32, #tpu.memory_space<vmem>>, vector<16xi32>,
    %get3A_663 = arith.constant 192 : index
    %get3A_664 = tpu.vector_load %arg13[%get3A_663] {strides = array<i32>} : memref<512xi32, #tpu.memory_space<vmem>>, vector<16xi32>,
    %swap3A_665 = arith.constant 3 : i32
    %swap3A_666 = arith.index_cast %swap3A_665 : i32 to index
    %swap3A_667 = arith.constant 0 : index
    %swap3A_668 = tpu.vector_load %arg17[%swap3A_666, %swap3A_667] {strides = array<i32>} : memref<8x64xi32, #tpu.memory_space<vmem>>, vector<16xi32>,
    tpu.vector_store %arg17[%swap3A_666, %swap3A_667], %get3A_664 {strides = array<i32>} : memref<8x64xi32, #tpu.memory_space<vmem>>, vector<16xi32>,
    %get3A_669 = arith.constant 208 : index
    %get3A_670 = tpu.vector_load %arg13[%get3A_669] {strides = array<i32>} : memref<512xi32, #tpu.memory_space<vmem>>, vector<16xi32>,
    %swap3A_671 = arith.constant 3 : i32
    %swap3A_672 = arith.index_cast %swap3A_671 : i32 to index
    %swap3A_673 = arith.constant 16 : index
    %swap3A_674 = tpu.vector_load %arg17[%swap3A_672, %swap3A_673] {strides = array<i32>} : memref<8x64xi32, #tpu.memory_space<vmem>>, vector<16xi32>,
    tpu.vector_store %arg17[%swap3A_672, %swap3A_673], %get3A_670 {strides = array<i32>} : memref<8x64xi32, #tpu.memory_space<vmem>>, vector<16xi32>,
    %get3A_675 = arith.constant 224 : index
    %get3A_676 = tpu.vector_load %arg13[%get3A_675] {strides = array<i32>} : memref<512xi32, #tpu.memory_space<vmem>>, vector<16xi32>,
    %swap3A_677 = arith.constant 3 : i32
    %swap3A_678 = arith.index_cast %swap3A_677 : i32 to index
    %swap3A_679 = arith.constant 32 : index
    %swap3A_680 = tpu.vector_load %arg17[%swap3A_678, %swap3A_679] {strides = array<i32>} : memref<8x64xi32, #tpu.memory_space<vmem>>, vector<16xi32>,
    tpu.vector_store %arg17[%swap3A_678, %swap3A_679], %get3A_676 {strides = array<i32>} : memref<8x64xi32, #tpu.memory_space<vmem>>, vector<16xi32>,
    %get3A_681 = arith.constant 240 : index
    %get3A_682 = tpu.vector_load %arg13[%get3A_681] {strides = array<i32>} : memref<512xi32, #tpu.memory_space<vmem>>, vector<16xi32>,
    %swap3A_683 = arith.constant 3 : i32
    %swap3A_684 = arith.index_cast %swap3A_683 : i32 to index
    %swap3A_685 = arith.constant 48 : index
    %swap3A_686 = tpu.vector_load %arg17[%swap3A_684, %swap3A_685] {strides = array<i32>} : memref<8x64xi32, #tpu.memory_space<vmem>>, vector<16xi32>,
    tpu.vector_store %arg17[%swap3A_684, %swap3A_685], %get3A_682 {strides = array<i32>} : memref<8x64xi32, #tpu.memory_space<vmem>>, vector<16xi32>,
    %get3A_687 = arith.constant 256 : index
    %get3A_688 = tpu.vector_load %arg13[%get3A_687] {strides = array<i32>} : memref<512xi32, #tpu.memory_space<vmem>>, vector<16xi32>,
    %swap3A_689 = arith.constant 4 : i32
    %swap3A_690 = arith.index_cast %swap3A_689 : i32 to index
    %swap3A_691 = arith.constant 0 : index
    %swap3A_692 = tpu.vector_load %arg17[%swap3A_690, %swap3A_691] {strides = array<i32>} : memref<8x64xi32, #tpu.memory_space<vmem>>, vector<16xi32>,
    tpu.vector_store %arg17[%swap3A_690, %swap3A_691], %get3A_688 {strides = array<i32>} : memref<8x64xi32, #tpu.memory_space<vmem>>, vector<16xi32>,
    %get3A_693 = arith.constant 272 : index
    %get3A_694 = tpu.vector_load %arg13[%get3A_693] {strides = array<i32>} : memref<512xi32, #tpu.memory_space<vmem>>, vector<16xi32>,
    %swap3A_695 = arith.constant 4 : i32
    %swap3A_696 = arith.index_cast %swap3A_695 : i32 to index
    %swap3A_697 = arith.constant 16 : index
    %swap3A_698 = tpu.vector_load %arg17[%swap3A_696, %swap3A_697] {strides = array<i32>} : memref<8x64xi32, #tpu.memory_space<vmem>>, vector<16xi32>,
    tpu.vector_store %arg17[%swap3A_696, %swap3A_697], %get3A_694 {strides = array<i32>} : memref<8x64xi32, #tpu.memory_space<vmem>>, vector<16xi32>,
    %get3A_699 = arith.constant 288 : index
    %get3A_700 = tpu.vector_load %arg13[%get3A_699] {strides = array<i32>} : memref<512xi32, #tpu.memory_space<vmem>>, vector<16xi32>,
    %swap3A_701 = arith.constant 4 : i32
    %swap3A_702 = arith.index_cast %swap3A_701 : i32 to index
    %swap3A_703 = arith.constant 32 : index
    %swap3A_704 = tpu.vector_load %arg17[%swap3A_702, %swap3A_703] {strides = array<i32>} : memref<8x64xi32, #tpu.memory_space<vmem>>, vector<16xi32>,
    tpu.vector_store %arg17[%swap3A_702, %swap3A_703], %get3A_700 {strides = array<i32>} : memref<8x64xi32, #tpu.memory_space<vmem>>, vector<16xi32>,
    %get3A_705 = arith.constant 304 : index
    %get3A_706 = tpu.vector_load %arg13[%get3A_705] {strides = array<i32>} : memref<512xi32, #tpu.memory_space<vmem>>, vector<16xi32>,
    %swap3A_707 = arith.constant 4 : i32
    %swap3A_708 = arith.index_cast %swap3A_707 : i32 to index
    %swap3A_709 = arith.constant 48 : index
    %swap3A_710 = tpu.vector_load %arg17[%swap3A_708, %swap3A_709] {strides = array<i32>} : memref<8x64xi32, #tpu.memory_space<vmem>>, vector<16xi32>,
    tpu.vector_store %arg17[%swap3A_708, %swap3A_709], %get3A_706 {strides = array<i32>} : memref<8x64xi32, #tpu.memory_space<vmem>>, vector<16xi32>,
    %get3A_711 = arith.constant 320 : index
    %get3A_712 = tpu.vector_load %arg13[%get3A_711] {strides = array<i32>} : memref<512xi32, #tpu.memory_space<vmem>>, vector<16xi32>,
    %swap3A_713 = arith.constant 5 : i32
    %swap3A_714 = arith.index_cast %swap3A_713 : i32 to index
    %swap3A_715 = arith.constant 0 : index
    %swap3A_716 = tpu.vector_load %arg17[%swap3A_714, %swap3A_715] {strides = array<i32>} : memref<8x64xi32, #tpu.memory_space<vmem>>, vector<16xi32>,
    tpu.vector_store %arg17[%swap3A_714, %swap3A_715], %get3A_712 {strides = array<i32>} : memref<8x64xi32, #tpu.memory_space<vmem>>, vector<16xi32>,
    %get3A_717 = arith.constant 336 : index
    %get3A_718 = tpu.vector_load %arg13[%get3A_717] {strides = array<i32>} : memref<512xi32, #tpu.memory_space<vmem>>, vector<16xi32>,
    %swap3A_719 = arith.constant 5 : i32
    %swap3A_720 = arith.index_cast %swap3A_719 : i32 to index
    %swap3A_721 = arith.constant 16 : index
    %swap3A_722 = tpu.vector_load %arg17[%swap3A_720, %swap3A_721] {strides = array<i32>} : memref<8x64xi32, #tpu.memory_space<vmem>>, vector<16xi32>,
    tpu.vector_store %arg17[%swap3A_720, %swap3A_721], %get3A_718 {strides = array<i32>} : memref<8x64xi32, #tpu.memory_space<vmem>>, vector<16xi32>,
    %get3A_723 = arith.constant 352 : index
    %get3A_724 = tpu.vector_load %arg13[%get3A_723] {strides = array<i32>} : memref<512xi32, #tpu.memory_space<vmem>>, vector<16xi32>,
    %swap3A_725 = arith.constant 5 : i32
    %swap3A_726 = arith.index_cast %swap3A_725 : i32 to index
    %swap3A_727 = arith.constant 32 : index
    %swap3A_728 = tpu.vector_load %arg17[%swap3A_726, %swap3A_727] {strides = array<i32>} : memref<8x64xi32, #tpu.memory_space<vmem>>, vector<16xi32>,
    tpu.vector_store %arg17[%swap3A_726, %swap3A_727], %get3A_724 {strides = array<i32>} : memref<8x64xi32, #tpu.memory_space<vmem>>, vector<16xi32>,
    %get3A_729 = arith.constant 368 : index
    %get3A_730 = tpu.vector_load %arg13[%get3A_729] {strides = array<i32>} : memref<512xi32, #tpu.memory_space<vmem>>, vector<16xi32>,
    %swap3A_731 = arith.constant 5 : i32
    %swap3A_732 = arith.index_cast %swap3A_731 : i32 to index
    %swap3A_733 = arith.constant 48 : index
    %swap3A_734 = tpu.vector_load %arg17[%swap3A_732, %swap3A_733] {strides = array<i32>} : memref<8x64xi32, #tpu.memory_space<vmem>>, vector<16xi32>,
    tpu.vector_store %arg17[%swap3A_732, %swap3A_733], %get3A_730 {strides = array<i32>} : memref<8x64xi32, #tpu.memory_space<vmem>>, vector<16xi32>,
    %get3A_735 = arith.constant 384 : index
    %get3A_736 = tpu.vector_load %arg13[%get3A_735] {strides = array<i32>} : memref<512xi32, #tpu.memory_space<vmem>>, vector<16xi32>,
    %swap3A_737 = arith.constant 6 : i32
    %swap3A_738 = arith.index_cast %swap3A_737 : i32 to index
    %swap3A_739 = arith.constant 0 : index
    %swap3A_740 = tpu.vector_load %arg17[%swap3A_738, %swap3A_739] {strides = array<i32>} : memref<8x64xi32, #tpu.memory_space<vmem>>, vector<16xi32>,
    tpu.vector_store %arg17[%swap3A_738, %swap3A_739], %get3A_736 {strides = array<i32>} : memref<8x64xi32, #tpu.memory_space<vmem>>, vector<16xi32>,
    %get3A_741 = arith.constant 400 : index
    %get3A_742 = tpu.vector_load %arg13[%get3A_741] {strides = array<i32>} : memref<512xi32, #tpu.memory_space<vmem>>, vector<16xi32>,
    %swap3A_743 = arith.constant 6 : i32
    %swap3A_744 = arith.index_cast %swap3A_743 : i32 to index
    %swap3A_745 = arith.constant 16 : index
    %swap3A_746 = tpu.vector_load %arg17[%swap3A_744, %swap3A_745] {strides = array<i32>} : memref<8x64xi32, #tpu.memory_space<vmem>>, vector<16xi32>,
    tpu.vector_store %arg17[%swap3A_744, %swap3A_745], %get3A_742 {strides = array<i32>} : memref<8x64xi32, #tpu.memory_space<vmem>>, vector<16xi32>,
    %get3A_747 = arith.constant 416 : index
    %get3A_748 = tpu.vector_load %arg13[%get3A_747] {strides = array<i32>} : memref<512xi32, #tpu.memory_space<vmem>>, vector<16xi32>,
    %swap3A_749 = arith.constant 6 : i32
    %swap3A_750 = arith.index_cast %swap3A_749 : i32 to index
    %swap3A_751 = arith.constant 32 : index
    %swap3A_752 = tpu.vector_load %arg17[%swap3A_750, %swap3A_751] {strides = array<i32>} : memref<8x64xi32, #tpu.memory_space<vmem>>, vector<16xi32>,
    tpu.vector_store %arg17[%swap3A_750, %swap3A_751], %get3A_748 {strides = array<i32>} : memref<8x64xi32, #tpu.memory_space<vmem>>, vector<16xi32>,
    %get3A_753 = arith.constant 432 : index
    %get3A_754 = tpu.vector_load %arg13[%get3A_753] {strides = array<i32>} : memref<512xi32, #tpu.memory_space<vmem>>, vector<16xi32>,
    %swap3A_755 = arith.constant 6 : i32
    %swap3A_756 = arith.index_cast %swap3A_755 : i32 to index
    %swap3A_757 = arith.constant 48 : index
    %swap3A_758 = tpu.vector_load %arg17[%swap3A_756, %swap3A_757] {strides = array<i32>} : memref<8x64xi32, #tpu.memory_space<vmem>>, vector<16xi32>,
    tpu.vector_store %arg17[%swap3A_756, %swap3A_757], %get3A_754 {strides = array<i32>} : memref<8x64xi32, #tpu.memory_space<vmem>>, vector<16xi32>,
    %get3A_759 = arith.constant 448 : index
    %get3A_760 = tpu.vector_load %arg13[%get3A_759] {strides = array<i32>} : memref<512xi32, #tpu.memory_space<vmem>>, vector<16xi32>,
    %swap3A_761 = arith.constant 7 : i32
    %swap3A_762 = arith.index_cast %swap3A_761 : i32 to index
    %swap3A_763 = arith.constant 0 : index
    %swap3A_764 = tpu.vector_load %arg17[%swap3A_762, %swap3A_763] {strides = array<i32>} : memref<8x64xi32, #tpu.memory_space<vmem>>, vector<16xi32>,
    tpu.vector_store %arg17[%swap3A_762, %swap3A_763], %get3A_760 {strides = array<i32>} : memref<8x64xi32, #tpu.memory_space<vmem>>, vector<16xi32>,
    %get3A_765 = arith.constant 464 : index
    %get3A_766 = tpu.vector_load %arg13[%get3A_765] {strides = array<i32>} : memref<512xi32, #tpu.memory_space<vmem>>, vector<16xi32>,
    %swap3A_767 = arith.constant 7 : i32
    %swap3A_768 = arith.index_cast %swap3A_767 : i32 to index
    %swap3A_769 = arith.constant 16 : index
    %swap3A_770 = tpu.vector_load %arg17[%swap3A_768, %swap3A_769] {strides = array<i32>} : memref<8x64xi32, #tpu.memory_space<vmem>>, vector<16xi32>,
    tpu.vector_store %arg17[%swap3A_768, %swap3A_769], %get3A_766 {strides = array<i32>} : memref<8x64xi32, #tpu.memory_space<vmem>>, vector<16xi32>,
    %get3A_771 = arith.constant 480 : index
    %get3A_772 = tpu.vector_load %arg13[%get3A_771] {strides = array<i32>} : memref<512xi32, #tpu.memory_space<vmem>>, vector<16xi32>,
    %swap3A_773 = arith.constant 7 : i32
    %swap3A_774 = arith.index_cast %swap3A_773 : i32 to index
    %swap3A_775 = arith.constant 32 : index
    %swap3A_776 = tpu.vector_load %arg17[%swap3A_774, %swap3A_775] {strides = array<i32>} : memref<8x64xi32, #tpu.memory_space<vmem>>, vector<16xi32>,
    tpu.vector_store %arg17[%swap3A_774, %swap3A_775], %get3A_772 {strides = array<i32>} : memref<8x64xi32, #tpu.memory_space<vmem>>, vector<16xi32>,
    %get3A_777 = arith.constant 496 : index
    %get3A_778 = tpu.vector_load %arg13[%get3A_777] {strides = array<i32>} : memref<512xi32, #tpu.memory_space<vmem>>, vector<16xi32>,
    %swap3A_779 = arith.constant 7 : i32
    %swap3A_780 = arith.index_cast %swap3A_779 : i32 to index
    %swap3A_781 = arith.constant 48 : index
    %swap3A_782 = tpu.vector_load %arg17[%swap3A_780, %swap3A_781] {strides = array<i32>} : memref<8x64xi32, #tpu.memory_space<vmem>>, vector<16xi32>,
    tpu.vector_store %arg17[%swap3A_780, %swap3A_781], %get3A_778 {strides = array<i32>} : memref<8x64xi32, #tpu.memory_space<vmem>>, vector<16xi32>,
    %iota3A = tpu.iota {dimensions = array<i32: 0>} : vector<16xi32>
    %add3A_783 = arith.constant 0 : i32
    %add3A_784 = vector.broadcast %add3A_783 : i32 to vector<16xi32>
    %add3A_785 = arith.addi %iota3A, %add3A_784 : vector<16xi32>
    %jit3A = arith.constant 8 : i32
    %div3A = vector.broadcast %jit3A : i32 to vector<16xi32>
    %div3A_786 = arith.divsi %add3A_785, %div3A : vector<16xi32>
    %sign3A = arith.constant 0 : i32
    %sign3A_787 = vector.broadcast %sign3A : i32 to vector<16xi32>
    %sign3A_788 = arith.cmpi sgt, %add3A_785, %sign3A_787 : vector<16xi32>
    %sign3A_789 = arith.extui %sign3A_788 : vector<16xi1> to vector<16xi32>
    %sign3A_790 = arith.constant 0 : i32
    %sign3A_791 = vector.broadcast %sign3A_790 : i32 to vector<16xi32>
    %sign3A_792 = arith.cmpi slt, %add3A_785, %sign3A_791 : vector<16xi32>
    %sign3A_793 = arith.extui %sign3A_792 : vector<16xi1> to vector<16xi32>
    %sign3A_794 = arith.subi %sign3A_789, %sign3A_793 : vector<16xi32>
    %sign3A_795 = arith.constant 0 : i32
    %sign3A_796 = arith.cmpi sgt, %jit3A, %sign3A_795 : i32
    %sign3A_797 = arith.extui %sign3A_796 : i1 to i32
    %sign3A_798 = arith.constant 0 : i32
    %sign3A_799 = arith.cmpi slt, %jit3A, %sign3A_798 : i32
    %sign3A_800 = arith.extui %sign3A_799 : i1 to i32
    %sign3A_801 = arith.subi %sign3A_797, %sign3A_800 : i32
    %ne3A = vector.broadcast %sign3A_801 : i32 to vector<16xi32>
    %ne3A_802 = arith.cmpi ne, %sign3A_794, %ne3A : vector<16xi32>
    %rem3A = vector.broadcast %jit3A : i32 to vector<16xi32>
    %rem3A_803 = arith.remsi %add3A_785, %rem3A : vector<16xi32>
    %ne3A_804 = arith.constant 0 : i32
    %ne3A_805 = vector.broadcast %ne3A_804 : i32 to vector<16xi32>
    %ne3A_806 = arith.cmpi ne, %rem3A_803, %ne3A_805 : vector<16xi32>
    %and3A = arith.andi %ne3A_802, %ne3A_806 : vector<16xi1>
    %sub3A = arith.constant 1 : i32
    %sub3A_807 = vector.broadcast %sub3A : i32 to vector<16xi32>
    %sub3A_808 = arith.subi %div3A_786, %sub3A_807 : vector<16xi32>
    %select_n3A = arith.select %and3A, %sub3A_808, %div3A_786 : vector<16xi1>, vector<16xi32>
    %add3A_809 = arith.constant 16 : i32
    %add3A_810 = vector.broadcast %add3A_809 : i32 to vector<16xi32>
    %add3A_811 = arith.addi %iota3A, %add3A_810 : vector<16xi32>
    %jit3A_812 = arith.constant 8 : i32
    %div3A_813 = vector.broadcast %jit3A_812 : i32 to vector<16xi32>
    %div3A_814 = arith.divsi %add3A_811, %div3A_813 : vector<16xi32>
    %sign3A_815 = arith.constant 0 : i32
    %sign3A_816 = vector.broadcast %sign3A_815 : i32 to vector<16xi32>
    %sign3A_817 = arith.cmpi sgt, %add3A_811, %sign3A_816 : vector<16xi32>
    %sign3A_818 = arith.extui %sign3A_817 : vector<16xi1> to vector<16xi32>
    %sign3A_819 = arith.constant 0 : i32
    %sign3A_820 = vector.broadcast %sign3A_819 : i32 to vector<16xi32>
    %sign3A_821 = arith.cmpi slt, %add3A_811, %sign3A_820 : vector<16xi32>
    %sign3A_822 = arith.extui %sign3A_821 : vector<16xi1> to vector<16xi32>
    %sign3A_823 = arith.subi %sign3A_818, %sign3A_822 : vector<16xi32>
    %sign3A_824 = arith.constant 0 : i32
    %sign3A_825 = arith.cmpi sgt, %jit3A_812, %sign3A_824 : i32
    %sign3A_826 = arith.extui %sign3A_825 : i1 to i32
    %sign3A_827 = arith.constant 0 : i32
    %sign3A_828 = arith.cmpi slt, %jit3A_812, %sign3A_827 : i32
    %sign3A_829 = arith.extui %sign3A_828 : i1 to i32
    %sign3A_830 = arith.subi %sign3A_826, %sign3A_829 : i32
    %ne3A_831 = vector.broadcast %sign3A_830 : i32 to vector<16xi32>
    %ne3A_832 = arith.cmpi ne, %sign3A_823, %ne3A_831 : vector<16xi32>
    %rem3A_833 = vector.broadcast %jit3A_812 : i32 to vector<16xi32>
    %rem3A_834 = arith.remsi %add3A_811, %rem3A_833 : vector<16xi32>
    %ne3A_835 = arith.constant 0 : i32
    %ne3A_836 = vector.broadcast %ne3A_835 : i32 to vector<16xi32>
    %ne3A_837 = arith.cmpi ne, %rem3A_834, %ne3A_836 : vector<16xi32>
    %and3A_838 = arith.andi %ne3A_832, %ne3A_837 : vector<16xi1>
    %sub3A_839 = arith.constant 1 : i32
    %sub3A_840 = vector.broadcast %sub3A_839 : i32 to vector<16xi32>
    %sub3A_841 = arith.subi %div3A_814, %sub3A_840 : vector<16xi32>
    %select_n3A_842 = arith.select %and3A_838, %sub3A_841, %div3A_814 : vector<16xi1>, vector<16xi32>
    %add3A_843 = arith.constant 32 : i32
    %add3A_844 = vector.broadcast %add3A_843 : i32 to vector<16xi32>
    %add3A_845 = arith.addi %iota3A, %add3A_844 : vector<16xi32>
    %jit3A_846 = arith.constant 8 : i32
    %div3A_847 = vector.broadcast %jit3A_846 : i32 to vector<16xi32>
    %div3A_848 = arith.divsi %add3A_845, %div3A_847 : vector<16xi32>
    %sign3A_849 = arith.constant 0 : i32
    %sign3A_850 = vector.broadcast %sign3A_849 : i32 to vector<16xi32>
    %sign3A_851 = arith.cmpi sgt, %add3A_845, %sign3A_850 : vector<16xi32>
    %sign3A_852 = arith.extui %sign3A_851 : vector<16xi1> to vector<16xi32>
    %sign3A_853 = arith.constant 0 : i32
    %sign3A_854 = vector.broadcast %sign3A_853 : i32 to vector<16xi32>
    %sign3A_855 = arith.cmpi slt, %add3A_845, %sign3A_854 : vector<16xi32>
    %sign3A_856 = arith.extui %sign3A_855 : vector<16xi1> to vector<16xi32>
    %sign3A_857 = arith.subi %sign3A_852, %sign3A_856 : vector<16xi32>
    %sign3A_858 = arith.constant 0 : i32
    %sign3A_859 = arith.cmpi sgt, %jit3A_846, %sign3A_858 : i32
    %sign3A_860 = arith.extui %sign3A_859 : i1 to i32
    %sign3A_861 = arith.constant 0 : i32
    %sign3A_862 = arith.cmpi slt, %jit3A_846, %sign3A_861 : i32
    %sign3A_863 = arith.extui %sign3A_862 : i1 to i32
    %sign3A_864 = arith.subi %sign3A_860, %sign3A_863 : i32
    %ne3A_865 = vector.broadcast %sign3A_864 : i32 to vector<16xi32>
    %ne3A_866 = arith.cmpi ne, %sign3A_857, %ne3A_865 : vector<16xi32>
    %rem3A_867 = vector.broadcast %jit3A_846 : i32 to vector<16xi32>
    %rem3A_868 = arith.remsi %add3A_845, %rem3A_867 : vector<16xi32>
    %ne3A_869 = arith.constant 0 : i32
    %ne3A_870 = vector.broadcast %ne3A_869 : i32 to vector<16xi32>
    %ne3A_871 = arith.cmpi ne, %rem3A_868, %ne3A_870 : vector<16xi32>
    %and3A_872 = arith.andi %ne3A_866, %ne3A_871 : vector<16xi1>
    %sub3A_873 = arith.constant 1 : i32
    %sub3A_874 = vector.broadcast %sub3A_873 : i32 to vector<16xi32>
    %sub3A_875 = arith.subi %div3A_848, %sub3A_874 : vector<16xi32>
    %select_n3A_876 = arith.select %and3A_872, %sub3A_875, %div3A_848 : vector<16xi1>, vector<16xi32>
    %add3A_877 = arith.constant 48 : i32
    %add3A_878 = vector.broadcast %add3A_877 : i32 to vector<16xi32>
    %add3A_879 = arith.addi %iota3A, %add3A_878 : vector<16xi32>
    %jit3A_880 = arith.constant 8 : i32
    %div3A_881 = vector.broadcast %jit3A_880 : i32 to vector<16xi32>
    %div3A_882 = arith.divsi %add3A_879, %div3A_881 : vector<16xi32>
    %sign3A_883 = arith.constant 0 : i32
    %sign3A_884 = vector.broadcast %sign3A_883 : i32 to vector<16xi32>
    %sign3A_885 = arith.cmpi sgt, %add3A_879, %sign3A_884 : vector<16xi32>
    %sign3A_886 = arith.extui %sign3A_885 : vector<16xi1> to vector<16xi32>
    %sign3A_887 = arith.constant 0 : i32
    %sign3A_888 = vector.broadcast %sign3A_887 : i32 to vector<16xi32>
    %sign3A_889 = arith.cmpi slt, %add3A_879, %sign3A_888 : vector<16xi32>
    %sign3A_890 = arith.extui %sign3A_889 : vector<16xi1> to vector<16xi32>
    %sign3A_891 = arith.subi %sign3A_886, %sign3A_890 : vector<16xi32>
    %sign3A_892 = arith.constant 0 : i32
    %sign3A_893 = arith.cmpi sgt, %jit3A_880, %sign3A_892 : i32
    %sign3A_894 = arith.extui %sign3A_893 : i1 to i32
    %sign3A_895 = arith.constant 0 : i32
    %sign3A_896 = arith.cmpi slt, %jit3A_880, %sign3A_895 : i32
    %sign3A_897 = arith.extui %sign3A_896 : i1 to i32
    %sign3A_898 = arith.subi %sign3A_894, %sign3A_897 : i32
    %ne3A_899 = vector.broadcast %sign3A_898 : i32 to vector<16xi32>
    %ne3A_900 = arith.cmpi ne, %sign3A_891, %ne3A_899 : vector<16xi32>
    %rem3A_901 = vector.broadcast %jit3A_880 : i32 to vector<16xi32>
    %rem3A_902 = arith.remsi %add3A_879, %rem3A_901 : vector<16xi32>
    %ne3A_903 = arith.constant 0 : i32
    %ne3A_904 = vector.broadcast %ne3A_903 : i32 to vector<16xi32>
    %ne3A_905 = arith.cmpi ne, %rem3A_902, %ne3A_904 : vector<16xi32>
    %and3A_906 = arith.andi %ne3A_900, %ne3A_905 : vector<16xi1>
    %sub3A_907 = arith.constant 1 : i32
    %sub3A_908 = vector.broadcast %sub3A_907 : i32 to vector<16xi32>
    %sub3A_909 = arith.subi %div3A_882, %sub3A_908 : vector<16xi32>
    %select_n3A_910 = arith.select %and3A_906, %sub3A_909, %div3A_882 : vector<16xi1>, vector<16xi32>
    %add3A_911 = arith.constant 0 : i32
    %add3A_912 = vector.broadcast %add3A_911 : i32 to vector<16xi32>
    %add3A_913 = arith.addi %iota3A, %add3A_912 : vector<16xi32>
    %jit3A_914 = arith.constant 8 : i32
    %eq3A = arith.constant 0 : i32
    %eq3A_915 = arith.cmpi eq, %jit3A_914, %eq3A : i32
    %jit3A_916 = arith.constant 1 : i32
    %select_n3A_917 = arith.select %eq3A_915, %jit3A_916, %jit3A_914 : i32
    %rem3A_918 = vector.broadcast %select_n3A_917 : i32 to vector<16xi32>
    %rem3A_919 = arith.remsi %add3A_913, %rem3A_918 : vector<16xi32>
    %ne3A_920 = arith.constant 0 : i32
    %ne3A_921 = vector.broadcast %ne3A_920 : i32 to vector<16xi32>
    %ne3A_922 = arith.cmpi ne, %rem3A_919, %ne3A_921 : vector<16xi32>
    %lt3A = arith.constant 0 : i32
    %lt3A_923 = vector.broadcast %lt3A : i32 to vector<16xi32>
    %lt3A_924 = arith.cmpi slt, %rem3A_919, %lt3A_923 : vector<16xi32>
    %lt3A_925 = arith.constant 0 : i32
    %lt3A_926 = arith.cmpi slt, %select_n3A_917, %lt3A_925 : i32
    %ne3A_927 = vector.broadcast %lt3A_926 : i1 to vector<16xi1>
    %ne3A_928 = vector.broadcast %ne3A_927 : vector<16xi1> to vector<16xi1>
    %ne3A_929 = arith.xori %lt3A_924, %ne3A_928 : vector<16xi1>
    %and3A_930 = arith.andi %ne3A_929, %ne3A_922 : vector<16xi1>
    %add3A_931 = vector.broadcast %select_n3A_917 : i32 to vector<16xi32>
    %add3A_932 = arith.addi %rem3A_919, %add3A_931 : vector<16xi32>
    %select_n3A_933 = arith.select %and3A_930, %add3A_932, %rem3A_919 : vector<16xi1>, vector<16xi32>
    %mul3A_934 = arith.constant 128 : i32
    %mul3A_935 = vector.broadcast %mul3A_934 : i32 to vector<16xi32>
    %mul3A_936 = arith.muli %select_n3A_933, %mul3A_935 : vector<16xi32>
    %add3A_937 = arith.constant 16 : i32
    %add3A_938 = vector.broadcast %add3A_937 : i32 to vector<16xi32>
    %add3A_939 = arith.addi %iota3A, %add3A_938 : vector<16xi32>
    %jit3A_940 = arith.constant 8 : i32
    %eq3A_941 = arith.constant 0 : i32
    %eq3A_942 = arith.cmpi eq, %jit3A_940, %eq3A_941 : i32
    %jit3A_943 = arith.constant 1 : i32
    %select_n3A_944 = arith.select %eq3A_942, %jit3A_943, %jit3A_940 : i32
    %rem3A_945 = vector.broadcast %select_n3A_944 : i32 to vector<16xi32>
    %rem3A_946 = arith.remsi %add3A_939, %rem3A_945 : vector<16xi32>
    %ne3A_947 = arith.constant 0 : i32
    %ne3A_948 = vector.broadcast %ne3A_947 : i32 to vector<16xi32>
    %ne3A_949 = arith.cmpi ne, %rem3A_946, %ne3A_948 : vector<16xi32>
    %lt3A_950 = arith.constant 0 : i32
    %lt3A_951 = vector.broadcast %lt3A_950 : i32 to vector<16xi32>
    %lt3A_952 = arith.cmpi slt, %rem3A_946, %lt3A_951 : vector<16xi32>
    %lt3A_953 = arith.constant 0 : i32
    %lt3A_954 = arith.cmpi slt, %select_n3A_944, %lt3A_953 : i32
    %ne3A_955 = vector.broadcast %lt3A_954 : i1 to vector<16xi1>
    %ne3A_956 = vector.broadcast %ne3A_955 : vector<16xi1> to vector<16xi1>
    %ne3A_957 = arith.xori %lt3A_952, %ne3A_956 : vector<16xi1>
    %and3A_958 = arith.andi %ne3A_957, %ne3A_949 : vector<16xi1>
    %add3A_959 = vector.broadcast %select_n3A_944 : i32 to vector<16xi32>
    %add3A_960 = arith.addi %rem3A_946, %add3A_959 : vector<16xi32>
    %select_n3A_961 = arith.select %and3A_958, %add3A_960, %rem3A_946 : vector<16xi1>, vector<16xi32>
    %mul3A_962 = arith.constant 128 : i32
    %mul3A_963 = vector.broadcast %mul3A_962 : i32 to vector<16xi32>
    %mul3A_964 = arith.muli %select_n3A_961, %mul3A_963 : vector<16xi32>
    %add3A_965 = arith.constant 32 : i32
    %add3A_966 = vector.broadcast %add3A_965 : i32 to vector<16xi32>
    %add3A_967 = arith.addi %iota3A, %add3A_966 : vector<16xi32>
    %jit3A_968 = arith.constant 8 : i32
    %eq3A_969 = arith.constant 0 : i32
    %eq3A_970 = arith.cmpi eq, %jit3A_968, %eq3A_969 : i32
    %jit3A_971 = arith.constant 1 : i32
    %select_n3A_972 = arith.select %eq3A_970, %jit3A_971, %jit3A_968 : i32
    %rem3A_973 = vector.broadcast %select_n3A_972 : i32 to vector<16xi32>
    %rem3A_974 = arith.remsi %add3A_967, %rem3A_973 : vector<16xi32>
    %ne3A_975 = arith.constant 0 : i32
    %ne3A_976 = vector.broadcast %ne3A_975 : i32 to vector<16xi32>
    %ne3A_977 = arith.cmpi ne, %rem3A_974, %ne3A_976 : vector<16xi32>
    %lt3A_978 = arith.constant 0 : i32
    %lt3A_979 = vector.broadcast %lt3A_978 : i32 to vector<16xi32>
    %lt3A_980 = arith.cmpi slt, %rem3A_974, %lt3A_979 : vector<16xi32>
    %lt3A_981 = arith.constant 0 : i32
    %lt3A_982 = arith.cmpi slt, %select_n3A_972, %lt3A_981 : i32
    %ne3A_983 = vector.broadcast %lt3A_982 : i1 to vector<16xi1>
    %ne3A_984 = vector.broadcast %ne3A_983 : vector<16xi1> to vector<16xi1>
    %ne3A_985 = arith.xori %lt3A_980, %ne3A_984 : vector<16xi1>
    %and3A_986 = arith.andi %ne3A_985, %ne3A_977 : vector<16xi1>
    %add3A_987 = vector.broadcast %select_n3A_972 : i32 to vector<16xi32>
    %add3A_988 = arith.addi %rem3A_974, %add3A_987 : vector<16xi32>
    %select_n3A_989 = arith.select %and3A_986, %add3A_988, %rem3A_974 : vector<16xi1>, vector<16xi32>
    %mul3A_990 = arith.constant 128 : i32
    %mul3A_991 = vector.broadcast %mul3A_990 : i32 to vector<16xi32>
    %mul3A_992 = arith.muli %select_n3A_989, %mul3A_991 : vector<16xi32>
    %add3A_993 = arith.constant 48 : i32
    %add3A_994 = vector.broadcast %add3A_993 : i32 to vector<16xi32>
    %add3A_995 = arith.addi %iota3A, %add3A_994 : vector<16xi32>
    %jit3A_996 = arith.constant 8 : i32
    %eq3A_997 = arith.constant 0 : i32
    %eq3A_998 = arith.cmpi eq, %jit3A_996, %eq3A_997 : i32
    %jit3A_999 = arith.constant 1 : i32
    %select_n3A_1000 = arith.select %eq3A_998, %jit3A_999, %jit3A_996 : i32
    %rem3A_1001 = vector.broadcast %select_n3A_1000 : i32 to vector<16xi32>
    %rem3A_1002 = arith.remsi %add3A_995, %rem3A_1001 : vector<16xi32>
    %ne3A_1003 = arith.constant 0 : i32
    %ne3A_1004 = vector.broadcast %ne3A_1003 : i32 to vector<16xi32>
    %ne3A_1005 = arith.cmpi ne, %rem3A_1002, %ne3A_1004 : vector<16xi32>
    %lt3A_1006 = arith.constant 0 : i32
    %lt3A_1007 = vector.broadcast %lt3A_1006 : i32 to vector<16xi32>
    %lt3A_1008 = arith.cmpi slt, %rem3A_1002, %lt3A_1007 : vector<16xi32>
    %lt3A_1009 = arith.constant 0 : i32
    %lt3A_1010 = arith.cmpi slt, %select_n3A_1000, %lt3A_1009 : i32
    %ne3A_1011 = vector.broadcast %lt3A_1010 : i1 to vector<16xi1>
    %ne3A_1012 = vector.broadcast %ne3A_1011 : vector<16xi1> to vector<16xi1>
    %ne3A_1013 = arith.xori %lt3A_1008, %ne3A_1012 : vector<16xi1>
    %and3A_1014 = arith.andi %ne3A_1013, %ne3A_1005 : vector<16xi1>
    %add3A_1015 = vector.broadcast %select_n3A_1000 : i32 to vector<16xi32>
    %add3A_1016 = arith.addi %rem3A_1002, %add3A_1015 : vector<16xi32>
    %select_n3A_1017 = arith.select %and3A_1014, %add3A_1016, %rem3A_1002 : vector<16xi1>, vector<16xi32>
    %mul3A_1018 = arith.constant 128 : i32
    %mul3A_1019 = vector.broadcast %mul3A_1018 : i32 to vector<16xi32>
    %mul3A_1020 = arith.muli %select_n3A_1017, %mul3A_1019 : vector<16xi32>
    %dma_start3A_1021 = arith.constant 0 : i32
    %dma_start3A_1022 = arith.constant 0 : i32
    %dma_start3A_1023 = tpu.memref_slice %arg14[%dma_start3A_1021, %dma_start3A_1022] : memref<8x64xi32, #tpu.memory_space<vmem>> -> memref<1x64xi32, #tpu.memory_space<vmem>>
    %dma_start3A_1024 = tpu.memref_squeeze %dma_start3A_1023 : memref<1x64xi32, #tpu.memory_space<vmem>> -> memref<64xi32, #tpu.memory_space<vmem>>
    %dma_start3A_1025 = arith.constant 0 : i32
    %dma_start3A_1026 = arith.constant 0 : i32
    %dma_start3A_1027 = tpu.memref_slice %arg6[%dma_start3A_1025, %dma_start3A_1026] : memref<100000x64xf32, #tpu.memory_space<hbm>> -> memref<100000x64xf32, #tpu.memory_space<hbm>>
    tpu.enqueue_indirect_dma source(%dma_start3A_1027 : memref<100000x64xf32, #tpu.memory_space<hbm>>) target(%arg18 : memref<64x64xf32, #tpu.memory_space<vmem>>) offsets(%dma_start3A_1024 : memref<64xi32, #tpu.memory_space<vmem>>) semaphore(%arg31 : memref<!tpu.dma_semaphore, #tpu.memory_space<semaphore_mem>>)
    %dma_start3A_1028 = arith.constant 0 : i32
    %dma_start3A_1029 = arith.constant 0 : i32
    %dma_start3A_1030 = tpu.memref_slice %arg15[%dma_start3A_1028, %dma_start3A_1029] : memref<8x64xi32, #tpu.memory_space<vmem>> -> memref<1x64xi32, #tpu.memory_space<vmem>>
    %dma_start3A_1031 = tpu.memref_squeeze %dma_start3A_1030 : memref<1x64xi32, #tpu.memory_space<vmem>> -> memref<64xi32, #tpu.memory_space<vmem>>
    %dma_start3A_1032 = arith.constant 0 : i32
    %dma_start3A_1033 = arith.constant 0 : i32
    %dma_start3A_1034 = tpu.memref_slice %arg7[%dma_start3A_1032, %dma_start3A_1033] : memref<1000x64xf32, #tpu.memory_space<hbm>> -> memref<1000x64xf32, #tpu.memory_space<hbm>>
    tpu.enqueue_indirect_dma source(%dma_start3A_1034 : memref<1000x64xf32, #tpu.memory_space<hbm>>) target(%arg19 : memref<64x64xf32, #tpu.memory_space<vmem>>) offsets(%dma_start3A_1031 : memref<64xi32, #tpu.memory_space<vmem>>) semaphore(%arg31 : memref<!tpu.dma_semaphore, #tpu.memory_space<semaphore_mem>>)
    %dma_start3A_1035 = arith.constant 0 : i32
    %dma_start3A_1036 = arith.constant 0 : i32
    %dma_start3A_1037 = tpu.memref_slice %arg16[%dma_start3A_1035, %dma_start3A_1036] : memref<8x64xi32, #tpu.memory_space<vmem>> -> memref<1x64xi32, #tpu.memory_space<vmem>>
    %dma_start3A_1038 = tpu.memref_squeeze %dma_start3A_1037 : memref<1x64xi32, #tpu.memory_space<vmem>> -> memref<64xi32, #tpu.memory_space<vmem>>
    %dma_start3A_1039 = arith.constant 0 : i32
    %dma_start3A_1040 = arith.constant 0 : i32
    %dma_start3A_1041 = tpu.memref_slice %arg6[%dma_start3A_1039, %dma_start3A_1040] : memref<100000x64xf32, #tpu.memory_space<hbm>> -> memref<100000x64xf32, #tpu.memory_space<hbm>>
    tpu.enqueue_indirect_dma source(%dma_start3A_1041 : memref<100000x64xf32, #tpu.memory_space<hbm>>) target(%arg20 : memref<64x64xf32, #tpu.memory_space<vmem>>) offsets(%dma_start3A_1038 : memref<64xi32, #tpu.memory_space<vmem>>) semaphore(%arg31 : memref<!tpu.dma_semaphore, #tpu.memory_space<semaphore_mem>>)
    %dma_start3A_1042 = arith.constant 0 : i32
    %dma_start3A_1043 = arith.constant 0 : i32
    %dma_start3A_1044 = tpu.memref_slice %arg17[%dma_start3A_1042, %dma_start3A_1043] : memref<8x64xi32, #tpu.memory_space<vmem>> -> memref<1x64xi32, #tpu.memory_space<vmem>>
    %dma_start3A_1045 = tpu.memref_squeeze %dma_start3A_1044 : memref<1x64xi32, #tpu.memory_space<vmem>> -> memref<64xi32, #tpu.memory_space<vmem>>
    %dma_start3A_1046 = arith.constant 0 : i32
    %dma_start3A_1047 = arith.constant 0 : i32
    %dma_start3A_1048 = tpu.memref_slice %arg6[%dma_start3A_1046, %dma_start3A_1047] : memref<100000x64xf32, #tpu.memory_space<hbm>> -> memref<100000x64xf32, #tpu.memory_space<hbm>>
    tpu.enqueue_indirect_dma source(%dma_start3A_1048 : memref<100000x64xf32, #tpu.memory_space<hbm>>) target(%arg21 : memref<64x64xf32, #tpu.memory_space<vmem>>) offsets(%dma_start3A_1045 : memref<64xi32, #tpu.memory_space<vmem>>) semaphore(%arg31 : memref<!tpu.dma_semaphore, #tpu.memory_space<semaphore_mem>>)
    %dma_start3A_1049 = arith.constant 1 : i32
    %dma_start3A_1050 = arith.constant 0 : i32
    %dma_start3A_1051 = tpu.memref_slice %arg14[%dma_start3A_1049, %dma_start3A_1050] : memref<8x64xi32, #tpu.memory_space<vmem>> -> memref<1x64xi32, #tpu.memory_space<vmem>>
    %dma_start3A_1052 = tpu.memref_squeeze %dma_start3A_1051 : memref<1x64xi32, #tpu.memory_space<vmem>> -> memref<64xi32, #tpu.memory_space<vmem>>
    %dma_start3A_1053 = arith.constant 0 : i32
    %dma_start3A_1054 = arith.constant 0 : i32
    %dma_start3A_1055 = tpu.memref_slice %arg6[%dma_start3A_1053, %dma_start3A_1054] : memref<100000x64xf32, #tpu.memory_space<hbm>> -> memref<100000x64xf32, #tpu.memory_space<hbm>>
    tpu.enqueue_indirect_dma source(%dma_start3A_1055 : memref<100000x64xf32, #tpu.memory_space<hbm>>) target(%arg22 : memref<64x64xf32, #tpu.memory_space<vmem>>) offsets(%dma_start3A_1052 : memref<64xi32, #tpu.memory_space<vmem>>) semaphore(%arg32 : memref<!tpu.dma_semaphore, #tpu.memory_space<semaphore_mem>>)
    %dma_start3A_1056 = arith.constant 1 : i32
    %dma_start3A_1057 = arith.constant 0 : i32
    %dma_start3A_1058 = tpu.memref_slice %arg15[%dma_start3A_1056, %dma_start3A_1057] : memref<8x64xi32, #tpu.memory_space<vmem>> -> memref<1x64xi32, #tpu.memory_space<vmem>>
    %dma_start3A_1059 = tpu.memref_squeeze %dma_start3A_1058 : memref<1x64xi32, #tpu.memory_space<vmem>> -> memref<64xi32, #tpu.memory_space<vmem>>
    %dma_start3A_1060 = arith.constant 0 : i32
    %dma_start3A_1061 = arith.constant 0 : i32
    %dma_start3A_1062 = tpu.memref_slice %arg7[%dma_start3A_1060, %dma_start3A_1061] : memref<1000x64xf32, #tpu.memory_space<hbm>> -> memref<1000x64xf32, #tpu.memory_space<hbm>>
    tpu.enqueue_indirect_dma source(%dma_start3A_1062 : memref<1000x64xf32, #tpu.memory_space<hbm>>) target(%arg23 : memref<64x64xf32, #tpu.memory_space<vmem>>) offsets(%dma_start3A_1059 : memref<64xi32, #tpu.memory_space<vmem>>) semaphore(%arg32 : memref<!tpu.dma_semaphore, #tpu.memory_space<semaphore_mem>>)
    %dma_start3A_1063 = arith.constant 1 : i32
    %dma_start3A_1064 = arith.constant 0 : i32
    %dma_start3A_1065 = tpu.memref_slice %arg16[%dma_start3A_1063, %dma_start3A_1064] : memref<8x64xi32, #tpu.memory_space<vmem>> -> memref<1x64xi32, #tpu.memory_space<vmem>>
    %dma_start3A_1066 = tpu.memref_squeeze %dma_start3A_1065 : memref<1x64xi32, #tpu.memory_space<vmem>> -> memref<64xi32, #tpu.memory_space<vmem>>
    %dma_start3A_1067 = arith.constant 0 : i32
    %dma_start3A_1068 = arith.constant 0 : i32
    %dma_start3A_1069 = tpu.memref_slice %arg6[%dma_start3A_1067, %dma_start3A_1068] : memref<100000x64xf32, #tpu.memory_space<hbm>> -> memref<100000x64xf32, #tpu.memory_space<hbm>>
    tpu.enqueue_indirect_dma source(%dma_start3A_1069 : memref<100000x64xf32, #tpu.memory_space<hbm>>) target(%arg24 : memref<64x64xf32, #tpu.memory_space<vmem>>) offsets(%dma_start3A_1066 : memref<64xi32, #tpu.memory_space<vmem>>) semaphore(%arg32 : memref<!tpu.dma_semaphore, #tpu.memory_space<semaphore_mem>>)
    %dma_start3A_1070 = arith.constant 1 : i32
    %dma_start3A_1071 = arith.constant 0 : i32
    %dma_start3A_1072 = tpu.memref_slice %arg17[%dma_start3A_1070, %dma_start3A_1071] : memref<8x64xi32, #tpu.memory_space<vmem>> -> memref<1x64xi32, #tpu.memory_space<vmem>>
    %dma_start3A_1073 = tpu.memref_squeeze %dma_start3A_1072 : memref<1x64xi32, #tpu.memory_space<vmem>> -> memref<64xi32, #tpu.memory_space<vmem>>
    %dma_start3A_1074 = arith.constant 0 : i32
    %dma_start3A_1075 = arith.constant 0 : i32
    %dma_start3A_1076 = tpu.memref_slice %arg6[%dma_start3A_1074, %dma_start3A_1075] : memref<100000x64xf32, #tpu.memory_space<hbm>> -> memref<100000x64xf32, #tpu.memory_space<hbm>>
    tpu.enqueue_indirect_dma source(%dma_start3A_1076 : memref<100000x64xf32, #tpu.memory_space<hbm>>) target(%arg25 : memref<64x64xf32, #tpu.memory_space<vmem>>) offsets(%dma_start3A_1073 : memref<64xi32, #tpu.memory_space<vmem>>) semaphore(%arg32 : memref<!tpu.dma_semaphore, #tpu.memory_space<semaphore_mem>>)
    %dma_wait3A_1077 = arith.constant 0 : i32
    %dma_wait3A_1078 = arith.constant 0 : i32
    %dma_wait3A_1079 = tpu.memref_slice %arg14[%dma_wait3A_1077, %dma_wait3A_1078] : memref<8x64xi32, #tpu.memory_space<vmem>> -> memref<1x64xi32, #tpu.memory_space<vmem>>
    %dma_wait3A_1080 = tpu.memref_squeeze %dma_wait3A_1079 : memref<1x64xi32, #tpu.memory_space<vmem>> -> memref<64xi32, #tpu.memory_space<vmem>>
    %dma_wait3A_1081 = arith.constant 0 : i32
    %dma_wait3A_1082 = arith.constant 0 : i32
    %dma_wait3A_1083 = tpu.memref_slice %arg6[%dma_wait3A_1081, %dma_wait3A_1082] : memref<100000x64xf32, #tpu.memory_space<hbm>> -> memref<100000x64xf32, #tpu.memory_space<hbm>>
    tpu.wait_indirect_dma semaphore(%arg31 : memref<!tpu.dma_semaphore, #tpu.memory_space<semaphore_mem>>) src(%dma_wait3A_1083 : memref<100000x64xf32, #tpu.memory_space<hbm>>) dst(%arg18 : memref<64x64xf32, #tpu.memory_space<vmem>>)
    %dma_wait3A_1084 = arith.constant 0 : i32
    %dma_wait3A_1085 = arith.constant 0 : i32
    %dma_wait3A_1086 = tpu.memref_slice %arg15[%dma_wait3A_1084, %dma_wait3A_1085] : memref<8x64xi32, #tpu.memory_space<vmem>> -> memref<1x64xi32, #tpu.memory_space<vmem>>
    %dma_wait3A_1087 = tpu.memref_squeeze %dma_wait3A_1086 : memref<1x64xi32, #tpu.memory_space<vmem>> -> memref<64xi32, #tpu.memory_space<vmem>>
    %dma_wait3A_1088 = arith.constant 0 : i32
    %dma_wait3A_1089 = arith.constant 0 : i32
    %dma_wait3A_1090 = tpu.memref_slice %arg7[%dma_wait3A_1088, %dma_wait3A_1089] : memref<1000x64xf32, #tpu.memory_space<hbm>> -> memref<1000x64xf32, #tpu.memory_space<hbm>>
    tpu.wait_indirect_dma semaphore(%arg31 : memref<!tpu.dma_semaphore, #tpu.memory_space<semaphore_mem>>) src(%dma_wait3A_1090 : memref<1000x64xf32, #tpu.memory_space<hbm>>) dst(%arg19 : memref<64x64xf32, #tpu.memory_space<vmem>>)
    %dma_wait3A_1091 = arith.constant 0 : i32
    %dma_wait3A_1092 = arith.constant 0 : i32
    %dma_wait3A_1093 = tpu.memref_slice %arg16[%dma_wait3A_1091, %dma_wait3A_1092] : memref<8x64xi32, #tpu.memory_space<vmem>> -> memref<1x64xi32, #tpu.memory_space<vmem>>
    %dma_wait3A_1094 = tpu.memref_squeeze %dma_wait3A_1093 : memref<1x64xi32, #tpu.memory_space<vmem>> -> memref<64xi32, #tpu.memory_space<vmem>>
    %dma_wait3A_1095 = arith.constant 0 : i32
    %dma_wait3A_1096 = arith.constant 0 : i32
    %dma_wait3A_1097 = tpu.memref_slice %arg6[%dma_wait3A_1095, %dma_wait3A_1096] : memref<100000x64xf32, #tpu.memory_space<hbm>> -> memref<100000x64xf32, #tpu.memory_space<hbm>>
    tpu.wait_indirect_dma semaphore(%arg31 : memref<!tpu.dma_semaphore, #tpu.memory_space<semaphore_mem>>) src(%dma_wait3A_1097 : memref<100000x64xf32, #tpu.memory_space<hbm>>) dst(%arg20 : memref<64x64xf32, #tpu.memory_space<vmem>>)
    %dma_wait3A_1098 = arith.constant 0 : i32
    %dma_wait3A_1099 = arith.constant 0 : i32
    %dma_wait3A_1100 = tpu.memref_slice %arg17[%dma_wait3A_1098, %dma_wait3A_1099] : memref<8x64xi32, #tpu.memory_space<vmem>> -> memref<1x64xi32, #tpu.memory_space<vmem>>
    %dma_wait3A_1101 = tpu.memref_squeeze %dma_wait3A_1100 : memref<1x64xi32, #tpu.memory_space<vmem>> -> memref<64xi32, #tpu.memory_space<vmem>>
    %dma_wait3A_1102 = arith.constant 0 : i32
    %dma_wait3A_1103 = arith.constant 0 : i32
    %dma_wait3A_1104 = tpu.memref_slice %arg6[%dma_wait3A_1102, %dma_wait3A_1103] : memref<100000x64xf32, #tpu.memory_space<hbm>> -> memref<100000x64xf32, #tpu.memory_space<hbm>>
    tpu.wait_indirect_dma semaphore(%arg31 : memref<!tpu.dma_semaphore, #tpu.memory_space<semaphore_mem>>) src(%dma_wait3A_1104 : memref<100000x64xf32, #tpu.memory_space<hbm>>) dst(%arg21 : memref<64x64xf32, #tpu.memory_space<vmem>>)
    %parallel_loop3A = arith.constant 0 : i32
    %parallel_loop3A_1105 = arith.constant 64 : i32
    %parallel_loop3A_1106 = arith.constant 1 : i32
    scf.for %parallel_loop3A_1724 = %parallel_loop3A to %parallel_loop3A_1105 step %parallel_loop3A_1106  : i32 {
      %parallel_loop3A_1725 = arith.constant 0 : i32
      %parallel_loop3A_1726 = arith.addi %parallel_loop3A_1724, %parallel_loop3A_1725 : i32
      %parallel_loop3A_1727 = arith.constant 0 : i32
      %parallel_loop3A_1728 = vector.broadcast %parallel_loop3A_1727 : i32 to vector<16xi32>
      %parallel_loop3A_1729 = vector.broadcast %parallel_loop3A_1726 : i32 to vector<16xi32>
      %parallel_loop3A_1730 = arith.addi %parallel_loop3A_1729, %parallel_loop3A_1728 : vector<16xi32>
      %parallel_loop3A_1731 = arith.index_cast %parallel_loop3A_1724 : i32 to index
      %parallel_loop3A_1732 = arith.constant 0 : index
      %parallel_loop3A_1733 = tpu.vector_load %arg18[%parallel_loop3A_1731, %parallel_loop3A_1732] {strides = array<i32>} : memref<64x64xf32, #tpu.memory_space<vmem>>, vector<16xf32>,
      %parallel_loop3A_1734 = arith.index_cast %parallel_loop3A_1724 : i32 to index
      %parallel_loop3A_1735 = arith.constant 0 : index
      %parallel_loop3A_1736 = tpu.vector_load %arg19[%parallel_loop3A_1734, %parallel_loop3A_1735] {strides = array<i32>} : memref<64x64xf32, #tpu.memory_space<vmem>>, vector<16xf32>,
      %parallel_loop3A_1737 = arith.addf %parallel_loop3A_1733, %parallel_loop3A_1736 : vector<16xf32>
      %parallel_loop3A_1738 = arith.addi %mul3A_936, %parallel_loop3A_1730 : vector<16xi32>
      %parallel_loop3A_1739 = arith.index_cast %parallel_loop3A_1724 : i32 to index
      %parallel_loop3A_1740 = arith.constant 0 : index
      %parallel_loop3A_1741 = tpu.vector_load %arg20[%parallel_loop3A_1739, %parallel_loop3A_1740] {strides = array<i32>} : memref<64x64xf32, #tpu.memory_space<vmem>>, vector<16xf32>,
      %parallel_loop3A_1742 = arith.subf %parallel_loop3A_1737, %parallel_loop3A_1741 : vector<16xf32>
      tpu.vector_store_idx %arg26[%select_n3A, %parallel_loop3A_1738], %parallel_loop3A_1742 : memref<8x1024xf32, #tpu.memory_space<vmem>>[vector<16xi32>, vector<16xi32>], vector<16xf32>,
      %parallel_loop3A_1743 = arith.index_cast %parallel_loop3A_1724 : i32 to index
      %parallel_loop3A_1744 = arith.constant 0 : index
      %parallel_loop3A_1745 = tpu.vector_load %arg21[%parallel_loop3A_1743, %parallel_loop3A_1744] {strides = array<i32>} : memref<64x64xf32, #tpu.memory_space<vmem>>, vector<16xf32>,
      %parallel_loop3A_1746 = arith.subf %parallel_loop3A_1737, %parallel_loop3A_1745 : vector<16xf32>
      tpu.vector_store_idx %arg27[%select_n3A, %parallel_loop3A_1738], %parallel_loop3A_1746 : memref<8x1024xf32, #tpu.memory_space<vmem>>[vector<16xi32>, vector<16xi32>], vector<16xf32>,
      %parallel_loop3A_1747 = arith.index_cast %parallel_loop3A_1724 : i32 to index
      %parallel_loop3A_1748 = arith.constant 16 : index
      %parallel_loop3A_1749 = tpu.vector_load %arg18[%parallel_loop3A_1747, %parallel_loop3A_1748] {strides = array<i32>} : memref<64x64xf32, #tpu.memory_space<vmem>>, vector<16xf32>,
      %parallel_loop3A_1750 = arith.index_cast %parallel_loop3A_1724 : i32 to index
      %parallel_loop3A_1751 = arith.constant 16 : index
      %parallel_loop3A_1752 = tpu.vector_load %arg19[%parallel_loop3A_1750, %parallel_loop3A_1751] {strides = array<i32>} : memref<64x64xf32, #tpu.memory_space<vmem>>, vector<16xf32>,
      %parallel_loop3A_1753 = arith.addf %parallel_loop3A_1749, %parallel_loop3A_1752 : vector<16xf32>
      %parallel_loop3A_1754 = arith.addi %mul3A_964, %parallel_loop3A_1730 : vector<16xi32>
      %parallel_loop3A_1755 = arith.index_cast %parallel_loop3A_1724 : i32 to index
      %parallel_loop3A_1756 = arith.constant 16 : index
      %parallel_loop3A_1757 = tpu.vector_load %arg20[%parallel_loop3A_1755, %parallel_loop3A_1756] {strides = array<i32>} : memref<64x64xf32, #tpu.memory_space<vmem>>, vector<16xf32>,
      %parallel_loop3A_1758 = arith.subf %parallel_loop3A_1753, %parallel_loop3A_1757 : vector<16xf32>
      tpu.vector_store_idx %arg26[%select_n3A_842, %parallel_loop3A_1754], %parallel_loop3A_1758 : memref<8x1024xf32, #tpu.memory_space<vmem>>[vector<16xi32>, vector<16xi32>], vector<16xf32>,
      %parallel_loop3A_1759 = arith.index_cast %parallel_loop3A_1724 : i32 to index
      %parallel_loop3A_1760 = arith.constant 16 : index
      %parallel_loop3A_1761 = tpu.vector_load %arg21[%parallel_loop3A_1759, %parallel_loop3A_1760] {strides = array<i32>} : memref<64x64xf32, #tpu.memory_space<vmem>>, vector<16xf32>,
      %parallel_loop3A_1762 = arith.subf %parallel_loop3A_1753, %parallel_loop3A_1761 : vector<16xf32>
      tpu.vector_store_idx %arg27[%select_n3A_842, %parallel_loop3A_1754], %parallel_loop3A_1762 : memref<8x1024xf32, #tpu.memory_space<vmem>>[vector<16xi32>, vector<16xi32>], vector<16xf32>,
      %parallel_loop3A_1763 = arith.index_cast %parallel_loop3A_1724 : i32 to index
      %parallel_loop3A_1764 = arith.constant 32 : index
      %parallel_loop3A_1765 = tpu.vector_load %arg18[%parallel_loop3A_1763, %parallel_loop3A_1764] {strides = array<i32>} : memref<64x64xf32, #tpu.memory_space<vmem>>, vector<16xf32>,
      %parallel_loop3A_1766 = arith.index_cast %parallel_loop3A_1724 : i32 to index
      %parallel_loop3A_1767 = arith.constant 32 : index
      %parallel_loop3A_1768 = tpu.vector_load %arg19[%parallel_loop3A_1766, %parallel_loop3A_1767] {strides = array<i32>} : memref<64x64xf32, #tpu.memory_space<vmem>>, vector<16xf32>,
      %parallel_loop3A_1769 = arith.addf %parallel_loop3A_1765, %parallel_loop3A_1768 : vector<16xf32>
      %parallel_loop3A_1770 = arith.addi %mul3A_992, %parallel_loop3A_1730 : vector<16xi32>
      %parallel_loop3A_1771 = arith.index_cast %parallel_loop3A_1724 : i32 to index
      %parallel_loop3A_1772 = arith.constant 32 : index
      %parallel_loop3A_1773 = tpu.vector_load %arg20[%parallel_loop3A_1771, %parallel_loop3A_1772] {strides = array<i32>} : memref<64x64xf32, #tpu.memory_space<vmem>>, vector<16xf32>,
      %parallel_loop3A_1774 = arith.subf %parallel_loop3A_1769, %parallel_loop3A_1773 : vector<16xf32>
      tpu.vector_store_idx %arg26[%select_n3A_876, %parallel_loop3A_1770], %parallel_loop3A_1774 : memref<8x1024xf32, #tpu.memory_space<vmem>>[vector<16xi32>, vector<16xi32>], vector<16xf32>,
      %parallel_loop3A_1775 = arith.index_cast %parallel_loop3A_1724 : i32 to index
      %parallel_loop3A_1776 = arith.constant 32 : index
      %parallel_loop3A_1777 = tpu.vector_load %arg21[%parallel_loop3A_1775, %parallel_loop3A_1776] {strides = array<i32>} : memref<64x64xf32, #tpu.memory_space<vmem>>, vector<16xf32>,
      %parallel_loop3A_1778 = arith.subf %parallel_loop3A_1769, %parallel_loop3A_1777 : vector<16xf32>
      tpu.vector_store_idx %arg27[%select_n3A_876, %parallel_loop3A_1770], %parallel_loop3A_1778 : memref<8x1024xf32, #tpu.memory_space<vmem>>[vector<16xi32>, vector<16xi32>], vector<16xf32>,
      %parallel_loop3A_1779 = arith.index_cast %parallel_loop3A_1724 : i32 to index
      %parallel_loop3A_1780 = arith.constant 48 : index
      %parallel_loop3A_1781 = tpu.vector_load %arg18[%parallel_loop3A_1779, %parallel_loop3A_1780] {strides = array<i32>} : memref<64x64xf32, #tpu.memory_space<vmem>>, vector<16xf32>,
      %parallel_loop3A_1782 = arith.index_cast %parallel_loop3A_1724 : i32 to index
      %parallel_loop3A_1783 = arith.constant 48 : index
      %parallel_loop3A_1784 = tpu.vector_load %arg19[%parallel_loop3A_1782, %parallel_loop3A_1783] {strides = array<i32>} : memref<64x64xf32, #tpu.memory_space<vmem>>, vector<16xf32>,
      %parallel_loop3A_1785 = arith.addf %parallel_loop3A_1781, %parallel_loop3A_1784 : vector<16xf32>
      %parallel_loop3A_1786 = arith.addi %mul3A_1020, %parallel_loop3A_1730 : vector<16xi32>
      %parallel_loop3A_1787 = arith.index_cast %parallel_loop3A_1724 : i32 to index
      %parallel_loop3A_1788 = arith.constant 48 : index
      %parallel_loop3A_1789 = tpu.vector_load %arg20[%parallel_loop3A_1787, %parallel_loop3A_1788] {strides = array<i32>} : memref<64x64xf32, #tpu.memory_space<vmem>>, vector<16xf32>,
      %parallel_loop3A_1790 = arith.subf %parallel_loop3A_1785, %parallel_loop3A_1789 : vector<16xf32>
      tpu.vector_store_idx %arg26[%select_n3A_910, %parallel_loop3A_1786], %parallel_loop3A_1790 : memref<8x1024xf32, #tpu.memory_space<vmem>>[vector<16xi32>, vector<16xi32>], vector<16xf32>,
      %parallel_loop3A_1791 = arith.index_cast %parallel_loop3A_1724 : i32 to index
      %parallel_loop3A_1792 = arith.constant 48 : index
      %parallel_loop3A_1793 = tpu.vector_load %arg21[%parallel_loop3A_1791, %parallel_loop3A_1792] {strides = array<i32>} : memref<64x64xf32, #tpu.memory_space<vmem>>, vector<16xf32>,
      %parallel_loop3A_1794 = arith.subf %parallel_loop3A_1785, %parallel_loop3A_1793 : vector<16xf32>
      tpu.vector_store_idx %arg27[%select_n3A_910, %parallel_loop3A_1786], %parallel_loop3A_1794 : memref<8x1024xf32, #tpu.memory_space<vmem>>[vector<16xi32>, vector<16xi32>], vector<16xf32>,
    } {sc.loop_unroll_factor = 1 : i64, sc.parallel_access}
    %dma_start3A_1107 = arith.constant 2 : i32
    %dma_start3A_1108 = arith.constant 0 : i32
    %dma_start3A_1109 = tpu.memref_slice %arg14[%dma_start3A_1107, %dma_start3A_1108] : memref<8x64xi32, #tpu.memory_space<vmem>> -> memref<1x64xi32, #tpu.memory_space<vmem>>
    %dma_start3A_1110 = tpu.memref_squeeze %dma_start3A_1109 : memref<1x64xi32, #tpu.memory_space<vmem>> -> memref<64xi32, #tpu.memory_space<vmem>>
    %dma_start3A_1111 = arith.constant 0 : i32
    %dma_start3A_1112 = arith.constant 0 : i32
    %dma_start3A_1113 = tpu.memref_slice %arg6[%dma_start3A_1111, %dma_start3A_1112] : memref<100000x64xf32, #tpu.memory_space<hbm>> -> memref<100000x64xf32, #tpu.memory_space<hbm>>
    tpu.enqueue_indirect_dma source(%dma_start3A_1113 : memref<100000x64xf32, #tpu.memory_space<hbm>>) target(%arg18 : memref<64x64xf32, #tpu.memory_space<vmem>>) offsets(%dma_start3A_1110 : memref<64xi32, #tpu.memory_space<vmem>>) semaphore(%arg31 : memref<!tpu.dma_semaphore, #tpu.memory_space<semaphore_mem>>)
    %dma_start3A_1114 = arith.constant 2 : i32
    %dma_start3A_1115 = arith.constant 0 : i32
    %dma_start3A_1116 = tpu.memref_slice %arg15[%dma_start3A_1114, %dma_start3A_1115] : memref<8x64xi32, #tpu.memory_space<vmem>> -> memref<1x64xi32, #tpu.memory_space<vmem>>
    %dma_start3A_1117 = tpu.memref_squeeze %dma_start3A_1116 : memref<1x64xi32, #tpu.memory_space<vmem>> -> memref<64xi32, #tpu.memory_space<vmem>>
    %dma_start3A_1118 = arith.constant 0 : i32
    %dma_start3A_1119 = arith.constant 0 : i32
    %dma_start3A_1120 = tpu.memref_slice %arg7[%dma_start3A_1118, %dma_start3A_1119] : memref<1000x64xf32, #tpu.memory_space<hbm>> -> memref<1000x64xf32, #tpu.memory_space<hbm>>
    tpu.enqueue_indirect_dma source(%dma_start3A_1120 : memref<1000x64xf32, #tpu.memory_space<hbm>>) target(%arg19 : memref<64x64xf32, #tpu.memory_space<vmem>>) offsets(%dma_start3A_1117 : memref<64xi32, #tpu.memory_space<vmem>>) semaphore(%arg31 : memref<!tpu.dma_semaphore, #tpu.memory_space<semaphore_mem>>)
    %dma_start3A_1121 = arith.constant 2 : i32
    %dma_start3A_1122 = arith.constant 0 : i32
    %dma_start3A_1123 = tpu.memref_slice %arg16[%dma_start3A_1121, %dma_start3A_1122] : memref<8x64xi32, #tpu.memory_space<vmem>> -> memref<1x64xi32, #tpu.memory_space<vmem>>
    %dma_start3A_1124 = tpu.memref_squeeze %dma_start3A_1123 : memref<1x64xi32, #tpu.memory_space<vmem>> -> memref<64xi32, #tpu.memory_space<vmem>>
    %dma_start3A_1125 = arith.constant 0 : i32
    %dma_start3A_1126 = arith.constant 0 : i32
    %dma_start3A_1127 = tpu.memref_slice %arg6[%dma_start3A_1125, %dma_start3A_1126] : memref<100000x64xf32, #tpu.memory_space<hbm>> -> memref<100000x64xf32, #tpu.memory_space<hbm>>
    tpu.enqueue_indirect_dma source(%dma_start3A_1127 : memref<100000x64xf32, #tpu.memory_space<hbm>>) target(%arg20 : memref<64x64xf32, #tpu.memory_space<vmem>>) offsets(%dma_start3A_1124 : memref<64xi32, #tpu.memory_space<vmem>>) semaphore(%arg31 : memref<!tpu.dma_semaphore, #tpu.memory_space<semaphore_mem>>)
    %dma_start3A_1128 = arith.constant 2 : i32
    %dma_start3A_1129 = arith.constant 0 : i32
    %dma_start3A_1130 = tpu.memref_slice %arg17[%dma_start3A_1128, %dma_start3A_1129] : memref<8x64xi32, #tpu.memory_space<vmem>> -> memref<1x64xi32, #tpu.memory_space<vmem>>
    %dma_start3A_1131 = tpu.memref_squeeze %dma_start3A_1130 : memref<1x64xi32, #tpu.memory_space<vmem>> -> memref<64xi32, #tpu.memory_space<vmem>>
    %dma_start3A_1132 = arith.constant 0 : i32
    %dma_start3A_1133 = arith.constant 0 : i32
    %dma_start3A_1134 = tpu.memref_slice %arg6[%dma_start3A_1132, %dma_start3A_1133] : memref<100000x64xf32, #tpu.memory_space<hbm>> -> memref<100000x64xf32, #tpu.memory_space<hbm>>
    tpu.enqueue_indirect_dma source(%dma_start3A_1134 : memref<100000x64xf32, #tpu.memory_space<hbm>>) target(%arg21 : memref<64x64xf32, #tpu.memory_space<vmem>>) offsets(%dma_start3A_1131 : memref<64xi32, #tpu.memory_space<vmem>>) semaphore(%arg31 : memref<!tpu.dma_semaphore, #tpu.memory_space<semaphore_mem>>)
    %dma_wait3A_1135 = arith.constant 1 : i32
    %dma_wait3A_1136 = arith.constant 0 : i32
    %dma_wait3A_1137 = tpu.memref_slice %arg14[%dma_wait3A_1135, %dma_wait3A_1136] : memref<8x64xi32, #tpu.memory_space<vmem>> -> memref<1x64xi32, #tpu.memory_space<vmem>>
    %dma_wait3A_1138 = tpu.memref_squeeze %dma_wait3A_1137 : memref<1x64xi32, #tpu.memory_space<vmem>> -> memref<64xi32, #tpu.memory_space<vmem>>
    %dma_wait3A_1139 = arith.constant 0 : i32
    %dma_wait3A_1140 = arith.constant 0 : i32
    %dma_wait3A_1141 = tpu.memref_slice %arg6[%dma_wait3A_1139, %dma_wait3A_1140] : memref<100000x64xf32, #tpu.memory_space<hbm>> -> memref<100000x64xf32, #tpu.memory_space<hbm>>
    tpu.wait_indirect_dma semaphore(%arg32 : memref<!tpu.dma_semaphore, #tpu.memory_space<semaphore_mem>>) src(%dma_wait3A_1141 : memref<100000x64xf32, #tpu.memory_space<hbm>>) dst(%arg22 : memref<64x64xf32, #tpu.memory_space<vmem>>)
    %dma_wait3A_1142 = arith.constant 1 : i32
    %dma_wait3A_1143 = arith.constant 0 : i32
    %dma_wait3A_1144 = tpu.memref_slice %arg15[%dma_wait3A_1142, %dma_wait3A_1143] : memref<8x64xi32, #tpu.memory_space<vmem>> -> memref<1x64xi32, #tpu.memory_space<vmem>>
    %dma_wait3A_1145 = tpu.memref_squeeze %dma_wait3A_1144 : memref<1x64xi32, #tpu.memory_space<vmem>> -> memref<64xi32, #tpu.memory_space<vmem>>
    %dma_wait3A_1146 = arith.constant 0 : i32
    %dma_wait3A_1147 = arith.constant 0 : i32
    %dma_wait3A_1148 = tpu.memref_slice %arg7[%dma_wait3A_1146, %dma_wait3A_1147] : memref<1000x64xf32, #tpu.memory_space<hbm>> -> memref<1000x64xf32, #tpu.memory_space<hbm>>
    tpu.wait_indirect_dma semaphore(%arg32 : memref<!tpu.dma_semaphore, #tpu.memory_space<semaphore_mem>>) src(%dma_wait3A_1148 : memref<1000x64xf32, #tpu.memory_space<hbm>>) dst(%arg23 : memref<64x64xf32, #tpu.memory_space<vmem>>)
    %dma_wait3A_1149 = arith.constant 1 : i32
    %dma_wait3A_1150 = arith.constant 0 : i32
    %dma_wait3A_1151 = tpu.memref_slice %arg16[%dma_wait3A_1149, %dma_wait3A_1150] : memref<8x64xi32, #tpu.memory_space<vmem>> -> memref<1x64xi32, #tpu.memory_space<vmem>>
    %dma_wait3A_1152 = tpu.memref_squeeze %dma_wait3A_1151 : memref<1x64xi32, #tpu.memory_space<vmem>> -> memref<64xi32, #tpu.memory_space<vmem>>
    %dma_wait3A_1153 = arith.constant 0 : i32
    %dma_wait3A_1154 = arith.constant 0 : i32
    %dma_wait3A_1155 = tpu.memref_slice %arg6[%dma_wait3A_1153, %dma_wait3A_1154] : memref<100000x64xf32, #tpu.memory_space<hbm>> -> memref<100000x64xf32, #tpu.memory_space<hbm>>
    tpu.wait_indirect_dma semaphore(%arg32 : memref<!tpu.dma_semaphore, #tpu.memory_space<semaphore_mem>>) src(%dma_wait3A_1155 : memref<100000x64xf32, #tpu.memory_space<hbm>>) dst(%arg24 : memref<64x64xf32, #tpu.memory_space<vmem>>)
    %dma_wait3A_1156 = arith.constant 1 : i32
    %dma_wait3A_1157 = arith.constant 0 : i32
    %dma_wait3A_1158 = tpu.memref_slice %arg17[%dma_wait3A_1156, %dma_wait3A_1157] : memref<8x64xi32, #tpu.memory_space<vmem>> -> memref<1x64xi32, #tpu.memory_space<vmem>>
    %dma_wait3A_1159 = tpu.memref_squeeze %dma_wait3A_1158 : memref<1x64xi32, #tpu.memory_space<vmem>> -> memref<64xi32, #tpu.memory_space<vmem>>
    %dma_wait3A_1160 = arith.constant 0 : i32
    %dma_wait3A_1161 = arith.constant 0 : i32
    %dma_wait3A_1162 = tpu.memref_slice %arg6[%dma_wait3A_1160, %dma_wait3A_1161] : memref<100000x64xf32, #tpu.memory_space<hbm>> -> memref<100000x64xf32, #tpu.memory_space<hbm>>
    tpu.wait_indirect_dma semaphore(%arg32 : memref<!tpu.dma_semaphore, #tpu.memory_space<semaphore_mem>>) src(%dma_wait3A_1162 : memref<100000x64xf32, #tpu.memory_space<hbm>>) dst(%arg25 : memref<64x64xf32, #tpu.memory_space<vmem>>)
    %parallel_loop3A_1163 = arith.constant 0 : i32
    %parallel_loop3A_1164 = arith.constant 64 : i32
    %parallel_loop3A_1165 = arith.constant 1 : i32
    scf.for %parallel_loop3A_1724 = %parallel_loop3A_1163 to %parallel_loop3A_1164 step %parallel_loop3A_1165  : i32 {
      %parallel_loop3A_1725 = arith.constant 64 : i32
      %parallel_loop3A_1726 = arith.addi %parallel_loop3A_1724, %parallel_loop3A_1725 : i32
      %parallel_loop3A_1727 = arith.constant 0 : i32
      %parallel_loop3A_1728 = vector.broadcast %parallel_loop3A_1727 : i32 to vector<16xi32>
      %parallel_loop3A_1729 = vector.broadcast %parallel_loop3A_1726 : i32 to vector<16xi32>
      %parallel_loop3A_1730 = arith.addi %parallel_loop3A_1729, %parallel_loop3A_1728 : vector<16xi32>
      %parallel_loop3A_1731 = arith.index_cast %parallel_loop3A_1724 : i32 to index
      %parallel_loop3A_1732 = arith.constant 0 : index
      %parallel_loop3A_1733 = tpu.vector_load %arg22[%parallel_loop3A_1731, %parallel_loop3A_1732] {strides = array<i32>} : memref<64x64xf32, #tpu.memory_space<vmem>>, vector<16xf32>,
      %parallel_loop3A_1734 = arith.index_cast %parallel_loop3A_1724 : i32 to index
      %parallel_loop3A_1735 = arith.constant 0 : index
      %parallel_loop3A_1736 = tpu.vector_load %arg23[%parallel_loop3A_1734, %parallel_loop3A_1735] {strides = array<i32>} : memref<64x64xf32, #tpu.memory_space<vmem>>, vector<16xf32>,
      %parallel_loop3A_1737 = arith.addf %parallel_loop3A_1733, %parallel_loop3A_1736 : vector<16xf32>
      %parallel_loop3A_1738 = arith.addi %mul3A_936, %parallel_loop3A_1730 : vector<16xi32>
      %parallel_loop3A_1739 = arith.index_cast %parallel_loop3A_1724 : i32 to index
      %parallel_loop3A_1740 = arith.constant 0 : index
      %parallel_loop3A_1741 = tpu.vector_load %arg24[%parallel_loop3A_1739, %parallel_loop3A_1740] {strides = array<i32>} : memref<64x64xf32, #tpu.memory_space<vmem>>, vector<16xf32>,
      %parallel_loop3A_1742 = arith.subf %parallel_loop3A_1737, %parallel_loop3A_1741 : vector<16xf32>
      tpu.vector_store_idx %arg26[%select_n3A, %parallel_loop3A_1738], %parallel_loop3A_1742 : memref<8x1024xf32, #tpu.memory_space<vmem>>[vector<16xi32>, vector<16xi32>], vector<16xf32>,
      %parallel_loop3A_1743 = arith.index_cast %parallel_loop3A_1724 : i32 to index
      %parallel_loop3A_1744 = arith.constant 0 : index
      %parallel_loop3A_1745 = tpu.vector_load %arg25[%parallel_loop3A_1743, %parallel_loop3A_1744] {strides = array<i32>} : memref<64x64xf32, #tpu.memory_space<vmem>>, vector<16xf32>,
      %parallel_loop3A_1746 = arith.subf %parallel_loop3A_1737, %parallel_loop3A_1745 : vector<16xf32>
      tpu.vector_store_idx %arg27[%select_n3A, %parallel_loop3A_1738], %parallel_loop3A_1746 : memref<8x1024xf32, #tpu.memory_space<vmem>>[vector<16xi32>, vector<16xi32>], vector<16xf32>,
      %parallel_loop3A_1747 = arith.index_cast %parallel_loop3A_1724 : i32 to index
      %parallel_loop3A_1748 = arith.constant 16 : index
      %parallel_loop3A_1749 = tpu.vector_load %arg22[%parallel_loop3A_1747, %parallel_loop3A_1748] {strides = array<i32>} : memref<64x64xf32, #tpu.memory_space<vmem>>, vector<16xf32>,
      %parallel_loop3A_1750 = arith.index_cast %parallel_loop3A_1724 : i32 to index
      %parallel_loop3A_1751 = arith.constant 16 : index
      %parallel_loop3A_1752 = tpu.vector_load %arg23[%parallel_loop3A_1750, %parallel_loop3A_1751] {strides = array<i32>} : memref<64x64xf32, #tpu.memory_space<vmem>>, vector<16xf32>,
      %parallel_loop3A_1753 = arith.addf %parallel_loop3A_1749, %parallel_loop3A_1752 : vector<16xf32>
      %parallel_loop3A_1754 = arith.addi %mul3A_964, %parallel_loop3A_1730 : vector<16xi32>
      %parallel_loop3A_1755 = arith.index_cast %parallel_loop3A_1724 : i32 to index
      %parallel_loop3A_1756 = arith.constant 16 : index
      %parallel_loop3A_1757 = tpu.vector_load %arg24[%parallel_loop3A_1755, %parallel_loop3A_1756] {strides = array<i32>} : memref<64x64xf32, #tpu.memory_space<vmem>>, vector<16xf32>,
      %parallel_loop3A_1758 = arith.subf %parallel_loop3A_1753, %parallel_loop3A_1757 : vector<16xf32>
      tpu.vector_store_idx %arg26[%select_n3A_842, %parallel_loop3A_1754], %parallel_loop3A_1758 : memref<8x1024xf32, #tpu.memory_space<vmem>>[vector<16xi32>, vector<16xi32>], vector<16xf32>,
      %parallel_loop3A_1759 = arith.index_cast %parallel_loop3A_1724 : i32 to index
      %parallel_loop3A_1760 = arith.constant 16 : index
      %parallel_loop3A_1761 = tpu.vector_load %arg25[%parallel_loop3A_1759, %parallel_loop3A_1760] {strides = array<i32>} : memref<64x64xf32, #tpu.memory_space<vmem>>, vector<16xf32>,
      %parallel_loop3A_1762 = arith.subf %parallel_loop3A_1753, %parallel_loop3A_1761 : vector<16xf32>
      tpu.vector_store_idx %arg27[%select_n3A_842, %parallel_loop3A_1754], %parallel_loop3A_1762 : memref<8x1024xf32, #tpu.memory_space<vmem>>[vector<16xi32>, vector<16xi32>], vector<16xf32>,
      %parallel_loop3A_1763 = arith.index_cast %parallel_loop3A_1724 : i32 to index
      %parallel_loop3A_1764 = arith.constant 32 : index
      %parallel_loop3A_1765 = tpu.vector_load %arg22[%parallel_loop3A_1763, %parallel_loop3A_1764] {strides = array<i32>} : memref<64x64xf32, #tpu.memory_space<vmem>>, vector<16xf32>,
      %parallel_loop3A_1766 = arith.index_cast %parallel_loop3A_1724 : i32 to index
      %parallel_loop3A_1767 = arith.constant 32 : index
      %parallel_loop3A_1768 = tpu.vector_load %arg23[%parallel_loop3A_1766, %parallel_loop3A_1767] {strides = array<i32>} : memref<64x64xf32, #tpu.memory_space<vmem>>, vector<16xf32>,
      %parallel_loop3A_1769 = arith.addf %parallel_loop3A_1765, %parallel_loop3A_1768 : vector<16xf32>
      %parallel_loop3A_1770 = arith.addi %mul3A_992, %parallel_loop3A_1730 : vector<16xi32>
      %parallel_loop3A_1771 = arith.index_cast %parallel_loop3A_1724 : i32 to index
      %parallel_loop3A_1772 = arith.constant 32 : index
      %parallel_loop3A_1773 = tpu.vector_load %arg24[%parallel_loop3A_1771, %parallel_loop3A_1772] {strides = array<i32>} : memref<64x64xf32, #tpu.memory_space<vmem>>, vector<16xf32>,
      %parallel_loop3A_1774 = arith.subf %parallel_loop3A_1769, %parallel_loop3A_1773 : vector<16xf32>
      tpu.vector_store_idx %arg26[%select_n3A_876, %parallel_loop3A_1770], %parallel_loop3A_1774 : memref<8x1024xf32, #tpu.memory_space<vmem>>[vector<16xi32>, vector<16xi32>], vector<16xf32>,
      %parallel_loop3A_1775 = arith.index_cast %parallel_loop3A_1724 : i32 to index
      %parallel_loop3A_1776 = arith.constant 32 : index
      %parallel_loop3A_1777 = tpu.vector_load %arg25[%parallel_loop3A_1775, %parallel_loop3A_1776] {strides = array<i32>} : memref<64x64xf32, #tpu.memory_space<vmem>>, vector<16xf32>,
      %parallel_loop3A_1778 = arith.subf %parallel_loop3A_1769, %parallel_loop3A_1777 : vector<16xf32>
      tpu.vector_store_idx %arg27[%select_n3A_876, %parallel_loop3A_1770], %parallel_loop3A_1778 : memref<8x1024xf32, #tpu.memory_space<vmem>>[vector<16xi32>, vector<16xi32>], vector<16xf32>,
      %parallel_loop3A_1779 = arith.index_cast %parallel_loop3A_1724 : i32 to index
      %parallel_loop3A_1780 = arith.constant 48 : index
      %parallel_loop3A_1781 = tpu.vector_load %arg22[%parallel_loop3A_1779, %parallel_loop3A_1780] {strides = array<i32>} : memref<64x64xf32, #tpu.memory_space<vmem>>, vector<16xf32>,
      %parallel_loop3A_1782 = arith.index_cast %parallel_loop3A_1724 : i32 to index
      %parallel_loop3A_1783 = arith.constant 48 : index
      %parallel_loop3A_1784 = tpu.vector_load %arg23[%parallel_loop3A_1782, %parallel_loop3A_1783] {strides = array<i32>} : memref<64x64xf32, #tpu.memory_space<vmem>>, vector<16xf32>,
      %parallel_loop3A_1785 = arith.addf %parallel_loop3A_1781, %parallel_loop3A_1784 : vector<16xf32>
      %parallel_loop3A_1786 = arith.addi %mul3A_1020, %parallel_loop3A_1730 : vector<16xi32>
      %parallel_loop3A_1787 = arith.index_cast %parallel_loop3A_1724 : i32 to index
      %parallel_loop3A_1788 = arith.constant 48 : index
      %parallel_loop3A_1789 = tpu.vector_load %arg24[%parallel_loop3A_1787, %parallel_loop3A_1788] {strides = array<i32>} : memref<64x64xf32, #tpu.memory_space<vmem>>, vector<16xf32>,
      %parallel_loop3A_1790 = arith.subf %parallel_loop3A_1785, %parallel_loop3A_1789 : vector<16xf32>
      tpu.vector_store_idx %arg26[%select_n3A_910, %parallel_loop3A_1786], %parallel_loop3A_1790 : memref<8x1024xf32, #tpu.memory_space<vmem>>[vector<16xi32>, vector<16xi32>], vector<16xf32>,
      %parallel_loop3A_1791 = arith.index_cast %parallel_loop3A_1724 : i32 to index
      %parallel_loop3A_1792 = arith.constant 48 : index
      %parallel_loop3A_1793 = tpu.vector_load %arg25[%parallel_loop3A_1791, %parallel_loop3A_1792] {strides = array<i32>} : memref<64x64xf32, #tpu.memory_space<vmem>>, vector<16xf32>,
      %parallel_loop3A_1794 = arith.subf %parallel_loop3A_1785, %parallel_loop3A_1793 : vector<16xf32>
      tpu.vector_store_idx %arg27[%select_n3A_910, %parallel_loop3A_1786], %parallel_loop3A_1794 : memref<8x1024xf32, #tpu.memory_space<vmem>>[vector<16xi32>, vector<16xi32>], vector<16xf32>,
    } {sc.loop_unroll_factor = 1 : i64, sc.parallel_access}
    %add3A_1166 = arith.constant 0 : i32
    %add3A_1167 = arith.addi %mul3A_2, %add3A_1166 : i32
    %jit3A_1168 = arith.constant 128 : i32
    %div3A_1169 = arith.divsi %add3A_1167, %jit3A_1168 : i32
    %sign3A_1170 = arith.constant 0 : i32
    %sign3A_1171 = arith.cmpi sgt, %add3A_1167, %sign3A_1170 : i32
    %sign3A_1172 = arith.extui %sign3A_1171 : i1 to i32
    %sign3A_1173 = arith.constant 0 : i32
    %sign3A_1174 = arith.cmpi slt, %add3A_1167, %sign3A_1173 : i32
    %sign3A_1175 = arith.extui %sign3A_1174 : i1 to i32
    %sign3A_1176 = arith.subi %sign3A_1172, %sign3A_1175 : i32
    %sign3A_1177 = arith.constant 0 : i32
    %sign3A_1178 = arith.cmpi sgt, %jit3A_1168, %sign3A_1177 : i32
    %sign3A_1179 = arith.extui %sign3A_1178 : i1 to i32
    %sign3A_1180 = arith.constant 0 : i32
    %sign3A_1181 = arith.cmpi slt, %jit3A_1168, %sign3A_1180 : i32
    %sign3A_1182 = arith.extui %sign3A_1181 : i1 to i32
    %sign3A_1183 = arith.subi %sign3A_1179, %sign3A_1182 : i32
    %ne3A_1184 = arith.cmpi ne, %sign3A_1176, %sign3A_1183 : i32
    %rem3A_1185 = arith.remsi %add3A_1167, %jit3A_1168 : i32
    %ne3A_1186 = arith.constant 0 : i32
    %ne3A_1187 = arith.cmpi ne, %rem3A_1185, %ne3A_1186 : i32
    %and3A_1188 = arith.andi %ne3A_1184, %ne3A_1187 : i1
    %sub3A_1189 = arith.constant 1 : i32
    %sub3A_1190 = arith.subi %div3A_1169, %sub3A_1189 : i32
    %select_n3A_1191 = arith.select %and3A_1188, %sub3A_1190, %div3A_1169 : i32
    %dma_start3A_1192 = arith.constant 0 : i32
    %dma_start3A_1193 = arith.constant 0 : i32
    %dma_start3A_1194 = tpu.memref_slice %arg8[%dma_start3A_1192, %select_n3A_1191, %dma_start3A_1193] : memref<8x128x1024xf32, #tpu.memory_space<hbm>> -> memref<8x1x1024xf32, #tpu.memory_space<hbm>>
    %dma_start3A_1195 = tpu.memref_squeeze %dma_start3A_1194 : memref<8x1x1024xf32, #tpu.memory_space<hbm>> -> memref<8x1024xf32, #tpu.memory_space<hbm>>
    %dma_start3A_1196 = arith.constant 0 : i32
    %dma_start3A_1197 = arith.constant 0 : i32
    %dma_start3A_1198 = tpu.memref_slice %arg8[%dma_start3A_1196, %select_n3A_1191, %dma_start3A_1197] : memref<8x128x1024xf32, #tpu.memory_space<hbm>> -> memref<8x1x1024xf32, #tpu.memory_space<hbm>>
    %dma_start3A_1199 = tpu.memref_squeeze %dma_start3A_1198 : memref<8x1x1024xf32, #tpu.memory_space<hbm>> -> memref<8x1024xf32, #tpu.memory_space<hbm>>
    tpu.enqueue_dma source(%arg26 : memref<8x1024xf32, #tpu.memory_space<vmem>>) target(%dma_start3A_1199 : memref<8x1024xf32, #tpu.memory_space<hbm>>) target_semaphore(%arg33 : memref<!tpu.dma_semaphore, #tpu.memory_space<semaphore_mem>>)
    %dma_start3A_1200 = arith.constant 0 : i32
    %dma_start3A_1201 = arith.constant 0 : i32
    %dma_start3A_1202 = tpu.memref_slice %arg9[%dma_start3A_1200, %select_n3A_1191, %dma_start3A_1201] : memref<8x128x1024xf32, #tpu.memory_space<hbm>> -> memref<8x1x1024xf32, #tpu.memory_space<hbm>>
    %dma_start3A_1203 = tpu.memref_squeeze %dma_start3A_1202 : memref<8x1x1024xf32, #tpu.memory_space<hbm>> -> memref<8x1024xf32, #tpu.memory_space<hbm>>
    %dma_start3A_1204 = arith.constant 0 : i32
    %dma_start3A_1205 = arith.constant 0 : i32
    %dma_start3A_1206 = tpu.memref_slice %arg9[%dma_start3A_1204, %select_n3A_1191, %dma_start3A_1205] : memref<8x128x1024xf32, #tpu.memory_space<hbm>> -> memref<8x1x1024xf32, #tpu.memory_space<hbm>>
    %dma_start3A_1207 = tpu.memref_squeeze %dma_start3A_1206 : memref<8x1x1024xf32, #tpu.memory_space<hbm>> -> memref<8x1024xf32, #tpu.memory_space<hbm>>
    tpu.enqueue_dma source(%arg27 : memref<8x1024xf32, #tpu.memory_space<vmem>>) target(%dma_start3A_1207 : memref<8x1024xf32, #tpu.memory_space<hbm>>) target_semaphore(%arg33 : memref<!tpu.dma_semaphore, #tpu.memory_space<semaphore_mem>>)
    %dma_start3A_1208 = arith.constant 3 : i32
    %dma_start3A_1209 = arith.constant 0 : i32
    %dma_start3A_1210 = tpu.memref_slice %arg14[%dma_start3A_1208, %dma_start3A_1209] : memref<8x64xi32, #tpu.memory_space<vmem>> -> memref<1x64xi32, #tpu.memory_space<vmem>>
    %dma_start3A_1211 = tpu.memref_squeeze %dma_start3A_1210 : memref<1x64xi32, #tpu.memory_space<vmem>> -> memref<64xi32, #tpu.memory_space<vmem>>
    %dma_start3A_1212 = arith.constant 0 : i32
    %dma_start3A_1213 = arith.constant 0 : i32
    %dma_start3A_1214 = tpu.memref_slice %arg6[%dma_start3A_1212, %dma_start3A_1213] : memref<100000x64xf32, #tpu.memory_space<hbm>> -> memref<100000x64xf32, #tpu.memory_space<hbm>>
    tpu.enqueue_indirect_dma source(%dma_start3A_1214 : memref<100000x64xf32, #tpu.memory_space<hbm>>) target(%arg22 : memref<64x64xf32, #tpu.memory_space<vmem>>) offsets(%dma_start3A_1211 : memref<64xi32, #tpu.memory_space<vmem>>) semaphore(%arg32 : memref<!tpu.dma_semaphore, #tpu.memory_space<semaphore_mem>>)
    %dma_start3A_1215 = arith.constant 3 : i32
    %dma_start3A_1216 = arith.constant 0 : i32
    %dma_start3A_1217 = tpu.memref_slice %arg15[%dma_start3A_1215, %dma_start3A_1216] : memref<8x64xi32, #tpu.memory_space<vmem>> -> memref<1x64xi32, #tpu.memory_space<vmem>>
    %dma_start3A_1218 = tpu.memref_squeeze %dma_start3A_1217 : memref<1x64xi32, #tpu.memory_space<vmem>> -> memref<64xi32, #tpu.memory_space<vmem>>
    %dma_start3A_1219 = arith.constant 0 : i32
    %dma_start3A_1220 = arith.constant 0 : i32
    %dma_start3A_1221 = tpu.memref_slice %arg7[%dma_start3A_1219, %dma_start3A_1220] : memref<1000x64xf32, #tpu.memory_space<hbm>> -> memref<1000x64xf32, #tpu.memory_space<hbm>>
    tpu.enqueue_indirect_dma source(%dma_start3A_1221 : memref<1000x64xf32, #tpu.memory_space<hbm>>) target(%arg23 : memref<64x64xf32, #tpu.memory_space<vmem>>) offsets(%dma_start3A_1218 : memref<64xi32, #tpu.memory_space<vmem>>) semaphore(%arg32 : memref<!tpu.dma_semaphore, #tpu.memory_space<semaphore_mem>>)
    %dma_start3A_1222 = arith.constant 3 : i32
    %dma_start3A_1223 = arith.constant 0 : i32
    %dma_start3A_1224 = tpu.memref_slice %arg16[%dma_start3A_1222, %dma_start3A_1223] : memref<8x64xi32, #tpu.memory_space<vmem>> -> memref<1x64xi32, #tpu.memory_space<vmem>>
    %dma_start3A_1225 = tpu.memref_squeeze %dma_start3A_1224 : memref<1x64xi32, #tpu.memory_space<vmem>> -> memref<64xi32, #tpu.memory_space<vmem>>
    %dma_start3A_1226 = arith.constant 0 : i32
    %dma_start3A_1227 = arith.constant 0 : i32
    %dma_start3A_1228 = tpu.memref_slice %arg6[%dma_start3A_1226, %dma_start3A_1227] : memref<100000x64xf32, #tpu.memory_space<hbm>> -> memref<100000x64xf32, #tpu.memory_space<hbm>>
    tpu.enqueue_indirect_dma source(%dma_start3A_1228 : memref<100000x64xf32, #tpu.memory_space<hbm>>) target(%arg24 : memref<64x64xf32, #tpu.memory_space<vmem>>) offsets(%dma_start3A_1225 : memref<64xi32, #tpu.memory_space<vmem>>) semaphore(%arg32 : memref<!tpu.dma_semaphore, #tpu.memory_space<semaphore_mem>>)
    %dma_start3A_1229 = arith.constant 3 : i32
    %dma_start3A_1230 = arith.constant 0 : i32
    %dma_start3A_1231 = tpu.memref_slice %arg17[%dma_start3A_1229, %dma_start3A_1230] : memref<8x64xi32, #tpu.memory_space<vmem>> -> memref<1x64xi32, #tpu.memory_space<vmem>>
    %dma_start3A_1232 = tpu.memref_squeeze %dma_start3A_1231 : memref<1x64xi32, #tpu.memory_space<vmem>> -> memref<64xi32, #tpu.memory_space<vmem>>
    %dma_start3A_1233 = arith.constant 0 : i32
    %dma_start3A_1234 = arith.constant 0 : i32
    %dma_start3A_1235 = tpu.memref_slice %arg6[%dma_start3A_1233, %dma_start3A_1234] : memref<100000x64xf32, #tpu.memory_space<hbm>> -> memref<100000x64xf32, #tpu.memory_space<hbm>>
    tpu.enqueue_indirect_dma source(%dma_start3A_1235 : memref<100000x64xf32, #tpu.memory_space<hbm>>) target(%arg25 : memref<64x64xf32, #tpu.memory_space<vmem>>) offsets(%dma_start3A_1232 : memref<64xi32, #tpu.memory_space<vmem>>) semaphore(%arg32 : memref<!tpu.dma_semaphore, #tpu.memory_space<semaphore_mem>>)
    %dma_wait3A_1236 = arith.constant 2 : i32
    %dma_wait3A_1237 = arith.constant 0 : i32
    %dma_wait3A_1238 = tpu.memref_slice %arg14[%dma_wait3A_1236, %dma_wait3A_1237] : memref<8x64xi32, #tpu.memory_space<vmem>> -> memref<1x64xi32, #tpu.memory_space<vmem>>
    %dma_wait3A_1239 = tpu.memref_squeeze %dma_wait3A_1238 : memref<1x64xi32, #tpu.memory_space<vmem>> -> memref<64xi32, #tpu.memory_space<vmem>>
    %dma_wait3A_1240 = arith.constant 0 : i32
    %dma_wait3A_1241 = arith.constant 0 : i32
    %dma_wait3A_1242 = tpu.memref_slice %arg6[%dma_wait3A_1240, %dma_wait3A_1241] : memref<100000x64xf32, #tpu.memory_space<hbm>> -> memref<100000x64xf32, #tpu.memory_space<hbm>>
    tpu.wait_indirect_dma semaphore(%arg31 : memref<!tpu.dma_semaphore, #tpu.memory_space<semaphore_mem>>) src(%dma_wait3A_1242 : memref<100000x64xf32, #tpu.memory_space<hbm>>) dst(%arg18 : memref<64x64xf32, #tpu.memory_space<vmem>>)
    %dma_wait3A_1243 = arith.constant 2 : i32
    %dma_wait3A_1244 = arith.constant 0 : i32
    %dma_wait3A_1245 = tpu.memref_slice %arg15[%dma_wait3A_1243, %dma_wait3A_1244] : memref<8x64xi32, #tpu.memory_space<vmem>> -> memref<1x64xi32, #tpu.memory_space<vmem>>
    %dma_wait3A_1246 = tpu.memref_squeeze %dma_wait3A_1245 : memref<1x64xi32, #tpu.memory_space<vmem>> -> memref<64xi32, #tpu.memory_space<vmem>>
    %dma_wait3A_1247 = arith.constant 0 : i32
    %dma_wait3A_1248 = arith.constant 0 : i32
    %dma_wait3A_1249 = tpu.memref_slice %arg7[%dma_wait3A_1247, %dma_wait3A_1248] : memref<1000x64xf32, #tpu.memory_space<hbm>> -> memref<1000x64xf32, #tpu.memory_space<hbm>>
    tpu.wait_indirect_dma semaphore(%arg31 : memref<!tpu.dma_semaphore, #tpu.memory_space<semaphore_mem>>) src(%dma_wait3A_1249 : memref<1000x64xf32, #tpu.memory_space<hbm>>) dst(%arg19 : memref<64x64xf32, #tpu.memory_space<vmem>>)
    %dma_wait3A_1250 = arith.constant 2 : i32
    %dma_wait3A_1251 = arith.constant 0 : i32
    %dma_wait3A_1252 = tpu.memref_slice %arg16[%dma_wait3A_1250, %dma_wait3A_1251] : memref<8x64xi32, #tpu.memory_space<vmem>> -> memref<1x64xi32, #tpu.memory_space<vmem>>
    %dma_wait3A_1253 = tpu.memref_squeeze %dma_wait3A_1252 : memref<1x64xi32, #tpu.memory_space<vmem>> -> memref<64xi32, #tpu.memory_space<vmem>>
    %dma_wait3A_1254 = arith.constant 0 : i32
    %dma_wait3A_1255 = arith.constant 0 : i32
    %dma_wait3A_1256 = tpu.memref_slice %arg6[%dma_wait3A_1254, %dma_wait3A_1255] : memref<100000x64xf32, #tpu.memory_space<hbm>> -> memref<100000x64xf32, #tpu.memory_space<hbm>>
    tpu.wait_indirect_dma semaphore(%arg31 : memref<!tpu.dma_semaphore, #tpu.memory_space<semaphore_mem>>) src(%dma_wait3A_1256 : memref<100000x64xf32, #tpu.memory_space<hbm>>) dst(%arg20 : memref<64x64xf32, #tpu.memory_space<vmem>>)
    %dma_wait3A_1257 = arith.constant 2 : i32
    %dma_wait3A_1258 = arith.constant 0 : i32
    %dma_wait3A_1259 = tpu.memref_slice %arg17[%dma_wait3A_1257, %dma_wait3A_1258] : memref<8x64xi32, #tpu.memory_space<vmem>> -> memref<1x64xi32, #tpu.memory_space<vmem>>
    %dma_wait3A_1260 = tpu.memref_squeeze %dma_wait3A_1259 : memref<1x64xi32, #tpu.memory_space<vmem>> -> memref<64xi32, #tpu.memory_space<vmem>>
    %dma_wait3A_1261 = arith.constant 0 : i32
    %dma_wait3A_1262 = arith.constant 0 : i32
    %dma_wait3A_1263 = tpu.memref_slice %arg6[%dma_wait3A_1261, %dma_wait3A_1262] : memref<100000x64xf32, #tpu.memory_space<hbm>> -> memref<100000x64xf32, #tpu.memory_space<hbm>>
    tpu.wait_indirect_dma semaphore(%arg31 : memref<!tpu.dma_semaphore, #tpu.memory_space<semaphore_mem>>) src(%dma_wait3A_1263 : memref<100000x64xf32, #tpu.memory_space<hbm>>) dst(%arg21 : memref<64x64xf32, #tpu.memory_space<vmem>>)
    %parallel_loop3A_1264 = arith.constant 0 : i32
    %parallel_loop3A_1265 = arith.constant 64 : i32
    %parallel_loop3A_1266 = arith.constant 1 : i32
    scf.for %parallel_loop3A_1724 = %parallel_loop3A_1264 to %parallel_loop3A_1265 step %parallel_loop3A_1266  : i32 {
      %parallel_loop3A_1725 = arith.constant 0 : i32
      %parallel_loop3A_1726 = arith.addi %parallel_loop3A_1724, %parallel_loop3A_1725 : i32
      %parallel_loop3A_1727 = arith.constant 0 : i32
      %parallel_loop3A_1728 = vector.broadcast %parallel_loop3A_1727 : i32 to vector<16xi32>
      %parallel_loop3A_1729 = vector.broadcast %parallel_loop3A_1726 : i32 to vector<16xi32>
      %parallel_loop3A_1730 = arith.addi %parallel_loop3A_1729, %parallel_loop3A_1728 : vector<16xi32>
      %parallel_loop3A_1731 = arith.index_cast %parallel_loop3A_1724 : i32 to index
      %parallel_loop3A_1732 = arith.constant 0 : index
      %parallel_loop3A_1733 = tpu.vector_load %arg18[%parallel_loop3A_1731, %parallel_loop3A_1732] {strides = array<i32>} : memref<64x64xf32, #tpu.memory_space<vmem>>, vector<16xf32>,
      %parallel_loop3A_1734 = arith.index_cast %parallel_loop3A_1724 : i32 to index
      %parallel_loop3A_1735 = arith.constant 0 : index
      %parallel_loop3A_1736 = tpu.vector_load %arg19[%parallel_loop3A_1734, %parallel_loop3A_1735] {strides = array<i32>} : memref<64x64xf32, #tpu.memory_space<vmem>>, vector<16xf32>,
      %parallel_loop3A_1737 = arith.addf %parallel_loop3A_1733, %parallel_loop3A_1736 : vector<16xf32>
      %parallel_loop3A_1738 = arith.addi %mul3A_936, %parallel_loop3A_1730 : vector<16xi32>
      %parallel_loop3A_1739 = arith.index_cast %parallel_loop3A_1724 : i32 to index
      %parallel_loop3A_1740 = arith.constant 0 : index
      %parallel_loop3A_1741 = tpu.vector_load %arg20[%parallel_loop3A_1739, %parallel_loop3A_1740] {strides = array<i32>} : memref<64x64xf32, #tpu.memory_space<vmem>>, vector<16xf32>,
      %parallel_loop3A_1742 = arith.subf %parallel_loop3A_1737, %parallel_loop3A_1741 : vector<16xf32>
      tpu.vector_store_idx %arg28[%select_n3A, %parallel_loop3A_1738], %parallel_loop3A_1742 : memref<8x1024xf32, #tpu.memory_space<vmem>>[vector<16xi32>, vector<16xi32>], vector<16xf32>,
      %parallel_loop3A_1743 = arith.index_cast %parallel_loop3A_1724 : i32 to index
      %parallel_loop3A_1744 = arith.constant 0 : index
      %parallel_loop3A_1745 = tpu.vector_load %arg21[%parallel_loop3A_1743, %parallel_loop3A_1744] {strides = array<i32>} : memref<64x64xf32, #tpu.memory_space<vmem>>, vector<16xf32>,
      %parallel_loop3A_1746 = arith.subf %parallel_loop3A_1737, %parallel_loop3A_1745 : vector<16xf32>
      tpu.vector_store_idx %arg29[%select_n3A, %parallel_loop3A_1738], %parallel_loop3A_1746 : memref<8x1024xf32, #tpu.memory_space<vmem>>[vector<16xi32>, vector<16xi32>], vector<16xf32>,
      %parallel_loop3A_1747 = arith.index_cast %parallel_loop3A_1724 : i32 to index
      %parallel_loop3A_1748 = arith.constant 16 : index
      %parallel_loop3A_1749 = tpu.vector_load %arg18[%parallel_loop3A_1747, %parallel_loop3A_1748] {strides = array<i32>} : memref<64x64xf32, #tpu.memory_space<vmem>>, vector<16xf32>,
      %parallel_loop3A_1750 = arith.index_cast %parallel_loop3A_1724 : i32 to index
      %parallel_loop3A_1751 = arith.constant 16 : index
      %parallel_loop3A_1752 = tpu.vector_load %arg19[%parallel_loop3A_1750, %parallel_loop3A_1751] {strides = array<i32>} : memref<64x64xf32, #tpu.memory_space<vmem>>, vector<16xf32>,
      %parallel_loop3A_1753 = arith.addf %parallel_loop3A_1749, %parallel_loop3A_1752 : vector<16xf32>
      %parallel_loop3A_1754 = arith.addi %mul3A_964, %parallel_loop3A_1730 : vector<16xi32>
      %parallel_loop3A_1755 = arith.index_cast %parallel_loop3A_1724 : i32 to index
      %parallel_loop3A_1756 = arith.constant 16 : index
      %parallel_loop3A_1757 = tpu.vector_load %arg20[%parallel_loop3A_1755, %parallel_loop3A_1756] {strides = array<i32>} : memref<64x64xf32, #tpu.memory_space<vmem>>, vector<16xf32>,
      %parallel_loop3A_1758 = arith.subf %parallel_loop3A_1753, %parallel_loop3A_1757 : vector<16xf32>
      tpu.vector_store_idx %arg28[%select_n3A_842, %parallel_loop3A_1754], %parallel_loop3A_1758 : memref<8x1024xf32, #tpu.memory_space<vmem>>[vector<16xi32>, vector<16xi32>], vector<16xf32>,
      %parallel_loop3A_1759 = arith.index_cast %parallel_loop3A_1724 : i32 to index
      %parallel_loop3A_1760 = arith.constant 16 : index
      %parallel_loop3A_1761 = tpu.vector_load %arg21[%parallel_loop3A_1759, %parallel_loop3A_1760] {strides = array<i32>} : memref<64x64xf32, #tpu.memory_space<vmem>>, vector<16xf32>,
      %parallel_loop3A_1762 = arith.subf %parallel_loop3A_1753, %parallel_loop3A_1761 : vector<16xf32>
      tpu.vector_store_idx %arg29[%select_n3A_842, %parallel_loop3A_1754], %parallel_loop3A_1762 : memref<8x1024xf32, #tpu.memory_space<vmem>>[vector<16xi32>, vector<16xi32>], vector<16xf32>,
      %parallel_loop3A_1763 = arith.index_cast %parallel_loop3A_1724 : i32 to index
      %parallel_loop3A_1764 = arith.constant 32 : index
      %parallel_loop3A_1765 = tpu.vector_load %arg18[%parallel_loop3A_1763, %parallel_loop3A_1764] {strides = array<i32>} : memref<64x64xf32, #tpu.memory_space<vmem>>, vector<16xf32>,
      %parallel_loop3A_1766 = arith.index_cast %parallel_loop3A_1724 : i32 to index
      %parallel_loop3A_1767 = arith.constant 32 : index
      %parallel_loop3A_1768 = tpu.vector_load %arg19[%parallel_loop3A_1766, %parallel_loop3A_1767] {strides = array<i32>} : memref<64x64xf32, #tpu.memory_space<vmem>>, vector<16xf32>,
      %parallel_loop3A_1769 = arith.addf %parallel_loop3A_1765, %parallel_loop3A_1768 : vector<16xf32>
      %parallel_loop3A_1770 = arith.addi %mul3A_992, %parallel_loop3A_1730 : vector<16xi32>
      %parallel_loop3A_1771 = arith.index_cast %parallel_loop3A_1724 : i32 to index
      %parallel_loop3A_1772 = arith.constant 32 : index
      %parallel_loop3A_1773 = tpu.vector_load %arg20[%parallel_loop3A_1771, %parallel_loop3A_1772] {strides = array<i32>} : memref<64x64xf32, #tpu.memory_space<vmem>>, vector<16xf32>,
      %parallel_loop3A_1774 = arith.subf %parallel_loop3A_1769, %parallel_loop3A_1773 : vector<16xf32>
      tpu.vector_store_idx %arg28[%select_n3A_876, %parallel_loop3A_1770], %parallel_loop3A_1774 : memref<8x1024xf32, #tpu.memory_space<vmem>>[vector<16xi32>, vector<16xi32>], vector<16xf32>,
      %parallel_loop3A_1775 = arith.index_cast %parallel_loop3A_1724 : i32 to index
      %parallel_loop3A_1776 = arith.constant 32 : index
      %parallel_loop3A_1777 = tpu.vector_load %arg21[%parallel_loop3A_1775, %parallel_loop3A_1776] {strides = array<i32>} : memref<64x64xf32, #tpu.memory_space<vmem>>, vector<16xf32>,
      %parallel_loop3A_1778 = arith.subf %parallel_loop3A_1769, %parallel_loop3A_1777 : vector<16xf32>
      tpu.vector_store_idx %arg29[%select_n3A_876, %parallel_loop3A_1770], %parallel_loop3A_1778 : memref<8x1024xf32, #tpu.memory_space<vmem>>[vector<16xi32>, vector<16xi32>], vector<16xf32>,
      %parallel_loop3A_1779 = arith.index_cast %parallel_loop3A_1724 : i32 to index
      %parallel_loop3A_1780 = arith.constant 48 : index
      %parallel_loop3A_1781 = tpu.vector_load %arg18[%parallel_loop3A_1779, %parallel_loop3A_1780] {strides = array<i32>} : memref<64x64xf32, #tpu.memory_space<vmem>>, vector<16xf32>,
      %parallel_loop3A_1782 = arith.index_cast %parallel_loop3A_1724 : i32 to index
      %parallel_loop3A_1783 = arith.constant 48 : index
      %parallel_loop3A_1784 = tpu.vector_load %arg19[%parallel_loop3A_1782, %parallel_loop3A_1783] {strides = array<i32>} : memref<64x64xf32, #tpu.memory_space<vmem>>, vector<16xf32>,
      %parallel_loop3A_1785 = arith.addf %parallel_loop3A_1781, %parallel_loop3A_1784 : vector<16xf32>
      %parallel_loop3A_1786 = arith.addi %mul3A_1020, %parallel_loop3A_1730 : vector<16xi32>
      %parallel_loop3A_1787 = arith.index_cast %parallel_loop3A_1724 : i32 to index
      %parallel_loop3A_1788 = arith.constant 48 : index
      %parallel_loop3A_1789 = tpu.vector_load %arg20[%parallel_loop3A_1787, %parallel_loop3A_1788] {strides = array<i32>} : memref<64x64xf32, #tpu.memory_space<vmem>>, vector<16xf32>,
      %parallel_loop3A_1790 = arith.subf %parallel_loop3A_1785, %parallel_loop3A_1789 : vector<16xf32>
      tpu.vector_store_idx %arg28[%select_n3A_910, %parallel_loop3A_1786], %parallel_loop3A_1790 : memref<8x1024xf32, #tpu.memory_space<vmem>>[vector<16xi32>, vector<16xi32>], vector<16xf32>,
      %parallel_loop3A_1791 = arith.index_cast %parallel_loop3A_1724 : i32 to index
      %parallel_loop3A_1792 = arith.constant 48 : index
      %parallel_loop3A_1793 = tpu.vector_load %arg21[%parallel_loop3A_1791, %parallel_loop3A_1792] {strides = array<i32>} : memref<64x64xf32, #tpu.memory_space<vmem>>, vector<16xf32>,
      %parallel_loop3A_1794 = arith.subf %parallel_loop3A_1785, %parallel_loop3A_1793 : vector<16xf32>
      tpu.vector_store_idx %arg29[%select_n3A_910, %parallel_loop3A_1786], %parallel_loop3A_1794 : memref<8x1024xf32, #tpu.memory_space<vmem>>[vector<16xi32>, vector<16xi32>], vector<16xf32>,
    } {sc.loop_unroll_factor = 1 : i64, sc.parallel_access}
    %dma_start3A_1267 = arith.constant 4 : i32
    %dma_start3A_1268 = arith.constant 0 : i32
    %dma_start3A_1269 = tpu.memref_slice %arg14[%dma_start3A_1267, %dma_start3A_1268] : memref<8x64xi32, #tpu.memory_space<vmem>> -> memref<1x64xi32, #tpu.memory_space<vmem>>
    %dma_start3A_1270 = tpu.memref_squeeze %dma_start3A_1269 : memref<1x64xi32, #tpu.memory_space<vmem>> -> memref<64xi32, #tpu.memory_space<vmem>>
    %dma_start3A_1271 = arith.constant 0 : i32
    %dma_start3A_1272 = arith.constant 0 : i32
    %dma_start3A_1273 = tpu.memref_slice %arg6[%dma_start3A_1271, %dma_start3A_1272] : memref<100000x64xf32, #tpu.memory_space<hbm>> -> memref<100000x64xf32, #tpu.memory_space<hbm>>
    tpu.enqueue_indirect_dma source(%dma_start3A_1273 : memref<100000x64xf32, #tpu.memory_space<hbm>>) target(%arg18 : memref<64x64xf32, #tpu.memory_space<vmem>>) offsets(%dma_start3A_1270 : memref<64xi32, #tpu.memory_space<vmem>>) semaphore(%arg31 : memref<!tpu.dma_semaphore, #tpu.memory_space<semaphore_mem>>)
    %dma_start3A_1274 = arith.constant 4 : i32
    %dma_start3A_1275 = arith.constant 0 : i32
    %dma_start3A_1276 = tpu.memref_slice %arg15[%dma_start3A_1274, %dma_start3A_1275] : memref<8x64xi32, #tpu.memory_space<vmem>> -> memref<1x64xi32, #tpu.memory_space<vmem>>
    %dma_start3A_1277 = tpu.memref_squeeze %dma_start3A_1276 : memref<1x64xi32, #tpu.memory_space<vmem>> -> memref<64xi32, #tpu.memory_space<vmem>>
    %dma_start3A_1278 = arith.constant 0 : i32
    %dma_start3A_1279 = arith.constant 0 : i32
    %dma_start3A_1280 = tpu.memref_slice %arg7[%dma_start3A_1278, %dma_start3A_1279] : memref<1000x64xf32, #tpu.memory_space<hbm>> -> memref<1000x64xf32, #tpu.memory_space<hbm>>
    tpu.enqueue_indirect_dma source(%dma_start3A_1280 : memref<1000x64xf32, #tpu.memory_space<hbm>>) target(%arg19 : memref<64x64xf32, #tpu.memory_space<vmem>>) offsets(%dma_start3A_1277 : memref<64xi32, #tpu.memory_space<vmem>>) semaphore(%arg31 : memref<!tpu.dma_semaphore, #tpu.memory_space<semaphore_mem>>)
    %dma_start3A_1281 = arith.constant 4 : i32
    %dma_start3A_1282 = arith.constant 0 : i32
    %dma_start3A_1283 = tpu.memref_slice %arg16[%dma_start3A_1281, %dma_start3A_1282] : memref<8x64xi32, #tpu.memory_space<vmem>> -> memref<1x64xi32, #tpu.memory_space<vmem>>
    %dma_start3A_1284 = tpu.memref_squeeze %dma_start3A_1283 : memref<1x64xi32, #tpu.memory_space<vmem>> -> memref<64xi32, #tpu.memory_space<vmem>>
    %dma_start3A_1285 = arith.constant 0 : i32
    %dma_start3A_1286 = arith.constant 0 : i32
    %dma_start3A_1287 = tpu.memref_slice %arg6[%dma_start3A_1285, %dma_start3A_1286] : memref<100000x64xf32, #tpu.memory_space<hbm>> -> memref<100000x64xf32, #tpu.memory_space<hbm>>
    tpu.enqueue_indirect_dma source(%dma_start3A_1287 : memref<100000x64xf32, #tpu.memory_space<hbm>>) target(%arg20 : memref<64x64xf32, #tpu.memory_space<vmem>>) offsets(%dma_start3A_1284 : memref<64xi32, #tpu.memory_space<vmem>>) semaphore(%arg31 : memref<!tpu.dma_semaphore, #tpu.memory_space<semaphore_mem>>)
    %dma_start3A_1288 = arith.constant 4 : i32
    %dma_start3A_1289 = arith.constant 0 : i32
    %dma_start3A_1290 = tpu.memref_slice %arg17[%dma_start3A_1288, %dma_start3A_1289] : memref<8x64xi32, #tpu.memory_space<vmem>> -> memref<1x64xi32, #tpu.memory_space<vmem>>
    %dma_start3A_1291 = tpu.memref_squeeze %dma_start3A_1290 : memref<1x64xi32, #tpu.memory_space<vmem>> -> memref<64xi32, #tpu.memory_space<vmem>>
    %dma_start3A_1292 = arith.constant 0 : i32
    %dma_start3A_1293 = arith.constant 0 : i32
    %dma_start3A_1294 = tpu.memref_slice %arg6[%dma_start3A_1292, %dma_start3A_1293] : memref<100000x64xf32, #tpu.memory_space<hbm>> -> memref<100000x64xf32, #tpu.memory_space<hbm>>
    tpu.enqueue_indirect_dma source(%dma_start3A_1294 : memref<100000x64xf32, #tpu.memory_space<hbm>>) target(%arg21 : memref<64x64xf32, #tpu.memory_space<vmem>>) offsets(%dma_start3A_1291 : memref<64xi32, #tpu.memory_space<vmem>>) semaphore(%arg31 : memref<!tpu.dma_semaphore, #tpu.memory_space<semaphore_mem>>)
    %dma_wait3A_1295 = arith.constant 3 : i32
    %dma_wait3A_1296 = arith.constant 0 : i32
    %dma_wait3A_1297 = tpu.memref_slice %arg14[%dma_wait3A_1295, %dma_wait3A_1296] : memref<8x64xi32, #tpu.memory_space<vmem>> -> memref<1x64xi32, #tpu.memory_space<vmem>>
    %dma_wait3A_1298 = tpu.memref_squeeze %dma_wait3A_1297 : memref<1x64xi32, #tpu.memory_space<vmem>> -> memref<64xi32, #tpu.memory_space<vmem>>
    %dma_wait3A_1299 = arith.constant 0 : i32
    %dma_wait3A_1300 = arith.constant 0 : i32
    %dma_wait3A_1301 = tpu.memref_slice %arg6[%dma_wait3A_1299, %dma_wait3A_1300] : memref<100000x64xf32, #tpu.memory_space<hbm>> -> memref<100000x64xf32, #tpu.memory_space<hbm>>
    tpu.wait_indirect_dma semaphore(%arg32 : memref<!tpu.dma_semaphore, #tpu.memory_space<semaphore_mem>>) src(%dma_wait3A_1301 : memref<100000x64xf32, #tpu.memory_space<hbm>>) dst(%arg22 : memref<64x64xf32, #tpu.memory_space<vmem>>)
    %dma_wait3A_1302 = arith.constant 3 : i32
    %dma_wait3A_1303 = arith.constant 0 : i32
    %dma_wait3A_1304 = tpu.memref_slice %arg15[%dma_wait3A_1302, %dma_wait3A_1303] : memref<8x64xi32, #tpu.memory_space<vmem>> -> memref<1x64xi32, #tpu.memory_space<vmem>>
    %dma_wait3A_1305 = tpu.memref_squeeze %dma_wait3A_1304 : memref<1x64xi32, #tpu.memory_space<vmem>> -> memref<64xi32, #tpu.memory_space<vmem>>
    %dma_wait3A_1306 = arith.constant 0 : i32
    %dma_wait3A_1307 = arith.constant 0 : i32
    %dma_wait3A_1308 = tpu.memref_slice %arg7[%dma_wait3A_1306, %dma_wait3A_1307] : memref<1000x64xf32, #tpu.memory_space<hbm>> -> memref<1000x64xf32, #tpu.memory_space<hbm>>
    tpu.wait_indirect_dma semaphore(%arg32 : memref<!tpu.dma_semaphore, #tpu.memory_space<semaphore_mem>>) src(%dma_wait3A_1308 : memref<1000x64xf32, #tpu.memory_space<hbm>>) dst(%arg23 : memref<64x64xf32, #tpu.memory_space<vmem>>)
    %dma_wait3A_1309 = arith.constant 3 : i32
    %dma_wait3A_1310 = arith.constant 0 : i32
    %dma_wait3A_1311 = tpu.memref_slice %arg16[%dma_wait3A_1309, %dma_wait3A_1310] : memref<8x64xi32, #tpu.memory_space<vmem>> -> memref<1x64xi32, #tpu.memory_space<vmem>>
    %dma_wait3A_1312 = tpu.memref_squeeze %dma_wait3A_1311 : memref<1x64xi32, #tpu.memory_space<vmem>> -> memref<64xi32, #tpu.memory_space<vmem>>
    %dma_wait3A_1313 = arith.constant 0 : i32
    %dma_wait3A_1314 = arith.constant 0 : i32
    %dma_wait3A_1315 = tpu.memref_slice %arg6[%dma_wait3A_1313, %dma_wait3A_1314] : memref<100000x64xf32, #tpu.memory_space<hbm>> -> memref<100000x64xf32, #tpu.memory_space<hbm>>
    tpu.wait_indirect_dma semaphore(%arg32 : memref<!tpu.dma_semaphore, #tpu.memory_space<semaphore_mem>>) src(%dma_wait3A_1315 : memref<100000x64xf32, #tpu.memory_space<hbm>>) dst(%arg24 : memref<64x64xf32, #tpu.memory_space<vmem>>)
    %dma_wait3A_1316 = arith.constant 3 : i32
    %dma_wait3A_1317 = arith.constant 0 : i32
    %dma_wait3A_1318 = tpu.memref_slice %arg17[%dma_wait3A_1316, %dma_wait3A_1317] : memref<8x64xi32, #tpu.memory_space<vmem>> -> memref<1x64xi32, #tpu.memory_space<vmem>>
    %dma_wait3A_1319 = tpu.memref_squeeze %dma_wait3A_1318 : memref<1x64xi32, #tpu.memory_space<vmem>> -> memref<64xi32, #tpu.memory_space<vmem>>
    %dma_wait3A_1320 = arith.constant 0 : i32
    %dma_wait3A_1321 = arith.constant 0 : i32
    %dma_wait3A_1322 = tpu.memref_slice %arg6[%dma_wait3A_1320, %dma_wait3A_1321] : memref<100000x64xf32, #tpu.memory_space<hbm>> -> memref<100000x64xf32, #tpu.memory_space<hbm>>
    tpu.wait_indirect_dma semaphore(%arg32 : memref<!tpu.dma_semaphore, #tpu.memory_space<semaphore_mem>>) src(%dma_wait3A_1322 : memref<100000x64xf32, #tpu.memory_space<hbm>>) dst(%arg25 : memref<64x64xf32, #tpu.memory_space<vmem>>)
    %parallel_loop3A_1323 = arith.constant 0 : i32
    %parallel_loop3A_1324 = arith.constant 64 : i32
    %parallel_loop3A_1325 = arith.constant 1 : i32
    scf.for %parallel_loop3A_1724 = %parallel_loop3A_1323 to %parallel_loop3A_1324 step %parallel_loop3A_1325  : i32 {
      %parallel_loop3A_1725 = arith.constant 64 : i32
      %parallel_loop3A_1726 = arith.addi %parallel_loop3A_1724, %parallel_loop3A_1725 : i32
      %parallel_loop3A_1727 = arith.constant 0 : i32
      %parallel_loop3A_1728 = vector.broadcast %parallel_loop3A_1727 : i32 to vector<16xi32>
      %parallel_loop3A_1729 = vector.broadcast %parallel_loop3A_1726 : i32 to vector<16xi32>
      %parallel_loop3A_1730 = arith.addi %parallel_loop3A_1729, %parallel_loop3A_1728 : vector<16xi32>
      %parallel_loop3A_1731 = arith.index_cast %parallel_loop3A_1724 : i32 to index
      %parallel_loop3A_1732 = arith.constant 0 : index
      %parallel_loop3A_1733 = tpu.vector_load %arg22[%parallel_loop3A_1731, %parallel_loop3A_1732] {strides = array<i32>} : memref<64x64xf32, #tpu.memory_space<vmem>>, vector<16xf32>,
      %parallel_loop3A_1734 = arith.index_cast %parallel_loop3A_1724 : i32 to index
      %parallel_loop3A_1735 = arith.constant 0 : index
      %parallel_loop3A_1736 = tpu.vector_load %arg23[%parallel_loop3A_1734, %parallel_loop3A_1735] {strides = array<i32>} : memref<64x64xf32, #tpu.memory_space<vmem>>, vector<16xf32>,
      %parallel_loop3A_1737 = arith.addf %parallel_loop3A_1733, %parallel_loop3A_1736 : vector<16xf32>
      %parallel_loop3A_1738 = arith.addi %mul3A_936, %parallel_loop3A_1730 : vector<16xi32>
      %parallel_loop3A_1739 = arith.index_cast %parallel_loop3A_1724 : i32 to index
      %parallel_loop3A_1740 = arith.constant 0 : index
      %parallel_loop3A_1741 = tpu.vector_load %arg24[%parallel_loop3A_1739, %parallel_loop3A_1740] {strides = array<i32>} : memref<64x64xf32, #tpu.memory_space<vmem>>, vector<16xf32>,
      %parallel_loop3A_1742 = arith.subf %parallel_loop3A_1737, %parallel_loop3A_1741 : vector<16xf32>
      tpu.vector_store_idx %arg28[%select_n3A, %parallel_loop3A_1738], %parallel_loop3A_1742 : memref<8x1024xf32, #tpu.memory_space<vmem>>[vector<16xi32>, vector<16xi32>], vector<16xf32>,
      %parallel_loop3A_1743 = arith.index_cast %parallel_loop3A_1724 : i32 to index
      %parallel_loop3A_1744 = arith.constant 0 : index
      %parallel_loop3A_1745 = tpu.vector_load %arg25[%parallel_loop3A_1743, %parallel_loop3A_1744] {strides = array<i32>} : memref<64x64xf32, #tpu.memory_space<vmem>>, vector<16xf32>,
      %parallel_loop3A_1746 = arith.subf %parallel_loop3A_1737, %parallel_loop3A_1745 : vector<16xf32>
      tpu.vector_store_idx %arg29[%select_n3A, %parallel_loop3A_1738], %parallel_loop3A_1746 : memref<8x1024xf32, #tpu.memory_space<vmem>>[vector<16xi32>, vector<16xi32>], vector<16xf32>,
      %parallel_loop3A_1747 = arith.index_cast %parallel_loop3A_1724 : i32 to index
      %parallel_loop3A_1748 = arith.constant 16 : index
      %parallel_loop3A_1749 = tpu.vector_load %arg22[%parallel_loop3A_1747, %parallel_loop3A_1748] {strides = array<i32>} : memref<64x64xf32, #tpu.memory_space<vmem>>, vector<16xf32>,
      %parallel_loop3A_1750 = arith.index_cast %parallel_loop3A_1724 : i32 to index
      %parallel_loop3A_1751 = arith.constant 16 : index
      %parallel_loop3A_1752 = tpu.vector_load %arg23[%parallel_loop3A_1750, %parallel_loop3A_1751] {strides = array<i32>} : memref<64x64xf32, #tpu.memory_space<vmem>>, vector<16xf32>,
      %parallel_loop3A_1753 = arith.addf %parallel_loop3A_1749, %parallel_loop3A_1752 : vector<16xf32>
      %parallel_loop3A_1754 = arith.addi %mul3A_964, %parallel_loop3A_1730 : vector<16xi32>
      %parallel_loop3A_1755 = arith.index_cast %parallel_loop3A_1724 : i32 to index
      %parallel_loop3A_1756 = arith.constant 16 : index
      %parallel_loop3A_1757 = tpu.vector_load %arg24[%parallel_loop3A_1755, %parallel_loop3A_1756] {strides = array<i32>} : memref<64x64xf32, #tpu.memory_space<vmem>>, vector<16xf32>,
      %parallel_loop3A_1758 = arith.subf %parallel_loop3A_1753, %parallel_loop3A_1757 : vector<16xf32>
      tpu.vector_store_idx %arg28[%select_n3A_842, %parallel_loop3A_1754], %parallel_loop3A_1758 : memref<8x1024xf32, #tpu.memory_space<vmem>>[vector<16xi32>, vector<16xi32>], vector<16xf32>,
      %parallel_loop3A_1759 = arith.index_cast %parallel_loop3A_1724 : i32 to index
      %parallel_loop3A_1760 = arith.constant 16 : index
      %parallel_loop3A_1761 = tpu.vector_load %arg25[%parallel_loop3A_1759, %parallel_loop3A_1760] {strides = array<i32>} : memref<64x64xf32, #tpu.memory_space<vmem>>, vector<16xf32>,
      %parallel_loop3A_1762 = arith.subf %parallel_loop3A_1753, %parallel_loop3A_1761 : vector<16xf32>
      tpu.vector_store_idx %arg29[%select_n3A_842, %parallel_loop3A_1754], %parallel_loop3A_1762 : memref<8x1024xf32, #tpu.memory_space<vmem>>[vector<16xi32>, vector<16xi32>], vector<16xf32>,
      %parallel_loop3A_1763 = arith.index_cast %parallel_loop3A_1724 : i32 to index
      %parallel_loop3A_1764 = arith.constant 32 : index
      %parallel_loop3A_1765 = tpu.vector_load %arg22[%parallel_loop3A_1763, %parallel_loop3A_1764] {strides = array<i32>} : memref<64x64xf32, #tpu.memory_space<vmem>>, vector<16xf32>,
      %parallel_loop3A_1766 = arith.index_cast %parallel_loop3A_1724 : i32 to index
      %parallel_loop3A_1767 = arith.constant 32 : index
      %parallel_loop3A_1768 = tpu.vector_load %arg23[%parallel_loop3A_1766, %parallel_loop3A_1767] {strides = array<i32>} : memref<64x64xf32, #tpu.memory_space<vmem>>, vector<16xf32>,
      %parallel_loop3A_1769 = arith.addf %parallel_loop3A_1765, %parallel_loop3A_1768 : vector<16xf32>
      %parallel_loop3A_1770 = arith.addi %mul3A_992, %parallel_loop3A_1730 : vector<16xi32>
      %parallel_loop3A_1771 = arith.index_cast %parallel_loop3A_1724 : i32 to index
      %parallel_loop3A_1772 = arith.constant 32 : index
      %parallel_loop3A_1773 = tpu.vector_load %arg24[%parallel_loop3A_1771, %parallel_loop3A_1772] {strides = array<i32>} : memref<64x64xf32, #tpu.memory_space<vmem>>, vector<16xf32>,
      %parallel_loop3A_1774 = arith.subf %parallel_loop3A_1769, %parallel_loop3A_1773 : vector<16xf32>
      tpu.vector_store_idx %arg28[%select_n3A_876, %parallel_loop3A_1770], %parallel_loop3A_1774 : memref<8x1024xf32, #tpu.memory_space<vmem>>[vector<16xi32>, vector<16xi32>], vector<16xf32>,
      %parallel_loop3A_1775 = arith.index_cast %parallel_loop3A_1724 : i32 to index
      %parallel_loop3A_1776 = arith.constant 32 : index
      %parallel_loop3A_1777 = tpu.vector_load %arg25[%parallel_loop3A_1775, %parallel_loop3A_1776] {strides = array<i32>} : memref<64x64xf32, #tpu.memory_space<vmem>>, vector<16xf32>,
      %parallel_loop3A_1778 = arith.subf %parallel_loop3A_1769, %parallel_loop3A_1777 : vector<16xf32>
      tpu.vector_store_idx %arg29[%select_n3A_876, %parallel_loop3A_1770], %parallel_loop3A_1778 : memref<8x1024xf32, #tpu.memory_space<vmem>>[vector<16xi32>, vector<16xi32>], vector<16xf32>,
      %parallel_loop3A_1779 = arith.index_cast %parallel_loop3A_1724 : i32 to index
      %parallel_loop3A_1780 = arith.constant 48 : index
      %parallel_loop3A_1781 = tpu.vector_load %arg22[%parallel_loop3A_1779, %parallel_loop3A_1780] {strides = array<i32>} : memref<64x64xf32, #tpu.memory_space<vmem>>, vector<16xf32>,
      %parallel_loop3A_1782 = arith.index_cast %parallel_loop3A_1724 : i32 to index
      %parallel_loop3A_1783 = arith.constant 48 : index
      %parallel_loop3A_1784 = tpu.vector_load %arg23[%parallel_loop3A_1782, %parallel_loop3A_1783] {strides = array<i32>} : memref<64x64xf32, #tpu.memory_space<vmem>>, vector<16xf32>,
      %parallel_loop3A_1785 = arith.addf %parallel_loop3A_1781, %parallel_loop3A_1784 : vector<16xf32>
      %parallel_loop3A_1786 = arith.addi %mul3A_1020, %parallel_loop3A_1730 : vector<16xi32>
      %parallel_loop3A_1787 = arith.index_cast %parallel_loop3A_1724 : i32 to index
      %parallel_loop3A_1788 = arith.constant 48 : index
      %parallel_loop3A_1789 = tpu.vector_load %arg24[%parallel_loop3A_1787, %parallel_loop3A_1788] {strides = array<i32>} : memref<64x64xf32, #tpu.memory_space<vmem>>, vector<16xf32>,
      %parallel_loop3A_1790 = arith.subf %parallel_loop3A_1785, %parallel_loop3A_1789 : vector<16xf32>
      tpu.vector_store_idx %arg28[%select_n3A_910, %parallel_loop3A_1786], %parallel_loop3A_1790 : memref<8x1024xf32, #tpu.memory_space<vmem>>[vector<16xi32>, vector<16xi32>], vector<16xf32>,
      %parallel_loop3A_1791 = arith.index_cast %parallel_loop3A_1724 : i32 to index
      %parallel_loop3A_1792 = arith.constant 48 : index
      %parallel_loop3A_1793 = tpu.vector_load %arg25[%parallel_loop3A_1791, %parallel_loop3A_1792] {strides = array<i32>} : memref<64x64xf32, #tpu.memory_space<vmem>>, vector<16xf32>,
      %parallel_loop3A_1794 = arith.subf %parallel_loop3A_1785, %parallel_loop3A_1793 : vector<16xf32>
      tpu.vector_store_idx %arg29[%select_n3A_910, %parallel_loop3A_1786], %parallel_loop3A_1794 : memref<8x1024xf32, #tpu.memory_space<vmem>>[vector<16xi32>, vector<16xi32>], vector<16xf32>,
    } {sc.loop_unroll_factor = 1 : i64, sc.parallel_access}
    %add3A_1326 = arith.constant 128 : i32
    %add3A_1327 = arith.addi %mul3A_2, %add3A_1326 : i32
    %jit3A_1328 = arith.constant 128 : i32
    %div3A_1329 = arith.divsi %add3A_1327, %jit3A_1328 : i32
    %sign3A_1330 = arith.constant 0 : i32
    %sign3A_1331 = arith.cmpi sgt, %add3A_1327, %sign3A_1330 : i32
    %sign3A_1332 = arith.extui %sign3A_1331 : i1 to i32
    %sign3A_1333 = arith.constant 0 : i32
    %sign3A_1334 = arith.cmpi slt, %add3A_1327, %sign3A_1333 : i32
    %sign3A_1335 = arith.extui %sign3A_1334 : i1 to i32
    %sign3A_1336 = arith.subi %sign3A_1332, %sign3A_1335 : i32
    %sign3A_1337 = arith.constant 0 : i32
    %sign3A_1338 = arith.cmpi sgt, %jit3A_1328, %sign3A_1337 : i32
    %sign3A_1339 = arith.extui %sign3A_1338 : i1 to i32
    %sign3A_1340 = arith.constant 0 : i32
    %sign3A_1341 = arith.cmpi slt, %jit3A_1328, %sign3A_1340 : i32
    %sign3A_1342 = arith.extui %sign3A_1341 : i1 to i32
    %sign3A_1343 = arith.subi %sign3A_1339, %sign3A_1342 : i32
    %ne3A_1344 = arith.cmpi ne, %sign3A_1336, %sign3A_1343 : i32
    %rem3A_1345 = arith.remsi %add3A_1327, %jit3A_1328 : i32
    %ne3A_1346 = arith.constant 0 : i32
    %ne3A_1347 = arith.cmpi ne, %rem3A_1345, %ne3A_1346 : i32
    %and3A_1348 = arith.andi %ne3A_1344, %ne3A_1347 : i1
    %sub3A_1349 = arith.constant 1 : i32
    %sub3A_1350 = arith.subi %div3A_1329, %sub3A_1349 : i32
    %select_n3A_1351 = arith.select %and3A_1348, %sub3A_1350, %div3A_1329 : i32
    %dma_start3A_1352 = arith.constant 0 : i32
    %dma_start3A_1353 = arith.constant 0 : i32
    %dma_start3A_1354 = tpu.memref_slice %arg8[%dma_start3A_1352, %select_n3A_1351, %dma_start3A_1353] : memref<8x128x1024xf32, #tpu.memory_space<hbm>> -> memref<8x1x1024xf32, #tpu.memory_space<hbm>>
    %dma_start3A_1355 = tpu.memref_squeeze %dma_start3A_1354 : memref<8x1x1024xf32, #tpu.memory_space<hbm>> -> memref<8x1024xf32, #tpu.memory_space<hbm>>
    %dma_start3A_1356 = arith.constant 0 : i32
    %dma_start3A_1357 = arith.constant 0 : i32
    %dma_start3A_1358 = tpu.memref_slice %arg8[%dma_start3A_1356, %select_n3A_1351, %dma_start3A_1357] : memref<8x128x1024xf32, #tpu.memory_space<hbm>> -> memref<8x1x1024xf32, #tpu.memory_space<hbm>>
    %dma_start3A_1359 = tpu.memref_squeeze %dma_start3A_1358 : memref<8x1x1024xf32, #tpu.memory_space<hbm>> -> memref<8x1024xf32, #tpu.memory_space<hbm>>
    tpu.enqueue_dma source(%arg28 : memref<8x1024xf32, #tpu.memory_space<vmem>>) target(%dma_start3A_1359 : memref<8x1024xf32, #tpu.memory_space<hbm>>) target_semaphore(%arg34 : memref<!tpu.dma_semaphore, #tpu.memory_space<semaphore_mem>>)
    %dma_start3A_1360 = arith.constant 0 : i32
    %dma_start3A_1361 = arith.constant 0 : i32
    %dma_start3A_1362 = tpu.memref_slice %arg9[%dma_start3A_1360, %select_n3A_1351, %dma_start3A_1361] : memref<8x128x1024xf32, #tpu.memory_space<hbm>> -> memref<8x1x1024xf32, #tpu.memory_space<hbm>>
    %dma_start3A_1363 = tpu.memref_squeeze %dma_start3A_1362 : memref<8x1x1024xf32, #tpu.memory_space<hbm>> -> memref<8x1024xf32, #tpu.memory_space<hbm>>
    %dma_start3A_1364 = arith.constant 0 : i32
    %dma_start3A_1365 = arith.constant 0 : i32
    %dma_start3A_1366 = tpu.memref_slice %arg9[%dma_start3A_1364, %select_n3A_1351, %dma_start3A_1365] : memref<8x128x1024xf32, #tpu.memory_space<hbm>> -> memref<8x1x1024xf32, #tpu.memory_space<hbm>>
    %dma_start3A_1367 = tpu.memref_squeeze %dma_start3A_1366 : memref<8x1x1024xf32, #tpu.memory_space<hbm>> -> memref<8x1024xf32, #tpu.memory_space<hbm>>
    tpu.enqueue_dma source(%arg29 : memref<8x1024xf32, #tpu.memory_space<vmem>>) target(%dma_start3A_1367 : memref<8x1024xf32, #tpu.memory_space<hbm>>) target_semaphore(%arg34 : memref<!tpu.dma_semaphore, #tpu.memory_space<semaphore_mem>>)
    %dma_start3A_1368 = arith.constant 5 : i32
    %dma_start3A_1369 = arith.constant 0 : i32
    %dma_start3A_1370 = tpu.memref_slice %arg14[%dma_start3A_1368, %dma_start3A_1369] : memref<8x64xi32, #tpu.memory_space<vmem>> -> memref<1x64xi32, #tpu.memory_space<vmem>>
    %dma_start3A_1371 = tpu.memref_squeeze %dma_start3A_1370 : memref<1x64xi32, #tpu.memory_space<vmem>> -> memref<64xi32, #tpu.memory_space<vmem>>
    %dma_start3A_1372 = arith.constant 0 : i32
    %dma_start3A_1373 = arith.constant 0 : i32
    %dma_start3A_1374 = tpu.memref_slice %arg6[%dma_start3A_1372, %dma_start3A_1373] : memref<100000x64xf32, #tpu.memory_space<hbm>> -> memref<100000x64xf32, #tpu.memory_space<hbm>>
    tpu.enqueue_indirect_dma source(%dma_start3A_1374 : memref<100000x64xf32, #tpu.memory_space<hbm>>) target(%arg22 : memref<64x64xf32, #tpu.memory_space<vmem>>) offsets(%dma_start3A_1371 : memref<64xi32, #tpu.memory_space<vmem>>) semaphore(%arg32 : memref<!tpu.dma_semaphore, #tpu.memory_space<semaphore_mem>>)
    %dma_start3A_1375 = arith.constant 5 : i32
    %dma_start3A_1376 = arith.constant 0 : i32
    %dma_start3A_1377 = tpu.memref_slice %arg15[%dma_start3A_1375, %dma_start3A_1376] : memref<8x64xi32, #tpu.memory_space<vmem>> -> memref<1x64xi32, #tpu.memory_space<vmem>>
    %dma_start3A_1378 = tpu.memref_squeeze %dma_start3A_1377 : memref<1x64xi32, #tpu.memory_space<vmem>> -> memref<64xi32, #tpu.memory_space<vmem>>
    %dma_start3A_1379 = arith.constant 0 : i32
    %dma_start3A_1380 = arith.constant 0 : i32
    %dma_start3A_1381 = tpu.memref_slice %arg7[%dma_start3A_1379, %dma_start3A_1380] : memref<1000x64xf32, #tpu.memory_space<hbm>> -> memref<1000x64xf32, #tpu.memory_space<hbm>>
    tpu.enqueue_indirect_dma source(%dma_start3A_1381 : memref<1000x64xf32, #tpu.memory_space<hbm>>) target(%arg23 : memref<64x64xf32, #tpu.memory_space<vmem>>) offsets(%dma_start3A_1378 : memref<64xi32, #tpu.memory_space<vmem>>) semaphore(%arg32 : memref<!tpu.dma_semaphore, #tpu.memory_space<semaphore_mem>>)
    %dma_start3A_1382 = arith.constant 5 : i32
    %dma_start3A_1383 = arith.constant 0 : i32
    %dma_start3A_1384 = tpu.memref_slice %arg16[%dma_start3A_1382, %dma_start3A_1383] : memref<8x64xi32, #tpu.memory_space<vmem>> -> memref<1x64xi32, #tpu.memory_space<vmem>>
    %dma_start3A_1385 = tpu.memref_squeeze %dma_start3A_1384 : memref<1x64xi32, #tpu.memory_space<vmem>> -> memref<64xi32, #tpu.memory_space<vmem>>
    %dma_start3A_1386 = arith.constant 0 : i32
    %dma_start3A_1387 = arith.constant 0 : i32
    %dma_start3A_1388 = tpu.memref_slice %arg6[%dma_start3A_1386, %dma_start3A_1387] : memref<100000x64xf32, #tpu.memory_space<hbm>> -> memref<100000x64xf32, #tpu.memory_space<hbm>>
    tpu.enqueue_indirect_dma source(%dma_start3A_1388 : memref<100000x64xf32, #tpu.memory_space<hbm>>) target(%arg24 : memref<64x64xf32, #tpu.memory_space<vmem>>) offsets(%dma_start3A_1385 : memref<64xi32, #tpu.memory_space<vmem>>) semaphore(%arg32 : memref<!tpu.dma_semaphore, #tpu.memory_space<semaphore_mem>>)
    %dma_start3A_1389 = arith.constant 5 : i32
    %dma_start3A_1390 = arith.constant 0 : i32
    %dma_start3A_1391 = tpu.memref_slice %arg17[%dma_start3A_1389, %dma_start3A_1390] : memref<8x64xi32, #tpu.memory_space<vmem>> -> memref<1x64xi32, #tpu.memory_space<vmem>>
    %dma_start3A_1392 = tpu.memref_squeeze %dma_start3A_1391 : memref<1x64xi32, #tpu.memory_space<vmem>> -> memref<64xi32, #tpu.memory_space<vmem>>
    %dma_start3A_1393 = arith.constant 0 : i32
    %dma_start3A_1394 = arith.constant 0 : i32
    %dma_start3A_1395 = tpu.memref_slice %arg6[%dma_start3A_1393, %dma_start3A_1394] : memref<100000x64xf32, #tpu.memory_space<hbm>> -> memref<100000x64xf32, #tpu.memory_space<hbm>>
    tpu.enqueue_indirect_dma source(%dma_start3A_1395 : memref<100000x64xf32, #tpu.memory_space<hbm>>) target(%arg25 : memref<64x64xf32, #tpu.memory_space<vmem>>) offsets(%dma_start3A_1392 : memref<64xi32, #tpu.memory_space<vmem>>) semaphore(%arg32 : memref<!tpu.dma_semaphore, #tpu.memory_space<semaphore_mem>>)
    %dma_wait3A_1396 = arith.constant 0 : i32
    %dma_wait3A_1397 = arith.constant 0 : i32
    %dma_wait3A_1398 = tpu.memref_slice %arg8[%dma_wait3A_1396, %select_n3A_1191, %dma_wait3A_1397] : memref<8x128x1024xf32, #tpu.memory_space<hbm>> -> memref<8x1x1024xf32, #tpu.memory_space<hbm>>
    %dma_wait3A_1399 = tpu.memref_squeeze %dma_wait3A_1398 : memref<8x1x1024xf32, #tpu.memory_space<hbm>> -> memref<8x1024xf32, #tpu.memory_space<hbm>>
    %dma_wait3A_1400 = arith.constant 0 : i32
    %dma_wait3A_1401 = arith.constant 0 : i32
    %dma_wait3A_1402 = tpu.memref_slice %arg8[%dma_wait3A_1400, %select_n3A_1191, %dma_wait3A_1401] : memref<8x128x1024xf32, #tpu.memory_space<hbm>> -> memref<8x1x1024xf32, #tpu.memory_space<hbm>>
    %dma_wait3A_1403 = tpu.memref_squeeze %dma_wait3A_1402 : memref<8x1x1024xf32, #tpu.memory_space<hbm>> -> memref<8x1024xf32, #tpu.memory_space<hbm>>
    tpu.wait_dma2 semaphore(%arg33 : memref<!tpu.dma_semaphore, #tpu.memory_space<semaphore_mem>>) src(%arg26 : memref<8x1024xf32, #tpu.memory_space<vmem>>) dst(%dma_wait3A_1403 : memref<8x1024xf32, #tpu.memory_space<hbm>>)
    %dma_wait3A_1404 = arith.constant 0 : i32
    %dma_wait3A_1405 = arith.constant 0 : i32
    %dma_wait3A_1406 = tpu.memref_slice %arg9[%dma_wait3A_1404, %select_n3A_1191, %dma_wait3A_1405] : memref<8x128x1024xf32, #tpu.memory_space<hbm>> -> memref<8x1x1024xf32, #tpu.memory_space<hbm>>
    %dma_wait3A_1407 = tpu.memref_squeeze %dma_wait3A_1406 : memref<8x1x1024xf32, #tpu.memory_space<hbm>> -> memref<8x1024xf32, #tpu.memory_space<hbm>>
    %dma_wait3A_1408 = arith.constant 0 : i32
    %dma_wait3A_1409 = arith.constant 0 : i32
    %dma_wait3A_1410 = tpu.memref_slice %arg9[%dma_wait3A_1408, %select_n3A_1191, %dma_wait3A_1409] : memref<8x128x1024xf32, #tpu.memory_space<hbm>> -> memref<8x1x1024xf32, #tpu.memory_space<hbm>>
    %dma_wait3A_1411 = tpu.memref_squeeze %dma_wait3A_1410 : memref<8x1x1024xf32, #tpu.memory_space<hbm>> -> memref<8x1024xf32, #tpu.memory_space<hbm>>
    tpu.wait_dma2 semaphore(%arg33 : memref<!tpu.dma_semaphore, #tpu.memory_space<semaphore_mem>>) src(%arg27 : memref<8x1024xf32, #tpu.memory_space<vmem>>) dst(%dma_wait3A_1411 : memref<8x1024xf32, #tpu.memory_space<hbm>>)
    %dma_wait3A_1412 = arith.constant 4 : i32
    %dma_wait3A_1413 = arith.constant 0 : i32
    %dma_wait3A_1414 = tpu.memref_slice %arg14[%dma_wait3A_1412, %dma_wait3A_1413] : memref<8x64xi32, #tpu.memory_space<vmem>> -> memref<1x64xi32, #tpu.memory_space<vmem>>
    %dma_wait3A_1415 = tpu.memref_squeeze %dma_wait3A_1414 : memref<1x64xi32, #tpu.memory_space<vmem>> -> memref<64xi32, #tpu.memory_space<vmem>>
    %dma_wait3A_1416 = arith.constant 0 : i32
    %dma_wait3A_1417 = arith.constant 0 : i32
    %dma_wait3A_1418 = tpu.memref_slice %arg6[%dma_wait3A_1416, %dma_wait3A_1417] : memref<100000x64xf32, #tpu.memory_space<hbm>> -> memref<100000x64xf32, #tpu.memory_space<hbm>>
    tpu.wait_indirect_dma semaphore(%arg31 : memref<!tpu.dma_semaphore, #tpu.memory_space<semaphore_mem>>) src(%dma_wait3A_1418 : memref<100000x64xf32, #tpu.memory_space<hbm>>) dst(%arg18 : memref<64x64xf32, #tpu.memory_space<vmem>>)
    %dma_wait3A_1419 = arith.constant 4 : i32
    %dma_wait3A_1420 = arith.constant 0 : i32
    %dma_wait3A_1421 = tpu.memref_slice %arg15[%dma_wait3A_1419, %dma_wait3A_1420] : memref<8x64xi32, #tpu.memory_space<vmem>> -> memref<1x64xi32, #tpu.memory_space<vmem>>
    %dma_wait3A_1422 = tpu.memref_squeeze %dma_wait3A_1421 : memref<1x64xi32, #tpu.memory_space<vmem>> -> memref<64xi32, #tpu.memory_space<vmem>>
    %dma_wait3A_1423 = arith.constant 0 : i32
    %dma_wait3A_1424 = arith.constant 0 : i32
    %dma_wait3A_1425 = tpu.memref_slice %arg7[%dma_wait3A_1423, %dma_wait3A_1424] : memref<1000x64xf32, #tpu.memory_space<hbm>> -> memref<1000x64xf32, #tpu.memory_space<hbm>>
    tpu.wait_indirect_dma semaphore(%arg31 : memref<!tpu.dma_semaphore, #tpu.memory_space<semaphore_mem>>) src(%dma_wait3A_1425 : memref<1000x64xf32, #tpu.memory_space<hbm>>) dst(%arg19 : memref<64x64xf32, #tpu.memory_space<vmem>>)
    %dma_wait3A_1426 = arith.constant 4 : i32
    %dma_wait3A_1427 = arith.constant 0 : i32
    %dma_wait3A_1428 = tpu.memref_slice %arg16[%dma_wait3A_1426, %dma_wait3A_1427] : memref<8x64xi32, #tpu.memory_space<vmem>> -> memref<1x64xi32, #tpu.memory_space<vmem>>
    %dma_wait3A_1429 = tpu.memref_squeeze %dma_wait3A_1428 : memref<1x64xi32, #tpu.memory_space<vmem>> -> memref<64xi32, #tpu.memory_space<vmem>>
    %dma_wait3A_1430 = arith.constant 0 : i32
    %dma_wait3A_1431 = arith.constant 0 : i32
    %dma_wait3A_1432 = tpu.memref_slice %arg6[%dma_wait3A_1430, %dma_wait3A_1431] : memref<100000x64xf32, #tpu.memory_space<hbm>> -> memref<100000x64xf32, #tpu.memory_space<hbm>>
    tpu.wait_indirect_dma semaphore(%arg31 : memref<!tpu.dma_semaphore, #tpu.memory_space<semaphore_mem>>) src(%dma_wait3A_1432 : memref<100000x64xf32, #tpu.memory_space<hbm>>) dst(%arg20 : memref<64x64xf32, #tpu.memory_space<vmem>>)
    %dma_wait3A_1433 = arith.constant 4 : i32
    %dma_wait3A_1434 = arith.constant 0 : i32
    %dma_wait3A_1435 = tpu.memref_slice %arg17[%dma_wait3A_1433, %dma_wait3A_1434] : memref<8x64xi32, #tpu.memory_space<vmem>> -> memref<1x64xi32, #tpu.memory_space<vmem>>
    %dma_wait3A_1436 = tpu.memref_squeeze %dma_wait3A_1435 : memref<1x64xi32, #tpu.memory_space<vmem>> -> memref<64xi32, #tpu.memory_space<vmem>>
    %dma_wait3A_1437 = arith.constant 0 : i32
    %dma_wait3A_1438 = arith.constant 0 : i32
    %dma_wait3A_1439 = tpu.memref_slice %arg6[%dma_wait3A_1437, %dma_wait3A_1438] : memref<100000x64xf32, #tpu.memory_space<hbm>> -> memref<100000x64xf32, #tpu.memory_space<hbm>>
    tpu.wait_indirect_dma semaphore(%arg31 : memref<!tpu.dma_semaphore, #tpu.memory_space<semaphore_mem>>) src(%dma_wait3A_1439 : memref<100000x64xf32, #tpu.memory_space<hbm>>) dst(%arg21 : memref<64x64xf32, #tpu.memory_space<vmem>>)
    %parallel_loop3A_1440 = arith.constant 0 : i32
    %parallel_loop3A_1441 = arith.constant 64 : i32
    %parallel_loop3A_1442 = arith.constant 1 : i32
    scf.for %parallel_loop3A_1724 = %parallel_loop3A_1440 to %parallel_loop3A_1441 step %parallel_loop3A_1442  : i32 {
      %parallel_loop3A_1725 = arith.constant 0 : i32
      %parallel_loop3A_1726 = arith.addi %parallel_loop3A_1724, %parallel_loop3A_1725 : i32
      %parallel_loop3A_1727 = arith.constant 0 : i32
      %parallel_loop3A_1728 = vector.broadcast %parallel_loop3A_1727 : i32 to vector<16xi32>
      %parallel_loop3A_1729 = vector.broadcast %parallel_loop3A_1726 : i32 to vector<16xi32>
      %parallel_loop3A_1730 = arith.addi %parallel_loop3A_1729, %parallel_loop3A_1728 : vector<16xi32>
      %parallel_loop3A_1731 = arith.index_cast %parallel_loop3A_1724 : i32 to index
      %parallel_loop3A_1732 = arith.constant 0 : index
      %parallel_loop3A_1733 = tpu.vector_load %arg18[%parallel_loop3A_1731, %parallel_loop3A_1732] {strides = array<i32>} : memref<64x64xf32, #tpu.memory_space<vmem>>, vector<16xf32>,
      %parallel_loop3A_1734 = arith.index_cast %parallel_loop3A_1724 : i32 to index
      %parallel_loop3A_1735 = arith.constant 0 : index
      %parallel_loop3A_1736 = tpu.vector_load %arg19[%parallel_loop3A_1734, %parallel_loop3A_1735] {strides = array<i32>} : memref<64x64xf32, #tpu.memory_space<vmem>>, vector<16xf32>,
      %parallel_loop3A_1737 = arith.addf %parallel_loop3A_1733, %parallel_loop3A_1736 : vector<16xf32>
      %parallel_loop3A_1738 = arith.addi %mul3A_936, %parallel_loop3A_1730 : vector<16xi32>
      %parallel_loop3A_1739 = arith.index_cast %parallel_loop3A_1724 : i32 to index
      %parallel_loop3A_1740 = arith.constant 0 : index
      %parallel_loop3A_1741 = tpu.vector_load %arg20[%parallel_loop3A_1739, %parallel_loop3A_1740] {strides = array<i32>} : memref<64x64xf32, #tpu.memory_space<vmem>>, vector<16xf32>,
      %parallel_loop3A_1742 = arith.subf %parallel_loop3A_1737, %parallel_loop3A_1741 : vector<16xf32>
      tpu.vector_store_idx %arg26[%select_n3A, %parallel_loop3A_1738], %parallel_loop3A_1742 : memref<8x1024xf32, #tpu.memory_space<vmem>>[vector<16xi32>, vector<16xi32>], vector<16xf32>,
      %parallel_loop3A_1743 = arith.index_cast %parallel_loop3A_1724 : i32 to index
      %parallel_loop3A_1744 = arith.constant 0 : index
      %parallel_loop3A_1745 = tpu.vector_load %arg21[%parallel_loop3A_1743, %parallel_loop3A_1744] {strides = array<i32>} : memref<64x64xf32, #tpu.memory_space<vmem>>, vector<16xf32>,
      %parallel_loop3A_1746 = arith.subf %parallel_loop3A_1737, %parallel_loop3A_1745 : vector<16xf32>
      tpu.vector_store_idx %arg27[%select_n3A, %parallel_loop3A_1738], %parallel_loop3A_1746 : memref<8x1024xf32, #tpu.memory_space<vmem>>[vector<16xi32>, vector<16xi32>], vector<16xf32>,
      %parallel_loop3A_1747 = arith.index_cast %parallel_loop3A_1724 : i32 to index
      %parallel_loop3A_1748 = arith.constant 16 : index
      %parallel_loop3A_1749 = tpu.vector_load %arg18[%parallel_loop3A_1747, %parallel_loop3A_1748] {strides = array<i32>} : memref<64x64xf32, #tpu.memory_space<vmem>>, vector<16xf32>,
      %parallel_loop3A_1750 = arith.index_cast %parallel_loop3A_1724 : i32 to index
      %parallel_loop3A_1751 = arith.constant 16 : index
      %parallel_loop3A_1752 = tpu.vector_load %arg19[%parallel_loop3A_1750, %parallel_loop3A_1751] {strides = array<i32>} : memref<64x64xf32, #tpu.memory_space<vmem>>, vector<16xf32>,
      %parallel_loop3A_1753 = arith.addf %parallel_loop3A_1749, %parallel_loop3A_1752 : vector<16xf32>
      %parallel_loop3A_1754 = arith.addi %mul3A_964, %parallel_loop3A_1730 : vector<16xi32>
      %parallel_loop3A_1755 = arith.index_cast %parallel_loop3A_1724 : i32 to index
      %parallel_loop3A_1756 = arith.constant 16 : index
      %parallel_loop3A_1757 = tpu.vector_load %arg20[%parallel_loop3A_1755, %parallel_loop3A_1756] {strides = array<i32>} : memref<64x64xf32, #tpu.memory_space<vmem>>, vector<16xf32>,
      %parallel_loop3A_1758 = arith.subf %parallel_loop3A_1753, %parallel_loop3A_1757 : vector<16xf32>
      tpu.vector_store_idx %arg26[%select_n3A_842, %parallel_loop3A_1754], %parallel_loop3A_1758 : memref<8x1024xf32, #tpu.memory_space<vmem>>[vector<16xi32>, vector<16xi32>], vector<16xf32>,
      %parallel_loop3A_1759 = arith.index_cast %parallel_loop3A_1724 : i32 to index
      %parallel_loop3A_1760 = arith.constant 16 : index
      %parallel_loop3A_1761 = tpu.vector_load %arg21[%parallel_loop3A_1759, %parallel_loop3A_1760] {strides = array<i32>} : memref<64x64xf32, #tpu.memory_space<vmem>>, vector<16xf32>,
      %parallel_loop3A_1762 = arith.subf %parallel_loop3A_1753, %parallel_loop3A_1761 : vector<16xf32>
      tpu.vector_store_idx %arg27[%select_n3A_842, %parallel_loop3A_1754], %parallel_loop3A_1762 : memref<8x1024xf32, #tpu.memory_space<vmem>>[vector<16xi32>, vector<16xi32>], vector<16xf32>,
      %parallel_loop3A_1763 = arith.index_cast %parallel_loop3A_1724 : i32 to index
      %parallel_loop3A_1764 = arith.constant 32 : index
      %parallel_loop3A_1765 = tpu.vector_load %arg18[%parallel_loop3A_1763, %parallel_loop3A_1764] {strides = array<i32>} : memref<64x64xf32, #tpu.memory_space<vmem>>, vector<16xf32>,
      %parallel_loop3A_1766 = arith.index_cast %parallel_loop3A_1724 : i32 to index
      %parallel_loop3A_1767 = arith.constant 32 : index
      %parallel_loop3A_1768 = tpu.vector_load %arg19[%parallel_loop3A_1766, %parallel_loop3A_1767] {strides = array<i32>} : memref<64x64xf32, #tpu.memory_space<vmem>>, vector<16xf32>,
      %parallel_loop3A_1769 = arith.addf %parallel_loop3A_1765, %parallel_loop3A_1768 : vector<16xf32>
      %parallel_loop3A_1770 = arith.addi %mul3A_992, %parallel_loop3A_1730 : vector<16xi32>
      %parallel_loop3A_1771 = arith.index_cast %parallel_loop3A_1724 : i32 to index
      %parallel_loop3A_1772 = arith.constant 32 : index
      %parallel_loop3A_1773 = tpu.vector_load %arg20[%parallel_loop3A_1771, %parallel_loop3A_1772] {strides = array<i32>} : memref<64x64xf32, #tpu.memory_space<vmem>>, vector<16xf32>,
      %parallel_loop3A_1774 = arith.subf %parallel_loop3A_1769, %parallel_loop3A_1773 : vector<16xf32>
      tpu.vector_store_idx %arg26[%select_n3A_876, %parallel_loop3A_1770], %parallel_loop3A_1774 : memref<8x1024xf32, #tpu.memory_space<vmem>>[vector<16xi32>, vector<16xi32>], vector<16xf32>,
      %parallel_loop3A_1775 = arith.index_cast %parallel_loop3A_1724 : i32 to index
      %parallel_loop3A_1776 = arith.constant 32 : index
      %parallel_loop3A_1777 = tpu.vector_load %arg21[%parallel_loop3A_1775, %parallel_loop3A_1776] {strides = array<i32>} : memref<64x64xf32, #tpu.memory_space<vmem>>, vector<16xf32>,
      %parallel_loop3A_1778 = arith.subf %parallel_loop3A_1769, %parallel_loop3A_1777 : vector<16xf32>
      tpu.vector_store_idx %arg27[%select_n3A_876, %parallel_loop3A_1770], %parallel_loop3A_1778 : memref<8x1024xf32, #tpu.memory_space<vmem>>[vector<16xi32>, vector<16xi32>], vector<16xf32>,
      %parallel_loop3A_1779 = arith.index_cast %parallel_loop3A_1724 : i32 to index
      %parallel_loop3A_1780 = arith.constant 48 : index
      %parallel_loop3A_1781 = tpu.vector_load %arg18[%parallel_loop3A_1779, %parallel_loop3A_1780] {strides = array<i32>} : memref<64x64xf32, #tpu.memory_space<vmem>>, vector<16xf32>,
      %parallel_loop3A_1782 = arith.index_cast %parallel_loop3A_1724 : i32 to index
      %parallel_loop3A_1783 = arith.constant 48 : index
      %parallel_loop3A_1784 = tpu.vector_load %arg19[%parallel_loop3A_1782, %parallel_loop3A_1783] {strides = array<i32>} : memref<64x64xf32, #tpu.memory_space<vmem>>, vector<16xf32>,
      %parallel_loop3A_1785 = arith.addf %parallel_loop3A_1781, %parallel_loop3A_1784 : vector<16xf32>
      %parallel_loop3A_1786 = arith.addi %mul3A_1020, %parallel_loop3A_1730 : vector<16xi32>
      %parallel_loop3A_1787 = arith.index_cast %parallel_loop3A_1724 : i32 to index
      %parallel_loop3A_1788 = arith.constant 48 : index
      %parallel_loop3A_1789 = tpu.vector_load %arg20[%parallel_loop3A_1787, %parallel_loop3A_1788] {strides = array<i32>} : memref<64x64xf32, #tpu.memory_space<vmem>>, vector<16xf32>,
      %parallel_loop3A_1790 = arith.subf %parallel_loop3A_1785, %parallel_loop3A_1789 : vector<16xf32>
      tpu.vector_store_idx %arg26[%select_n3A_910, %parallel_loop3A_1786], %parallel_loop3A_1790 : memref<8x1024xf32, #tpu.memory_space<vmem>>[vector<16xi32>, vector<16xi32>], vector<16xf32>,
      %parallel_loop3A_1791 = arith.index_cast %parallel_loop3A_1724 : i32 to index
      %parallel_loop3A_1792 = arith.constant 48 : index
      %parallel_loop3A_1793 = tpu.vector_load %arg21[%parallel_loop3A_1791, %parallel_loop3A_1792] {strides = array<i32>} : memref<64x64xf32, #tpu.memory_space<vmem>>, vector<16xf32>,
      %parallel_loop3A_1794 = arith.subf %parallel_loop3A_1785, %parallel_loop3A_1793 : vector<16xf32>
      tpu.vector_store_idx %arg27[%select_n3A_910, %parallel_loop3A_1786], %parallel_loop3A_1794 : memref<8x1024xf32, #tpu.memory_space<vmem>>[vector<16xi32>, vector<16xi32>], vector<16xf32>,
    } {sc.loop_unroll_factor = 1 : i64, sc.parallel_access}
    %dma_start3A_1443 = arith.constant 6 : i32
    %dma_start3A_1444 = arith.constant 0 : i32
    %dma_start3A_1445 = tpu.memref_slice %arg14[%dma_start3A_1443, %dma_start3A_1444] : memref<8x64xi32, #tpu.memory_space<vmem>> -> memref<1x64xi32, #tpu.memory_space<vmem>>
    %dma_start3A_1446 = tpu.memref_squeeze %dma_start3A_1445 : memref<1x64xi32, #tpu.memory_space<vmem>> -> memref<64xi32, #tpu.memory_space<vmem>>
    %dma_start3A_1447 = arith.constant 0 : i32
    %dma_start3A_1448 = arith.constant 0 : i32
    %dma_start3A_1449 = tpu.memref_slice %arg6[%dma_start3A_1447, %dma_start3A_1448] : memref<100000x64xf32, #tpu.memory_space<hbm>> -> memref<100000x64xf32, #tpu.memory_space<hbm>>
    tpu.enqueue_indirect_dma source(%dma_start3A_1449 : memref<100000x64xf32, #tpu.memory_space<hbm>>) target(%arg18 : memref<64x64xf32, #tpu.memory_space<vmem>>) offsets(%dma_start3A_1446 : memref<64xi32, #tpu.memory_space<vmem>>) semaphore(%arg31 : memref<!tpu.dma_semaphore, #tpu.memory_space<semaphore_mem>>)
    %dma_start3A_1450 = arith.constant 6 : i32
    %dma_start3A_1451 = arith.constant 0 : i32
    %dma_start3A_1452 = tpu.memref_slice %arg15[%dma_start3A_1450, %dma_start3A_1451] : memref<8x64xi32, #tpu.memory_space<vmem>> -> memref<1x64xi32, #tpu.memory_space<vmem>>
    %dma_start3A_1453 = tpu.memref_squeeze %dma_start3A_1452 : memref<1x64xi32, #tpu.memory_space<vmem>> -> memref<64xi32, #tpu.memory_space<vmem>>
    %dma_start3A_1454 = arith.constant 0 : i32
    %dma_start3A_1455 = arith.constant 0 : i32
    %dma_start3A_1456 = tpu.memref_slice %arg7[%dma_start3A_1454, %dma_start3A_1455] : memref<1000x64xf32, #tpu.memory_space<hbm>> -> memref<1000x64xf32, #tpu.memory_space<hbm>>
    tpu.enqueue_indirect_dma source(%dma_start3A_1456 : memref<1000x64xf32, #tpu.memory_space<hbm>>) target(%arg19 : memref<64x64xf32, #tpu.memory_space<vmem>>) offsets(%dma_start3A_1453 : memref<64xi32, #tpu.memory_space<vmem>>) semaphore(%arg31 : memref<!tpu.dma_semaphore, #tpu.memory_space<semaphore_mem>>)
    %dma_start3A_1457 = arith.constant 6 : i32
    %dma_start3A_1458 = arith.constant 0 : i32
    %dma_start3A_1459 = tpu.memref_slice %arg16[%dma_start3A_1457, %dma_start3A_1458] : memref<8x64xi32, #tpu.memory_space<vmem>> -> memref<1x64xi32, #tpu.memory_space<vmem>>
    %dma_start3A_1460 = tpu.memref_squeeze %dma_start3A_1459 : memref<1x64xi32, #tpu.memory_space<vmem>> -> memref<64xi32, #tpu.memory_space<vmem>>
    %dma_start3A_1461 = arith.constant 0 : i32
    %dma_start3A_1462 = arith.constant 0 : i32
    %dma_start3A_1463 = tpu.memref_slice %arg6[%dma_start3A_1461, %dma_start3A_1462] : memref<100000x64xf32, #tpu.memory_space<hbm>> -> memref<100000x64xf32, #tpu.memory_space<hbm>>
    tpu.enqueue_indirect_dma source(%dma_start3A_1463 : memref<100000x64xf32, #tpu.memory_space<hbm>>) target(%arg20 : memref<64x64xf32, #tpu.memory_space<vmem>>) offsets(%dma_start3A_1460 : memref<64xi32, #tpu.memory_space<vmem>>) semaphore(%arg31 : memref<!tpu.dma_semaphore, #tpu.memory_space<semaphore_mem>>)
    %dma_start3A_1464 = arith.constant 6 : i32
    %dma_start3A_1465 = arith.constant 0 : i32
    %dma_start3A_1466 = tpu.memref_slice %arg17[%dma_start3A_1464, %dma_start3A_1465] : memref<8x64xi32, #tpu.memory_space<vmem>> -> memref<1x64xi32, #tpu.memory_space<vmem>>
    %dma_start3A_1467 = tpu.memref_squeeze %dma_start3A_1466 : memref<1x64xi32, #tpu.memory_space<vmem>> -> memref<64xi32, #tpu.memory_space<vmem>>
    %dma_start3A_1468 = arith.constant 0 : i32
    %dma_start3A_1469 = arith.constant 0 : i32
    %dma_start3A_1470 = tpu.memref_slice %arg6[%dma_start3A_1468, %dma_start3A_1469] : memref<100000x64xf32, #tpu.memory_space<hbm>> -> memref<100000x64xf32, #tpu.memory_space<hbm>>
    tpu.enqueue_indirect_dma source(%dma_start3A_1470 : memref<100000x64xf32, #tpu.memory_space<hbm>>) target(%arg21 : memref<64x64xf32, #tpu.memory_space<vmem>>) offsets(%dma_start3A_1467 : memref<64xi32, #tpu.memory_space<vmem>>) semaphore(%arg31 : memref<!tpu.dma_semaphore, #tpu.memory_space<semaphore_mem>>)
    %dma_wait3A_1471 = arith.constant 5 : i32
    %dma_wait3A_1472 = arith.constant 0 : i32
    %dma_wait3A_1473 = tpu.memref_slice %arg14[%dma_wait3A_1471, %dma_wait3A_1472] : memref<8x64xi32, #tpu.memory_space<vmem>> -> memref<1x64xi32, #tpu.memory_space<vmem>>
    %dma_wait3A_1474 = tpu.memref_squeeze %dma_wait3A_1473 : memref<1x64xi32, #tpu.memory_space<vmem>> -> memref<64xi32, #tpu.memory_space<vmem>>
    %dma_wait3A_1475 = arith.constant 0 : i32
    %dma_wait3A_1476 = arith.constant 0 : i32
    %dma_wait3A_1477 = tpu.memref_slice %arg6[%dma_wait3A_1475, %dma_wait3A_1476] : memref<100000x64xf32, #tpu.memory_space<hbm>> -> memref<100000x64xf32, #tpu.memory_space<hbm>>
    tpu.wait_indirect_dma semaphore(%arg32 : memref<!tpu.dma_semaphore, #tpu.memory_space<semaphore_mem>>) src(%dma_wait3A_1477 : memref<100000x64xf32, #tpu.memory_space<hbm>>) dst(%arg22 : memref<64x64xf32, #tpu.memory_space<vmem>>)
    %dma_wait3A_1478 = arith.constant 5 : i32
    %dma_wait3A_1479 = arith.constant 0 : i32
    %dma_wait3A_1480 = tpu.memref_slice %arg15[%dma_wait3A_1478, %dma_wait3A_1479] : memref<8x64xi32, #tpu.memory_space<vmem>> -> memref<1x64xi32, #tpu.memory_space<vmem>>
    %dma_wait3A_1481 = tpu.memref_squeeze %dma_wait3A_1480 : memref<1x64xi32, #tpu.memory_space<vmem>> -> memref<64xi32, #tpu.memory_space<vmem>>
    %dma_wait3A_1482 = arith.constant 0 : i32
    %dma_wait3A_1483 = arith.constant 0 : i32
    %dma_wait3A_1484 = tpu.memref_slice %arg7[%dma_wait3A_1482, %dma_wait3A_1483] : memref<1000x64xf32, #tpu.memory_space<hbm>> -> memref<1000x64xf32, #tpu.memory_space<hbm>>
    tpu.wait_indirect_dma semaphore(%arg32 : memref<!tpu.dma_semaphore, #tpu.memory_space<semaphore_mem>>) src(%dma_wait3A_1484 : memref<1000x64xf32, #tpu.memory_space<hbm>>) dst(%arg23 : memref<64x64xf32, #tpu.memory_space<vmem>>)
    %dma_wait3A_1485 = arith.constant 5 : i32
    %dma_wait3A_1486 = arith.constant 0 : i32
    %dma_wait3A_1487 = tpu.memref_slice %arg16[%dma_wait3A_1485, %dma_wait3A_1486] : memref<8x64xi32, #tpu.memory_space<vmem>> -> memref<1x64xi32, #tpu.memory_space<vmem>>
    %dma_wait3A_1488 = tpu.memref_squeeze %dma_wait3A_1487 : memref<1x64xi32, #tpu.memory_space<vmem>> -> memref<64xi32, #tpu.memory_space<vmem>>
    %dma_wait3A_1489 = arith.constant 0 : i32
    %dma_wait3A_1490 = arith.constant 0 : i32
    %dma_wait3A_1491 = tpu.memref_slice %arg6[%dma_wait3A_1489, %dma_wait3A_1490] : memref<100000x64xf32, #tpu.memory_space<hbm>> -> memref<100000x64xf32, #tpu.memory_space<hbm>>
    tpu.wait_indirect_dma semaphore(%arg32 : memref<!tpu.dma_semaphore, #tpu.memory_space<semaphore_mem>>) src(%dma_wait3A_1491 : memref<100000x64xf32, #tpu.memory_space<hbm>>) dst(%arg24 : memref<64x64xf32, #tpu.memory_space<vmem>>)
    %dma_wait3A_1492 = arith.constant 5 : i32
    %dma_wait3A_1493 = arith.constant 0 : i32
    %dma_wait3A_1494 = tpu.memref_slice %arg17[%dma_wait3A_1492, %dma_wait3A_1493] : memref<8x64xi32, #tpu.memory_space<vmem>> -> memref<1x64xi32, #tpu.memory_space<vmem>>
    %dma_wait3A_1495 = tpu.memref_squeeze %dma_wait3A_1494 : memref<1x64xi32, #tpu.memory_space<vmem>> -> memref<64xi32, #tpu.memory_space<vmem>>
    %dma_wait3A_1496 = arith.constant 0 : i32
    %dma_wait3A_1497 = arith.constant 0 : i32
    %dma_wait3A_1498 = tpu.memref_slice %arg6[%dma_wait3A_1496, %dma_wait3A_1497] : memref<100000x64xf32, #tpu.memory_space<hbm>> -> memref<100000x64xf32, #tpu.memory_space<hbm>>
    tpu.wait_indirect_dma semaphore(%arg32 : memref<!tpu.dma_semaphore, #tpu.memory_space<semaphore_mem>>) src(%dma_wait3A_1498 : memref<100000x64xf32, #tpu.memory_space<hbm>>) dst(%arg25 : memref<64x64xf32, #tpu.memory_space<vmem>>)
    %parallel_loop3A_1499 = arith.constant 0 : i32
    %parallel_loop3A_1500 = arith.constant 64 : i32
    %parallel_loop3A_1501 = arith.constant 1 : i32
    scf.for %parallel_loop3A_1724 = %parallel_loop3A_1499 to %parallel_loop3A_1500 step %parallel_loop3A_1501  : i32 {
      %parallel_loop3A_1725 = arith.constant 64 : i32
      %parallel_loop3A_1726 = arith.addi %parallel_loop3A_1724, %parallel_loop3A_1725 : i32
      %parallel_loop3A_1727 = arith.constant 0 : i32
      %parallel_loop3A_1728 = vector.broadcast %parallel_loop3A_1727 : i32 to vector<16xi32>
      %parallel_loop3A_1729 = vector.broadcast %parallel_loop3A_1726 : i32 to vector<16xi32>
      %parallel_loop3A_1730 = arith.addi %parallel_loop3A_1729, %parallel_loop3A_1728 : vector<16xi32>
      %parallel_loop3A_1731 = arith.index_cast %parallel_loop3A_1724 : i32 to index
      %parallel_loop3A_1732 = arith.constant 0 : index
      %parallel_loop3A_1733 = tpu.vector_load %arg22[%parallel_loop3A_1731, %parallel_loop3A_1732] {strides = array<i32>} : memref<64x64xf32, #tpu.memory_space<vmem>>, vector<16xf32>,
      %parallel_loop3A_1734 = arith.index_cast %parallel_loop3A_1724 : i32 to index
      %parallel_loop3A_1735 = arith.constant 0 : index
      %parallel_loop3A_1736 = tpu.vector_load %arg23[%parallel_loop3A_1734, %parallel_loop3A_1735] {strides = array<i32>} : memref<64x64xf32, #tpu.memory_space<vmem>>, vector<16xf32>,
      %parallel_loop3A_1737 = arith.addf %parallel_loop3A_1733, %parallel_loop3A_1736 : vector<16xf32>
      %parallel_loop3A_1738 = arith.addi %mul3A_936, %parallel_loop3A_1730 : vector<16xi32>
      %parallel_loop3A_1739 = arith.index_cast %parallel_loop3A_1724 : i32 to index
      %parallel_loop3A_1740 = arith.constant 0 : index
      %parallel_loop3A_1741 = tpu.vector_load %arg24[%parallel_loop3A_1739, %parallel_loop3A_1740] {strides = array<i32>} : memref<64x64xf32, #tpu.memory_space<vmem>>, vector<16xf32>,
      %parallel_loop3A_1742 = arith.subf %parallel_loop3A_1737, %parallel_loop3A_1741 : vector<16xf32>
      tpu.vector_store_idx %arg26[%select_n3A, %parallel_loop3A_1738], %parallel_loop3A_1742 : memref<8x1024xf32, #tpu.memory_space<vmem>>[vector<16xi32>, vector<16xi32>], vector<16xf32>,
      %parallel_loop3A_1743 = arith.index_cast %parallel_loop3A_1724 : i32 to index
      %parallel_loop3A_1744 = arith.constant 0 : index
      %parallel_loop3A_1745 = tpu.vector_load %arg25[%parallel_loop3A_1743, %parallel_loop3A_1744] {strides = array<i32>} : memref<64x64xf32, #tpu.memory_space<vmem>>, vector<16xf32>,
      %parallel_loop3A_1746 = arith.subf %parallel_loop3A_1737, %parallel_loop3A_1745 : vector<16xf32>
      tpu.vector_store_idx %arg27[%select_n3A, %parallel_loop3A_1738], %parallel_loop3A_1746 : memref<8x1024xf32, #tpu.memory_space<vmem>>[vector<16xi32>, vector<16xi32>], vector<16xf32>,
      %parallel_loop3A_1747 = arith.index_cast %parallel_loop3A_1724 : i32 to index
      %parallel_loop3A_1748 = arith.constant 16 : index
      %parallel_loop3A_1749 = tpu.vector_load %arg22[%parallel_loop3A_1747, %parallel_loop3A_1748] {strides = array<i32>} : memref<64x64xf32, #tpu.memory_space<vmem>>, vector<16xf32>,
      %parallel_loop3A_1750 = arith.index_cast %parallel_loop3A_1724 : i32 to index
      %parallel_loop3A_1751 = arith.constant 16 : index
      %parallel_loop3A_1752 = tpu.vector_load %arg23[%parallel_loop3A_1750, %parallel_loop3A_1751] {strides = array<i32>} : memref<64x64xf32, #tpu.memory_space<vmem>>, vector<16xf32>,
      %parallel_loop3A_1753 = arith.addf %parallel_loop3A_1749, %parallel_loop3A_1752 : vector<16xf32>
      %parallel_loop3A_1754 = arith.addi %mul3A_964, %parallel_loop3A_1730 : vector<16xi32>
      %parallel_loop3A_1755 = arith.index_cast %parallel_loop3A_1724 : i32 to index
      %parallel_loop3A_1756 = arith.constant 16 : index
      %parallel_loop3A_1757 = tpu.vector_load %arg24[%parallel_loop3A_1755, %parallel_loop3A_1756] {strides = array<i32>} : memref<64x64xf32, #tpu.memory_space<vmem>>, vector<16xf32>,
      %parallel_loop3A_1758 = arith.subf %parallel_loop3A_1753, %parallel_loop3A_1757 : vector<16xf32>
      tpu.vector_store_idx %arg26[%select_n3A_842, %parallel_loop3A_1754], %parallel_loop3A_1758 : memref<8x1024xf32, #tpu.memory_space<vmem>>[vector<16xi32>, vector<16xi32>], vector<16xf32>,
      %parallel_loop3A_1759 = arith.index_cast %parallel_loop3A_1724 : i32 to index
      %parallel_loop3A_1760 = arith.constant 16 : index
      %parallel_loop3A_1761 = tpu.vector_load %arg25[%parallel_loop3A_1759, %parallel_loop3A_1760] {strides = array<i32>} : memref<64x64xf32, #tpu.memory_space<vmem>>, vector<16xf32>,
      %parallel_loop3A_1762 = arith.subf %parallel_loop3A_1753, %parallel_loop3A_1761 : vector<16xf32>
      tpu.vector_store_idx %arg27[%select_n3A_842, %parallel_loop3A_1754], %parallel_loop3A_1762 : memref<8x1024xf32, #tpu.memory_space<vmem>>[vector<16xi32>, vector<16xi32>], vector<16xf32>,
      %parallel_loop3A_1763 = arith.index_cast %parallel_loop3A_1724 : i32 to index
      %parallel_loop3A_1764 = arith.constant 32 : index
      %parallel_loop3A_1765 = tpu.vector_load %arg22[%parallel_loop3A_1763, %parallel_loop3A_1764] {strides = array<i32>} : memref<64x64xf32, #tpu.memory_space<vmem>>, vector<16xf32>,
      %parallel_loop3A_1766 = arith.index_cast %parallel_loop3A_1724 : i32 to index
      %parallel_loop3A_1767 = arith.constant 32 : index
      %parallel_loop3A_1768 = tpu.vector_load %arg23[%parallel_loop3A_1766, %parallel_loop3A_1767] {strides = array<i32>} : memref<64x64xf32, #tpu.memory_space<vmem>>, vector<16xf32>,
      %parallel_loop3A_1769 = arith.addf %parallel_loop3A_1765, %parallel_loop3A_1768 : vector<16xf32>
      %parallel_loop3A_1770 = arith.addi %mul3A_992, %parallel_loop3A_1730 : vector<16xi32>
      %parallel_loop3A_1771 = arith.index_cast %parallel_loop3A_1724 : i32 to index
      %parallel_loop3A_1772 = arith.constant 32 : index
      %parallel_loop3A_1773 = tpu.vector_load %arg24[%parallel_loop3A_1771, %parallel_loop3A_1772] {strides = array<i32>} : memref<64x64xf32, #tpu.memory_space<vmem>>, vector<16xf32>,
      %parallel_loop3A_1774 = arith.subf %parallel_loop3A_1769, %parallel_loop3A_1773 : vector<16xf32>
      tpu.vector_store_idx %arg26[%select_n3A_876, %parallel_loop3A_1770], %parallel_loop3A_1774 : memref<8x1024xf32, #tpu.memory_space<vmem>>[vector<16xi32>, vector<16xi32>], vector<16xf32>,
      %parallel_loop3A_1775 = arith.index_cast %parallel_loop3A_1724 : i32 to index
      %parallel_loop3A_1776 = arith.constant 32 : index
      %parallel_loop3A_1777 = tpu.vector_load %arg25[%parallel_loop3A_1775, %parallel_loop3A_1776] {strides = array<i32>} : memref<64x64xf32, #tpu.memory_space<vmem>>, vector<16xf32>,
      %parallel_loop3A_1778 = arith.subf %parallel_loop3A_1769, %parallel_loop3A_1777 : vector<16xf32>
      tpu.vector_store_idx %arg27[%select_n3A_876, %parallel_loop3A_1770], %parallel_loop3A_1778 : memref<8x1024xf32, #tpu.memory_space<vmem>>[vector<16xi32>, vector<16xi32>], vector<16xf32>,
      %parallel_loop3A_1779 = arith.index_cast %parallel_loop3A_1724 : i32 to index
      %parallel_loop3A_1780 = arith.constant 48 : index
      %parallel_loop3A_1781 = tpu.vector_load %arg22[%parallel_loop3A_1779, %parallel_loop3A_1780] {strides = array<i32>} : memref<64x64xf32, #tpu.memory_space<vmem>>, vector<16xf32>,
      %parallel_loop3A_1782 = arith.index_cast %parallel_loop3A_1724 : i32 to index
      %parallel_loop3A_1783 = arith.constant 48 : index
      %parallel_loop3A_1784 = tpu.vector_load %arg23[%parallel_loop3A_1782, %parallel_loop3A_1783] {strides = array<i32>} : memref<64x64xf32, #tpu.memory_space<vmem>>, vector<16xf32>,
      %parallel_loop3A_1785 = arith.addf %parallel_loop3A_1781, %parallel_loop3A_1784 : vector<16xf32>
      %parallel_loop3A_1786 = arith.addi %mul3A_1020, %parallel_loop3A_1730 : vector<16xi32>
      %parallel_loop3A_1787 = arith.index_cast %parallel_loop3A_1724 : i32 to index
      %parallel_loop3A_1788 = arith.constant 48 : index
      %parallel_loop3A_1789 = tpu.vector_load %arg24[%parallel_loop3A_1787, %parallel_loop3A_1788] {strides = array<i32>} : memref<64x64xf32, #tpu.memory_space<vmem>>, vector<16xf32>,
      %parallel_loop3A_1790 = arith.subf %parallel_loop3A_1785, %parallel_loop3A_1789 : vector<16xf32>
      tpu.vector_store_idx %arg26[%select_n3A_910, %parallel_loop3A_1786], %parallel_loop3A_1790 : memref<8x1024xf32, #tpu.memory_space<vmem>>[vector<16xi32>, vector<16xi32>], vector<16xf32>,
      %parallel_loop3A_1791 = arith.index_cast %parallel_loop3A_1724 : i32 to index
      %parallel_loop3A_1792 = arith.constant 48 : index
      %parallel_loop3A_1793 = tpu.vector_load %arg25[%parallel_loop3A_1791, %parallel_loop3A_1792] {strides = array<i32>} : memref<64x64xf32, #tpu.memory_space<vmem>>, vector<16xf32>,
      %parallel_loop3A_1794 = arith.subf %parallel_loop3A_1785, %parallel_loop3A_1793 : vector<16xf32>
      tpu.vector_store_idx %arg27[%select_n3A_910, %parallel_loop3A_1786], %parallel_loop3A_1794 : memref<8x1024xf32, #tpu.memory_space<vmem>>[vector<16xi32>, vector<16xi32>], vector<16xf32>,
    } {sc.loop_unroll_factor = 1 : i64, sc.parallel_access}
    %add3A_1502 = arith.constant 256 : i32
    %add3A_1503 = arith.addi %mul3A_2, %add3A_1502 : i32
    %jit3A_1504 = arith.constant 128 : i32
    %div3A_1505 = arith.divsi %add3A_1503, %jit3A_1504 : i32
    %sign3A_1506 = arith.constant 0 : i32
    %sign3A_1507 = arith.cmpi sgt, %add3A_1503, %sign3A_1506 : i32
    %sign3A_1508 = arith.extui %sign3A_1507 : i1 to i32
    %sign3A_1509 = arith.constant 0 : i32
    %sign3A_1510 = arith.cmpi slt, %add3A_1503, %sign3A_1509 : i32
    %sign3A_1511 = arith.extui %sign3A_1510 : i1 to i32
    %sign3A_1512 = arith.subi %sign3A_1508, %sign3A_1511 : i32
    %sign3A_1513 = arith.constant 0 : i32
    %sign3A_1514 = arith.cmpi sgt, %jit3A_1504, %sign3A_1513 : i32
    %sign3A_1515 = arith.extui %sign3A_1514 : i1 to i32
    %sign3A_1516 = arith.constant 0 : i32
    %sign3A_1517 = arith.cmpi slt, %jit3A_1504, %sign3A_1516 : i32
    %sign3A_1518 = arith.extui %sign3A_1517 : i1 to i32
    %sign3A_1519 = arith.subi %sign3A_1515, %sign3A_1518 : i32
    %ne3A_1520 = arith.cmpi ne, %sign3A_1512, %sign3A_1519 : i32
    %rem3A_1521 = arith.remsi %add3A_1503, %jit3A_1504 : i32
    %ne3A_1522 = arith.constant 0 : i32
    %ne3A_1523 = arith.cmpi ne, %rem3A_1521, %ne3A_1522 : i32
    %and3A_1524 = arith.andi %ne3A_1520, %ne3A_1523 : i1
    %sub3A_1525 = arith.constant 1 : i32
    %sub3A_1526 = arith.subi %div3A_1505, %sub3A_1525 : i32
    %select_n3A_1527 = arith.select %and3A_1524, %sub3A_1526, %div3A_1505 : i32
    %dma_start3A_1528 = arith.constant 0 : i32
    %dma_start3A_1529 = arith.constant 0 : i32
    %dma_start3A_1530 = tpu.memref_slice %arg8[%dma_start3A_1528, %select_n3A_1527, %dma_start3A_1529] : memref<8x128x1024xf32, #tpu.memory_space<hbm>> -> memref<8x1x1024xf32, #tpu.memory_space<hbm>>
    %dma_start3A_1531 = tpu.memref_squeeze %dma_start3A_1530 : memref<8x1x1024xf32, #tpu.memory_space<hbm>> -> memref<8x1024xf32, #tpu.memory_space<hbm>>
    %dma_start3A_1532 = arith.constant 0 : i32
    %dma_start3A_1533 = arith.constant 0 : i32
    %dma_start3A_1534 = tpu.memref_slice %arg8[%dma_start3A_1532, %select_n3A_1527, %dma_start3A_1533] : memref<8x128x1024xf32, #tpu.memory_space<hbm>> -> memref<8x1x1024xf32, #tpu.memory_space<hbm>>
    %dma_start3A_1535 = tpu.memref_squeeze %dma_start3A_1534 : memref<8x1x1024xf32, #tpu.memory_space<hbm>> -> memref<8x1024xf32, #tpu.memory_space<hbm>>
    tpu.enqueue_dma source(%arg26 : memref<8x1024xf32, #tpu.memory_space<vmem>>) target(%dma_start3A_1535 : memref<8x1024xf32, #tpu.memory_space<hbm>>) target_semaphore(%arg33 : memref<!tpu.dma_semaphore, #tpu.memory_space<semaphore_mem>>)
    %dma_start3A_1536 = arith.constant 0 : i32
    %dma_start3A_1537 = arith.constant 0 : i32
    %dma_start3A_1538 = tpu.memref_slice %arg9[%dma_start3A_1536, %select_n3A_1527, %dma_start3A_1537] : memref<8x128x1024xf32, #tpu.memory_space<hbm>> -> memref<8x1x1024xf32, #tpu.memory_space<hbm>>
    %dma_start3A_1539 = tpu.memref_squeeze %dma_start3A_1538 : memref<8x1x1024xf32, #tpu.memory_space<hbm>> -> memref<8x1024xf32, #tpu.memory_space<hbm>>
    %dma_start3A_1540 = arith.constant 0 : i32
    %dma_start3A_1541 = arith.constant 0 : i32
    %dma_start3A_1542 = tpu.memref_slice %arg9[%dma_start3A_1540, %select_n3A_1527, %dma_start3A_1541] : memref<8x128x1024xf32, #tpu.memory_space<hbm>> -> memref<8x1x1024xf32, #tpu.memory_space<hbm>>
    %dma_start3A_1543 = tpu.memref_squeeze %dma_start3A_1542 : memref<8x1x1024xf32, #tpu.memory_space<hbm>> -> memref<8x1024xf32, #tpu.memory_space<hbm>>
    tpu.enqueue_dma source(%arg27 : memref<8x1024xf32, #tpu.memory_space<vmem>>) target(%dma_start3A_1543 : memref<8x1024xf32, #tpu.memory_space<hbm>>) target_semaphore(%arg33 : memref<!tpu.dma_semaphore, #tpu.memory_space<semaphore_mem>>)
    %dma_start3A_1544 = arith.constant 7 : i32
    %dma_start3A_1545 = arith.constant 0 : i32
    %dma_start3A_1546 = tpu.memref_slice %arg14[%dma_start3A_1544, %dma_start3A_1545] : memref<8x64xi32, #tpu.memory_space<vmem>> -> memref<1x64xi32, #tpu.memory_space<vmem>>
    %dma_start3A_1547 = tpu.memref_squeeze %dma_start3A_1546 : memref<1x64xi32, #tpu.memory_space<vmem>> -> memref<64xi32, #tpu.memory_space<vmem>>
    %dma_start3A_1548 = arith.constant 0 : i32
    %dma_start3A_1549 = arith.constant 0 : i32
    %dma_start3A_1550 = tpu.memref_slice %arg6[%dma_start3A_1548, %dma_start3A_1549] : memref<100000x64xf32, #tpu.memory_space<hbm>> -> memref<100000x64xf32, #tpu.memory_space<hbm>>
    tpu.enqueue_indirect_dma source(%dma_start3A_1550 : memref<100000x64xf32, #tpu.memory_space<hbm>>) target(%arg22 : memref<64x64xf32, #tpu.memory_space<vmem>>) offsets(%dma_start3A_1547 : memref<64xi32, #tpu.memory_space<vmem>>) semaphore(%arg32 : memref<!tpu.dma_semaphore, #tpu.memory_space<semaphore_mem>>)
    %dma_start3A_1551 = arith.constant 7 : i32
    %dma_start3A_1552 = arith.constant 0 : i32
    %dma_start3A_1553 = tpu.memref_slice %arg15[%dma_start3A_1551, %dma_start3A_1552] : memref<8x64xi32, #tpu.memory_space<vmem>> -> memref<1x64xi32, #tpu.memory_space<vmem>>
    %dma_start3A_1554 = tpu.memref_squeeze %dma_start3A_1553 : memref<1x64xi32, #tpu.memory_space<vmem>> -> memref<64xi32, #tpu.memory_space<vmem>>
    %dma_start3A_1555 = arith.constant 0 : i32
    %dma_start3A_1556 = arith.constant 0 : i32
    %dma_start3A_1557 = tpu.memref_slice %arg7[%dma_start3A_1555, %dma_start3A_1556] : memref<1000x64xf32, #tpu.memory_space<hbm>> -> memref<1000x64xf32, #tpu.memory_space<hbm>>
    tpu.enqueue_indirect_dma source(%dma_start3A_1557 : memref<1000x64xf32, #tpu.memory_space<hbm>>) target(%arg23 : memref<64x64xf32, #tpu.memory_space<vmem>>) offsets(%dma_start3A_1554 : memref<64xi32, #tpu.memory_space<vmem>>) semaphore(%arg32 : memref<!tpu.dma_semaphore, #tpu.memory_space<semaphore_mem>>)
    %dma_start3A_1558 = arith.constant 7 : i32
    %dma_start3A_1559 = arith.constant 0 : i32
    %dma_start3A_1560 = tpu.memref_slice %arg16[%dma_start3A_1558, %dma_start3A_1559] : memref<8x64xi32, #tpu.memory_space<vmem>> -> memref<1x64xi32, #tpu.memory_space<vmem>>
    %dma_start3A_1561 = tpu.memref_squeeze %dma_start3A_1560 : memref<1x64xi32, #tpu.memory_space<vmem>> -> memref<64xi32, #tpu.memory_space<vmem>>
    %dma_start3A_1562 = arith.constant 0 : i32
    %dma_start3A_1563 = arith.constant 0 : i32
    %dma_start3A_1564 = tpu.memref_slice %arg6[%dma_start3A_1562, %dma_start3A_1563] : memref<100000x64xf32, #tpu.memory_space<hbm>> -> memref<100000x64xf32, #tpu.memory_space<hbm>>
    tpu.enqueue_indirect_dma source(%dma_start3A_1564 : memref<100000x64xf32, #tpu.memory_space<hbm>>) target(%arg24 : memref<64x64xf32, #tpu.memory_space<vmem>>) offsets(%dma_start3A_1561 : memref<64xi32, #tpu.memory_space<vmem>>) semaphore(%arg32 : memref<!tpu.dma_semaphore, #tpu.memory_space<semaphore_mem>>)
    %dma_start3A_1565 = arith.constant 7 : i32
    %dma_start3A_1566 = arith.constant 0 : i32
    %dma_start3A_1567 = tpu.memref_slice %arg17[%dma_start3A_1565, %dma_start3A_1566] : memref<8x64xi32, #tpu.memory_space<vmem>> -> memref<1x64xi32, #tpu.memory_space<vmem>>
    %dma_start3A_1568 = tpu.memref_squeeze %dma_start3A_1567 : memref<1x64xi32, #tpu.memory_space<vmem>> -> memref<64xi32, #tpu.memory_space<vmem>>
    %dma_start3A_1569 = arith.constant 0 : i32
    %dma_start3A_1570 = arith.constant 0 : i32
    %dma_start3A_1571 = tpu.memref_slice %arg6[%dma_start3A_1569, %dma_start3A_1570] : memref<100000x64xf32, #tpu.memory_space<hbm>> -> memref<100000x64xf32, #tpu.memory_space<hbm>>
    tpu.enqueue_indirect_dma source(%dma_start3A_1571 : memref<100000x64xf32, #tpu.memory_space<hbm>>) target(%arg25 : memref<64x64xf32, #tpu.memory_space<vmem>>) offsets(%dma_start3A_1568 : memref<64xi32, #tpu.memory_space<vmem>>) semaphore(%arg32 : memref<!tpu.dma_semaphore, #tpu.memory_space<semaphore_mem>>)
    %dma_wait3A_1572 = arith.constant 0 : i32
    %dma_wait3A_1573 = arith.constant 0 : i32
    %dma_wait3A_1574 = tpu.memref_slice %arg8[%dma_wait3A_1572, %select_n3A_1351, %dma_wait3A_1573] : memref<8x128x1024xf32, #tpu.memory_space<hbm>> -> memref<8x1x1024xf32, #tpu.memory_space<hbm>>
    %dma_wait3A_1575 = tpu.memref_squeeze %dma_wait3A_1574 : memref<8x1x1024xf32, #tpu.memory_space<hbm>> -> memref<8x1024xf32, #tpu.memory_space<hbm>>
    %dma_wait3A_1576 = arith.constant 0 : i32
    %dma_wait3A_1577 = arith.constant 0 : i32
    %dma_wait3A_1578 = tpu.memref_slice %arg8[%dma_wait3A_1576, %select_n3A_1351, %dma_wait3A_1577] : memref<8x128x1024xf32, #tpu.memory_space<hbm>> -> memref<8x1x1024xf32, #tpu.memory_space<hbm>>
    %dma_wait3A_1579 = tpu.memref_squeeze %dma_wait3A_1578 : memref<8x1x1024xf32, #tpu.memory_space<hbm>> -> memref<8x1024xf32, #tpu.memory_space<hbm>>
    tpu.wait_dma2 semaphore(%arg34 : memref<!tpu.dma_semaphore, #tpu.memory_space<semaphore_mem>>) src(%arg28 : memref<8x1024xf32, #tpu.memory_space<vmem>>) dst(%dma_wait3A_1579 : memref<8x1024xf32, #tpu.memory_space<hbm>>)
    %dma_wait3A_1580 = arith.constant 0 : i32
    %dma_wait3A_1581 = arith.constant 0 : i32
    %dma_wait3A_1582 = tpu.memref_slice %arg9[%dma_wait3A_1580, %select_n3A_1351, %dma_wait3A_1581] : memref<8x128x1024xf32, #tpu.memory_space<hbm>> -> memref<8x1x1024xf32, #tpu.memory_space<hbm>>
    %dma_wait3A_1583 = tpu.memref_squeeze %dma_wait3A_1582 : memref<8x1x1024xf32, #tpu.memory_space<hbm>> -> memref<8x1024xf32, #tpu.memory_space<hbm>>
    %dma_wait3A_1584 = arith.constant 0 : i32
    %dma_wait3A_1585 = arith.constant 0 : i32
    %dma_wait3A_1586 = tpu.memref_slice %arg9[%dma_wait3A_1584, %select_n3A_1351, %dma_wait3A_1585] : memref<8x128x1024xf32, #tpu.memory_space<hbm>> -> memref<8x1x1024xf32, #tpu.memory_space<hbm>>
    %dma_wait3A_1587 = tpu.memref_squeeze %dma_wait3A_1586 : memref<8x1x1024xf32, #tpu.memory_space<hbm>> -> memref<8x1024xf32, #tpu.memory_space<hbm>>
    tpu.wait_dma2 semaphore(%arg34 : memref<!tpu.dma_semaphore, #tpu.memory_space<semaphore_mem>>) src(%arg29 : memref<8x1024xf32, #tpu.memory_space<vmem>>) dst(%dma_wait3A_1587 : memref<8x1024xf32, #tpu.memory_space<hbm>>)
    %dma_wait3A_1588 = arith.constant 6 : i32
    %dma_wait3A_1589 = arith.constant 0 : i32
    %dma_wait3A_1590 = tpu.memref_slice %arg14[%dma_wait3A_1588, %dma_wait3A_1589] : memref<8x64xi32, #tpu.memory_space<vmem>> -> memref<1x64xi32, #tpu.memory_space<vmem>>
    %dma_wait3A_1591 = tpu.memref_squeeze %dma_wait3A_1590 : memref<1x64xi32, #tpu.memory_space<vmem>> -> memref<64xi32, #tpu.memory_space<vmem>>
    %dma_wait3A_1592 = arith.constant 0 : i32
    %dma_wait3A_1593 = arith.constant 0 : i32
    %dma_wait3A_1594 = tpu.memref_slice %arg6[%dma_wait3A_1592, %dma_wait3A_1593] : memref<100000x64xf32, #tpu.memory_space<hbm>> -> memref<100000x64xf32, #tpu.memory_space<hbm>>
    tpu.wait_indirect_dma semaphore(%arg31 : memref<!tpu.dma_semaphore, #tpu.memory_space<semaphore_mem>>) src(%dma_wait3A_1594 : memref<100000x64xf32, #tpu.memory_space<hbm>>) dst(%arg18 : memref<64x64xf32, #tpu.memory_space<vmem>>)
    %dma_wait3A_1595 = arith.constant 6 : i32
    %dma_wait3A_1596 = arith.constant 0 : i32
    %dma_wait3A_1597 = tpu.memref_slice %arg15[%dma_wait3A_1595, %dma_wait3A_1596] : memref<8x64xi32, #tpu.memory_space<vmem>> -> memref<1x64xi32, #tpu.memory_space<vmem>>
    %dma_wait3A_1598 = tpu.memref_squeeze %dma_wait3A_1597 : memref<1x64xi32, #tpu.memory_space<vmem>> -> memref<64xi32, #tpu.memory_space<vmem>>
    %dma_wait3A_1599 = arith.constant 0 : i32
    %dma_wait3A_1600 = arith.constant 0 : i32
    %dma_wait3A_1601 = tpu.memref_slice %arg7[%dma_wait3A_1599, %dma_wait3A_1600] : memref<1000x64xf32, #tpu.memory_space<hbm>> -> memref<1000x64xf32, #tpu.memory_space<hbm>>
    tpu.wait_indirect_dma semaphore(%arg31 : memref<!tpu.dma_semaphore, #tpu.memory_space<semaphore_mem>>) src(%dma_wait3A_1601 : memref<1000x64xf32, #tpu.memory_space<hbm>>) dst(%arg19 : memref<64x64xf32, #tpu.memory_space<vmem>>)
    %dma_wait3A_1602 = arith.constant 6 : i32
    %dma_wait3A_1603 = arith.constant 0 : i32
    %dma_wait3A_1604 = tpu.memref_slice %arg16[%dma_wait3A_1602, %dma_wait3A_1603] : memref<8x64xi32, #tpu.memory_space<vmem>> -> memref<1x64xi32, #tpu.memory_space<vmem>>
    %dma_wait3A_1605 = tpu.memref_squeeze %dma_wait3A_1604 : memref<1x64xi32, #tpu.memory_space<vmem>> -> memref<64xi32, #tpu.memory_space<vmem>>
    %dma_wait3A_1606 = arith.constant 0 : i32
    %dma_wait3A_1607 = arith.constant 0 : i32
    %dma_wait3A_1608 = tpu.memref_slice %arg6[%dma_wait3A_1606, %dma_wait3A_1607] : memref<100000x64xf32, #tpu.memory_space<hbm>> -> memref<100000x64xf32, #tpu.memory_space<hbm>>
    tpu.wait_indirect_dma semaphore(%arg31 : memref<!tpu.dma_semaphore, #tpu.memory_space<semaphore_mem>>) src(%dma_wait3A_1608 : memref<100000x64xf32, #tpu.memory_space<hbm>>) dst(%arg20 : memref<64x64xf32, #tpu.memory_space<vmem>>)
    %dma_wait3A_1609 = arith.constant 6 : i32
    %dma_wait3A_1610 = arith.constant 0 : i32
    %dma_wait3A_1611 = tpu.memref_slice %arg17[%dma_wait3A_1609, %dma_wait3A_1610] : memref<8x64xi32, #tpu.memory_space<vmem>> -> memref<1x64xi32, #tpu.memory_space<vmem>>
    %dma_wait3A_1612 = tpu.memref_squeeze %dma_wait3A_1611 : memref<1x64xi32, #tpu.memory_space<vmem>> -> memref<64xi32, #tpu.memory_space<vmem>>
    %dma_wait3A_1613 = arith.constant 0 : i32
    %dma_wait3A_1614 = arith.constant 0 : i32
    %dma_wait3A_1615 = tpu.memref_slice %arg6[%dma_wait3A_1613, %dma_wait3A_1614] : memref<100000x64xf32, #tpu.memory_space<hbm>> -> memref<100000x64xf32, #tpu.memory_space<hbm>>
    tpu.wait_indirect_dma semaphore(%arg31 : memref<!tpu.dma_semaphore, #tpu.memory_space<semaphore_mem>>) src(%dma_wait3A_1615 : memref<100000x64xf32, #tpu.memory_space<hbm>>) dst(%arg21 : memref<64x64xf32, #tpu.memory_space<vmem>>)
    %parallel_loop3A_1616 = arith.constant 0 : i32
    %parallel_loop3A_1617 = arith.constant 64 : i32
    %parallel_loop3A_1618 = arith.constant 1 : i32
    scf.for %parallel_loop3A_1724 = %parallel_loop3A_1616 to %parallel_loop3A_1617 step %parallel_loop3A_1618  : i32 {
      %parallel_loop3A_1725 = arith.constant 0 : i32
      %parallel_loop3A_1726 = arith.addi %parallel_loop3A_1724, %parallel_loop3A_1725 : i32
      %parallel_loop3A_1727 = arith.constant 0 : i32
      %parallel_loop3A_1728 = vector.broadcast %parallel_loop3A_1727 : i32 to vector<16xi32>
      %parallel_loop3A_1729 = vector.broadcast %parallel_loop3A_1726 : i32 to vector<16xi32>
      %parallel_loop3A_1730 = arith.addi %parallel_loop3A_1729, %parallel_loop3A_1728 : vector<16xi32>
      %parallel_loop3A_1731 = arith.index_cast %parallel_loop3A_1724 : i32 to index
      %parallel_loop3A_1732 = arith.constant 0 : index
      %parallel_loop3A_1733 = tpu.vector_load %arg18[%parallel_loop3A_1731, %parallel_loop3A_1732] {strides = array<i32>} : memref<64x64xf32, #tpu.memory_space<vmem>>, vector<16xf32>,
      %parallel_loop3A_1734 = arith.index_cast %parallel_loop3A_1724 : i32 to index
      %parallel_loop3A_1735 = arith.constant 0 : index
      %parallel_loop3A_1736 = tpu.vector_load %arg19[%parallel_loop3A_1734, %parallel_loop3A_1735] {strides = array<i32>} : memref<64x64xf32, #tpu.memory_space<vmem>>, vector<16xf32>,
      %parallel_loop3A_1737 = arith.addf %parallel_loop3A_1733, %parallel_loop3A_1736 : vector<16xf32>
      %parallel_loop3A_1738 = arith.addi %mul3A_936, %parallel_loop3A_1730 : vector<16xi32>
      %parallel_loop3A_1739 = arith.index_cast %parallel_loop3A_1724 : i32 to index
      %parallel_loop3A_1740 = arith.constant 0 : index
      %parallel_loop3A_1741 = tpu.vector_load %arg20[%parallel_loop3A_1739, %parallel_loop3A_1740] {strides = array<i32>} : memref<64x64xf32, #tpu.memory_space<vmem>>, vector<16xf32>,
      %parallel_loop3A_1742 = arith.subf %parallel_loop3A_1737, %parallel_loop3A_1741 : vector<16xf32>
      tpu.vector_store_idx %arg28[%select_n3A, %parallel_loop3A_1738], %parallel_loop3A_1742 : memref<8x1024xf32, #tpu.memory_space<vmem>>[vector<16xi32>, vector<16xi32>], vector<16xf32>,
      %parallel_loop3A_1743 = arith.index_cast %parallel_loop3A_1724 : i32 to index
      %parallel_loop3A_1744 = arith.constant 0 : index
      %parallel_loop3A_1745 = tpu.vector_load %arg21[%parallel_loop3A_1743, %parallel_loop3A_1744] {strides = array<i32>} : memref<64x64xf32, #tpu.memory_space<vmem>>, vector<16xf32>,
      %parallel_loop3A_1746 = arith.subf %parallel_loop3A_1737, %parallel_loop3A_1745 : vector<16xf32>
      tpu.vector_store_idx %arg29[%select_n3A, %parallel_loop3A_1738], %parallel_loop3A_1746 : memref<8x1024xf32, #tpu.memory_space<vmem>>[vector<16xi32>, vector<16xi32>], vector<16xf32>,
      %parallel_loop3A_1747 = arith.index_cast %parallel_loop3A_1724 : i32 to index
      %parallel_loop3A_1748 = arith.constant 16 : index
      %parallel_loop3A_1749 = tpu.vector_load %arg18[%parallel_loop3A_1747, %parallel_loop3A_1748] {strides = array<i32>} : memref<64x64xf32, #tpu.memory_space<vmem>>, vector<16xf32>,
      %parallel_loop3A_1750 = arith.index_cast %parallel_loop3A_1724 : i32 to index
      %parallel_loop3A_1751 = arith.constant 16 : index
      %parallel_loop3A_1752 = tpu.vector_load %arg19[%parallel_loop3A_1750, %parallel_loop3A_1751] {strides = array<i32>} : memref<64x64xf32, #tpu.memory_space<vmem>>, vector<16xf32>,
      %parallel_loop3A_1753 = arith.addf %parallel_loop3A_1749, %parallel_loop3A_1752 : vector<16xf32>
      %parallel_loop3A_1754 = arith.addi %mul3A_964, %parallel_loop3A_1730 : vector<16xi32>
      %parallel_loop3A_1755 = arith.index_cast %parallel_loop3A_1724 : i32 to index
      %parallel_loop3A_1756 = arith.constant 16 : index
      %parallel_loop3A_1757 = tpu.vector_load %arg20[%parallel_loop3A_1755, %parallel_loop3A_1756] {strides = array<i32>} : memref<64x64xf32, #tpu.memory_space<vmem>>, vector<16xf32>,
      %parallel_loop3A_1758 = arith.subf %parallel_loop3A_1753, %parallel_loop3A_1757 : vector<16xf32>
      tpu.vector_store_idx %arg28[%select_n3A_842, %parallel_loop3A_1754], %parallel_loop3A_1758 : memref<8x1024xf32, #tpu.memory_space<vmem>>[vector<16xi32>, vector<16xi32>], vector<16xf32>,
      %parallel_loop3A_1759 = arith.index_cast %parallel_loop3A_1724 : i32 to index
      %parallel_loop3A_1760 = arith.constant 16 : index
      %parallel_loop3A_1761 = tpu.vector_load %arg21[%parallel_loop3A_1759, %parallel_loop3A_1760] {strides = array<i32>} : memref<64x64xf32, #tpu.memory_space<vmem>>, vector<16xf32>,
      %parallel_loop3A_1762 = arith.subf %parallel_loop3A_1753, %parallel_loop3A_1761 : vector<16xf32>
      tpu.vector_store_idx %arg29[%select_n3A_842, %parallel_loop3A_1754], %parallel_loop3A_1762 : memref<8x1024xf32, #tpu.memory_space<vmem>>[vector<16xi32>, vector<16xi32>], vector<16xf32>,
      %parallel_loop3A_1763 = arith.index_cast %parallel_loop3A_1724 : i32 to index
      %parallel_loop3A_1764 = arith.constant 32 : index
      %parallel_loop3A_1765 = tpu.vector_load %arg18[%parallel_loop3A_1763, %parallel_loop3A_1764] {strides = array<i32>} : memref<64x64xf32, #tpu.memory_space<vmem>>, vector<16xf32>,
      %parallel_loop3A_1766 = arith.index_cast %parallel_loop3A_1724 : i32 to index
      %parallel_loop3A_1767 = arith.constant 32 : index
      %parallel_loop3A_1768 = tpu.vector_load %arg19[%parallel_loop3A_1766, %parallel_loop3A_1767] {strides = array<i32>} : memref<64x64xf32, #tpu.memory_space<vmem>>, vector<16xf32>,
      %parallel_loop3A_1769 = arith.addf %parallel_loop3A_1765, %parallel_loop3A_1768 : vector<16xf32>
      %parallel_loop3A_1770 = arith.addi %mul3A_992, %parallel_loop3A_1730 : vector<16xi32>
      %parallel_loop3A_1771 = arith.index_cast %parallel_loop3A_1724 : i32 to index
      %parallel_loop3A_1772 = arith.constant 32 : index
      %parallel_loop3A_1773 = tpu.vector_load %arg20[%parallel_loop3A_1771, %parallel_loop3A_1772] {strides = array<i32>} : memref<64x64xf32, #tpu.memory_space<vmem>>, vector<16xf32>,
      %parallel_loop3A_1774 = arith.subf %parallel_loop3A_1769, %parallel_loop3A_1773 : vector<16xf32>
      tpu.vector_store_idx %arg28[%select_n3A_876, %parallel_loop3A_1770], %parallel_loop3A_1774 : memref<8x1024xf32, #tpu.memory_space<vmem>>[vector<16xi32>, vector<16xi32>], vector<16xf32>,
      %parallel_loop3A_1775 = arith.index_cast %parallel_loop3A_1724 : i32 to index
      %parallel_loop3A_1776 = arith.constant 32 : index
      %parallel_loop3A_1777 = tpu.vector_load %arg21[%parallel_loop3A_1775, %parallel_loop3A_1776] {strides = array<i32>} : memref<64x64xf32, #tpu.memory_space<vmem>>, vector<16xf32>,
      %parallel_loop3A_1778 = arith.subf %parallel_loop3A_1769, %parallel_loop3A_1777 : vector<16xf32>
      tpu.vector_store_idx %arg29[%select_n3A_876, %parallel_loop3A_1770], %parallel_loop3A_1778 : memref<8x1024xf32, #tpu.memory_space<vmem>>[vector<16xi32>, vector<16xi32>], vector<16xf32>,
      %parallel_loop3A_1779 = arith.index_cast %parallel_loop3A_1724 : i32 to index
      %parallel_loop3A_1780 = arith.constant 48 : index
      %parallel_loop3A_1781 = tpu.vector_load %arg18[%parallel_loop3A_1779, %parallel_loop3A_1780] {strides = array<i32>} : memref<64x64xf32, #tpu.memory_space<vmem>>, vector<16xf32>,
      %parallel_loop3A_1782 = arith.index_cast %parallel_loop3A_1724 : i32 to index
      %parallel_loop3A_1783 = arith.constant 48 : index
      %parallel_loop3A_1784 = tpu.vector_load %arg19[%parallel_loop3A_1782, %parallel_loop3A_1783] {strides = array<i32>} : memref<64x64xf32, #tpu.memory_space<vmem>>, vector<16xf32>,
      %parallel_loop3A_1785 = arith.addf %parallel_loop3A_1781, %parallel_loop3A_1784 : vector<16xf32>
      %parallel_loop3A_1786 = arith.addi %mul3A_1020, %parallel_loop3A_1730 : vector<16xi32>
      %parallel_loop3A_1787 = arith.index_cast %parallel_loop3A_1724 : i32 to index
      %parallel_loop3A_1788 = arith.constant 48 : index
      %parallel_loop3A_1789 = tpu.vector_load %arg20[%parallel_loop3A_1787, %parallel_loop3A_1788] {strides = array<i32>} : memref<64x64xf32, #tpu.memory_space<vmem>>, vector<16xf32>,
      %parallel_loop3A_1790 = arith.subf %parallel_loop3A_1785, %parallel_loop3A_1789 : vector<16xf32>
      tpu.vector_store_idx %arg28[%select_n3A_910, %parallel_loop3A_1786], %parallel_loop3A_1790 : memref<8x1024xf32, #tpu.memory_space<vmem>>[vector<16xi32>, vector<16xi32>], vector<16xf32>,
      %parallel_loop3A_1791 = arith.index_cast %parallel_loop3A_1724 : i32 to index
      %parallel_loop3A_1792 = arith.constant 48 : index
      %parallel_loop3A_1793 = tpu.vector_load %arg21[%parallel_loop3A_1791, %parallel_loop3A_1792] {strides = array<i32>} : memref<64x64xf32, #tpu.memory_space<vmem>>, vector<16xf32>,
      %parallel_loop3A_1794 = arith.subf %parallel_loop3A_1785, %parallel_loop3A_1793 : vector<16xf32>
      tpu.vector_store_idx %arg29[%select_n3A_910, %parallel_loop3A_1786], %parallel_loop3A_1794 : memref<8x1024xf32, #tpu.memory_space<vmem>>[vector<16xi32>, vector<16xi32>], vector<16xf32>,
    } {sc.loop_unroll_factor = 1 : i64, sc.parallel_access}
    %dma_wait3A_1619 = arith.constant 7 : i32
    %dma_wait3A_1620 = arith.constant 0 : i32
    %dma_wait3A_1621 = tpu.memref_slice %arg14[%dma_wait3A_1619, %dma_wait3A_1620] : memref<8x64xi32, #tpu.memory_space<vmem>> -> memref<1x64xi32, #tpu.memory_space<vmem>>
    %dma_wait3A_1622 = tpu.memref_squeeze %dma_wait3A_1621 : memref<1x64xi32, #tpu.memory_space<vmem>> -> memref<64xi32, #tpu.memory_space<vmem>>
    %dma_wait3A_1623 = arith.constant 0 : i32
    %dma_wait3A_1624 = arith.constant 0 : i32
    %dma_wait3A_1625 = tpu.memref_slice %arg6[%dma_wait3A_1623, %dma_wait3A_1624] : memref<100000x64xf32, #tpu.memory_space<hbm>> -> memref<100000x64xf32, #tpu.memory_space<hbm>>
    tpu.wait_indirect_dma semaphore(%arg32 : memref<!tpu.dma_semaphore, #tpu.memory_space<semaphore_mem>>) src(%dma_wait3A_1625 : memref<100000x64xf32, #tpu.memory_space<hbm>>) dst(%arg22 : memref<64x64xf32, #tpu.memory_space<vmem>>)
    %dma_wait3A_1626 = arith.constant 7 : i32
    %dma_wait3A_1627 = arith.constant 0 : i32
    %dma_wait3A_1628 = tpu.memref_slice %arg15[%dma_wait3A_1626, %dma_wait3A_1627] : memref<8x64xi32, #tpu.memory_space<vmem>> -> memref<1x64xi32, #tpu.memory_space<vmem>>
    %dma_wait3A_1629 = tpu.memref_squeeze %dma_wait3A_1628 : memref<1x64xi32, #tpu.memory_space<vmem>> -> memref<64xi32, #tpu.memory_space<vmem>>
    %dma_wait3A_1630 = arith.constant 0 : i32
    %dma_wait3A_1631 = arith.constant 0 : i32
    %dma_wait3A_1632 = tpu.memref_slice %arg7[%dma_wait3A_1630, %dma_wait3A_1631] : memref<1000x64xf32, #tpu.memory_space<hbm>> -> memref<1000x64xf32, #tpu.memory_space<hbm>>
    tpu.wait_indirect_dma semaphore(%arg32 : memref<!tpu.dma_semaphore, #tpu.memory_space<semaphore_mem>>) src(%dma_wait3A_1632 : memref<1000x64xf32, #tpu.memory_space<hbm>>) dst(%arg23 : memref<64x64xf32, #tpu.memory_space<vmem>>)
    %dma_wait3A_1633 = arith.constant 7 : i32
    %dma_wait3A_1634 = arith.constant 0 : i32
    %dma_wait3A_1635 = tpu.memref_slice %arg16[%dma_wait3A_1633, %dma_wait3A_1634] : memref<8x64xi32, #tpu.memory_space<vmem>> -> memref<1x64xi32, #tpu.memory_space<vmem>>
    %dma_wait3A_1636 = tpu.memref_squeeze %dma_wait3A_1635 : memref<1x64xi32, #tpu.memory_space<vmem>> -> memref<64xi32, #tpu.memory_space<vmem>>
    %dma_wait3A_1637 = arith.constant 0 : i32
    %dma_wait3A_1638 = arith.constant 0 : i32
    %dma_wait3A_1639 = tpu.memref_slice %arg6[%dma_wait3A_1637, %dma_wait3A_1638] : memref<100000x64xf32, #tpu.memory_space<hbm>> -> memref<100000x64xf32, #tpu.memory_space<hbm>>
    tpu.wait_indirect_dma semaphore(%arg32 : memref<!tpu.dma_semaphore, #tpu.memory_space<semaphore_mem>>) src(%dma_wait3A_1639 : memref<100000x64xf32, #tpu.memory_space<hbm>>) dst(%arg24 : memref<64x64xf32, #tpu.memory_space<vmem>>)
    %dma_wait3A_1640 = arith.constant 7 : i32
    %dma_wait3A_1641 = arith.constant 0 : i32
    %dma_wait3A_1642 = tpu.memref_slice %arg17[%dma_wait3A_1640, %dma_wait3A_1641] : memref<8x64xi32, #tpu.memory_space<vmem>> -> memref<1x64xi32, #tpu.memory_space<vmem>>
    %dma_wait3A_1643 = tpu.memref_squeeze %dma_wait3A_1642 : memref<1x64xi32, #tpu.memory_space<vmem>> -> memref<64xi32, #tpu.memory_space<vmem>>
    %dma_wait3A_1644 = arith.constant 0 : i32
    %dma_wait3A_1645 = arith.constant 0 : i32
    %dma_wait3A_1646 = tpu.memref_slice %arg6[%dma_wait3A_1644, %dma_wait3A_1645] : memref<100000x64xf32, #tpu.memory_space<hbm>> -> memref<100000x64xf32, #tpu.memory_space<hbm>>
    tpu.wait_indirect_dma semaphore(%arg32 : memref<!tpu.dma_semaphore, #tpu.memory_space<semaphore_mem>>) src(%dma_wait3A_1646 : memref<100000x64xf32, #tpu.memory_space<hbm>>) dst(%arg25 : memref<64x64xf32, #tpu.memory_space<vmem>>)
    %parallel_loop3A_1647 = arith.constant 0 : i32
    %parallel_loop3A_1648 = arith.constant 64 : i32
    %parallel_loop3A_1649 = arith.constant 1 : i32
    scf.for %parallel_loop3A_1724 = %parallel_loop3A_1647 to %parallel_loop3A_1648 step %parallel_loop3A_1649  : i32 {
      %parallel_loop3A_1725 = arith.constant 64 : i32
      %parallel_loop3A_1726 = arith.addi %parallel_loop3A_1724, %parallel_loop3A_1725 : i32
      %parallel_loop3A_1727 = arith.constant 0 : i32
      %parallel_loop3A_1728 = vector.broadcast %parallel_loop3A_1727 : i32 to vector<16xi32>
      %parallel_loop3A_1729 = vector.broadcast %parallel_loop3A_1726 : i32 to vector<16xi32>
      %parallel_loop3A_1730 = arith.addi %parallel_loop3A_1729, %parallel_loop3A_1728 : vector<16xi32>
      %parallel_loop3A_1731 = arith.index_cast %parallel_loop3A_1724 : i32 to index
      %parallel_loop3A_1732 = arith.constant 0 : index
      %parallel_loop3A_1733 = tpu.vector_load %arg22[%parallel_loop3A_1731, %parallel_loop3A_1732] {strides = array<i32>} : memref<64x64xf32, #tpu.memory_space<vmem>>, vector<16xf32>,
      %parallel_loop3A_1734 = arith.index_cast %parallel_loop3A_1724 : i32 to index
      %parallel_loop3A_1735 = arith.constant 0 : index
      %parallel_loop3A_1736 = tpu.vector_load %arg23[%parallel_loop3A_1734, %parallel_loop3A_1735] {strides = array<i32>} : memref<64x64xf32, #tpu.memory_space<vmem>>, vector<16xf32>,
      %parallel_loop3A_1737 = arith.addf %parallel_loop3A_1733, %parallel_loop3A_1736 : vector<16xf32>
      %parallel_loop3A_1738 = arith.addi %mul3A_936, %parallel_loop3A_1730 : vector<16xi32>
      %parallel_loop3A_1739 = arith.index_cast %parallel_loop3A_1724 : i32 to index
      %parallel_loop3A_1740 = arith.constant 0 : index
      %parallel_loop3A_1741 = tpu.vector_load %arg24[%parallel_loop3A_1739, %parallel_loop3A_1740] {strides = array<i32>} : memref<64x64xf32, #tpu.memory_space<vmem>>, vector<16xf32>,
      %parallel_loop3A_1742 = arith.subf %parallel_loop3A_1737, %parallel_loop3A_1741 : vector<16xf32>
      tpu.vector_store_idx %arg28[%select_n3A, %parallel_loop3A_1738], %parallel_loop3A_1742 : memref<8x1024xf32, #tpu.memory_space<vmem>>[vector<16xi32>, vector<16xi32>], vector<16xf32>,
      %parallel_loop3A_1743 = arith.index_cast %parallel_loop3A_1724 : i32 to index
      %parallel_loop3A_1744 = arith.constant 0 : index
      %parallel_loop3A_1745 = tpu.vector_load %arg25[%parallel_loop3A_1743, %parallel_loop3A_1744] {strides = array<i32>} : memref<64x64xf32, #tpu.memory_space<vmem>>, vector<16xf32>,
      %parallel_loop3A_1746 = arith.subf %parallel_loop3A_1737, %parallel_loop3A_1745 : vector<16xf32>
      tpu.vector_store_idx %arg29[%select_n3A, %parallel_loop3A_1738], %parallel_loop3A_1746 : memref<8x1024xf32, #tpu.memory_space<vmem>>[vector<16xi32>, vector<16xi32>], vector<16xf32>,
      %parallel_loop3A_1747 = arith.index_cast %parallel_loop3A_1724 : i32 to index
      %parallel_loop3A_1748 = arith.constant 16 : index
      %parallel_loop3A_1749 = tpu.vector_load %arg22[%parallel_loop3A_1747, %parallel_loop3A_1748] {strides = array<i32>} : memref<64x64xf32, #tpu.memory_space<vmem>>, vector<16xf32>,
      %parallel_loop3A_1750 = arith.index_cast %parallel_loop3A_1724 : i32 to index
      %parallel_loop3A_1751 = arith.constant 16 : index
      %parallel_loop3A_1752 = tpu.vector_load %arg23[%parallel_loop3A_1750, %parallel_loop3A_1751] {strides = array<i32>} : memref<64x64xf32, #tpu.memory_space<vmem>>, vector<16xf32>,
      %parallel_loop3A_1753 = arith.addf %parallel_loop3A_1749, %parallel_loop3A_1752 : vector<16xf32>
      %parallel_loop3A_1754 = arith.addi %mul3A_964, %parallel_loop3A_1730 : vector<16xi32>
      %parallel_loop3A_1755 = arith.index_cast %parallel_loop3A_1724 : i32 to index
      %parallel_loop3A_1756 = arith.constant 16 : index
      %parallel_loop3A_1757 = tpu.vector_load %arg24[%parallel_loop3A_1755, %parallel_loop3A_1756] {strides = array<i32>} : memref<64x64xf32, #tpu.memory_space<vmem>>, vector<16xf32>,
      %parallel_loop3A_1758 = arith.subf %parallel_loop3A_1753, %parallel_loop3A_1757 : vector<16xf32>
      tpu.vector_store_idx %arg28[%select_n3A_842, %parallel_loop3A_1754], %parallel_loop3A_1758 : memref<8x1024xf32, #tpu.memory_space<vmem>>[vector<16xi32>, vector<16xi32>], vector<16xf32>,
      %parallel_loop3A_1759 = arith.index_cast %parallel_loop3A_1724 : i32 to index
      %parallel_loop3A_1760 = arith.constant 16 : index
      %parallel_loop3A_1761 = tpu.vector_load %arg25[%parallel_loop3A_1759, %parallel_loop3A_1760] {strides = array<i32>} : memref<64x64xf32, #tpu.memory_space<vmem>>, vector<16xf32>,
      %parallel_loop3A_1762 = arith.subf %parallel_loop3A_1753, %parallel_loop3A_1761 : vector<16xf32>
      tpu.vector_store_idx %arg29[%select_n3A_842, %parallel_loop3A_1754], %parallel_loop3A_1762 : memref<8x1024xf32, #tpu.memory_space<vmem>>[vector<16xi32>, vector<16xi32>], vector<16xf32>,
      %parallel_loop3A_1763 = arith.index_cast %parallel_loop3A_1724 : i32 to index
      %parallel_loop3A_1764 = arith.constant 32 : index
      %parallel_loop3A_1765 = tpu.vector_load %arg22[%parallel_loop3A_1763, %parallel_loop3A_1764] {strides = array<i32>} : memref<64x64xf32, #tpu.memory_space<vmem>>, vector<16xf32>,
      %parallel_loop3A_1766 = arith.index_cast %parallel_loop3A_1724 : i32 to index
      %parallel_loop3A_1767 = arith.constant 32 : index
      %parallel_loop3A_1768 = tpu.vector_load %arg23[%parallel_loop3A_1766, %parallel_loop3A_1767] {strides = array<i32>} : memref<64x64xf32, #tpu.memory_space<vmem>>, vector<16xf32>,
      %parallel_loop3A_1769 = arith.addf %parallel_loop3A_1765, %parallel_loop3A_1768 : vector<16xf32>
      %parallel_loop3A_1770 = arith.addi %mul3A_992, %parallel_loop3A_1730 : vector<16xi32>
      %parallel_loop3A_1771 = arith.index_cast %parallel_loop3A_1724 : i32 to index
      %parallel_loop3A_1772 = arith.constant 32 : index
      %parallel_loop3A_1773 = tpu.vector_load %arg24[%parallel_loop3A_1771, %parallel_loop3A_1772] {strides = array<i32>} : memref<64x64xf32, #tpu.memory_space<vmem>>, vector<16xf32>,
      %parallel_loop3A_1774 = arith.subf %parallel_loop3A_1769, %parallel_loop3A_1773 : vector<16xf32>
      tpu.vector_store_idx %arg28[%select_n3A_876, %parallel_loop3A_1770], %parallel_loop3A_1774 : memref<8x1024xf32, #tpu.memory_space<vmem>>[vector<16xi32>, vector<16xi32>], vector<16xf32>,
      %parallel_loop3A_1775 = arith.index_cast %parallel_loop3A_1724 : i32 to index
      %parallel_loop3A_1776 = arith.constant 32 : index
      %parallel_loop3A_1777 = tpu.vector_load %arg25[%parallel_loop3A_1775, %parallel_loop3A_1776] {strides = array<i32>} : memref<64x64xf32, #tpu.memory_space<vmem>>, vector<16xf32>,
      %parallel_loop3A_1778 = arith.subf %parallel_loop3A_1769, %parallel_loop3A_1777 : vector<16xf32>
      tpu.vector_store_idx %arg29[%select_n3A_876, %parallel_loop3A_1770], %parallel_loop3A_1778 : memref<8x1024xf32, #tpu.memory_space<vmem>>[vector<16xi32>, vector<16xi32>], vector<16xf32>,
      %parallel_loop3A_1779 = arith.index_cast %parallel_loop3A_1724 : i32 to index
      %parallel_loop3A_1780 = arith.constant 48 : index
      %parallel_loop3A_1781 = tpu.vector_load %arg22[%parallel_loop3A_1779, %parallel_loop3A_1780] {strides = array<i32>} : memref<64x64xf32, #tpu.memory_space<vmem>>, vector<16xf32>,
      %parallel_loop3A_1782 = arith.index_cast %parallel_loop3A_1724 : i32 to index
      %parallel_loop3A_1783 = arith.constant 48 : index
      %parallel_loop3A_1784 = tpu.vector_load %arg23[%parallel_loop3A_1782, %parallel_loop3A_1783] {strides = array<i32>} : memref<64x64xf32, #tpu.memory_space<vmem>>, vector<16xf32>,
      %parallel_loop3A_1785 = arith.addf %parallel_loop3A_1781, %parallel_loop3A_1784 : vector<16xf32>
      %parallel_loop3A_1786 = arith.addi %mul3A_1020, %parallel_loop3A_1730 : vector<16xi32>
      %parallel_loop3A_1787 = arith.index_cast %parallel_loop3A_1724 : i32 to index
      %parallel_loop3A_1788 = arith.constant 48 : index
      %parallel_loop3A_1789 = tpu.vector_load %arg24[%parallel_loop3A_1787, %parallel_loop3A_1788] {strides = array<i32>} : memref<64x64xf32, #tpu.memory_space<vmem>>, vector<16xf32>,
      %parallel_loop3A_1790 = arith.subf %parallel_loop3A_1785, %parallel_loop3A_1789 : vector<16xf32>
      tpu.vector_store_idx %arg28[%select_n3A_910, %parallel_loop3A_1786], %parallel_loop3A_1790 : memref<8x1024xf32, #tpu.memory_space<vmem>>[vector<16xi32>, vector<16xi32>], vector<16xf32>,
      %parallel_loop3A_1791 = arith.index_cast %parallel_loop3A_1724 : i32 to index
      %parallel_loop3A_1792 = arith.constant 48 : index
      %parallel_loop3A_1793 = tpu.vector_load %arg25[%parallel_loop3A_1791, %parallel_loop3A_1792] {strides = array<i32>} : memref<64x64xf32, #tpu.memory_space<vmem>>, vector<16xf32>,
      %parallel_loop3A_1794 = arith.subf %parallel_loop3A_1785, %parallel_loop3A_1793 : vector<16xf32>
      tpu.vector_store_idx %arg29[%select_n3A_910, %parallel_loop3A_1786], %parallel_loop3A_1794 : memref<8x1024xf32, #tpu.memory_space<vmem>>[vector<16xi32>, vector<16xi32>], vector<16xf32>,
    } {sc.loop_unroll_factor = 1 : i64, sc.parallel_access}
    %add3A_1650 = arith.constant 384 : i32
    %add3A_1651 = arith.addi %mul3A_2, %add3A_1650 : i32
    %jit3A_1652 = arith.constant 128 : i32
    %div3A_1653 = arith.divsi %add3A_1651, %jit3A_1652 : i32
    %sign3A_1654 = arith.constant 0 : i32
    %sign3A_1655 = arith.cmpi sgt, %add3A_1651, %sign3A_1654 : i32
    %sign3A_1656 = arith.extui %sign3A_1655 : i1 to i32
    %sign3A_1657 = arith.constant 0 : i32
    %sign3A_1658 = arith.cmpi slt, %add3A_1651, %sign3A_1657 : i32
    %sign3A_1659 = arith.extui %sign3A_1658 : i1 to i32
    %sign3A_1660 = arith.subi %sign3A_1656, %sign3A_1659 : i32
    %sign3A_1661 = arith.constant 0 : i32
    %sign3A_1662 = arith.cmpi sgt, %jit3A_1652, %sign3A_1661 : i32
    %sign3A_1663 = arith.extui %sign3A_1662 : i1 to i32
    %sign3A_1664 = arith.constant 0 : i32
    %sign3A_1665 = arith.cmpi slt, %jit3A_1652, %sign3A_1664 : i32
    %sign3A_1666 = arith.extui %sign3A_1665 : i1 to i32
    %sign3A_1667 = arith.subi %sign3A_1663, %sign3A_1666 : i32
    %ne3A_1668 = arith.cmpi ne, %sign3A_1660, %sign3A_1667 : i32
    %rem3A_1669 = arith.remsi %add3A_1651, %jit3A_1652 : i32
    %ne3A_1670 = arith.constant 0 : i32
    %ne3A_1671 = arith.cmpi ne, %rem3A_1669, %ne3A_1670 : i32
    %and3A_1672 = arith.andi %ne3A_1668, %ne3A_1671 : i1
    %sub3A_1673 = arith.constant 1 : i32
    %sub3A_1674 = arith.subi %div3A_1653, %sub3A_1673 : i32
    %select_n3A_1675 = arith.select %and3A_1672, %sub3A_1674, %div3A_1653 : i32
    %dma_start3A_1676 = arith.constant 0 : i32
    %dma_start3A_1677 = arith.constant 0 : i32
    %dma_start3A_1678 = tpu.memref_slice %arg8[%dma_start3A_1676, %select_n3A_1675, %dma_start3A_1677] : memref<8x128x1024xf32, #tpu.memory_space<hbm>> -> memref<8x1x1024xf32, #tpu.memory_space<hbm>>
    %dma_start3A_1679 = tpu.memref_squeeze %dma_start3A_1678 : memref<8x1x1024xf32, #tpu.memory_space<hbm>> -> memref<8x1024xf32, #tpu.memory_space<hbm>>
    %dma_start3A_1680 = arith.constant 0 : i32
    %dma_start3A_1681 = arith.constant 0 : i32
    %dma_start3A_1682 = tpu.memref_slice %arg8[%dma_start3A_1680, %select_n3A_1675, %dma_start3A_1681] : memref<8x128x1024xf32, #tpu.memory_space<hbm>> -> memref<8x1x1024xf32, #tpu.memory_space<hbm>>
    %dma_start3A_1683 = tpu.memref_squeeze %dma_start3A_1682 : memref<8x1x1024xf32, #tpu.memory_space<hbm>> -> memref<8x1024xf32, #tpu.memory_space<hbm>>
    tpu.enqueue_dma source(%arg28 : memref<8x1024xf32, #tpu.memory_space<vmem>>) target(%dma_start3A_1683 : memref<8x1024xf32, #tpu.memory_space<hbm>>) target_semaphore(%arg34 : memref<!tpu.dma_semaphore, #tpu.memory_space<semaphore_mem>>)
    %dma_start3A_1684 = arith.constant 0 : i32
    %dma_start3A_1685 = arith.constant 0 : i32
    %dma_start3A_1686 = tpu.memref_slice %arg9[%dma_start3A_1684, %select_n3A_1675, %dma_start3A_1685] : memref<8x128x1024xf32, #tpu.memory_space<hbm>> -> memref<8x1x1024xf32, #tpu.memory_space<hbm>>
    %dma_start3A_1687 = tpu.memref_squeeze %dma_start3A_1686 : memref<8x1x1024xf32, #tpu.memory_space<hbm>> -> memref<8x1024xf32, #tpu.memory_space<hbm>>
    %dma_start3A_1688 = arith.constant 0 : i32
    %dma_start3A_1689 = arith.constant 0 : i32
    %dma_start3A_1690 = tpu.memref_slice %arg9[%dma_start3A_1688, %select_n3A_1675, %dma_start3A_1689] : memref<8x128x1024xf32, #tpu.memory_space<hbm>> -> memref<8x1x1024xf32, #tpu.memory_space<hbm>>
    %dma_start3A_1691 = tpu.memref_squeeze %dma_start3A_1690 : memref<8x1x1024xf32, #tpu.memory_space<hbm>> -> memref<8x1024xf32, #tpu.memory_space<hbm>>
    tpu.enqueue_dma source(%arg29 : memref<8x1024xf32, #tpu.memory_space<vmem>>) target(%dma_start3A_1691 : memref<8x1024xf32, #tpu.memory_space<hbm>>) target_semaphore(%arg34 : memref<!tpu.dma_semaphore, #tpu.memory_space<semaphore_mem>>)
    %dma_wait3A_1692 = arith.constant 0 : i32
    %dma_wait3A_1693 = arith.constant 0 : i32
    %dma_wait3A_1694 = tpu.memref_slice %arg8[%dma_wait3A_1692, %select_n3A_1527, %dma_wait3A_1693] : memref<8x128x1024xf32, #tpu.memory_space<hbm>> -> memref<8x1x1024xf32, #tpu.memory_space<hbm>>
    %dma_wait3A_1695 = tpu.memref_squeeze %dma_wait3A_1694 : memref<8x1x1024xf32, #tpu.memory_space<hbm>> -> memref<8x1024xf32, #tpu.memory_space<hbm>>
    %dma_wait3A_1696 = arith.constant 0 : i32
    %dma_wait3A_1697 = arith.constant 0 : i32
    %dma_wait3A_1698 = tpu.memref_slice %arg8[%dma_wait3A_1696, %select_n3A_1527, %dma_wait3A_1697] : memref<8x128x1024xf32, #tpu.memory_space<hbm>> -> memref<8x1x1024xf32, #tpu.memory_space<hbm>>
    %dma_wait3A_1699 = tpu.memref_squeeze %dma_wait3A_1698 : memref<8x1x1024xf32, #tpu.memory_space<hbm>> -> memref<8x1024xf32, #tpu.memory_space<hbm>>
    tpu.wait_dma2 semaphore(%arg33 : memref<!tpu.dma_semaphore, #tpu.memory_space<semaphore_mem>>) src(%arg26 : memref<8x1024xf32, #tpu.memory_space<vmem>>) dst(%dma_wait3A_1699 : memref<8x1024xf32, #tpu.memory_space<hbm>>)
    %dma_wait3A_1700 = arith.constant 0 : i32
    %dma_wait3A_1701 = arith.constant 0 : i32
    %dma_wait3A_1702 = tpu.memref_slice %arg9[%dma_wait3A_1700, %select_n3A_1527, %dma_wait3A_1701] : memref<8x128x1024xf32, #tpu.memory_space<hbm>> -> memref<8x1x1024xf32, #tpu.memory_space<hbm>>
    %dma_wait3A_1703 = tpu.memref_squeeze %dma_wait3A_1702 : memref<8x1x1024xf32, #tpu.memory_space<hbm>> -> memref<8x1024xf32, #tpu.memory_space<hbm>>
    %dma_wait3A_1704 = arith.constant 0 : i32
    %dma_wait3A_1705 = arith.constant 0 : i32
    %dma_wait3A_1706 = tpu.memref_slice %arg9[%dma_wait3A_1704, %select_n3A_1527, %dma_wait3A_1705] : memref<8x128x1024xf32, #tpu.memory_space<hbm>> -> memref<8x1x1024xf32, #tpu.memory_space<hbm>>
    %dma_wait3A_1707 = tpu.memref_squeeze %dma_wait3A_1706 : memref<8x1x1024xf32, #tpu.memory_space<hbm>> -> memref<8x1024xf32, #tpu.memory_space<hbm>>
    tpu.wait_dma2 semaphore(%arg33 : memref<!tpu.dma_semaphore, #tpu.memory_space<semaphore_mem>>) src(%arg27 : memref<8x1024xf32, #tpu.memory_space<vmem>>) dst(%dma_wait3A_1707 : memref<8x1024xf32, #tpu.memory_space<hbm>>)
    %dma_wait3A_1708 = arith.constant 0 : i32
    %dma_wait3A_1709 = arith.constant 0 : i32
    %dma_wait3A_1710 = tpu.memref_slice %arg8[%dma_wait3A_1708, %select_n3A_1675, %dma_wait3A_1709] : memref<8x128x1024xf32, #tpu.memory_space<hbm>> -> memref<8x1x1024xf32, #tpu.memory_space<hbm>>
    %dma_wait3A_1711 = tpu.memref_squeeze %dma_wait3A_1710 : memref<8x1x1024xf32, #tpu.memory_space<hbm>> -> memref<8x1024xf32, #tpu.memory_space<hbm>>
    %dma_wait3A_1712 = arith.constant 0 : i32
    %dma_wait3A_1713 = arith.constant 0 : i32
    %dma_wait3A_1714 = tpu.memref_slice %arg8[%dma_wait3A_1712, %select_n3A_1675, %dma_wait3A_1713] : memref<8x128x1024xf32, #tpu.memory_space<hbm>> -> memref<8x1x1024xf32, #tpu.memory_space<hbm>>
    %dma_wait3A_1715 = tpu.memref_squeeze %dma_wait3A_1714 : memref<8x1x1024xf32, #tpu.memory_space<hbm>> -> memref<8x1024xf32, #tpu.memory_space<hbm>>
    tpu.wait_dma2 semaphore(%arg34 : memref<!tpu.dma_semaphore, #tpu.memory_space<semaphore_mem>>) src(%arg28 : memref<8x1024xf32, #tpu.memory_space<vmem>>) dst(%dma_wait3A_1715 : memref<8x1024xf32, #tpu.memory_space<hbm>>)
    %dma_wait3A_1716 = arith.constant 0 : i32
    %dma_wait3A_1717 = arith.constant 0 : i32
    %dma_wait3A_1718 = tpu.memref_slice %arg9[%dma_wait3A_1716, %select_n3A_1675, %dma_wait3A_1717] : memref<8x128x1024xf32, #tpu.memory_space<hbm>> -> memref<8x1x1024xf32, #tpu.memory_space<hbm>>
    %dma_wait3A_1719 = tpu.memref_squeeze %dma_wait3A_1718 : memref<8x1x1024xf32, #tpu.memory_space<hbm>> -> memref<8x1024xf32, #tpu.memory_space<hbm>>
    %dma_wait3A_1720 = arith.constant 0 : i32
    %dma_wait3A_1721 = arith.constant 0 : i32
    %dma_wait3A_1722 = tpu.memref_slice %arg9[%dma_wait3A_1720, %select_n3A_1675, %dma_wait3A_1721] : memref<8x128x1024xf32, #tpu.memory_space<hbm>> -> memref<8x1x1024xf32, #tpu.memory_space<hbm>>
    %dma_wait3A_1723 = tpu.memref_squeeze %dma_wait3A_1722 : memref<8x1x1024xf32, #tpu.memory_space<hbm>> -> memref<8x1024xf32, #tpu.memory_space<hbm>>
    tpu.wait_dma2 semaphore(%arg34 : memref<!tpu.dma_semaphore, #tpu.memory_space<semaphore_mem>>) src(%arg29 : memref<8x1024xf32, #tpu.memory_space<vmem>>) dst(%dma_wait3A_1723 : memref<8x1024xf32, #tpu.memory_space<hbm>>)
    return
  }
}

</mosaic_0001>

<sc_bundles>
// kernel: kernel.3.cloned.1.call-start
scs
__scs_entry_jumppad:
0x0: {  	(pc) =	sbr.rel $0x88, $3  }
0x1: {  	(tag) =	ssettag $0x0;
	lr =	simm.s32 $0x1  }
0x2: {  	[smem:$0x3F9B] =	sst lr;
	_ =	strace $0xD0000000  }
0x3: {  	_ = 	snop  }
0x4: {  	_ = 	snop  }
0x5: {  	_ = 	snop  }
0x6: {  	_ = 	snop  }
0x7: {  	_ = 	snop  }
__scs_overlays_trampoline_lowered:
0x8: {  	[smem:$0x3FAA] =	sst s0  }
0x9: {  	[smem:$0x3FAB] =	sst s1  }
0xa: {  	[smem:$0x3FAC] =	sst s2  }
0xb: {  	[smem:$0x3FAD] =	sst s3  }
0xc: {  	[smem:$0x3FAE] =	sst s4  }
0xd: {  	[smem:$0x3FAF] =	sst s5  }
0xe: {  	[smem:$0x3FB0] =	sst s6  }
0xf: {  	[smem:$0x3FB1] =	sst s7  }
0x10: {  	[smem:$0x3FB2] =	sst s8  }
0x11: {  	[smem:$0x3FB3] =	sst s9;
	s0 =	simm.s32 @!p0 $0x0  }
0x12: {  	s1 =	sld [smem:$0x3F99];
	s0 =	simm.s32 @p0 $0x1  }
0x13: {  	[smem:$0x3FB4] =	sst s0;
	s0 =	simm.s32 @!p1 $0x0  }
0x14: {  	s2 =	sld [smem:$0x3F98];
	s0 =	simm.s32 @p1 $0x1  }
0x15: {  	[smem:$0x3FB5] =	sst s0;
	s0 =	simm.s32 @!p2 $0x0  }
0x16: {  	s3 =	sld [smem:$0x3FDB];
	s0 =	simm.s32 @p2 $0x1  }
0x17: {  	s4 =	simm.s32 $0x1BF5;
	[smem:$0x3FB7] =	sst s0  }
0x18: {  	s0 =	sld [smem:$0x3F9A];
	_ =	swait.ge [sflag:s4], $0x0  }
0x19: {  	s7 =	sld [smem:$0x3F9B]  }
0x1a: {  	s8 =	sadd.s32 $0xFFFFE003, lr  }
0x1b: {  	s9 =	sadd.s32 $0xFFFFFEF7, lr;
	s5 =	simm.s32 $0xFFFFFFFF;
	p2 =	slt.u32 s8, $0xFFFFF086  }
0x1c: {  	p1 =	slt.u32 s9, $0xF7A;
	s5 =	simm.s32 @!p2 $0x0  }
0x1d: {  	s5 =	simm.s32 @p1 $0x1;
	p0 =	seq.s32 s7, s2  }
0x1e: {  	s7 =	smul.u32 @!p0 $0xF7A, s2;
	p2 =	seq.s32 @!p0 s5, $0x0  }
0x1f: {  	s9 =	smul.u32 $0xF7A, s1;
	s8 =	simm.s32 @!p0 $0x1BF5;
	p2 =	por !p2, p0  }
0x20: {  	[sflag:s8] =	ssyncset.s32 @!p0 $0xFFFFF086;
	s6 =	sadd.s32 @!p0 s3, s7;
	s7 =	simm.s32 @!p0 $0x108  }
0x21: {  	s3 =	sadd.s32 s3, s9;
	s6 =	sadd.s32 @!p0 $0x88, s6;
	s7 =	simm.s32 @p2 $0x1082  }
0x22: {  	[simem:s7], [sflag:s8] =	dma.local @!p0 [hbm:s6], $0xF7A  }
0x23: {  	s9 =	sor.u32 $0xD0000000, s2;
	s6 =	simm.s32 $0x108;
	_ =	swait.ge @!p0 [sflag:s8], $0x0  }
0x24: {  	s3 =	sadd.s32 $0x88, s3;
	s6 =	simm.s32 @!p1 $0x1082;
	[sflag:s4] =	ssyncset.s32 $0xFFFFF086  }
0x25: {  	[simem:s6], [sflag:s4] =	dma.local [hbm:s3], $0xF7A  }
0x26: {  	[smem:$0x3F9B] =	sst s1;
	(tag) =	ssettag s2;
	_ =	strace s9  }
0x27: {  	s1 =	sld [smem:$0x3FAB]  }
0x28: {  	s2 =	sld [smem:$0x3FAC]  }
0x29: {  	s4 =	sld [smem:$0x3FAE]  }
0x2a: {  	p0 =	seq.s32 s5, $0x0;
	s5 =	sld [smem:$0x3FAF]  }
0x2b: {  	s6 =	sld [smem:$0x3FB0]  }
0x2c: {  	s7 =	sld [smem:$0x3FB1]  }
0x2d: {  	s3 =	simm.s32 $0x108;
	s8 =	sld [smem:$0x3FB2]  }
0x2e: {  	s3 =	simm.s32 @!p0 $0x1082;
	s9 =	sld [smem:$0x3FB3]  }
0x2f: {  	lr =	sadd.s32 s0, s3;
	s0 =	sld [smem:$0x3FAA]  }
0x30: {  	s3 =	sld [smem:$0x3FAD]  }
0x31: {  	[smem:$0x3FB6] =	sst s10  }
0x32: {  	s10 =	sld [smem:$0x3FB4];
	_ =	sdelay $0x3  }
0x33: {  	p0 =	seq.s32 s10, $0x1;
	s10 =	sld [smem:$0x3FB6];
	_ =	sdelay $0x3  }
0x34: {  	[smem:$0x3FB6] =	sst s10  }
0x35: {  	s10 =	sld [smem:$0x3FB5];
	_ =	sdelay $0x3  }
0x36: {  	p1 =	seq.s32 s10, $0x1;
	s10 =	sld [smem:$0x3FB6];
	_ =	sdelay $0x3  }
0x37: {  	[smem:$0x3FB6] =	sst s10  }
0x38: {  	s10 =	sld [smem:$0x3FB7]  }
0x39: {  	_ = 	snop;
	(pc) =	sbr.ind lr, $3  }
0x3a: {  	_ = 	snop  }
0x3b: {  	_ = 	snop  }
0x3c: {  	p2 =	seq.s32 s10, $0x1;
	s10 =	sld [smem:$0x3FB6]  }
0x3d: {  	_ =	shalt  }
0x3e: {  	_ =	shalt  }
0x3f: {  	_ =	shalt  }
0x40: {  	_ =	shalt  }
0x41: {  	_ =	shalt  }
0x42: {  	_ =	shalt  }
0x43: {  	_ =	shalt  }
0x44: {  	_ =	shalt  }
0x45: {  	_ =	shalt  }
0x46: {  	_ =	shalt  }
0x47: {  	_ =	shalt  }
0x48: {  	_ =	shalt  }
0x49: {  	_ =	shalt  }
0x4a: {  	_ =	shalt  }
0x4b: {  	_ =	shalt  }
0x4c: {  	_ =	shalt  }
0x4d: {  	_ =	shalt  }
0x4e: {  	_ =	shalt  }
0x4f: {  	_ =	shalt  }
0x50: {  	_ =	shalt  }
0x51: {  	_ =	shalt  }
0x52: {  	_ =	shalt  }
0x53: {  	_ =	shalt  }
0x54: {  	_ =	shalt  }
0x55: {  	_ =	shalt  }
0x56: {  	_ =	shalt  }
0x57: {  	_ =	shalt  }
0x58: {  	_ =	shalt  }
0x59: {  	_ =	shalt  }
0x5a: {  	_ =	shalt  }
0x5b: {  	_ =	shalt  }
0x5c: {  	_ =	shalt  }
0x5d: {  	_ =	shalt  }
0x5e: {  	_ =	shalt  }
0x5f: {  	_ =	shalt  }
0x60: {  	_ =	shalt  }
0x61: {  	_ =	shalt  }
0x62: {  	_ =	shalt  }
0x63: {  	_ =	shalt  }
0x64: {  	_ =	shalt  }
0x65: {  	_ =	shalt  }
0x66: {  	_ =	shalt  }
0x67: {  	_ =	shalt  }
0x68: {  	_ =	shalt  }
0x69: {  	_ =	shalt  }
0x6a: {  	_ =	shalt  }
0x6b: {  	_ =	shalt  }
0x6c: {  	_ =	shalt  }
0x6d: {  	_ =	shalt  }
0x6e: {  	_ =	shalt  }
0x6f: {  	_ =	shalt  }
0x70: {  	_ =	shalt  }
0x71: {  	_ =	shalt  }
0x72: {  	_ =	shalt  }
0x73: {  	_ =	shalt  }
0x74: {  	_ =	shalt  }
0x75: {  	_ =	shalt  }
0x76: {  	_ =	shalt  }
0x77: {  	_ =	shalt  }
0x78: {  	_ =	shalt  }
0x79: {  	_ =	shalt  }
0x7a: {  	_ =	shalt  }
0x7b: {  	_ =	shalt  }
0x7c: {  	_ =	shalt  }
0x7d: {  	_ =	shalt  }
0x7e: {  	_ =	shalt  }
0x7f: {  	_ =	shalt  }
0x80: {  	_ =	shalt  }
0x81: {  	_ =	shalt  }
0x82: {  	_ =	shalt  }
0x83: {  	_ =	shalt  }
0x84: {  	_ =	shalt  }
0x85: {  	_ =	shalt  }
0x86: {  	_ =	shalt  }
0x87: {  	_ =	shalt  }
.Lfunc_end0:
.L_simem_size_0:
called_computation_lowered:
.L_overlay_start_0:
0x88: {  	s2 =	sld [smem:$0x3FD9]  }
0x89: {  	s3 =	sld [smem:$0x3FFE];
	_ =	sdelay $0x1  }
0x8a: {  	s1 =	srdreg.scid  }
0x8b: {  	s0 =	sand.u32 $0x1, s1  }
0x8c: {  	s14 =	sshll.u32 s0, $0xA;
	s2 =	sadd.s32 s3, s2  }
0x8d: {  	s2 =	sadd.s32 s2, s14  }
0x8e: {  	[smem:$0x3FC2] =	sst s2  }
0x8f: {  	_ = 	snop  }
0x90: {  	s2 =	sld [smem:$0x3FC9]  }
0x91: {  	s15 =	sld [smem:$0x3FD0]  }
0x92: {  	s4 =	sld [smem:$0x3FC8]  }
0x93: {  	s5 =	sld [smem:$0x3FC7]  }
0x94: {  	s7 =	simm.s32 $0xA;
	s8 =	simm.s32 $0x10;
	s6 =	sld [smem:$0x3FC6]  }
0x95: {  	[smem:s8], [sflag:s7] =	dma.local [hbm:s15], $0x1  }
0x96: {  	_ =	swait.eq [sflag:s7], $0x1  }
0x97: {  	[sflag:s7] =	ssyncset.done $0x0  }
0x98: {  	s16 =	sld [smem:$0x10];
	[sflag:s7] =	ssyncadd.s32 $0xFFFFFFFF  }
0x99: {  	s17 =	sld [smem:$0x11];
	(tm) =	ssettm $0x1  }
0x9a: {  	s18 =	sld [smem:$0x3FFB];
	_ =	sdelay $0x3  }
0x9b: {  	_ =	strace s18  }
0x9c: {  	s8 =	sld [smem:$0x3FFC];
	_ =	sdelay $0x3  }
0x9d: {  	_ =	strace s8  }
0x9e: {  	s8 =	sld [smem:$0x3FFD];
	_ =	sdelay $0x3  }
0x9f: {  	_ =	strace s8  }
0xa0: {  	_ =	strace $0x8FFFFFFF  }
0xa1: {  	s19 =	sld [smem:$0x3FDB];
	_ =	sdelay $0x1  }
0xa2: {  	s9 =	simm.s32 $_scs_section_size  }
0xa3: {  	s10 =	simm.s32 $_size__tile_overlayer_lowered;
	s11 =	simm.s32 $_tile_overlayer_lowered  }
0xa4: {  	s22 =	simm.s32 $0x1BFF;
	s21 =	sshll.u32 s11, $0x1;
	s8 =	sadd.s32 s9, s19  }
0xa5: {  	s12 =	simm.s32 $0x0;
	s20 =	sshll.u32 s10, $0x1;
	s10 =	sadd.s32 s21, s8  }
0xa6: {  	[timem:s12], [sflag:s22] =	dma.local [hbm:s10], s20  }
0xa7: {  	_ =	swait.ge [sflag:s22], s20  }
0xa8: {  	s9 =	ssub.s32 $0x0, s20;
	[sflag:s22] =	ssyncset.done $0x0  }
0xa9: {  	[sflag:s22] =	ssyncadd.s32 s9;
	_ =	sdelay $0x1  }
0xaa: {  	s23 =	simm.s32 $0x1B8B  }
0xab: {  	_ =	swait.ge [sflag:s23], $0x1  }
0xac: {  	[sflag:s23] =	ssyncset.done $0x0  }
0xad: {  	s25 =	simm.s32 $0x1B8E;
	s24 =	sld [smem:$0x3FFE];
	[sflag:s23] =	ssyncadd.s32 $0xFFFFFFFF  }
0xae: {  	s26 =	simm.s32 $execute0_lowered;
	[smem:$0x3FD2] =	sst s25  }
0xaf: {  	s10 =	sshll.u32 s26, $0x1;
	_ =	strace $0x80000046;
	[dreg:$0x1] =	wrdreg $0xFFFFFFFF  }
0xb0: {  	s28 =	simm.s32 $_size_execute0_lowered;
	s8 =	sadd.s32 s8, s10;
	[dreg:$0x0] =	wrdreg $0x0  }
0xb1: {  	s10 =	sshll.u32 s28, $0x1;
	[dreg:$0x2] =	wrdreg s8  }
0xb2: {  	[dreg:$0x3] =	wrdreg s10  }
0xb3: {  	[dreg:$0x4] =	wrdreg $0xC0  }
0xb4: {  	_ =	task [dreg:s12], $0x5FFFF  }
0xb5: {  	[dreg:$0x1] =	wrdreg $0xFFFFFFFF  }
0xb6: {  	[dreg:$0x0] =	wrdreg $0x60  }
0xb7: {  	[dreg:$0x2] =	wrdreg s2  }
0xb8: {  	[dreg:$0x3] =	wrdreg s4  }
0xb9: {  	[dreg:$0x4] =	wrdreg s5  }
0xba: {  	[dreg:$0x5] =	wrdreg s6  }
0xbb: {  	[dreg:$0x6] =	wrdreg s24  }
0xbc: {  	[dreg:$0x7] =	wrdreg s16  }
0xbd: {  	[dreg:$0x8] =	wrdreg s17  }
0xbe: {  	[dreg:$0x9] =	wrdreg $0x9  }
0xbf: {  	_ =	task.clear_ibuf [dreg:s12], $0xAFFFF;
	_ =	strace $0x90000046  }
0xc0: {  	s29 =	simm.s32 $0x9;
	_ =	strace $0x80000048  }
0xc1: {  	_ =	swait.ge [sflag:s29], $0x1  }
0xc2: {  	[sflag:s29] =	ssyncadd.s32 $0xFFFFFFFF  }
0xc3: {  	_ =	strace $0x90000048  }
0xc4: {  	_ =	sfence  }
0xc5: {  	s30 =	sld [smem:$0x0];
	_ =	sdelay $0x2  }
0xc6: {  	s31 =	sshll.u32 s1, $0xD;
	s1 =	sshrl.u32 s1, $0x2  }
0xc7: {  	s3 =	sand.u32 $0x4000, s31;
	s1 =	sadd.s32 s1, s30  }
0xc8: {  	s0 =	sor.u32 s3, s0;
	s1 =	sshll.u32 s1, $0x11  }
0xc9: {  	s0 =	sor.u32 s1, s0  }
0xca: {  	s0 =	sadd.s32 $0x8F2B, s0  }
0xcb: {  	[sflag:s0] =	ssyncadd.remote.s32 $0x1  }
0xcc: {  	_ =	sfence.sel $0xFFFF  }
0xcd: {  	[dreg:$0x0] =	wrdreg $0xFFFFFFFF;
	(pc) =	sbr.abs _section_cstart, $3  }
0xce: {  	[dreg:$0x1] =	wrdreg $0xFFFFFFFF  }
0xcf: {  	_ =	task.clear_ibuf [dreg:s12], $0x2FFFF;
	_ =	strace $0x9FFFFFFF  }
0xd0: {  	(tm) =	ssettm $0x7FFFFFFF  }
0xd1: {  	_ =	shalt  }
tec
execute0_lowered:
.L_overlay_start_1:
0x0: {  	(tag) =	ssettag $0x1  }
0x1: {  	s0 =	rddreg [dreg:$0x0]  }
0x2: {  	s1 =	rddreg [dreg:$0x1]  }
0x3: {  	s2 =	rddreg [dreg:$0x2]  }
0x4: {  	s4 =	rddreg [dreg:$0x3]  }
0x5: {  	s5 =	rddreg [dreg:$0x4]  }
0x6: {  	s6 =	rddreg [dreg:$0x5]  }
0x7: {  	s7 =	rddreg [dreg:$0x6];
	s8 =	simm.s32 $0x0;
	s3 =	srdreg.scid  }
0x8: {  	s9 =	stileid.u32;
	s28 =	simm.s32 $0x3;
	s15 =	sand.u32 $0x1, s3  }
0x9: {  	[smem:$0x7FF] =	sst s8;
	s9 =	sshll.u32 s9, $0xA;
	s10 =	sshll.u32 s15, $0x9  }
0xa: {  	s3 =	sadd.s32 $0x187400, s5;
	s5 =	sadd.s32 $0xA00, s5;
	s9 =	sor.u32 s10, s9  }
0xb: {  	_ =	strace $0x80000047;
	[dreg:$0x8] =	wrdreg s5;
	s21 =	sadd.s32 s6, s9  }
0xc: {  	s10 =	sshrl.u32 s9, $0x3;
	s22 =	sadd.s32 s7, s9;
	[dreg:$0xd] =	wrdreg s21  }
0xd: {  	s8 =	ssub.s32 $0x2, s15;
	s0 =	sadd.s32 s0, s10;
	[dreg:$0xe] =	wrdreg s22  }
0xe: {  	s16 =	sshrl.u32 s8, $0x1;
	s17 =	sadd.s32 s1, s10;
	[dreg:$0x9] =	wrdreg s0  }
0xf: {  	s5 =	ssub.s32 s8, s16;
	s18 =	sadd.s32 s2, s10;
	[dreg:$0xa] =	wrdreg s17  }
0x10: {  	s20 =	sor.u32 $0x80, s9;
	s19 =	sadd.s32 s4, s10;
	[dreg:$0xb] =	wrdreg s18  }
0x11: {  	s24 =	sor.u32 $0x100, s9;
	s23 =	sadd.s32 s6, s20;
	[dreg:$0xc] =	wrdreg s19  }
0x12: {  	s25 =	sor.u32 $0x180, s9;
	s26 =	sadd.s32 s6, s24;
	[dreg:$0xf] =	wrdreg s23  }
0x13: {  	s29 =	sadd.s32 s6, s25;
	s30 =	sadd.s32 s7, s25;
	[dreg:$0x11] =	wrdreg s26  }
0x14: {  	v0 =	vlaneseq.u32;
	s31 =	smax.u32 s5, $0x1;
	s5 =	simm.s32 $0x400;
	[dreg:$0x13] =	wrdreg s29  }
0x15: {  	v1 =	vshrl.u32 v0, $0x3;
	s6 =	simm.s32 $0xD000;
	s4 =	simm.s32 $0x0;
	[dreg:$0x14] =	wrdreg s30  }
0x16: {  	v2 =	vand.u32 $0x7, v0;
	v0 =	vmul.u32 $0x400, v1;
	s0 =	sadd.s32 s7, s20;
	[dreg:$0x15] =	wrdreg s31;
	s18 =	simm.s32 $0x9000  }
0x17: {  	v1 =	vmul.u32 $0x80, v2;
	s23 =	simm.s32 $0xB000;
	[dreg:$0x10] =	wrdreg s0;
	s0 =	sadd.s32 s7, s24  }
0x18: {  	v2 =	vor.u32 $0x800, v0;
	v3 =	vor.u32 $0x1000, v0;
	v4 =	vor.u32 $0x1800, v0;
	s7 =	simm.s32 $0xF000;
	[dreg:$0x12] =	wrdreg s0;
	s0 =	simm.s32 $0x2  }
.LBB2_1:
0x19: {  	[dreg:$0x16] =	wrdreg s4  }
0x1a: {  	s1 =	simm.s32 $0x0;
	s2 =	rddreg [dreg:$0x9]  }
0x1b: {  	[tilespmem:s1], [sflag:$0x1] =	stream.linear.gather [hbm4b:s2+s1], $0x200, $0x38;
	[tilespmem:$0x11000] =	vst v63  }
0x1c: {  	s25 =	rddreg [dreg:$0xa];
	s26 =	simm.s32 $0x200  }
0x1d: {  	[tilespmem:s26], [sflag:$0x1] =	stream.linear.gather [hbm4b:s25+s1], $0x200, $0x38;
	[tilespmem:$0x11000] =	vst v63  }
0x1e: {  	s4 =	rddreg [dreg:$0xb]  }
0x1f: {  	[tilespmem:s5], [sflag:$0x1] =	stream.linear.gather [hbm4b:s4+s1], $0x200, $0x38;
	[tilespmem:$0x11000] =	vst v63  }
0x20: {  	s8 =	simm.s32 $0x600;
	s9 =	simm.s32 $0x1;
	s5 =	rddreg [dreg:$0xc]  }
0x21: {  	[tilespmem:s8], [sflag:$0x1] =	stream.linear.gather [hbm4b:s5+s1], $0x200, $0x38;
	[tilespmem:$0x11000] =	vst v63  }
0x22: {  	_ =	swait.ge [sflag:s9], $0x200  }
0x23: {  	[sflag:s9] =	ssyncset.done $0x0  }
0x24: {  	[sflag:s9] =	ssyncadd.s32 $0xFFFFFE00  }
0x25: {  	_ =	swait.ge [sflag:s9], $0x200  }
0x26: {  	[sflag:s9] =	ssyncset.done $0x0  }
0x27: {  	[sflag:s9] =	ssyncadd.s32 $0xFFFFFE00  }
0x28: {  	_ =	swait.ge [sflag:s9], $0x200  }
0x29: {  	[sflag:s9] =	ssyncset.done $0x0  }
0x2a: {  	[sflag:s9] =	ssyncadd.s32 $0xFFFFFE00  }
0x2b: {  	_ =	swait.ge [sflag:s9], $0x200  }
0x2c: {  	[sflag:s9] =	ssyncset.done $0x0  }
0x2d: {  	[sflag:s9] =	ssyncadd.s32 $0xFFFFFE00  }
0x2e: {  	v5 =	vld [tilespmem:$0x0]  }
0x2f: {  	v6 =	vld [tilespmem:$0x10]  }
0x30: {  	v7 =	vld [tilespmem:$0x20]  }
0x31: {  	v8 =	vld [tilespmem:$0x30]  }
0x32: {  	v9 =	vld [tilespmem:$0x40]  }
0x33: {  	[tilespmem:$0x800] =	vst v5;
	v5 =	vld [tilespmem:$0x50]  }
0x34: {  	[tilespmem:$0x810] =	vst v6;
	v6 =	vld [tilespmem:$0x60]  }
0x35: {  	[tilespmem:$0x820] =	vst v7;
	v7 =	vld [tilespmem:$0x70]  }
0x36: {  	[tilespmem:$0x830] =	vst v8;
	v8 =	vld [tilespmem:$0x80]  }
0x37: {  	[tilespmem:$0x840] =	vst v9;
	v9 =	vld [tilespmem:$0x90]  }
0x38: {  	[tilespmem:$0x850] =	vst v5;
	v5 =	vld [tilespmem:$0xA0]  }
0x39: {  	[tilespmem:$0x860] =	vst v6;
	v6 =	vld [tilespmem:$0xB0]  }
0x3a: {  	[tilespmem:$0x870] =	vst v7;
	v7 =	vld [tilespmem:$0xC0]  }
0x3b: {  	[tilespmem:$0x880] =	vst v8;
	v8 =	vld [tilespmem:$0xD0]  }
0x3c: {  	[tilespmem:$0x890] =	vst v9;
	v9 =	vld [tilespmem:$0xE0]  }
0x3d: {  	[tilespmem:$0x8A0] =	vst v5;
	v5 =	vld [tilespmem:$0xF0]  }
0x3e: {  	[tilespmem:$0x8B0] =	vst v6;
	v6 =	vld [tilespmem:$0x100]  }
0x3f: {  	[tilespmem:$0x8C0] =	vst v7;
	v7 =	vld [tilespmem:$0x110]  }
0x40: {  	[tilespmem:$0x8D0] =	vst v8;
	v8 =	vld [tilespmem:$0x120]  }
0x41: {  	[tilespmem:$0x8E0] =	vst v9;
	v9 =	vld [tilespmem:$0x130]  }
0x42: {  	[tilespmem:$0x8F0] =	vst v5;
	v5 =	vld [tilespmem:$0x140]  }
0x43: {  	[tilespmem:$0x900] =	vst v6;
	v6 =	vld [tilespmem:$0x150]  }
0x44: {  	[tilespmem:$0x910] =	vst v7;
	v7 =	vld [tilespmem:$0x160]  }
0x45: {  	[tilespmem:$0x920] =	vst v8;
	v8 =	vld [tilespmem:$0x170]  }
0x46: {  	[tilespmem:$0x930] =	vst v9;
	v9 =	vld [tilespmem:$0x180]  }
0x47: {  	[tilespmem:$0x940] =	vst v5;
	v5 =	vld [tilespmem:$0x190]  }
0x48: {  	[tilespmem:$0x950] =	vst v6;
	v6 =	vld [tilespmem:$0x1A0]  }
0x49: {  	[tilespmem:$0x960] =	vst v7;
	v7 =	vld [tilespmem:$0x1B0]  }
0x4a: {  	[tilespmem:$0x970] =	vst v8;
	v8 =	vld [tilespmem:$0x1C0]  }
0x4b: {  	[tilespmem:$0x980] =	vst v9;
	v9 =	vld [tilespmem:$0x1D0]  }
0x4c: {  	[tilespmem:$0x990] =	vst v5;
	v5 =	vld [tilespmem:$0x1E0]  }
0x4d: {  	[tilespmem:$0x9A0] =	vst v6;
	v6 =	vld [tilespmem:$0x1F0]  }
0x4e: {  	[tilespmem:$0x9B0] =	vst v7;
	v7 =	vld [tilespmem:$0x200]  }
0x4f: {  	[tilespmem:$0x9C0] =	vst v8;
	v8 =	vld [tilespmem:$0x210]  }
0x50: {  	[tilespmem:$0x9D0] =	vst v9;
	v9 =	vld [tilespmem:$0x220]  }
0x51: {  	[tilespmem:$0x9E0] =	vst v5;
	v5 =	vld [tilespmem:$0x230]  }
0x52: {  	[tilespmem:$0x9F0] =	vst v6;
	v6 =	vld [tilespmem:$0x240]  }
0x53: {  	[tilespmem:$0xA00] =	vst v7;
	v7 =	vld [tilespmem:$0x250]  }
0x54: {  	[tilespmem:$0xA10] =	vst v8;
	v8 =	vld [tilespmem:$0x260]  }
0x55: {  	[tilespmem:$0xA20] =	vst v9;
	v9 =	vld [tilespmem:$0x270]  }
0x56: {  	[tilespmem:$0xA30] =	vst v5;
	v5 =	vld [tilespmem:$0x280]  }
0x57: {  	[tilespmem:$0xA40] =	vst v6;
	v6 =	vld [tilespmem:$0x290]  }
0x58: {  	[tilespmem:$0xA50] =	vst v7;
	v7 =	vld [tilespmem:$0x2A0]  }
0x59: {  	[tilespmem:$0xA60] =	vst v8;
	v8 =	vld [tilespmem:$0x2B0]  }
0x5a: {  	[tilespmem:$0xA70] =	vst v9;
	v9 =	vld [tilespmem:$0x2C0]  }
0x5b: {  	[tilespmem:$0xA80] =	vst v5;
	v5 =	vld [tilespmem:$0x2D0]  }
0x5c: {  	[tilespmem:$0xA90] =	vst v6;
	v6 =	vld [tilespmem:$0x2E0]  }
0x5d: {  	[tilespmem:$0xAA0] =	vst v7;
	v7 =	vld [tilespmem:$0x2F0]  }
0x5e: {  	[tilespmem:$0xAB0] =	vst v8;
	v8 =	vld [tilespmem:$0x300]  }
0x5f: {  	[tilespmem:$0xAC0] =	vst v9;
	v9 =	vld [tilespmem:$0x310]  }
0x60: {  	[tilespmem:$0xAD0] =	vst v5;
	v5 =	vld [tilespmem:$0x320]  }
0x61: {  	[tilespmem:$0xAE0] =	vst v6;
	v6 =	vld [tilespmem:$0x330]  }
0x62: {  	[tilespmem:$0xAF0] =	vst v7;
	v7 =	vld [tilespmem:$0x340]  }
0x63: {  	[tilespmem:$0xB00] =	vst v8;
	v8 =	vld [tilespmem:$0x350]  }
0x64: {  	[tilespmem:$0xB10] =	vst v9;
	v9 =	vld [tilespmem:$0x360]  }
0x65: {  	[tilespmem:$0xB20] =	vst v5;
	v5 =	vld [tilespmem:$0x370]  }
0x66: {  	[tilespmem:$0xB30] =	vst v6;
	v6 =	vld [tilespmem:$0x380]  }
0x67: {  	[tilespmem:$0xB40] =	vst v7;
	v7 =	vld [tilespmem:$0x390]  }
0x68: {  	[tilespmem:$0xB50] =	vst v8;
	v8 =	vld [tilespmem:$0x3A0]  }
0x69: {  	[tilespmem:$0xB60] =	vst v9;
	v9 =	vld [tilespmem:$0x3B0]  }
0x6a: {  	[tilespmem:$0xB70] =	vst v5;
	v5 =	vld [tilespmem:$0x3C0]  }
0x6b: {  	[tilespmem:$0xB80] =	vst v6;
	v6 =	vld [tilespmem:$0x3D0]  }
0x6c: {  	[tilespmem:$0xB90] =	vst v7;
	v7 =	vld [tilespmem:$0x3E0]  }
0x6d: {  	[tilespmem:$0xBA0] =	vst v8;
	v8 =	vld [tilespmem:$0x3F0]  }
0x6e: {  	[tilespmem:$0xBB0] =	vst v9;
	v9 =	vld [tilespmem:$0x400]  }
0x6f: {  	[tilespmem:$0xBC0] =	vst v5;
	v5 =	vld [tilespmem:$0x410]  }
0x70: {  	[tilespmem:$0xBD0] =	vst v6;
	v6 =	vld [tilespmem:$0x420]  }
0x71: {  	[tilespmem:$0xBE0] =	vst v7;
	v7 =	vld [tilespmem:$0x430]  }
0x72: {  	[tilespmem:$0xBF0] =	vst v8;
	v8 =	vld [tilespmem:$0x440]  }
0x73: {  	[tilespmem:$0xC00] =	vst v9;
	v9 =	vld [tilespmem:$0x450]  }
0x74: {  	[tilespmem:$0xC10] =	vst v5;
	v5 =	vld [tilespmem:$0x460]  }
0x75: {  	[tilespmem:$0xC20] =	vst v6;
	v6 =	vld [tilespmem:$0x470]  }
0x76: {  	[tilespmem:$0xC30] =	vst v7;
	v7 =	vld [tilespmem:$0x480]  }
0x77: {  	[tilespmem:$0xC40] =	vst v8;
	v8 =	vld [tilespmem:$0x490]  }
0x78: {  	[tilespmem:$0xC50] =	vst v9;
	v9 =	vld [tilespmem:$0x4A0]  }
0x79: {  	[tilespmem:$0xC60] =	vst v5;
	v5 =	vld [tilespmem:$0x4B0]  }
0x7a: {  	[tilespmem:$0xC70] =	vst v6;
	v6 =	vld [tilespmem:$0x4C0]  }
0x7b: {  	[tilespmem:$0xC80] =	vst v7;
	v7 =	vld [tilespmem:$0x4D0]  }
0x7c: {  	[tilespmem:$0xC90] =	vst v8;
	v8 =	vld [tilespmem:$0x4E0]  }
0x7d: {  	[tilespmem:$0xCA0] =	vst v9;
	v9 =	vld [tilespmem:$0x4F0]  }
0x7e: {  	[tilespmem:$0xCB0] =	vst v5;
	v5 =	vld [tilespmem:$0x500]  }
0x7f: {  	[tilespmem:$0xCC0] =	vst v6;
	v6 =	vld [tilespmem:$0x510]  }
0x80: {  	[tilespmem:$0xCD0] =	vst v7;
	v7 =	vld [tilespmem:$0x520]  }
0x81: {  	[tilespmem:$0xCE0] =	vst v8;
	v8 =	vld [tilespmem:$0x530]  }
0x82: {  	[tilespmem:$0xCF0] =	vst v9;
	v9 =	vld [tilespmem:$0x540]  }
0x83: {  	[tilespmem:$0xD00] =	vst v5;
	v5 =	vld [tilespmem:$0x550]  }
0x84: {  	[tilespmem:$0xD10] =	vst v6;
	v6 =	vld [tilespmem:$0x560]  }
0x85: {  	[tilespmem:$0xD20] =	vst v7;
	v7 =	vld [tilespmem:$0x570]  }
0x86: {  	[tilespmem:$0xD30] =	vst v8;
	v8 =	vld [tilespmem:$0x580]  }
0x87: {  	[tilespmem:$0xD40] =	vst v9;
	v9 =	vld [tilespmem:$0x590]  }
0x88: {  	[tilespmem:$0xD50] =	vst v5;
	v5 =	vld [tilespmem:$0x5A0]  }
0x89: {  	[tilespmem:$0xD60] =	vst v6;
	v6 =	vld [tilespmem:$0x5B0]  }
0x8a: {  	[tilespmem:$0xD70] =	vst v7;
	v7 =	vld [tilespmem:$0x5C0]  }
0x8b: {  	[tilespmem:$0xD80] =	vst v8;
	v8 =	vld [tilespmem:$0x5D0]  }
0x8c: {  	[tilespmem:$0xD90] =	vst v9;
	v9 =	vld [tilespmem:$0x5E0]  }
0x8d: {  	[tilespmem:$0xDA0] =	vst v5;
	v5 =	vld [tilespmem:$0x5F0]  }
0x8e: {  	[tilespmem:$0xDB0] =	vst v6;
	v6 =	vld [tilespmem:$0x600]  }
0x8f: {  	[tilespmem:$0xDC0] =	vst v7;
	v7 =	vld [tilespmem:$0x610]  }
0x90: {  	[tilespmem:$0xDD0] =	vst v8;
	v8 =	vld [tilespmem:$0x620]  }
0x91: {  	[tilespmem:$0xDE0] =	vst v9;
	v9 =	vld [tilespmem:$0x630]  }
0x92: {  	[tilespmem:$0xDF0] =	vst v5;
	v5 =	vld [tilespmem:$0x640]  }
0x93: {  	[tilespmem:$0xE00] =	vst v6;
	v6 =	vld [tilespmem:$0x650]  }
0x94: {  	[tilespmem:$0xE10] =	vst v7;
	v7 =	vld [tilespmem:$0x660]  }
0x95: {  	[tilespmem:$0xE20] =	vst v8;
	v8 =	vld [tilespmem:$0x670]  }
0x96: {  	[tilespmem:$0xE30] =	vst v9;
	v9 =	vld [tilespmem:$0x680]  }
0x97: {  	[tilespmem:$0xE40] =	vst v5;
	v5 =	vld [tilespmem:$0x690]  }
0x98: {  	[tilespmem:$0xE50] =	vst v6;
	v6 =	vld [tilespmem:$0x6A0]  }
0x99: {  	[tilespmem:$0xE60] =	vst v7;
	v7 =	vld [tilespmem:$0x6B0]  }
0x9a: {  	[tilespmem:$0xE70] =	vst v8;
	v8 =	vld [tilespmem:$0x6C0]  }
0x9b: {  	[tilespmem:$0xE80] =	vst v9;
	v9 =	vld [tilespmem:$0x6D0]  }
0x9c: {  	[tilespmem:$0xE90] =	vst v5;
	v5 =	vld [tilespmem:$0x6E0]  }
0x9d: {  	[tilespmem:$0xEA0] =	vst v6;
	v6 =	vld [tilespmem:$0x6F0]  }
0x9e: {  	[tilespmem:$0xEB0] =	vst v7;
	v7 =	vld [tilespmem:$0x700]  }
0x9f: {  	[tilespmem:$0xEC0] =	vst v8;
	v8 =	vld [tilespmem:$0x710]  }
0xa0: {  	[tilespmem:$0xED0] =	vst v9;
	v9 =	vld [tilespmem:$0x720]  }
0xa1: {  	[tilespmem:$0xEE0] =	vst v5;
	v5 =	vld [tilespmem:$0x730]  }
0xa2: {  	[tilespmem:$0xEF0] =	vst v6;
	v6 =	vld [tilespmem:$0x740]  }
0xa3: {  	[tilespmem:$0xF00] =	vst v7;
	v7 =	vld [tilespmem:$0x750]  }
0xa4: {  	[tilespmem:$0xF10] =	vst v8;
	v8 =	vld [tilespmem:$0x760]  }
0xa5: {  	[tilespmem:$0xF20] =	vst v9;
	v9 =	vld [tilespmem:$0x770]  }
0xa6: {  	[tilespmem:$0xF30] =	vst v5;
	v5 =	vld [tilespmem:$0x780]  }
0xa7: {  	[tilespmem:$0xF40] =	vst v6;
	v6 =	vld [tilespmem:$0x790]  }
0xa8: {  	[tilespmem:$0xF50] =	vst v7;
	v7 =	vld [tilespmem:$0x7A0]  }
0xa9: {  	[tilespmem:$0xF60] =	vst v8;
	v8 =	vld [tilespmem:$0x7B0]  }
0xaa: {  	[tilespmem:$0xF70] =	vst v9;
	v9 =	vld [tilespmem:$0x7C0]  }
0xab: {  	[tilespmem:$0xF80] =	vst v5;
	v5 =	vld [tilespmem:$0x7D0]  }
0xac: {  	[tilespmem:$0xF90] =	vst v6;
	v6 =	vld [tilespmem:$0x7E0]  }
0xad: {  	[tilespmem:$0xFA0] =	vst v7;
	v7 =	vld [tilespmem:$0x7F0]  }
0xae: {  	[tilespmem:$0xFB0] =	vst v8  }
0xaf: {  	[tilespmem:$0xFC0] =	vst v9  }
0xb0: {  	[tilespmem:$0xFD0] =	vst v5  }
0xb1: {  	[tilespmem:$0xFE0] =	vst v6  }
0xb2: {  	s10 =	simm.s32 $0x40;
	s11 =	simm.s32 $0x800;
	s12 =	simm.s32 $0x1000;
	[tilespmem:$0xFF0] =	vst v7  }
0xb3: {  	[tilespmem:s12], [sflag:$0x2] =	stream.indirect.gather [hbm4b:s3+s10], $0x40, s11, s10, $0xb8;
	[tilespmem:$0x11000] =	vst v63  }
0xb4: {  	s14 =	simm.s32 $0xA00;
	s8 =	simm.s32 $0x2000;
	s13 =	rddreg [dreg:$0x8]  }
0xb5: {  	[tilespmem:s8], [sflag:$0x2] =	stream.indirect.gather [hbm4b:s13+s10], $0x40, s14, s10, $0xb8;
	[tilespmem:$0x11000] =	vst v63  }
0xb6: {  	s15 =	simm.s32 $0xC00;
	s16 =	simm.s32 $0x3000  }
0xb7: {  	[tilespmem:s16], [sflag:$0x2] =	stream.indirect.gather [hbm4b:s3+s10], $0x40, s15, s10, $0xb8;
	[tilespmem:$0x11000] =	vst v63  }
0xb8: {  	s17 =	simm.s32 $0xE00;
	s19 =	simm.s32 $0x4000  }
0xb9: {  	[tilespmem:s19], [sflag:$0x2] =	stream.indirect.gather [hbm4b:s3+s10], $0x40, s17, s10, $0xb8;
	[tilespmem:$0x11000] =	vst v63  }
0xba: {  	s20 =	simm.s32 $0x840;
	s21 =	simm.s32 $0x5000  }
0xbb: {  	[tilespmem:s21], [sflag:$0x3] =	stream.indirect.gather [hbm4b:s3+s10], $0x40, s20, s10, $0xb8;
	[tilespmem:$0x11000] =	vst v63  }
0xbc: {  	s22 =	simm.s32 $0xA40;
	s24 =	simm.s32 $0x6000  }
0xbd: {  	[tilespmem:s24], [sflag:$0x3] =	stream.indirect.gather [hbm4b:s13+s10], $0x40, s22, s10, $0xb8;
	[tilespmem:$0x11000] =	vst v63  }
0xbe: {  	s25 =	simm.s32 $0xC40;
	s26 =	simm.s32 $0x7000  }
0xbf: {  	[tilespmem:s26], [sflag:$0x3] =	stream.indirect.gather [hbm4b:s3+s10], $0x40, s25, s10, $0xb8;
	[tilespmem:$0x11000] =	vst v63  }
0xc0: {  	s5 =	simm.s32 $0xE40;
	s8 =	simm.s32 $0x8000  }
0xc1: {  	[tilespmem:s8], [sflag:$0x3] =	stream.indirect.gather [hbm4b:s3+s10], $0x40, s5, s10, $0xb8;
	[tilespmem:$0x11000] =	vst v63  }
0xc2: {  	_ =	swait.ge [sflag:s0], $0x1000  }
0xc3: {  	[sflag:s0] =	ssyncset.done $0x0  }
0xc4: {  	[sflag:s0] =	ssyncadd.s32 $0xFFFFF000  }
0xc5: {  	_ =	swait.ge [sflag:s0], $0x1000  }
0xc6: {  	[sflag:s0] =	ssyncset.done $0x0  }
0xc7: {  	[sflag:s0] =	ssyncadd.s32 $0xFFFFF000  }
0xc8: {  	_ =	swait.ge [sflag:s0], $0x1000  }
0xc9: {  	[sflag:s0] =	ssyncset.done $0x0  }
0xca: {  	[sflag:s0] =	ssyncadd.s32 $0xFFFFF000  }
0xcb: {  	_ =	swait.ge [sflag:s0], $0x1000  }
0xcc: {  	[sflag:s0] =	ssyncset.done $0x0  }
0xcd: {  	s9 =	simm.s32 $0x1020;
	[sflag:s0] =	ssyncadd.s32 $0xFFFFF000  }
0xce: {  	s10 =	simm.s32 $0x2020;
	v5 =	vld [tilespmem:s9+$0xFFFFFFE0]  }
0xcf: {  	v6 =	vld [tilespmem:s10+$0xFFFFFFE0]  }
0xd0: {  	s21 =	simm.s32 $0x3020  }
0xd1: {  	v8 =	vor.u32 s1, v1;
	v7 =	vld [tilespmem:s21+$0xFFFFFFE0]  }
0xd2: {  	v9 =	vand.u32 $0x3BF, v8  }
0xd3: {  	v8 =	vor.u32 v0, v9  }
0xd4: {  	v5 =	vadd.f32 v6, v5;
	_ =	sdelay $0x1  }
0xd5: {  	v6 =	vsub.f32 v5, v7;
	_ =	sdelay $0x1  }
0xd6: {  	s19 =	simm.s32 $0x4020;
	[tilespmem:v8+s18+$0x0] =	vst.idx.msk $0xffff, v6  }
0xd7: {  	v6 =	vld [tilespmem:s19+$0xFFFFFFE0];
	_ =	sdelay $0x1  }
0xd8: {  	s16 =	simm.s32 $0x2060  }
0xd9: {  	s13 =	simm.s32 $0x1060;
	v10 =	vld [tilespmem:s16+$0xFFFFFFE0]  }
0xda: {  	v7 =	vld [tilespmem:s13+$0xFFFFFFE0]  }
0xdb: {  	s11 =	simm.s32 $0x1;
	s5 =	simm.s32 $0x3060;
	v6 =	vsub.f32 v5, v6  }
0xdc: {  	v11 =	vld [tilespmem:s5+$0xFFFFFFE0];
	v5 =	vor.u32 s11, v1  }
0xdd: {  	v5 =	vand.u32 $0x3BF, v5;
	[tilespmem:v8+s23+$0x0] =	vst.idx.msk $0xffff, v6  }
0xde: {  	v8 =	vor.u32 v0, v5;
	v6 =	vld [tilespmem:s10+$0xFFFFFFF0]  }
0xdf: {  	v7 =	vadd.f32 v10, v7;
	v10 =	vld [tilespmem:s9+$0xFFFFFFF0];
	_ =	sdelay $0x1  }
0xe0: {  	v11 =	vsub.f32 v7, v11;
	v12 =	vld [tilespmem:s21+$0xFFFFFFF0]  }
0xe1: {  	s15 =	simm.s32 $0x10A0  }
0xe2: {  	v14 =	vld [tilespmem:s15+$0xFFFFFFE0];
	s11 =	simm.s32 $0x4060;
	[tilespmem:v8+s18+$0x0] =	vst.idx.msk $0xffff, v11;
	v11 =	vor.u32 v2, v9  }
0xe3: {  	s14 =	simm.s32 $0x20A0;
	v13 =	vld [tilespmem:s11+$0xFFFFFFE0];
	v10 =	vadd.f32 v6, v10  }
0xe4: {  	v15 =	vld [tilespmem:s14+$0xFFFFFFE0]  }
0xe5: {  	s12 =	simm.s32 $0x2;
	s17 =	simm.s32 $0x30A0;
	v6 =	vsub.f32 v10, v12  }
0xe6: {  	v16 =	vor.u32 s12, v1;
	v12 =	vld [tilespmem:s17+$0xFFFFFFE0]  }
0xe7: {  	[tilespmem:v11+s18+$0x0] =	vst.idx.msk $0xffff, v6;
	v6 =	vand.u32 $0x3BF, v16  }
0xe8: {  	v7 =	vsub.f32 v7, v13;
	v13 =	vld [tilespmem:s19+$0xFFFFFFF0];
	v16 =	vor.u32 v0, v6  }
0xe9: {  	v14 =	vadd.f32 v15, v14  }
0xea: {  	s26 =	simm.s32 $0x20E0  }
0xeb: {  	v17 =	vld [tilespmem:s26+$0xFFFFFFE0];
	[tilespmem:v8+s23+$0x0] =	vst.idx.msk $0xffff, v7;
	v8 =	vsub.f32 v14, v12  }
0xec: {  	v12 =	vld [tilespmem:s16+$0xFFFFFFF0]  }
0xed: {  	v10 =	vsub.f32 v10, v13;
	[tilespmem:v16+s18+$0x0] =	vst.idx.msk $0xffff, v8;
	v8 =	vld [tilespmem:s13+$0xFFFFFFF0]  }
0xee: {  	s12 =	simm.s32 $0x40A0;
	v7 =	vld [tilespmem:s5+$0xFFFFFFF0]  }
0xef: {  	v13 =	vld [tilespmem:s12+$0xFFFFFFE0];
	[tilespmem:v11+s23+$0x0] =	vst.idx.msk $0xffff, v10  }
0xf0: {  	v10 =	vld [tilespmem:s9+$0x0]  }
0xf1: {  	s24 =	simm.s32 $0x10E0;
	v18 =	vor.u32 v2, v5;
	v11 =	vld [tilespmem:s10+$0x0]  }
0xf2: {  	v15 =	vld [tilespmem:s24+$0xFFFFFFE0];
	v8 =	vadd.f32 v12, v8  }
0xf3: {  	s31 =	simm.s32 $0x30E0;
	s20 =	simm.s32 $0x3;
	v19 =	vld [tilespmem:s21+$0x0]  }
0xf4: {  	v20 =	vor.u32 s20, v1;
	v12 =	vsub.f32 v14, v13;
	v14 =	vld [tilespmem:s31+$0xFFFFFFE0];
	v21 =	vsub.f32 v8, v7  }
0xf5: {  	s25 =	simm.s32 $0x2120;
	v13 =	vor.u32 v3, v9;
	v7 =	vand.u32 $0x3BF, v20  }
0xf6: {  	v22 =	vld [tilespmem:s25+$0xFFFFFFE0];
	v10 =	vadd.f32 v11, v10;
	v11 =	vor.u32 v0, v7;
	[tilespmem:v18+s18+$0x0] =	vst.idx.msk $0xffff, v21  }
0xf7: {  	s2 =	simm.s32 $0x2160;
	v15 =	vadd.f32 v17, v15;
	[tilespmem:v16+s23+$0x0] =	vst.idx.msk $0xffff, v12;
	v16 =	vld [tilespmem:s11+$0xFFFFFFF0]  }
0xf8: {  	s1 =	simm.s32 $0x3120;
	v28 =	vld [tilespmem:s2+$0xFFFFFFE0];
	v17 =	vsub.f32 v10, v19  }
0xf9: {  	v20 =	vld [tilespmem:s1+$0xFFFFFFE0];
	v14 =	vsub.f32 v15, v14  }
0xfa: {  	v19 =	vld [tilespmem:s14+$0xFFFFFFF0];
	[tilespmem:v13+s18+$0x0] =	vst.idx.msk $0xffff, v17  }
0xfb: {  	s29 =	simm.s32 $0x40E0;
	v17 =	vld [tilespmem:s19+$0x0];
	[tilespmem:v11+s18+$0x0] =	vst.idx.msk $0xffff, v14  }
0xfc: {  	v14 =	vld [tilespmem:s29+$0xFFFFFFE0];
	v8 =	vsub.f32 v8, v16  }
0xfd: {  	v16 =	vld [tilespmem:s15+$0xFFFFFFF0]  }
0xfe: {  	v12 =	vld [tilespmem:s17+$0xFFFFFFF0];
	[tilespmem:v18+s23+$0x0] =	vst.idx.msk $0xffff, v8  }
0xff: {  	v18 =	vld [tilespmem:s13+$0x0]  }
0x100: {  	s20 =	simm.s32 $0x1120;
	v8 =	vsub.f32 v10, v17;
	v10 =	vld [tilespmem:s16+$0x0]  }
0x101: {  	v23 =	vor.u32 v2, v6;
	v21 =	vld [tilespmem:s20+$0xFFFFFFE0]  }
0x102: {  	v24 =	vld [tilespmem:s5+$0x0];
	[tilespmem:v13+s23+$0x0] =	vst.idx.msk $0xffff, v8;
	v13 =	vsub.f32 v15, v14;
	v14 =	vadd.f32 v19, v16  }
0x103: {  	v19 =	vld [tilespmem:s9+$0x10]  }
0x104: {  	s22 =	simm.s32 $0x4;
	v26 =	vor.u32 v3, v5;
	[tilespmem:v11+s23+$0x0] =	vst.idx.msk $0xffff, v13;
	v11 =	vsub.f32 v14, v12;
	v12 =	vld [tilespmem:s10+$0x10]  }
0x105: {  	v8 =	vor.u32 s22, v1;
	v15 =	vld [tilespmem:s21+$0x10];
	s21 =	simm.s32 $0x1160;
	v13 =	vadd.f32 v10, v18  }
0x106: {  	v8 =	vand.u32 $0x3BF, v8;
	v27 =	vld [tilespmem:s21+$0xFFFFFFE0];
	[tilespmem:v23+s18+$0x0] =	vst.idx.msk $0xffff, v11  }
0x107: {  	v17 =	vor.u32 v0, v8;
	v11 =	vld [tilespmem:s12+$0xFFFFFFF0];
	v10 =	vsub.f32 v13, v24  }
0x108: {  	v9 =	vor.u32 v4, v9;
	v16 =	vld [tilespmem:s31+$0xFFFFFFF0];
	v18 =	vadd.f32 v22, v21  }
0x109: {  	v22 =	vld [tilespmem:s26+$0xFFFFFFF0];
	[tilespmem:v26+s18+$0x0] =	vst.idx.msk $0xffff, v10;
	v10 =	vadd.f32 v12, v19  }
0x10a: {  	v20 =	vsub.f32 v18, v20;
	v12 =	vld [tilespmem:s11+$0x0]  }
0x10b: {  	s30 =	simm.s32 $0x3160;
	v29 =	vld [tilespmem:s24+$0xFFFFFFF0];
	v15 =	vsub.f32 v10, v15  }
0x10c: {  	s8 =	simm.s32 $0x4120;
	v24 =	vld [tilespmem:s30+$0xFFFFFFE0];
	[tilespmem:v17+s18+$0x0] =	vst.idx.msk $0xffff, v20;
	v11 =	vsub.f32 v14, v11  }
0x10d: {  	v19 =	vld [tilespmem:s8+$0xFFFFFFE0];
	[tilespmem:v9+s18+$0x0] =	vst.idx.msk $0xffff, v15  }
0x10e: {  	[tilespmem:v23+s23+$0x0] =	vst.idx.msk $0xffff, v11;
	v14 =	vld [tilespmem:s19+$0x10]  }
0x10f: {  	v21 =	vld [tilespmem:s15+$0x0];
	v15 =	vsub.f32 v13, v12  }
0x110: {  	v22 =	vadd.f32 v22, v29;
	v11 =	vor.u32 v3, v8;
	v23 =	vld [tilespmem:s14+$0x0]  }
0x111: {  	s9 =	simm.s32 $0x5;
	v13 =	vor.u32 v3, v6;
	v12 =	vor.u32 v3, v7;
	v20 =	vld [tilespmem:s17+$0x0];
	[tilespmem:v26+s23+$0x0] =	vst.idx.msk $0xffff, v15  }
0x112: {  	s10 =	simm.s32 $0x6;
	s19 =	simm.s32 $0x1160;
	v25 =	vsub.f32 v18, v19;
	v19 =	vadd.f32 v28, v27;
	v18 =	vor.u32 v2, v7;
	v15 =	vld [tilespmem:s5+$0x10];
	s5 =	simm.s32 $0x4120  }
.LBB2_2:
0x113: {  	v26 =	vor.u32 s9, v1;
	s21 =	sadd.s32 $0x40, s21;
	s9 =	smov.u32 s10;
	s22 =	sadd.s32 $0x1, s10  }
0x114: {  	v27 =	vsub.f32 v19, v24;
	v28 =	vld [tilespmem:s13+$0x10];
	v10 =	vsub.f32 v10, v14;
	s4 =	smov.u32 s30;
	s30 =	sadd.s32 $0x40, s30;
	s13 =	smov.u32 s15  }
0x115: {  	p0 =	sne.s32 s10, $0x3F;
	s15 =	smov.u32 s24;
	s24 =	smov.u32 s20;
	v14 =	vand.u32 $0x3BF, v26;
	[tilespmem:v17+s23+$0x0] =	vst.idx.msk $0xffff, v25;
	v24 =	vsub.f32 v22, v16;
	v25 =	vld [tilespmem:s16+$0x10];
	v26 =	vor.u32 v4, v5  }
0x116: {  	s8 =	sadd.s32 $0x40, s8;
	s20 =	smov.u32 s19;
	v5 =	vmov v6;
	s19 =	smov.u32 s21;
	v17 =	vor.u32 v0, v14;
	v16 =	vld [tilespmem:s1+$0xFFFFFFF0];
	v23 =	vadd.f32 v23, v21;
	[tilespmem:v9+s23+$0x0] =	vst.idx.msk $0xffff, v10  }
0x117: {  	v6 =	vmovc v7;
	v7 =	vmov v8;
	s16 =	smov.u32 s14;
	s14 =	smov.u32 s26;
	s26 =	smov.u32 s25;
	v29 =	vor.u32 v3, v14;
	v8 =	vmov v14;
	v30 =	vld [tilespmem:s25+$0xFFFFFFF0];
	[tilespmem:v18+s18+$0x0] =	vst.idx.msk $0xffff, v24  }
0x118: {  	v9 =	vmov v26;
	s25 =	smov.u32 s2;
	v14 =	vld [tilespmem:s29+$0xFFFFFFF0];
	v10 =	vsub.f32 v23, v20  }
0x119: {  	v24 =	vld [tilespmem:s30+$0xFFFFFFE0]  }
0x11a: {  	v20 =	vld [tilespmem:s21+$0xFFFFFFE0];
	[tilespmem:v13+s18+$0x0] =	vst.idx.msk $0xffff, v10;
	v10 =	vadd.f32 v25, v28  }
0x11b: {  	[tilespmem:v17+s18+$0x0] =	vst.idx.msk $0xffff, v27;
	v25 =	vld [tilespmem:s12+$0x0]  }
0x11c: {  	s2 =	sadd.s32 $0x40, s2;
	v26 =	vld [tilespmem:s8+$0xFFFFFFE0];
	v15 =	vsub.f32 v10, v15  }
0x11d: {  	v27 =	vld [tilespmem:s2+$0xFFFFFFE0];
	v14 =	vsub.f32 v22, v14  }
0x11e: {  	v22 =	vld [tilespmem:s24+$0xFFFFFFF0];
	[tilespmem:v9+s18+$0x0] =	vst.idx.msk $0xffff, v15  }
.Ltmp0:
0x11f: {  	[tilespmem:v18+s23+$0x0] =	vst.idx.msk $0xffff, v14;
	v14 =	vld [tilespmem:s11+$0x10];
	s11 =	smov.u32 s12;
	s12 =	smov.u32 s29;
	(pc) =	sbr.rel @p0 .LBB2_2-.Ltmp0, $4  }
0x120: {  	s29 =	smov.u32 s5;
	s5 =	smov.u32 s8;
	v21 =	vld [tilespmem:s15+$0x0];
	v15 =	vsub.f32 v23, v25  }
0x121: {  	v25 =	vsub.f32 v19, v26;
	v23 =	vld [tilespmem:s14+$0x0]  }
0x122: {  	s10 =	smov.u32 s22;
	v18 =	vor.u32 v2, v7;
	v19 =	vadd.f32 v27, v20;
	v20 =	vld [tilespmem:s31+$0x0];
	[tilespmem:v13+s23+$0x0] =	vst.idx.msk $0xffff, v15;
	v13 =	vmov v12  }
0x123: {  	v12 =	vmov v11;
	v11 =	vmov v29;
	v22 =	vadd.f32 v30, v22;
	v15 =	vld [tilespmem:s17+$0x10];
	s17 =	smov.u32 s31;
	s31 =	smov.u32 s1;
	s1 =	smov.u32 s4  }
0x124: {  	v26 =	vor.u32 s9, v1  }
0x125: {  	v26 =	vand.u32 $0x3BF, v26  }
0x126: {  	v27 =	vor.u32 v0, v26;
	_ =	sdelay $0x2  }
0x127: {  	v24 =	vsub.f32 v19, v24;
	_ =	sdelay $0x1  }
0x128: {  	s8 =	sadd.s32 $0x40, s8;
	[tilespmem:v27+s18+$0x0] =	vst.idx.msk $0xffff, v24  }
0x129: {  	v24 =	vld [tilespmem:s8+$0xFFFFFFE0];
	_ =	sdelay $0x2  }
0x12a: {  	[tilespmem:v17+s23+$0x0] =	vst.idx.msk $0xffff, v25;
	v16 =	vsub.f32 v22, v16  }
0x12b: {  	v17 =	vld [tilespmem:s25+$0xFFFFFFF0]  }
0x12c: {  	[tilespmem:v18+s18+$0x0] =	vst.idx.msk $0xffff, v16;
	v19 =	vsub.f32 v19, v24;
	v24 =	vld [tilespmem:s20+$0xFFFFFFF0]  }
0x12d: {  	v16 =	vld [tilespmem:s29+$0xFFFFFFF0]  }
0x12e: {  	v25 =	vld [tilespmem:s1+$0xFFFFFFF0];
	[tilespmem:v27+s23+$0x0] =	vst.idx.msk $0xffff, v19  }
0x12f: {  	v19 =	vld [tilespmem:s2+$0xFFFFFFF0]  }
0x130: {  	v28 =	vor.u32 v2, v8;
	v27 =	vld [tilespmem:s19+$0xFFFFFFF0]  }
0x131: {  	v17 =	vadd.f32 v17, v24  }
0x132: {  	v16 =	vsub.f32 v22, v16;
	v24 =	vld [tilespmem:s30+$0xFFFFFFF0]  }
0x133: {  	v25 =	vsub.f32 v17, v25  }
0x134: {  	v29 =	vor.u32 v2, v26;
	[tilespmem:v18+s23+$0x0] =	vst.idx.msk $0xffff, v16  }
0x135: {  	v16 =	vld [tilespmem:s24+$0x0];
	v19 =	vadd.f32 v19, v27;
	[tilespmem:v28+s18+$0x0] =	vst.idx.msk $0xffff, v25  }
0x136: {  	v25 =	vld [tilespmem:s5+$0xFFFFFFF0]  }
0x137: {  	v18 =	vld [tilespmem:s26+$0x0];
	v24 =	vsub.f32 v19, v24;
	_ =	sdelay $0x1  }
0x138: {  	[tilespmem:v29+s18+$0x0] =	vst.idx.msk $0xffff, v24;
	v24 =	vld [tilespmem:s31+$0x0]  }
0x139: {  	v22 =	vld [tilespmem:s8+$0xFFFFFFF0]  }
0x13a: {  	v17 =	vsub.f32 v17, v25  }
0x13b: {  	v16 =	vadd.f32 v18, v16  }
0x13c: {  	[tilespmem:v28+s23+$0x0] =	vst.idx.msk $0xffff, v17  }
0x13d: {  	v17 =	vadd.f32 v23, v21;
	v24 =	vsub.f32 v16, v24;
	v21 =	vld [tilespmem:s20+$0x0]  }
0x13e: {  	v19 =	vsub.f32 v19, v22;
	v22 =	vld [tilespmem:s25+$0x0]  }
0x13f: {  	v23 =	vld [tilespmem:s1+$0x0];
	[tilespmem:v12+s18+$0x0] =	vst.idx.msk $0xffff, v24  }
0x140: {  	v20 =	vsub.f32 v17, v20;
	[tilespmem:v29+s23+$0x0] =	vst.idx.msk $0xffff, v19;
	v24 =	vld [tilespmem:s29+$0x0]  }
0x141: {  	v19 =	vld [tilespmem:s19+$0x0]  }
0x142: {  	[tilespmem:v13+s18+$0x0] =	vst.idx.msk $0xffff, v20;
	v18 =	vld [tilespmem:s2+$0x0]  }
0x143: {  	v20 =	vld [tilespmem:s12+$0x0]  }
0x144: {  	v25 =	vld [tilespmem:s30+$0x0];
	v21 =	vadd.f32 v22, v21;
	_ =	sdelay $0x1  }
0x145: {  	v22 =	vor.u32 v3, v26;
	v23 =	vsub.f32 v21, v23  }
0x146: {  	v16 =	vsub.f32 v16, v24;
	v18 =	vadd.f32 v18, v19  }
0x147: {  	v19 =	vld [tilespmem:s13+$0x10];
	v17 =	vsub.f32 v17, v20;
	[tilespmem:v11+s18+$0x0] =	vst.idx.msk $0xffff, v23  }
0x148: {  	v20 =	vld [tilespmem:s16+$0x10];
	[tilespmem:v12+s23+$0x0] =	vst.idx.msk $0xffff, v16;
	v23 =	vsub.f32 v18, v25  }
0x149: {  	[tilespmem:v13+s23+$0x0] =	vst.idx.msk $0xffff, v17;
	v13 =	vld [tilespmem:s5+$0x0]  }
0x14a: {  	v12 =	vld [tilespmem:s31+$0x10];
	[tilespmem:v22+s18+$0x0] =	vst.idx.msk $0xffff, v23  }
0x14b: {  	v23 =	vld [tilespmem:s8+$0x0]  }
0x14c: {  	v16 =	vld [tilespmem:s24+$0x10]  }
0x14d: {  	v17 =	vld [tilespmem:s17+$0x10]  }
0x14e: {  	v24 =	vld [tilespmem:s15+$0x10];
	v13 =	vsub.f32 v21, v13  }
0x14f: {  	v25 =	vld [tilespmem:s14+$0x10]  }
0x150: {  	v21 =	vld [tilespmem:s26+$0x10];
	[tilespmem:v11+s23+$0x0] =	vst.idx.msk $0xffff, v13;
	v11 =	vsub.f32 v18, v23  }
0x151: {  	v13 =	vld [tilespmem:s20+$0x10]  }
0x152: {  	v18 =	vld [tilespmem:s25+$0x10];
	[tilespmem:v22+s23+$0x0] =	vst.idx.msk $0xffff, v11  }
0x153: {  	v11 =	vld [tilespmem:s19+$0x10]  }
0x154: {  	v5 =	vor.u32 v4, v5;
	v22 =	vld [tilespmem:s2+$0x10]  }
0x155: {  	v6 =	vor.u32 v4, v6;
	v19 =	vadd.f32 v20, v19;
	v20 =	vld [tilespmem:s1+$0x10]  }
0x156: {  	v7 =	vor.u32 v4, v7;
	v23 =	vadd.f32 v25, v24;
	v24 =	vld [tilespmem:s30+$0x10]  }
0x157: {  	v8 =	vor.u32 v4, v8;
	v15 =	vsub.f32 v19, v15;
	v16 =	vadd.f32 v21, v16  }
0x158: {  	v17 =	vsub.f32 v23, v17;
	v13 =	vadd.f32 v18, v13;
	v18 =	vor.u32 v4, v26  }
0x159: {  	[tilespmem:v5+s18+$0x0] =	vst.idx.msk $0xffff, v15;
	v12 =	vsub.f32 v16, v12;
	v11 =	vadd.f32 v22, v11  }
0x15a: {  	v15 =	vld [tilespmem:s11+$0x10];
	[tilespmem:v6+s18+$0x0] =	vst.idx.msk $0xffff, v17;
	v17 =	vsub.f32 v13, v20  }
0x15b: {  	[tilespmem:v7+s18+$0x0] =	vst.idx.msk $0xffff, v12;
	v20 =	vld [tilespmem:s12+$0x10];
	v12 =	vsub.f32 v11, v24  }
0x15c: {  	v21 =	vld [tilespmem:s29+$0x10];
	[tilespmem:v8+s18+$0x0] =	vst.idx.msk $0xffff, v17  }
0x15d: {  	v17 =	vld [tilespmem:s5+$0x10];
	[tilespmem:v18+s18+$0x0] =	vst.idx.msk $0xffff, v12  }
0x15e: {  	v10 =	vsub.f32 v10, v14;
	v12 =	vld [tilespmem:s8+$0x10]  }
0x15f: {  	v14 =	vsub.f32 v19, v15  }
0x160: {  	[tilespmem:v9+s23+$0x0] =	vst.idx.msk $0xffff, v10;
	v9 =	vsub.f32 v23, v20  }
0x161: {  	[tilespmem:v5+s23+$0x0] =	vst.idx.msk $0xffff, v14;
	v5 =	vsub.f32 v16, v21  }
0x162: {  	[tilespmem:v6+s23+$0x0] =	vst.idx.msk $0xffff, v9;
	v6 =	vsub.f32 v13, v17  }
0x163: {  	[tilespmem:v7+s23+$0x0] =	vst.idx.msk $0xffff, v5;
	v5 =	vsub.f32 v11, v12  }
0x164: {  	[tilespmem:v8+s23+$0x0] =	vst.idx.msk $0xffff, v6  }
0x165: {  	s4 =	simm.s32 $0x880;
	s16 =	simm.s32 $0x40;
	s17 =	simm.s32 $0x1000;
	[tilespmem:v18+s23+$0x0] =	vst.idx.msk $0xffff, v5  }
0x166: {  	[tilespmem:s17], [sflag:$0x2] =	stream.indirect.gather [hbm4b:s3+s16], $0x40, s4, s16, $0xb8;
	[tilespmem:$0x11000] =	vst v63  }
0x167: {  	s21 =	simm.s32 $0xA80;
	s20 =	simm.s32 $0x2000;
	s19 =	rddreg [dreg:$0x8]  }
0x168: {  	[tilespmem:s20], [sflag:$0x2] =	stream.indirect.gather [hbm4b:s19+s16], $0x40, s21, s16, $0xb8;
	[tilespmem:$0x11000] =	vst v63  }
0x169: {  	s22 =	simm.s32 $0x3000;
	s24 =	simm.s32 $0xC80  }
0x16a: {  	[tilespmem:s22], [sflag:$0x2] =	stream.indirect.gather [hbm4b:s3+s16], $0x40, s24, s16, $0xb8;
	[tilespmem:$0x11000] =	vst v63  }
0x16b: {  	s26 =	simm.s32 $0xE80;
	s25 =	simm.s32 $0x4000  }
0x16c: {  	[tilespmem:s25], [sflag:$0x2] =	stream.indirect.gather [hbm4b:s3+s16], $0x40, s26, s16, $0xb8;
	[tilespmem:$0x11000] =	vst v63  }
0x16d: {  	_ =	swait.ge [sflag:s28], $0x1000  }
0x16e: {  	[sflag:s28] =	ssyncset.done $0x0  }
0x16f: {  	[sflag:s28] =	ssyncadd.s32 $0xFFFFF000  }
0x170: {  	_ =	swait.ge [sflag:s28], $0x1000  }
0x171: {  	[sflag:s28] =	ssyncset.done $0x0  }
0x172: {  	[sflag:s28] =	ssyncadd.s32 $0xFFFFF000  }
0x173: {  	_ =	swait.ge [sflag:s28], $0x1000  }
0x174: {  	[sflag:s28] =	ssyncset.done $0x0  }
0x175: {  	[sflag:s28] =	ssyncadd.s32 $0xFFFFF000  }
0x176: {  	_ =	swait.ge [sflag:s28], $0x1000  }
0x177: {  	[sflag:s28] =	ssyncset.done $0x0  }
0x178: {  	s2 =	simm.s32 $0x5020;
	[sflag:s28] =	ssyncadd.s32 $0xFFFFF000  }
0x179: {  	s19 =	simm.s32 $0x6020;
	v5 =	vld [tilespmem:s2+$0xFFFFFFE0]  }
0x17a: {  	v6 =	vld [tilespmem:s19+$0xFFFFFFE0]  }
0x17b: {  	s21 =	simm.s32 $0x7020  }
0x17c: {  	v8 =	vor.u32 s16, v1;
	v7 =	vld [tilespmem:s21+$0xFFFFFFE0]  }
0x17d: {  	v9 =	vand.u32 $0x3FF, v8  }
0x17e: {  	v8 =	vor.u32 v0, v9  }
0x17f: {  	v5 =	vadd.f32 v6, v5;
	_ =	sdelay $0x1  }
0x180: {  	v6 =	vsub.f32 v5, v7;
	_ =	sdelay $0x1  }
0x181: {  	s5 =	simm.s32 $0x8020;
	[tilespmem:v8+s18+$0x0] =	vst.idx.msk $0xffff, v6  }
0x182: {  	v6 =	vld [tilespmem:s5+$0xFFFFFFE0];
	_ =	sdelay $0x1  }
0x183: {  	s16 =	simm.s32 $0x6060  }
0x184: {  	s13 =	simm.s32 $0x5060;
	v10 =	vld [tilespmem:s16+$0xFFFFFFE0]  }
0x185: {  	v7 =	vld [tilespmem:s13+$0xFFFFFFE0]  }
0x186: {  	s9 =	simm.s32 $0x41;
	s10 =	simm.s32 $0x7060;
	v6 =	vsub.f32 v5, v6  }
0x187: {  	v11 =	vld [tilespmem:s10+$0xFFFFFFE0];
	v5 =	vor.u32 s9, v1  }
0x188: {  	v5 =	vand.u32 $0x3FF, v5;
	[tilespmem:v8+s23+$0x0] =	vst.idx.msk $0xffff, v6  }
0x189: {  	v8 =	vor.u32 v0, v5;
	v6 =	vld [tilespmem:s19+$0xFFFFFFF0]  }
0x18a: {  	v7 =	vadd.f32 v10, v7;
	v10 =	vld [tilespmem:s2+$0xFFFFFFF0];
	_ =	sdelay $0x1  }
0x18b: {  	v11 =	vsub.f32 v7, v11;
	v12 =	vld [tilespmem:s21+$0xFFFFFFF0];
	_ =	sdelay $0x1  }
0x18c: {  	s11 =	simm.s32 $0x8060;
	[tilespmem:v8+s18+$0x0] =	vst.idx.msk $0xffff, v11;
	v11 =	vor.u32 v2, v9  }
0x18d: {  	s15 =	simm.s32 $0x50A0;
	v13 =	vld [tilespmem:s11+$0xFFFFFFE0];
	v10 =	vadd.f32 v6, v10  }
0x18e: {  	s14 =	simm.s32 $0x60A0;
	v14 =	vld [tilespmem:s15+$0xFFFFFFE0]  }
0x18f: {  	v15 =	vld [tilespmem:s14+$0xFFFFFFE0];
	v6 =	vsub.f32 v10, v12  }
0x190: {  	s12 =	simm.s32 $0x42;
	s17 =	simm.s32 $0x70A0  }
0x191: {  	v16 =	vor.u32 s12, v1;
	v12 =	vld [tilespmem:s17+$0xFFFFFFE0];
	[tilespmem:v11+s18+$0x0] =	vst.idx.msk $0xffff, v6  }
0x192: {  	v6 =	vand.u32 $0x3FF, v16;
	v7 =	vsub.f32 v7, v13;
	v13 =	vld [tilespmem:s5+$0xFFFFFFF0]  }
0x193: {  	v16 =	vor.u32 v0, v6  }
0x194: {  	s26 =	simm.s32 $0x60E0;
	v14 =	vadd.f32 v15, v14  }
0x195: {  	v17 =	vld [tilespmem:s26+$0xFFFFFFE0];
	[tilespmem:v8+s23+$0x0] =	vst.idx.msk $0xffff, v7  }
0x196: {  	v8 =	vsub.f32 v14, v12;
	v7 =	vld [tilespmem:s10+$0xFFFFFFF0]  }
0x197: {  	v12 =	vld [tilespmem:s16+$0xFFFFFFF0];
	v10 =	vsub.f32 v10, v13  }
0x198: {  	s12 =	simm.s32 $0x80A0;
	[tilespmem:v16+s18+$0x0] =	vst.idx.msk $0xffff, v8;
	v8 =	vld [tilespmem:s13+$0xFFFFFFF0]  }
0x199: {  	v13 =	vld [tilespmem:s12+$0xFFFFFFE0];
	[tilespmem:v11+s23+$0x0] =	vst.idx.msk $0xffff, v10  }
0x19a: {  	v10 =	vld [tilespmem:s2+$0x0]  }
0x19b: {  	s24 =	simm.s32 $0x50E0;
	v11 =	vld [tilespmem:s19+$0x0]  }
0x19c: {  	v15 =	vld [tilespmem:s24+$0xFFFFFFE0];
	v18 =	vor.u32 v2, v5  }
0x19d: {  	s20 =	simm.s32 $0x43;
	v19 =	vld [tilespmem:s21+$0x0];
	v8 =	vadd.f32 v12, v8  }
0x19e: {  	s31 =	simm.s32 $0x70E0;
	v20 =	vor.u32 s20, v1  }
0x19f: {  	v12 =	vsub.f32 v14, v13;
	v13 =	vor.u32 v3, v9;
	v14 =	vld [tilespmem:s31+$0xFFFFFFE0];
	v21 =	vsub.f32 v8, v7  }
0x1a0: {  	s25 =	simm.s32 $0x6120;
	v7 =	vand.u32 $0x3FF, v20;
	v10 =	vadd.f32 v11, v10  }
0x1a1: {  	v22 =	vld [tilespmem:s25+$0xFFFFFFE0];
	v11 =	vor.u32 v0, v7;
	[tilespmem:v18+s18+$0x0] =	vst.idx.msk $0xffff, v21  }
0x1a2: {  	s1 =	simm.s32 $0x7120;
	v15 =	vadd.f32 v17, v15;
	[tilespmem:v16+s23+$0x0] =	vst.idx.msk $0xffff, v12;
	v16 =	vld [tilespmem:s11+$0xFFFFFFF0];
	v17 =	vsub.f32 v10, v19  }
0x1a3: {  	v20 =	vld [tilespmem:s1+$0xFFFFFFE0]  }
0x1a4: {  	v12 =	vld [tilespmem:s17+$0xFFFFFFF0];
	v14 =	vsub.f32 v15, v14;
	[tilespmem:v13+s18+$0x0] =	vst.idx.msk $0xffff, v17  }
0x1a5: {  	v17 =	vld [tilespmem:s5+$0x0]  }
0x1a6: {  	s29 =	simm.s32 $0x80E0;
	v19 =	vld [tilespmem:s14+$0xFFFFFFF0];
	[tilespmem:v11+s18+$0x0] =	vst.idx.msk $0xffff, v14  }
0x1a7: {  	v14 =	vld [tilespmem:s29+$0xFFFFFFE0];
	v8 =	vsub.f32 v8, v16  }
0x1a8: {  	s20 =	simm.s32 $0x5120;
	v16 =	vld [tilespmem:s15+$0xFFFFFFF0]  }
0x1a9: {  	v21 =	vld [tilespmem:s20+$0xFFFFFFE0];
	[tilespmem:v18+s23+$0x0] =	vst.idx.msk $0xffff, v8  }
0x1aa: {  	v18 =	vld [tilespmem:s13+$0x0];
	v8 =	vsub.f32 v10, v17  }
0x1ab: {  	v10 =	vld [tilespmem:s16+$0x0]  }
0x1ac: {  	v23 =	vor.u32 v2, v6;
	v24 =	vld [tilespmem:s10+$0x0];
	[tilespmem:v13+s23+$0x0] =	vst.idx.msk $0xffff, v8  }
0x1ad: {  	v13 =	vsub.f32 v15, v14;
	v14 =	vadd.f32 v19, v16;
	v15 =	vld [tilespmem:s21+$0x10]  }
0x1ae: {  	v19 =	vld [tilespmem:s2+$0x10]  }
0x1af: {  	s22 =	simm.s32 $0x44;
	v26 =	vor.u32 v3, v5;
	s21 =	simm.s32 $0x5160;
	[tilespmem:v11+s23+$0x0] =	vst.idx.msk $0xffff, v13;
	v11 =	vsub.f32 v14, v12;
	v12 =	vld [tilespmem:s19+$0x10]  }
0x1b0: {  	v8 =	vor.u32 s22, v1;
	s2 =	simm.s32 $0x6160;
	v27 =	vld [tilespmem:s21+$0xFFFFFFE0];
	v13 =	vadd.f32 v10, v18  }
0x1b1: {  	v8 =	vand.u32 $0x3FF, v8;
	v62 =	vld [tilespmem:s2+$0xFFFFFFE0];
	[tilespmem:v23+s18+$0x0] =	vst.idx.msk $0xffff, v11  }
0x1b2: {  	v17 =	vor.u32 v0, v8;
	v11 =	vld [tilespmem:s12+$0xFFFFFFF0];
	v10 =	vsub.f32 v13, v24  }
0x1b3: {  	v9 =	vor.u32 v4, v9;
	v16 =	vld [tilespmem:s31+$0xFFFFFFF0];
	v18 =	vadd.f32 v22, v21  }
0x1b4: {  	v22 =	vld [tilespmem:s26+$0xFFFFFFF0];
	[tilespmem:v26+s18+$0x0] =	vst.idx.msk $0xffff, v10;
	v10 =	vadd.f32 v12, v19  }
0x1b5: {  	v20 =	vsub.f32 v18, v20;
	v12 =	vld [tilespmem:s11+$0x0]  }
0x1b6: {  	s30 =	simm.s32 $0x7160;
	v63 =	vld [tilespmem:s24+$0xFFFFFFF0];
	v15 =	vsub.f32 v10, v15  }
0x1b7: {  	s8 =	simm.s32 $0x8120;
	v24 =	vld [tilespmem:s30+$0xFFFFFFE0];
	[tilespmem:v17+s18+$0x0] =	vst.idx.msk $0xffff, v20;
	v11 =	vsub.f32 v14, v11  }
0x1b8: {  	v19 =	vld [tilespmem:s8+$0xFFFFFFE0];
	[tilespmem:v9+s18+$0x0] =	vst.idx.msk $0xffff, v15  }
0x1b9: {  	[tilespmem:v23+s23+$0x0] =	vst.idx.msk $0xffff, v11;
	v14 =	vld [tilespmem:s5+$0x10]  }
0x1ba: {  	v21 =	vld [tilespmem:s15+$0x0];
	v15 =	vsub.f32 v13, v12  }
0x1bb: {  	v22 =	vadd.f32 v22, v63;
	v11 =	vor.u32 v3, v8;
	v23 =	vld [tilespmem:s14+$0x0]  }
0x1bc: {  	s9 =	simm.s32 $0x45;
	v13 =	vor.u32 v3, v6;
	v12 =	vor.u32 v3, v7;
	v20 =	vld [tilespmem:s17+$0x0];
	[tilespmem:v26+s23+$0x0] =	vst.idx.msk $0xffff, v15  }
0x1bd: {  	s22 =	simm.s32 $0x46;
	s19 =	simm.s32 $0x5160;
	s5 =	simm.s32 $0x8120;
	v25 =	vsub.f32 v18, v19;
	v19 =	vadd.f32 v62, v27;
	v18 =	vor.u32 v2, v7;
	v15 =	vld [tilespmem:s10+$0x10]  }
.LBB2_4:
0x1be: {  	v26 =	vor.u32 s9, v1;
	s21 =	sadd.s32 $0x40, s21;
	s9 =	smov.u32 s22;
	s10 =	sadd.s32 $0x1, s22  }
0x1bf: {  	v27 =	vsub.f32 v19, v24;
	v28 =	vld [tilespmem:s13+$0x10];
	v10 =	vsub.f32 v10, v14;
	s4 =	smov.u32 s30;
	s30 =	sadd.s32 $0x40, s30;
	s13 =	smov.u32 s15  }
0x1c0: {  	p0 =	sne.s32 s22, $0x7F;
	s15 =	smov.u32 s24;
	s24 =	smov.u32 s20;
	v14 =	vand.u32 $0x3FF, v26;
	[tilespmem:v17+s23+$0x0] =	vst.idx.msk $0xffff, v25;
	v24 =	vsub.f32 v22, v16;
	v25 =	vld [tilespmem:s16+$0x10];
	v26 =	vor.u32 v4, v5  }
0x1c1: {  	s8 =	sadd.s32 $0x40, s8;
	s20 =	smov.u32 s19;
	v5 =	vmov v6;
	s19 =	smov.u32 s21;
	v17 =	vor.u32 v0, v14;
	v16 =	vld [tilespmem:s1+$0xFFFFFFF0];
	v23 =	vadd.f32 v23, v21;
	[tilespmem:v9+s23+$0x0] =	vst.idx.msk $0xffff, v10  }
0x1c2: {  	v6 =	vmovc v7;
	v7 =	vmov v8;
	s16 =	smov.u32 s14;
	s14 =	smov.u32 s26;
	s26 =	smov.u32 s25;
	v29 =	vor.u32 v3, v14;
	v8 =	vmov v14;
	v30 =	vld [tilespmem:s25+$0xFFFFFFF0];
	[tilespmem:v18+s18+$0x0] =	vst.idx.msk $0xffff, v24  }
0x1c3: {  	v9 =	vmov v26;
	s25 =	smov.u32 s2;
	v14 =	vld [tilespmem:s29+$0xFFFFFFF0];
	v10 =	vsub.f32 v23, v20  }
0x1c4: {  	v24 =	vld [tilespmem:s30+$0xFFFFFFE0]  }
0x1c5: {  	v20 =	vld [tilespmem:s21+$0xFFFFFFE0];
	[tilespmem:v13+s18+$0x0] =	vst.idx.msk $0xffff, v10;
	v10 =	vadd.f32 v25, v28  }
0x1c6: {  	[tilespmem:v17+s18+$0x0] =	vst.idx.msk $0xffff, v27;
	v25 =	vld [tilespmem:s12+$0x0]  }
0x1c7: {  	s2 =	sadd.s32 $0x40, s2;
	v26 =	vld [tilespmem:s8+$0xFFFFFFE0];
	v15 =	vsub.f32 v10, v15  }
0x1c8: {  	v27 =	vld [tilespmem:s2+$0xFFFFFFE0];
	v14 =	vsub.f32 v22, v14  }
0x1c9: {  	v22 =	vld [tilespmem:s24+$0xFFFFFFF0];
	[tilespmem:v9+s18+$0x0] =	vst.idx.msk $0xffff, v15  }
.Ltmp1:
0x1ca: {  	[tilespmem:v18+s23+$0x0] =	vst.idx.msk $0xffff, v14;
	v14 =	vld [tilespmem:s11+$0x10];
	s11 =	smov.u32 s12;
	s12 =	smov.u32 s29;
	(pc) =	sbr.rel @p0 .LBB2_4-.Ltmp1, $4  }
0x1cb: {  	s29 =	smov.u32 s5;
	s5 =	smov.u32 s8;
	v21 =	vld [tilespmem:s15+$0x0];
	v15 =	vsub.f32 v23, v25  }
0x1cc: {  	v25 =	vsub.f32 v19, v26;
	v23 =	vld [tilespmem:s14+$0x0]  }
0x1cd: {  	s22 =	smov.u32 s10;
	v18 =	vor.u32 v2, v7;
	v19 =	vadd.f32 v27, v20;
	v20 =	vld [tilespmem:s31+$0x0];
	[tilespmem:v13+s23+$0x0] =	vst.idx.msk $0xffff, v15;
	v13 =	vmov v12  }
0x1ce: {  	v12 =	vmov v11;
	v11 =	vmov v29;
	v22 =	vadd.f32 v30, v22;
	v15 =	vld [tilespmem:s17+$0x10];
	s17 =	smov.u32 s31;
	s31 =	smov.u32 s1;
	s1 =	smov.u32 s4  }
0x1cf: {  	v26 =	vor.u32 s9, v1  }
0x1d0: {  	v26 =	vand.u32 $0x3FF, v26  }
0x1d1: {  	v27 =	vor.u32 v0, v26;
	_ =	sdelay $0x2  }
0x1d2: {  	v24 =	vsub.f32 v19, v24;
	_ =	sdelay $0x1  }
0x1d3: {  	s8 =	sadd.s32 $0x40, s8;
	[tilespmem:v27+s18+$0x0] =	vst.idx.msk $0xffff, v24  }
0x1d4: {  	v24 =	vld [tilespmem:s8+$0xFFFFFFE0];
	_ =	sdelay $0x2  }
0x1d5: {  	[tilespmem:v17+s23+$0x0] =	vst.idx.msk $0xffff, v25;
	v16 =	vsub.f32 v22, v16  }
0x1d6: {  	v17 =	vld [tilespmem:s25+$0xFFFFFFF0]  }
0x1d7: {  	[tilespmem:v18+s18+$0x0] =	vst.idx.msk $0xffff, v16;
	v19 =	vsub.f32 v19, v24;
	v24 =	vld [tilespmem:s20+$0xFFFFFFF0]  }
0x1d8: {  	v16 =	vld [tilespmem:s29+$0xFFFFFFF0]  }
0x1d9: {  	v25 =	vld [tilespmem:s1+$0xFFFFFFF0];
	[tilespmem:v27+s23+$0x0] =	vst.idx.msk $0xffff, v19  }
0x1da: {  	v19 =	vld [tilespmem:s2+$0xFFFFFFF0]  }
0x1db: {  	v28 =	vor.u32 v2, v8;
	v27 =	vld [tilespmem:s19+$0xFFFFFFF0]  }
0x1dc: {  	v17 =	vadd.f32 v17, v24  }
0x1dd: {  	v16 =	vsub.f32 v22, v16;
	v24 =	vld [tilespmem:s30+$0xFFFFFFF0]  }
0x1de: {  	v25 =	vsub.f32 v17, v25  }
0x1df: {  	v29 =	vor.u32 v2, v26;
	[tilespmem:v18+s23+$0x0] =	vst.idx.msk $0xffff, v16  }
0x1e0: {  	v16 =	vld [tilespmem:s24+$0x0];
	v19 =	vadd.f32 v19, v27;
	[tilespmem:v28+s18+$0x0] =	vst.idx.msk $0xffff, v25  }
0x1e1: {  	v25 =	vld [tilespmem:s5+$0xFFFFFFF0]  }
0x1e2: {  	v18 =	vld [tilespmem:s26+$0x0];
	v24 =	vsub.f32 v19, v24;
	_ =	sdelay $0x1  }
0x1e3: {  	[tilespmem:v29+s18+$0x0] =	vst.idx.msk $0xffff, v24;
	v24 =	vld [tilespmem:s31+$0x0]  }
0x1e4: {  	v22 =	vld [tilespmem:s8+$0xFFFFFFF0]  }
0x1e5: {  	v17 =	vsub.f32 v17, v25  }
0x1e6: {  	v16 =	vadd.f32 v18, v16  }
0x1e7: {  	[tilespmem:v28+s23+$0x0] =	vst.idx.msk $0xffff, v17  }
0x1e8: {  	v17 =	vadd.f32 v23, v21;
	v24 =	vsub.f32 v16, v24;
	v21 =	vld [tilespmem:s20+$0x0]  }
0x1e9: {  	v19 =	vsub.f32 v19, v22;
	v22 =	vld [tilespmem:s25+$0x0]  }
0x1ea: {  	v23 =	vld [tilespmem:s1+$0x0];
	[tilespmem:v12+s18+$0x0] =	vst.idx.msk $0xffff, v24  }
0x1eb: {  	v20 =	vsub.f32 v17, v20;
	[tilespmem:v29+s23+$0x0] =	vst.idx.msk $0xffff, v19;
	v24 =	vld [tilespmem:s29+$0x0]  }
0x1ec: {  	v19 =	vld [tilespmem:s19+$0x0]  }
0x1ed: {  	[tilespmem:v13+s18+$0x0] =	vst.idx.msk $0xffff, v20;
	v18 =	vld [tilespmem:s2+$0x0]  }
0x1ee: {  	v20 =	vld [tilespmem:s12+$0x0]  }
0x1ef: {  	v25 =	vld [tilespmem:s30+$0x0];
	v21 =	vadd.f32 v22, v21;
	_ =	sdelay $0x1  }
0x1f0: {  	v22 =	vor.u32 v3, v26;
	v23 =	vsub.f32 v21, v23  }
0x1f1: {  	v16 =	vsub.f32 v16, v24;
	v18 =	vadd.f32 v18, v19  }
0x1f2: {  	v19 =	vld [tilespmem:s13+$0x10];
	v17 =	vsub.f32 v17, v20;
	[tilespmem:v11+s18+$0x0] =	vst.idx.msk $0xffff, v23  }
0x1f3: {  	v20 =	vld [tilespmem:s16+$0x10];
	[tilespmem:v12+s23+$0x0] =	vst.idx.msk $0xffff, v16;
	v23 =	vsub.f32 v18, v25  }
0x1f4: {  	[tilespmem:v13+s23+$0x0] =	vst.idx.msk $0xffff, v17;
	v13 =	vld [tilespmem:s5+$0x0]  }
0x1f5: {  	v12 =	vld [tilespmem:s31+$0x10];
	[tilespmem:v22+s18+$0x0] =	vst.idx.msk $0xffff, v23  }
0x1f6: {  	v23 =	vld [tilespmem:s8+$0x0]  }
0x1f7: {  	v16 =	vld [tilespmem:s24+$0x10]  }
0x1f8: {  	v17 =	vld [tilespmem:s17+$0x10]  }
0x1f9: {  	v24 =	vld [tilespmem:s15+$0x10];
	v13 =	vsub.f32 v21, v13  }
0x1fa: {  	v25 =	vld [tilespmem:s14+$0x10]  }
0x1fb: {  	v21 =	vld [tilespmem:s26+$0x10];
	[tilespmem:v11+s23+$0x0] =	vst.idx.msk $0xffff, v13;
	v11 =	vsub.f32 v18, v23  }
0x1fc: {  	v13 =	vld [tilespmem:s20+$0x10]  }
0x1fd: {  	v18 =	vld [tilespmem:s25+$0x10];
	[tilespmem:v22+s23+$0x0] =	vst.idx.msk $0xffff, v11  }
0x1fe: {  	v11 =	vld [tilespmem:s19+$0x10]  }
0x1ff: {  	v5 =	vor.u32 v4, v5;
	v22 =	vld [tilespmem:s2+$0x10]  }
0x200: {  	v6 =	vor.u32 v4, v6;
	v19 =	vadd.f32 v20, v19;
	v20 =	vld [tilespmem:s1+$0x10]  }
0x201: {  	v7 =	vor.u32 v4, v7;
	v23 =	vadd.f32 v25, v24;
	v24 =	vld [tilespmem:s30+$0x10]  }
0x202: {  	v8 =	vor.u32 v4, v8;
	v15 =	vsub.f32 v19, v15;
	v16 =	vadd.f32 v21, v16  }
0x203: {  	v17 =	vsub.f32 v23, v17;
	v13 =	vadd.f32 v18, v13;
	v18 =	vor.u32 v4, v26  }
0x204: {  	[tilespmem:v5+s18+$0x0] =	vst.idx.msk $0xffff, v15;
	v12 =	vsub.f32 v16, v12;
	v11 =	vadd.f32 v22, v11  }
0x205: {  	v15 =	vld [tilespmem:s11+$0x10];
	[tilespmem:v6+s18+$0x0] =	vst.idx.msk $0xffff, v17;
	v17 =	vsub.f32 v13, v20  }
0x206: {  	[tilespmem:v7+s18+$0x0] =	vst.idx.msk $0xffff, v12;
	v20 =	vld [tilespmem:s12+$0x10];
	v12 =	vsub.f32 v11, v24  }
0x207: {  	v21 =	vld [tilespmem:s29+$0x10];
	[tilespmem:v8+s18+$0x0] =	vst.idx.msk $0xffff, v17  }
0x208: {  	v17 =	vld [tilespmem:s5+$0x10];
	[tilespmem:v18+s18+$0x0] =	vst.idx.msk $0xffff, v12  }
0x209: {  	v10 =	vsub.f32 v10, v14;
	v12 =	vld [tilespmem:s8+$0x10]  }
0x20a: {  	v14 =	vsub.f32 v19, v15  }
0x20b: {  	[tilespmem:v9+s23+$0x0] =	vst.idx.msk $0xffff, v10;
	v9 =	vsub.f32 v23, v20  }
0x20c: {  	[tilespmem:v5+s23+$0x0] =	vst.idx.msk $0xffff, v14;
	v5 =	vsub.f32 v16, v21  }
0x20d: {  	[tilespmem:v6+s23+$0x0] =	vst.idx.msk $0xffff, v9;
	v6 =	vsub.f32 v13, v17  }
0x20e: {  	[tilespmem:v7+s23+$0x0] =	vst.idx.msk $0xffff, v5;
	v5 =	vsub.f32 v11, v12  }
0x20f: {  	[tilespmem:v8+s23+$0x0] =	vst.idx.msk $0xffff, v6  }
0x210: {  	[tilespmem:v18+s23+$0x0] =	vst.idx.msk $0xffff, v5  }
0x211: {  	s4 =	simm.s32 $0x20000;
	s13 =	simm.s32 $0x400;
	s12 =	rddreg [dreg:$0xd]  }
0x212: {  	[hbm4b:s12+s13] =	stream.strided.scatter [tilespmem:s18], [sflag:$0x4], $0x2000, s4, s13, $0x38;
	[tilespmem:$0x11000] =	vst v63  }
0x213: {  	s14 =	rddreg [dreg:$0xe]  }
0x214: {  	[hbm4b:s14+s13] =	stream.strided.scatter [tilespmem:s23], [sflag:$0x4], $0x2000, s4, s13, $0x38;
	[tilespmem:$0x11000] =	vst v63  }
0x215: {  	s16 =	simm.s32 $0x5000;
	s15 =	simm.s32 $0x40;
	s17 =	simm.s32 $0x8C0  }
0x216: {  	[tilespmem:s16], [sflag:$0x3] =	stream.indirect.gather [hbm4b:s3+s15], $0x40, s17, s15, $0xb8;
	[tilespmem:$0x11000] =	vst v63  }
0x217: {  	s21 =	simm.s32 $0xAC0;
	s20 =	simm.s32 $0x6000;
	s19 =	rddreg [dreg:$0x8]  }
0x218: {  	[tilespmem:s20], [sflag:$0x3] =	stream.indirect.gather [hbm4b:s19+s15], $0x40, s21, s15, $0xb8;
	[tilespmem:$0x11000] =	vst v63  }
0x219: {  	s22 =	simm.s32 $0x7000;
	s24 =	simm.s32 $0xCC0  }
0x21a: {  	[tilespmem:s22], [sflag:$0x3] =	stream.indirect.gather [hbm4b:s3+s15], $0x40, s24, s15, $0xb8;
	[tilespmem:$0x11000] =	vst v63  }
0x21b: {  	s26 =	simm.s32 $0xEC0;
	s25 =	simm.s32 $0x8000  }
0x21c: {  	[tilespmem:s25], [sflag:$0x3] =	stream.indirect.gather [hbm4b:s3+s15], $0x40, s26, s15, $0xb8;
	[tilespmem:$0x11000] =	vst v63  }
0x21d: {  	_ =	swait.ge [sflag:s0], $0x1000  }
0x21e: {  	[sflag:s0] =	ssyncset.done $0x0  }
0x21f: {  	[sflag:s0] =	ssyncadd.s32 $0xFFFFF000  }
0x220: {  	_ =	swait.ge [sflag:s0], $0x1000  }
0x221: {  	[sflag:s0] =	ssyncset.done $0x0  }
0x222: {  	[sflag:s0] =	ssyncadd.s32 $0xFFFFF000  }
0x223: {  	_ =	swait.ge [sflag:s0], $0x1000  }
0x224: {  	[sflag:s0] =	ssyncset.done $0x0  }
0x225: {  	[sflag:s0] =	ssyncadd.s32 $0xFFFFF000  }
0x226: {  	_ =	swait.ge [sflag:s0], $0x1000  }
0x227: {  	[sflag:s0] =	ssyncset.done $0x0  }
0x228: {  	s2 =	simm.s32 $0x1020;
	[sflag:s0] =	ssyncadd.s32 $0xFFFFF000  }
0x229: {  	s19 =	simm.s32 $0x2020;
	v5 =	vld [tilespmem:s2+$0xFFFFFFE0]  }
0x22a: {  	v6 =	vld [tilespmem:s19+$0xFFFFFFE0]  }
0x22b: {  	s4 =	simm.s32 $0x0;
	s21 =	simm.s32 $0x3020  }
0x22c: {  	v8 =	vor.u32 s4, v1;
	v7 =	vld [tilespmem:s21+$0xFFFFFFE0]  }
0x22d: {  	v9 =	vand.u32 $0x3BF, v8  }
0x22e: {  	v8 =	vor.u32 v0, v9  }
0x22f: {  	v5 =	vadd.f32 v6, v5;
	_ =	sdelay $0x1  }
0x230: {  	v6 =	vsub.f32 v5, v7;
	_ =	sdelay $0x1  }
0x231: {  	s5 =	simm.s32 $0x4020;
	[tilespmem:v8+s6+$0x0] =	vst.idx.msk $0xffff, v6  }
0x232: {  	v6 =	vld [tilespmem:s5+$0xFFFFFFE0];
	_ =	sdelay $0x1  }
0x233: {  	s16 =	simm.s32 $0x2060  }
0x234: {  	s13 =	simm.s32 $0x1060;
	v10 =	vld [tilespmem:s16+$0xFFFFFFE0]  }
0x235: {  	v7 =	vld [tilespmem:s13+$0xFFFFFFE0]  }
0x236: {  	s9 =	simm.s32 $0x1;
	s10 =	simm.s32 $0x3060;
	v6 =	vsub.f32 v5, v6  }
0x237: {  	v11 =	vld [tilespmem:s10+$0xFFFFFFE0];
	v5 =	vor.u32 s9, v1  }
0x238: {  	v5 =	vand.u32 $0x3BF, v5;
	[tilespmem:v8+s7+$0x0] =	vst.idx.msk $0xffff, v6  }
0x239: {  	v8 =	vor.u32 v0, v5;
	v6 =	vld [tilespmem:s19+$0xFFFFFFF0]  }
0x23a: {  	v7 =	vadd.f32 v10, v7;
	v10 =	vld [tilespmem:s2+$0xFFFFFFF0];
	_ =	sdelay $0x1  }
0x23b: {  	v11 =	vsub.f32 v7, v11;
	v12 =	vld [tilespmem:s21+$0xFFFFFFF0];
	_ =	sdelay $0x1  }
0x23c: {  	s11 =	simm.s32 $0x4060;
	[tilespmem:v8+s6+$0x0] =	vst.idx.msk $0xffff, v11;
	v11 =	vor.u32 v2, v9  }
0x23d: {  	s15 =	simm.s32 $0x10A0;
	v13 =	vld [tilespmem:s11+$0xFFFFFFE0];
	v10 =	vadd.f32 v6, v10  }
0x23e: {  	s14 =	simm.s32 $0x20A0;
	v14 =	vld [tilespmem:s15+$0xFFFFFFE0]  }
0x23f: {  	v15 =	vld [tilespmem:s14+$0xFFFFFFE0];
	v6 =	vsub.f32 v10, v12  }
0x240: {  	s12 =	simm.s32 $0x2;
	s17 =	simm.s32 $0x30A0  }
0x241: {  	v16 =	vor.u32 s12, v1;
	v12 =	vld [tilespmem:s17+$0xFFFFFFE0];
	[tilespmem:v11+s6+$0x0] =	vst.idx.msk $0xffff, v6  }
0x242: {  	v6 =	vand.u32 $0x3BF, v16;
	v7 =	vsub.f32 v7, v13;
	v13 =	vld [tilespmem:s5+$0xFFFFFFF0]  }
0x243: {  	v16 =	vor.u32 v0, v6  }
0x244: {  	s26 =	simm.s32 $0x20E0;
	v14 =	vadd.f32 v15, v14  }
0x245: {  	v17 =	vld [tilespmem:s26+$0xFFFFFFE0];
	[tilespmem:v8+s7+$0x0] =	vst.idx.msk $0xffff, v7  }
0x246: {  	v8 =	vsub.f32 v14, v12;
	v7 =	vld [tilespmem:s10+$0xFFFFFFF0]  }
0x247: {  	v12 =	vld [tilespmem:s16+$0xFFFFFFF0];
	v10 =	vsub.f32 v10, v13  }
0x248: {  	s12 =	simm.s32 $0x40A0;
	[tilespmem:v16+s6+$0x0] =	vst.idx.msk $0xffff, v8;
	v8 =	vld [tilespmem:s13+$0xFFFFFFF0]  }
0x249: {  	v13 =	vld [tilespmem:s12+$0xFFFFFFE0];
	[tilespmem:v11+s7+$0x0] =	vst.idx.msk $0xffff, v10  }
0x24a: {  	v10 =	vld [tilespmem:s2+$0x0]  }
0x24b: {  	s24 =	simm.s32 $0x10E0;
	v11 =	vld [tilespmem:s19+$0x0]  }
0x24c: {  	v15 =	vld [tilespmem:s24+$0xFFFFFFE0];
	v18 =	vor.u32 v2, v5  }
0x24d: {  	s20 =	simm.s32 $0x3;
	v19 =	vld [tilespmem:s21+$0x0];
	v8 =	vadd.f32 v12, v8  }
0x24e: {  	s31 =	simm.s32 $0x30E0;
	v20 =	vor.u32 s20, v1  }
0x24f: {  	v12 =	vsub.f32 v14, v13;
	v13 =	vor.u32 v3, v9;
	v14 =	vld [tilespmem:s31+$0xFFFFFFE0];
	v21 =	vsub.f32 v8, v7  }
0x250: {  	s25 =	simm.s32 $0x2120;
	v7 =	vand.u32 $0x3BF, v20;
	v10 =	vadd.f32 v11, v10  }
0x251: {  	v22 =	vld [tilespmem:s25+$0xFFFFFFE0];
	v11 =	vor.u32 v0, v7;
	[tilespmem:v18+s6+$0x0] =	vst.idx.msk $0xffff, v21  }
0x252: {  	s1 =	simm.s32 $0x3120;
	v15 =	vadd.f32 v17, v15;
	[tilespmem:v16+s7+$0x0] =	vst.idx.msk $0xffff, v12;
	v16 =	vld [tilespmem:s11+$0xFFFFFFF0];
	v17 =	vsub.f32 v10, v19  }
0x253: {  	v20 =	vld [tilespmem:s1+$0xFFFFFFE0]  }
0x254: {  	v12 =	vld [tilespmem:s17+$0xFFFFFFF0];
	v14 =	vsub.f32 v15, v14;
	[tilespmem:v13+s6+$0x0] =	vst.idx.msk $0xffff, v17  }
0x255: {  	v17 =	vld [tilespmem:s5+$0x0]  }
0x256: {  	s29 =	simm.s32 $0x40E0;
	v19 =	vld [tilespmem:s14+$0xFFFFFFF0];
	[tilespmem:v11+s6+$0x0] =	vst.idx.msk $0xffff, v14  }
0x257: {  	v14 =	vld [tilespmem:s29+$0xFFFFFFE0];
	v8 =	vsub.f32 v8, v16  }
0x258: {  	s20 =	simm.s32 $0x1120;
	v16 =	vld [tilespmem:s15+$0xFFFFFFF0]  }
0x259: {  	v21 =	vld [tilespmem:s20+$0xFFFFFFE0];
	[tilespmem:v18+s7+$0x0] =	vst.idx.msk $0xffff, v8  }
0x25a: {  	v18 =	vld [tilespmem:s13+$0x0];
	v8 =	vsub.f32 v10, v17  }
0x25b: {  	v10 =	vld [tilespmem:s16+$0x0]  }
0x25c: {  	v23 =	vor.u32 v2, v6;
	v24 =	vld [tilespmem:s10+$0x0];
	[tilespmem:v13+s7+$0x0] =	vst.idx.msk $0xffff, v8  }
0x25d: {  	v13 =	vsub.f32 v15, v14;
	v14 =	vadd.f32 v19, v16;
	v15 =	vld [tilespmem:s21+$0x10]  }
0x25e: {  	v19 =	vld [tilespmem:s2+$0x10]  }
0x25f: {  	s22 =	simm.s32 $0x4;
	v26 =	vor.u32 v3, v5;
	s21 =	simm.s32 $0x1160;
	[tilespmem:v11+s7+$0x0] =	vst.idx.msk $0xffff, v13;
	v11 =	vsub.f32 v14, v12;
	v12 =	vld [tilespmem:s19+$0x10]  }
0x260: {  	v8 =	vor.u32 s22, v1;
	s2 =	simm.s32 $0x2160;
	v27 =	vld [tilespmem:s21+$0xFFFFFFE0];
	v13 =	vadd.f32 v10, v18  }
0x261: {  	v8 =	vand.u32 $0x3BF, v8;
	v62 =	vld [tilespmem:s2+$0xFFFFFFE0];
	[tilespmem:v23+s6+$0x0] =	vst.idx.msk $0xffff, v11  }
0x262: {  	v17 =	vor.u32 v0, v8;
	v11 =	vld [tilespmem:s12+$0xFFFFFFF0];
	v10 =	vsub.f32 v13, v24  }
0x263: {  	v9 =	vor.u32 v4, v9;
	v16 =	vld [tilespmem:s31+$0xFFFFFFF0];
	v18 =	vadd.f32 v22, v21  }
0x264: {  	v22 =	vld [tilespmem:s26+$0xFFFFFFF0];
	[tilespmem:v26+s6+$0x0] =	vst.idx.msk $0xffff, v10;
	v10 =	vadd.f32 v12, v19  }
0x265: {  	v20 =	vsub.f32 v18, v20;
	v12 =	vld [tilespmem:s11+$0x0]  }
0x266: {  	s30 =	simm.s32 $0x3160;
	v63 =	vld [tilespmem:s24+$0xFFFFFFF0];
	v15 =	vsub.f32 v10, v15  }
0x267: {  	s8 =	simm.s32 $0x4120;
	v24 =	vld [tilespmem:s30+$0xFFFFFFE0];
	[tilespmem:v17+s6+$0x0] =	vst.idx.msk $0xffff, v20;
	v11 =	vsub.f32 v14, v11  }
0x268: {  	v19 =	vld [tilespmem:s8+$0xFFFFFFE0];
	[tilespmem:v9+s6+$0x0] =	vst.idx.msk $0xffff, v15  }
0x269: {  	[tilespmem:v23+s7+$0x0] =	vst.idx.msk $0xffff, v11;
	v14 =	vld [tilespmem:s5+$0x10]  }
0x26a: {  	v21 =	vld [tilespmem:s15+$0x0];
	v15 =	vsub.f32 v13, v12  }
0x26b: {  	v22 =	vadd.f32 v22, v63;
	v11 =	vor.u32 v3, v8;
	v23 =	vld [tilespmem:s14+$0x0]  }
0x26c: {  	s9 =	simm.s32 $0x5;
	v13 =	vor.u32 v3, v6;
	v12 =	vor.u32 v3, v7;
	v20 =	vld [tilespmem:s17+$0x0];
	[tilespmem:v26+s7+$0x0] =	vst.idx.msk $0xffff, v15  }
0x26d: {  	s22 =	simm.s32 $0x6;
	s19 =	simm.s32 $0x1160;
	s5 =	simm.s32 $0x4120;
	v25 =	vsub.f32 v18, v19;
	v19 =	vadd.f32 v62, v27;
	v18 =	vor.u32 v2, v7;
	v15 =	vld [tilespmem:s10+$0x10]  }
.LBB2_6:
0x26e: {  	v26 =	vor.u32 s9, v1;
	s21 =	sadd.s32 $0x40, s21;
	s9 =	smov.u32 s22;
	s10 =	sadd.s32 $0x1, s22  }
0x26f: {  	v27 =	vsub.f32 v19, v24;
	v28 =	vld [tilespmem:s13+$0x10];
	v10 =	vsub.f32 v10, v14;
	s4 =	smov.u32 s30;
	s30 =	sadd.s32 $0x40, s30;
	s13 =	smov.u32 s15  }
0x270: {  	p0 =	sne.s32 s22, $0x3F;
	s15 =	smov.u32 s24;
	s24 =	smov.u32 s20;
	v14 =	vand.u32 $0x3BF, v26;
	[tilespmem:v17+s7+$0x0] =	vst.idx.msk $0xffff, v25;
	v24 =	vsub.f32 v22, v16;
	v25 =	vld [tilespmem:s16+$0x10];
	v26 =	vor.u32 v4, v5  }
0x271: {  	s8 =	sadd.s32 $0x40, s8;
	s20 =	smov.u32 s19;
	v5 =	vmov v6;
	s19 =	smov.u32 s21;
	v17 =	vor.u32 v0, v14;
	v16 =	vld [tilespmem:s1+$0xFFFFFFF0];
	v23 =	vadd.f32 v23, v21;
	[tilespmem:v9+s7+$0x0] =	vst.idx.msk $0xffff, v10  }
0x272: {  	v6 =	vmovc v7;
	v7 =	vmov v8;
	s16 =	smov.u32 s14;
	s14 =	smov.u32 s26;
	s26 =	smov.u32 s25;
	v29 =	vor.u32 v3, v14;
	v8 =	vmov v14;
	v30 =	vld [tilespmem:s25+$0xFFFFFFF0];
	[tilespmem:v18+s6+$0x0] =	vst.idx.msk $0xffff, v24  }
0x273: {  	v9 =	vmov v26;
	s25 =	smov.u32 s2;
	v14 =	vld [tilespmem:s29+$0xFFFFFFF0];
	v10 =	vsub.f32 v23, v20  }
0x274: {  	v24 =	vld [tilespmem:s30+$0xFFFFFFE0]  }
0x275: {  	v20 =	vld [tilespmem:s21+$0xFFFFFFE0];
	[tilespmem:v13+s6+$0x0] =	vst.idx.msk $0xffff, v10;
	v10 =	vadd.f32 v25, v28  }
0x276: {  	[tilespmem:v17+s6+$0x0] =	vst.idx.msk $0xffff, v27;
	v25 =	vld [tilespmem:s12+$0x0]  }
0x277: {  	s2 =	sadd.s32 $0x40, s2;
	v26 =	vld [tilespmem:s8+$0xFFFFFFE0];
	v15 =	vsub.f32 v10, v15  }
0x278: {  	v27 =	vld [tilespmem:s2+$0xFFFFFFE0];
	v14 =	vsub.f32 v22, v14  }
0x279: {  	v22 =	vld [tilespmem:s24+$0xFFFFFFF0];
	[tilespmem:v9+s6+$0x0] =	vst.idx.msk $0xffff, v15  }
.Ltmp2:
0x27a: {  	[tilespmem:v18+s7+$0x0] =	vst.idx.msk $0xffff, v14;
	v14 =	vld [tilespmem:s11+$0x10];
	s11 =	smov.u32 s12;
	s12 =	smov.u32 s29;
	(pc) =	sbr.rel @p0 .LBB2_6-.Ltmp2, $4  }
0x27b: {  	s29 =	smov.u32 s5;
	s5 =	smov.u32 s8;
	v21 =	vld [tilespmem:s15+$0x0];
	v15 =	vsub.f32 v23, v25  }
0x27c: {  	v25 =	vsub.f32 v19, v26;
	v23 =	vld [tilespmem:s14+$0x0]  }
0x27d: {  	s22 =	smov.u32 s10;
	v18 =	vor.u32 v2, v7;
	v19 =	vadd.f32 v27, v20;
	v20 =	vld [tilespmem:s31+$0x0];
	[tilespmem:v13+s7+$0x0] =	vst.idx.msk $0xffff, v15;
	v13 =	vmov v12  }
0x27e: {  	v12 =	vmov v11;
	v11 =	vmov v29;
	v22 =	vadd.f32 v30, v22;
	v15 =	vld [tilespmem:s17+$0x10];
	s17 =	smov.u32 s31;
	s31 =	smov.u32 s1;
	s1 =	smov.u32 s4  }
0x27f: {  	v26 =	vor.u32 s9, v1  }
0x280: {  	v26 =	vand.u32 $0x3BF, v26  }
0x281: {  	v27 =	vor.u32 v0, v26;
	_ =	sdelay $0x2  }
0x282: {  	v24 =	vsub.f32 v19, v24;
	_ =	sdelay $0x1  }
0x283: {  	s8 =	sadd.s32 $0x40, s8;
	[tilespmem:v27+s6+$0x0] =	vst.idx.msk $0xffff, v24  }
0x284: {  	v24 =	vld [tilespmem:s8+$0xFFFFFFE0];
	_ =	sdelay $0x2  }
0x285: {  	[tilespmem:v17+s7+$0x0] =	vst.idx.msk $0xffff, v25;
	v16 =	vsub.f32 v22, v16  }
0x286: {  	v17 =	vld [tilespmem:s25+$0xFFFFFFF0]  }
0x287: {  	[tilespmem:v18+s6+$0x0] =	vst.idx.msk $0xffff, v16;
	v19 =	vsub.f32 v19, v24;
	v24 =	vld [tilespmem:s20+$0xFFFFFFF0]  }
0x288: {  	v16 =	vld [tilespmem:s29+$0xFFFFFFF0]  }
0x289: {  	v25 =	vld [tilespmem:s1+$0xFFFFFFF0];
	[tilespmem:v27+s7+$0x0] =	vst.idx.msk $0xffff, v19  }
0x28a: {  	v19 =	vld [tilespmem:s2+$0xFFFFFFF0]  }
0x28b: {  	v28 =	vor.u32 v2, v8;
	v27 =	vld [tilespmem:s19+$0xFFFFFFF0]  }
0x28c: {  	v17 =	vadd.f32 v17, v24  }
0x28d: {  	v16 =	vsub.f32 v22, v16;
	v24 =	vld [tilespmem:s30+$0xFFFFFFF0]  }
0x28e: {  	v25 =	vsub.f32 v17, v25  }
0x28f: {  	v29 =	vor.u32 v2, v26;
	[tilespmem:v18+s7+$0x0] =	vst.idx.msk $0xffff, v16  }
0x290: {  	v16 =	vld [tilespmem:s24+$0x0];
	v19 =	vadd.f32 v19, v27;
	[tilespmem:v28+s6+$0x0] =	vst.idx.msk $0xffff, v25  }
0x291: {  	v25 =	vld [tilespmem:s5+$0xFFFFFFF0]  }
0x292: {  	v18 =	vld [tilespmem:s26+$0x0];
	v24 =	vsub.f32 v19, v24;
	_ =	sdelay $0x1  }
0x293: {  	[tilespmem:v29+s6+$0x0] =	vst.idx.msk $0xffff, v24;
	v24 =	vld [tilespmem:s31+$0x0]  }
0x294: {  	v22 =	vld [tilespmem:s8+$0xFFFFFFF0]  }
0x295: {  	v17 =	vsub.f32 v17, v25  }
0x296: {  	v16 =	vadd.f32 v18, v16  }
0x297: {  	[tilespmem:v28+s7+$0x0] =	vst.idx.msk $0xffff, v17  }
0x298: {  	v17 =	vadd.f32 v23, v21;
	v24 =	vsub.f32 v16, v24;
	v21 =	vld [tilespmem:s20+$0x0]  }
0x299: {  	v19 =	vsub.f32 v19, v22;
	v22 =	vld [tilespmem:s25+$0x0]  }
0x29a: {  	v23 =	vld [tilespmem:s1+$0x0];
	[tilespmem:v12+s6+$0x0] =	vst.idx.msk $0xffff, v24  }
0x29b: {  	v20 =	vsub.f32 v17, v20;
	[tilespmem:v29+s7+$0x0] =	vst.idx.msk $0xffff, v19;
	v24 =	vld [tilespmem:s29+$0x0]  }
0x29c: {  	v19 =	vld [tilespmem:s19+$0x0]  }
0x29d: {  	[tilespmem:v13+s6+$0x0] =	vst.idx.msk $0xffff, v20;
	v18 =	vld [tilespmem:s2+$0x0]  }
0x29e: {  	v20 =	vld [tilespmem:s12+$0x0]  }
0x29f: {  	v25 =	vld [tilespmem:s30+$0x0];
	v21 =	vadd.f32 v22, v21;
	_ =	sdelay $0x1  }
0x2a0: {  	v22 =	vor.u32 v3, v26;
	v23 =	vsub.f32 v21, v23  }
0x2a1: {  	v16 =	vsub.f32 v16, v24;
	v18 =	vadd.f32 v18, v19  }
0x2a2: {  	v19 =	vld [tilespmem:s13+$0x10];
	v17 =	vsub.f32 v17, v20;
	[tilespmem:v11+s6+$0x0] =	vst.idx.msk $0xffff, v23  }
0x2a3: {  	v20 =	vld [tilespmem:s16+$0x10];
	[tilespmem:v12+s7+$0x0] =	vst.idx.msk $0xffff, v16;
	v23 =	vsub.f32 v18, v25  }
0x2a4: {  	[tilespmem:v13+s7+$0x0] =	vst.idx.msk $0xffff, v17;
	v13 =	vld [tilespmem:s5+$0x0]  }
0x2a5: {  	v12 =	vld [tilespmem:s31+$0x10];
	[tilespmem:v22+s6+$0x0] =	vst.idx.msk $0xffff, v23  }
0x2a6: {  	v23 =	vld [tilespmem:s8+$0x0]  }
0x2a7: {  	v16 =	vld [tilespmem:s24+$0x10]  }
0x2a8: {  	v17 =	vld [tilespmem:s17+$0x10]  }
0x2a9: {  	v24 =	vld [tilespmem:s15+$0x10];
	v13 =	vsub.f32 v21, v13  }
0x2aa: {  	v25 =	vld [tilespmem:s14+$0x10]  }
0x2ab: {  	v21 =	vld [tilespmem:s26+$0x10];
	[tilespmem:v11+s7+$0x0] =	vst.idx.msk $0xffff, v13;
	v11 =	vsub.f32 v18, v23  }
0x2ac: {  	v13 =	vld [tilespmem:s20+$0x10]  }
0x2ad: {  	v18 =	vld [tilespmem:s25+$0x10];
	[tilespmem:v22+s7+$0x0] =	vst.idx.msk $0xffff, v11  }
0x2ae: {  	v11 =	vld [tilespmem:s19+$0x10]  }
0x2af: {  	v5 =	vor.u32 v4, v5;
	v22 =	vld [tilespmem:s2+$0x10]  }
0x2b0: {  	v6 =	vor.u32 v4, v6;
	v19 =	vadd.f32 v20, v19;
	v20 =	vld [tilespmem:s1+$0x10]  }
0x2b1: {  	v7 =	vor.u32 v4, v7;
	v23 =	vadd.f32 v25, v24;
	v24 =	vld [tilespmem:s30+$0x10]  }
0x2b2: {  	v8 =	vor.u32 v4, v8;
	v15 =	vsub.f32 v19, v15;
	v16 =	vadd.f32 v21, v16  }
0x2b3: {  	v17 =	vsub.f32 v23, v17;
	v13 =	vadd.f32 v18, v13;
	v18 =	vor.u32 v4, v26  }
0x2b4: {  	[tilespmem:v5+s6+$0x0] =	vst.idx.msk $0xffff, v15;
	v12 =	vsub.f32 v16, v12;
	v11 =	vadd.f32 v22, v11  }
0x2b5: {  	v15 =	vld [tilespmem:s11+$0x10];
	[tilespmem:v6+s6+$0x0] =	vst.idx.msk $0xffff, v17;
	v17 =	vsub.f32 v13, v20  }
0x2b6: {  	[tilespmem:v7+s6+$0x0] =	vst.idx.msk $0xffff, v12;
	v20 =	vld [tilespmem:s12+$0x10];
	v12 =	vsub.f32 v11, v24  }
0x2b7: {  	v21 =	vld [tilespmem:s29+$0x10];
	[tilespmem:v8+s6+$0x0] =	vst.idx.msk $0xffff, v17  }
0x2b8: {  	v17 =	vld [tilespmem:s5+$0x10];
	[tilespmem:v18+s6+$0x0] =	vst.idx.msk $0xffff, v12  }
0x2b9: {  	v10 =	vsub.f32 v10, v14;
	v12 =	vld [tilespmem:s8+$0x10]  }
0x2ba: {  	v14 =	vsub.f32 v19, v15  }
0x2bb: {  	[tilespmem:v9+s7+$0x0] =	vst.idx.msk $0xffff, v10;
	v9 =	vsub.f32 v23, v20  }
0x2bc: {  	[tilespmem:v5+s7+$0x0] =	vst.idx.msk $0xffff, v14;
	v5 =	vsub.f32 v16, v21  }
0x2bd: {  	[tilespmem:v6+s7+$0x0] =	vst.idx.msk $0xffff, v9;
	v6 =	vsub.f32 v13, v17  }
0x2be: {  	[tilespmem:v7+s7+$0x0] =	vst.idx.msk $0xffff, v5;
	v5 =	vsub.f32 v11, v12  }
0x2bf: {  	[tilespmem:v8+s7+$0x0] =	vst.idx.msk $0xffff, v6  }
0x2c0: {  	s4 =	simm.s32 $0x900;
	s16 =	simm.s32 $0x40;
	s17 =	simm.s32 $0x1000;
	[tilespmem:v18+s7+$0x0] =	vst.idx.msk $0xffff, v5  }
0x2c1: {  	[tilespmem:s17], [sflag:$0x2] =	stream.indirect.gather [hbm4b:s3+s16], $0x40, s4, s16, $0xb8;
	[tilespmem:$0x11000] =	vst v63  }
0x2c2: {  	s21 =	simm.s32 $0xB00;
	s20 =	simm.s32 $0x2000;
	s19 =	rddreg [dreg:$0x8]  }
0x2c3: {  	[tilespmem:s20], [sflag:$0x2] =	stream.indirect.gather [hbm4b:s19+s16], $0x40, s21, s16, $0xb8;
	[tilespmem:$0x11000] =	vst v63  }
0x2c4: {  	s22 =	simm.s32 $0x3000;
	s24 =	simm.s32 $0xD00  }
0x2c5: {  	[tilespmem:s22], [sflag:$0x2] =	stream.indirect.gather [hbm4b:s3+s16], $0x40, s24, s16, $0xb8;
	[tilespmem:$0x11000] =	vst v63  }
0x2c6: {  	s26 =	simm.s32 $0xF00;
	s25 =	simm.s32 $0x4000  }
0x2c7: {  	[tilespmem:s25], [sflag:$0x2] =	stream.indirect.gather [hbm4b:s3+s16], $0x40, s26, s16, $0xb8;
	[tilespmem:$0x11000] =	vst v63  }
0x2c8: {  	_ =	swait.ge [sflag:s28], $0x1000  }
0x2c9: {  	[sflag:s28] =	ssyncset.done $0x0  }
0x2ca: {  	[sflag:s28] =	ssyncadd.s32 $0xFFFFF000  }
0x2cb: {  	_ =	swait.ge [sflag:s28], $0x1000  }
0x2cc: {  	[sflag:s28] =	ssyncset.done $0x0  }
0x2cd: {  	[sflag:s28] =	ssyncadd.s32 $0xFFFFF000  }
0x2ce: {  	_ =	swait.ge [sflag:s28], $0x1000  }
0x2cf: {  	[sflag:s28] =	ssyncset.done $0x0  }
0x2d0: {  	[sflag:s28] =	ssyncadd.s32 $0xFFFFF000  }
0x2d1: {  	_ =	swait.ge [sflag:s28], $0x1000  }
0x2d2: {  	[sflag:s28] =	ssyncset.done $0x0  }
0x2d3: {  	s2 =	simm.s32 $0x5020;
	[sflag:s28] =	ssyncadd.s32 $0xFFFFF000  }
0x2d4: {  	s19 =	simm.s32 $0x6020;
	v5 =	vld [tilespmem:s2+$0xFFFFFFE0]  }
0x2d5: {  	v6 =	vld [tilespmem:s19+$0xFFFFFFE0]  }
0x2d6: {  	s21 =	simm.s32 $0x7020  }
0x2d7: {  	v8 =	vor.u32 s16, v1;
	v7 =	vld [tilespmem:s21+$0xFFFFFFE0]  }
0x2d8: {  	v9 =	vand.u32 $0x3FF, v8  }
0x2d9: {  	v8 =	vor.u32 v0, v9  }
0x2da: {  	v5 =	vadd.f32 v6, v5;
	_ =	sdelay $0x1  }
0x2db: {  	v6 =	vsub.f32 v5, v7;
	_ =	sdelay $0x1  }
0x2dc: {  	s5 =	simm.s32 $0x8020;
	[tilespmem:v8+s6+$0x0] =	vst.idx.msk $0xffff, v6  }
0x2dd: {  	v6 =	vld [tilespmem:s5+$0xFFFFFFE0];
	_ =	sdelay $0x1  }
0x2de: {  	s16 =	simm.s32 $0x6060  }
0x2df: {  	s13 =	simm.s32 $0x5060;
	v10 =	vld [tilespmem:s16+$0xFFFFFFE0]  }
0x2e0: {  	v7 =	vld [tilespmem:s13+$0xFFFFFFE0]  }
0x2e1: {  	s9 =	simm.s32 $0x41;
	s10 =	simm.s32 $0x7060;
	v6 =	vsub.f32 v5, v6  }
0x2e2: {  	v11 =	vld [tilespmem:s10+$0xFFFFFFE0];
	v5 =	vor.u32 s9, v1  }
0x2e3: {  	v5 =	vand.u32 $0x3FF, v5;
	[tilespmem:v8+s7+$0x0] =	vst.idx.msk $0xffff, v6  }
0x2e4: {  	v8 =	vor.u32 v0, v5;
	v6 =	vld [tilespmem:s19+$0xFFFFFFF0]  }
0x2e5: {  	v7 =	vadd.f32 v10, v7;
	v10 =	vld [tilespmem:s2+$0xFFFFFFF0];
	_ =	sdelay $0x1  }
0x2e6: {  	v11 =	vsub.f32 v7, v11;
	v12 =	vld [tilespmem:s21+$0xFFFFFFF0];
	_ =	sdelay $0x1  }
0x2e7: {  	s11 =	simm.s32 $0x8060;
	[tilespmem:v8+s6+$0x0] =	vst.idx.msk $0xffff, v11;
	v11 =	vor.u32 v2, v9  }
0x2e8: {  	s15 =	simm.s32 $0x50A0;
	v13 =	vld [tilespmem:s11+$0xFFFFFFE0];
	v10 =	vadd.f32 v6, v10  }
0x2e9: {  	s14 =	simm.s32 $0x60A0;
	v14 =	vld [tilespmem:s15+$0xFFFFFFE0]  }
0x2ea: {  	v15 =	vld [tilespmem:s14+$0xFFFFFFE0];
	v6 =	vsub.f32 v10, v12  }
0x2eb: {  	s12 =	simm.s32 $0x42;
	s17 =	simm.s32 $0x70A0  }
0x2ec: {  	v16 =	vor.u32 s12, v1;
	v12 =	vld [tilespmem:s17+$0xFFFFFFE0];
	[tilespmem:v11+s6+$0x0] =	vst.idx.msk $0xffff, v6  }
0x2ed: {  	v6 =	vand.u32 $0x3FF, v16;
	v7 =	vsub.f32 v7, v13;
	v13 =	vld [tilespmem:s5+$0xFFFFFFF0]  }
0x2ee: {  	v16 =	vor.u32 v0, v6  }
0x2ef: {  	s26 =	simm.s32 $0x60E0;
	v14 =	vadd.f32 v15, v14  }
0x2f0: {  	v17 =	vld [tilespmem:s26+$0xFFFFFFE0];
	[tilespmem:v8+s7+$0x0] =	vst.idx.msk $0xffff, v7  }
0x2f1: {  	v8 =	vsub.f32 v14, v12;
	v7 =	vld [tilespmem:s10+$0xFFFFFFF0]  }
0x2f2: {  	v12 =	vld [tilespmem:s16+$0xFFFFFFF0];
	v10 =	vsub.f32 v10, v13  }
0x2f3: {  	s12 =	simm.s32 $0x80A0;
	[tilespmem:v16+s6+$0x0] =	vst.idx.msk $0xffff, v8;
	v8 =	vld [tilespmem:s13+$0xFFFFFFF0]  }
0x2f4: {  	v13 =	vld [tilespmem:s12+$0xFFFFFFE0];
	[tilespmem:v11+s7+$0x0] =	vst.idx.msk $0xffff, v10  }
0x2f5: {  	v10 =	vld [tilespmem:s2+$0x0]  }
0x2f6: {  	s24 =	simm.s32 $0x50E0;
	v11 =	vld [tilespmem:s19+$0x0]  }
0x2f7: {  	v15 =	vld [tilespmem:s24+$0xFFFFFFE0];
	v18 =	vor.u32 v2, v5  }
0x2f8: {  	s20 =	simm.s32 $0x43;
	v19 =	vld [tilespmem:s21+$0x0];
	v8 =	vadd.f32 v12, v8  }
0x2f9: {  	s31 =	simm.s32 $0x70E0;
	v20 =	vor.u32 s20, v1  }
0x2fa: {  	v12 =	vsub.f32 v14, v13;
	v13 =	vor.u32 v3, v9;
	v14 =	vld [tilespmem:s31+$0xFFFFFFE0];
	v21 =	vsub.f32 v8, v7  }
0x2fb: {  	s25 =	simm.s32 $0x6120;
	v7 =	vand.u32 $0x3FF, v20;
	v10 =	vadd.f32 v11, v10  }
0x2fc: {  	v22 =	vld [tilespmem:s25+$0xFFFFFFE0];
	v11 =	vor.u32 v0, v7;
	[tilespmem:v18+s6+$0x0] =	vst.idx.msk $0xffff, v21  }
0x2fd: {  	s1 =	simm.s32 $0x7120;
	v15 =	vadd.f32 v17, v15;
	[tilespmem:v16+s7+$0x0] =	vst.idx.msk $0xffff, v12;
	v16 =	vld [tilespmem:s11+$0xFFFFFFF0];
	v17 =	vsub.f32 v10, v19  }
0x2fe: {  	v20 =	vld [tilespmem:s1+$0xFFFFFFE0]  }
0x2ff: {  	v12 =	vld [tilespmem:s17+$0xFFFFFFF0];
	v14 =	vsub.f32 v15, v14;
	[tilespmem:v13+s6+$0x0] =	vst.idx.msk $0xffff, v17  }
0x300: {  	v17 =	vld [tilespmem:s5+$0x0]  }
0x301: {  	s29 =	simm.s32 $0x80E0;
	v19 =	vld [tilespmem:s14+$0xFFFFFFF0];
	[tilespmem:v11+s6+$0x0] =	vst.idx.msk $0xffff, v14  }
0x302: {  	v14 =	vld [tilespmem:s29+$0xFFFFFFE0];
	v8 =	vsub.f32 v8, v16  }
0x303: {  	s20 =	simm.s32 $0x5120;
	v16 =	vld [tilespmem:s15+$0xFFFFFFF0]  }
0x304: {  	v21 =	vld [tilespmem:s20+$0xFFFFFFE0];
	[tilespmem:v18+s7+$0x0] =	vst.idx.msk $0xffff, v8  }
0x305: {  	v18 =	vld [tilespmem:s13+$0x0];
	v8 =	vsub.f32 v10, v17  }
0x306: {  	v10 =	vld [tilespmem:s16+$0x0]  }
0x307: {  	v23 =	vor.u32 v2, v6;
	v24 =	vld [tilespmem:s10+$0x0];
	[tilespmem:v13+s7+$0x0] =	vst.idx.msk $0xffff, v8  }
0x308: {  	v13 =	vsub.f32 v15, v14;
	v14 =	vadd.f32 v19, v16;
	v15 =	vld [tilespmem:s21+$0x10]  }
0x309: {  	v19 =	vld [tilespmem:s2+$0x10]  }
0x30a: {  	s22 =	simm.s32 $0x44;
	v26 =	vor.u32 v3, v5;
	s21 =	simm.s32 $0x5160;
	[tilespmem:v11+s7+$0x0] =	vst.idx.msk $0xffff, v13;
	v11 =	vsub.f32 v14, v12;
	v12 =	vld [tilespmem:s19+$0x10]  }
0x30b: {  	v8 =	vor.u32 s22, v1;
	s2 =	simm.s32 $0x6160;
	v27 =	vld [tilespmem:s21+$0xFFFFFFE0];
	v13 =	vadd.f32 v10, v18  }
0x30c: {  	v8 =	vand.u32 $0x3FF, v8;
	v62 =	vld [tilespmem:s2+$0xFFFFFFE0];
	[tilespmem:v23+s6+$0x0] =	vst.idx.msk $0xffff, v11  }
0x30d: {  	v17 =	vor.u32 v0, v8;
	v11 =	vld [tilespmem:s12+$0xFFFFFFF0];
	v10 =	vsub.f32 v13, v24  }
0x30e: {  	v9 =	vor.u32 v4, v9;
	v16 =	vld [tilespmem:s31+$0xFFFFFFF0];
	v18 =	vadd.f32 v22, v21  }
0x30f: {  	v22 =	vld [tilespmem:s26+$0xFFFFFFF0];
	[tilespmem:v26+s6+$0x0] =	vst.idx.msk $0xffff, v10;
	v10 =	vadd.f32 v12, v19  }
0x310: {  	v20 =	vsub.f32 v18, v20;
	v12 =	vld [tilespmem:s11+$0x0]  }
0x311: {  	s30 =	simm.s32 $0x7160;
	v63 =	vld [tilespmem:s24+$0xFFFFFFF0];
	v15 =	vsub.f32 v10, v15  }
0x312: {  	s8 =	simm.s32 $0x8120;
	v24 =	vld [tilespmem:s30+$0xFFFFFFE0];
	[tilespmem:v17+s6+$0x0] =	vst.idx.msk $0xffff, v20;
	v11 =	vsub.f32 v14, v11  }
0x313: {  	v19 =	vld [tilespmem:s8+$0xFFFFFFE0];
	[tilespmem:v9+s6+$0x0] =	vst.idx.msk $0xffff, v15  }
0x314: {  	[tilespmem:v23+s7+$0x0] =	vst.idx.msk $0xffff, v11;
	v14 =	vld [tilespmem:s5+$0x10]  }
0x315: {  	v21 =	vld [tilespmem:s15+$0x0];
	v15 =	vsub.f32 v13, v12  }
0x316: {  	v22 =	vadd.f32 v22, v63;
	v11 =	vor.u32 v3, v8;
	v23 =	vld [tilespmem:s14+$0x0]  }
0x317: {  	s9 =	simm.s32 $0x45;
	v13 =	vor.u32 v3, v6;
	v12 =	vor.u32 v3, v7;
	v20 =	vld [tilespmem:s17+$0x0];
	[tilespmem:v26+s7+$0x0] =	vst.idx.msk $0xffff, v15  }
0x318: {  	s22 =	simm.s32 $0x46;
	s19 =	simm.s32 $0x5160;
	s5 =	simm.s32 $0x8120;
	v25 =	vsub.f32 v18, v19;
	v19 =	vadd.f32 v62, v27;
	v18 =	vor.u32 v2, v7;
	v15 =	vld [tilespmem:s10+$0x10]  }
.LBB2_8:
0x319: {  	v26 =	vor.u32 s9, v1;
	s21 =	sadd.s32 $0x40, s21;
	s9 =	smov.u32 s22;
	s10 =	sadd.s32 $0x1, s22  }
0x31a: {  	v27 =	vsub.f32 v19, v24;
	v28 =	vld [tilespmem:s13+$0x10];
	v10 =	vsub.f32 v10, v14;
	s4 =	smov.u32 s30;
	s30 =	sadd.s32 $0x40, s30;
	s13 =	smov.u32 s15  }
0x31b: {  	p0 =	sne.s32 s22, $0x7F;
	s15 =	smov.u32 s24;
	s24 =	smov.u32 s20;
	v14 =	vand.u32 $0x3FF, v26;
	[tilespmem:v17+s7+$0x0] =	vst.idx.msk $0xffff, v25;
	v24 =	vsub.f32 v22, v16;
	v25 =	vld [tilespmem:s16+$0x10];
	v26 =	vor.u32 v4, v5  }
0x31c: {  	s8 =	sadd.s32 $0x40, s8;
	s20 =	smov.u32 s19;
	v5 =	vmov v6;
	s19 =	smov.u32 s21;
	v17 =	vor.u32 v0, v14;
	v16 =	vld [tilespmem:s1+$0xFFFFFFF0];
	v23 =	vadd.f32 v23, v21;
	[tilespmem:v9+s7+$0x0] =	vst.idx.msk $0xffff, v10  }
0x31d: {  	v6 =	vmovc v7;
	v7 =	vmov v8;
	s16 =	smov.u32 s14;
	s14 =	smov.u32 s26;
	s26 =	smov.u32 s25;
	v29 =	vor.u32 v3, v14;
	v8 =	vmov v14;
	v30 =	vld [tilespmem:s25+$0xFFFFFFF0];
	[tilespmem:v18+s6+$0x0] =	vst.idx.msk $0xffff, v24  }
0x31e: {  	v9 =	vmov v26;
	s25 =	smov.u32 s2;
	v14 =	vld [tilespmem:s29+$0xFFFFFFF0];
	v10 =	vsub.f32 v23, v20  }
0x31f: {  	v24 =	vld [tilespmem:s30+$0xFFFFFFE0]  }
0x320: {  	v20 =	vld [tilespmem:s21+$0xFFFFFFE0];
	[tilespmem:v13+s6+$0x0] =	vst.idx.msk $0xffff, v10;
	v10 =	vadd.f32 v25, v28  }
0x321: {  	[tilespmem:v17+s6+$0x0] =	vst.idx.msk $0xffff, v27;
	v25 =	vld [tilespmem:s12+$0x0]  }
0x322: {  	s2 =	sadd.s32 $0x40, s2;
	v26 =	vld [tilespmem:s8+$0xFFFFFFE0];
	v15 =	vsub.f32 v10, v15  }
0x323: {  	v27 =	vld [tilespmem:s2+$0xFFFFFFE0];
	v14 =	vsub.f32 v22, v14  }
0x324: {  	v22 =	vld [tilespmem:s24+$0xFFFFFFF0];
	[tilespmem:v9+s6+$0x0] =	vst.idx.msk $0xffff, v15  }
.Ltmp3:
0x325: {  	[tilespmem:v18+s7+$0x0] =	vst.idx.msk $0xffff, v14;
	v14 =	vld [tilespmem:s11+$0x10];
	s11 =	smov.u32 s12;
	s12 =	smov.u32 s29;
	(pc) =	sbr.rel @p0 .LBB2_8-.Ltmp3, $4  }
0x326: {  	s29 =	smov.u32 s5;
	s5 =	smov.u32 s8;
	v21 =	vld [tilespmem:s15+$0x0];
	v15 =	vsub.f32 v23, v25  }
0x327: {  	v25 =	vsub.f32 v19, v26;
	v23 =	vld [tilespmem:s14+$0x0]  }
0x328: {  	s22 =	smov.u32 s10;
	v18 =	vor.u32 v2, v7;
	v19 =	vadd.f32 v27, v20;
	v20 =	vld [tilespmem:s31+$0x0];
	[tilespmem:v13+s7+$0x0] =	vst.idx.msk $0xffff, v15;
	v13 =	vmov v12  }
0x329: {  	v12 =	vmov v11;
	v11 =	vmov v29;
	v22 =	vadd.f32 v30, v22;
	v15 =	vld [tilespmem:s17+$0x10];
	s17 =	smov.u32 s31;
	s31 =	smov.u32 s1;
	s1 =	smov.u32 s4  }
0x32a: {  	v26 =	vor.u32 s9, v1  }
0x32b: {  	v26 =	vand.u32 $0x3FF, v26  }
0x32c: {  	v27 =	vor.u32 v0, v26;
	_ =	sdelay $0x2  }
0x32d: {  	v24 =	vsub.f32 v19, v24;
	_ =	sdelay $0x1  }
0x32e: {  	s8 =	sadd.s32 $0x40, s8;
	[tilespmem:v27+s6+$0x0] =	vst.idx.msk $0xffff, v24  }
0x32f: {  	v24 =	vld [tilespmem:s8+$0xFFFFFFE0];
	_ =	sdelay $0x2  }
0x330: {  	[tilespmem:v17+s7+$0x0] =	vst.idx.msk $0xffff, v25;
	v16 =	vsub.f32 v22, v16  }
0x331: {  	v17 =	vld [tilespmem:s25+$0xFFFFFFF0]  }
0x332: {  	[tilespmem:v18+s6+$0x0] =	vst.idx.msk $0xffff, v16;
	v19 =	vsub.f32 v19, v24;
	v24 =	vld [tilespmem:s20+$0xFFFFFFF0]  }
0x333: {  	v16 =	vld [tilespmem:s29+$0xFFFFFFF0]  }
0x334: {  	v25 =	vld [tilespmem:s1+$0xFFFFFFF0];
	[tilespmem:v27+s7+$0x0] =	vst.idx.msk $0xffff, v19  }
0x335: {  	v19 =	vld [tilespmem:s2+$0xFFFFFFF0]  }
0x336: {  	v28 =	vor.u32 v2, v8;
	v27 =	vld [tilespmem:s19+$0xFFFFFFF0]  }
0x337: {  	v17 =	vadd.f32 v17, v24  }
0x338: {  	v16 =	vsub.f32 v22, v16;
	v24 =	vld [tilespmem:s30+$0xFFFFFFF0]  }
0x339: {  	v25 =	vsub.f32 v17, v25  }
0x33a: {  	v29 =	vor.u32 v2, v26;
	[tilespmem:v18+s7+$0x0] =	vst.idx.msk $0xffff, v16  }
0x33b: {  	v16 =	vld [tilespmem:s24+$0x0];
	v19 =	vadd.f32 v19, v27;
	[tilespmem:v28+s6+$0x0] =	vst.idx.msk $0xffff, v25  }
0x33c: {  	v25 =	vld [tilespmem:s5+$0xFFFFFFF0]  }
0x33d: {  	v18 =	vld [tilespmem:s26+$0x0];
	v24 =	vsub.f32 v19, v24;
	_ =	sdelay $0x1  }
0x33e: {  	[tilespmem:v29+s6+$0x0] =	vst.idx.msk $0xffff, v24;
	v24 =	vld [tilespmem:s31+$0x0]  }
0x33f: {  	v22 =	vld [tilespmem:s8+$0xFFFFFFF0]  }
0x340: {  	v17 =	vsub.f32 v17, v25  }
0x341: {  	v16 =	vadd.f32 v18, v16  }
0x342: {  	[tilespmem:v28+s7+$0x0] =	vst.idx.msk $0xffff, v17  }
0x343: {  	v17 =	vadd.f32 v23, v21;
	v24 =	vsub.f32 v16, v24;
	v21 =	vld [tilespmem:s20+$0x0]  }
0x344: {  	v19 =	vsub.f32 v19, v22;
	v22 =	vld [tilespmem:s25+$0x0]  }
0x345: {  	v23 =	vld [tilespmem:s1+$0x0];
	[tilespmem:v12+s6+$0x0] =	vst.idx.msk $0xffff, v24  }
0x346: {  	v20 =	vsub.f32 v17, v20;
	[tilespmem:v29+s7+$0x0] =	vst.idx.msk $0xffff, v19;
	v24 =	vld [tilespmem:s29+$0x0]  }
0x347: {  	v19 =	vld [tilespmem:s19+$0x0]  }
0x348: {  	[tilespmem:v13+s6+$0x0] =	vst.idx.msk $0xffff, v20;
	v18 =	vld [tilespmem:s2+$0x0]  }
0x349: {  	v20 =	vld [tilespmem:s12+$0x0]  }
0x34a: {  	v25 =	vld [tilespmem:s30+$0x0];
	v21 =	vadd.f32 v22, v21;
	_ =	sdelay $0x1  }
0x34b: {  	v22 =	vor.u32 v3, v26;
	v23 =	vsub.f32 v21, v23  }
0x34c: {  	v16 =	vsub.f32 v16, v24;
	v18 =	vadd.f32 v18, v19  }
0x34d: {  	v19 =	vld [tilespmem:s13+$0x10];
	v17 =	vsub.f32 v17, v20;
	[tilespmem:v11+s6+$0x0] =	vst.idx.msk $0xffff, v23  }
0x34e: {  	v20 =	vld [tilespmem:s16+$0x10];
	[tilespmem:v12+s7+$0x0] =	vst.idx.msk $0xffff, v16;
	v23 =	vsub.f32 v18, v25  }
0x34f: {  	[tilespmem:v13+s7+$0x0] =	vst.idx.msk $0xffff, v17;
	v13 =	vld [tilespmem:s5+$0x0]  }
0x350: {  	v12 =	vld [tilespmem:s31+$0x10];
	[tilespmem:v22+s6+$0x0] =	vst.idx.msk $0xffff, v23  }
0x351: {  	v23 =	vld [tilespmem:s8+$0x0]  }
0x352: {  	v16 =	vld [tilespmem:s24+$0x10]  }
0x353: {  	v17 =	vld [tilespmem:s17+$0x10]  }
0x354: {  	v24 =	vld [tilespmem:s15+$0x10];
	v13 =	vsub.f32 v21, v13  }
0x355: {  	v25 =	vld [tilespmem:s14+$0x10]  }
0x356: {  	v21 =	vld [tilespmem:s26+$0x10];
	[tilespmem:v11+s7+$0x0] =	vst.idx.msk $0xffff, v13;
	v11 =	vsub.f32 v18, v23  }
0x357: {  	v13 =	vld [tilespmem:s20+$0x10]  }
0x358: {  	v18 =	vld [tilespmem:s25+$0x10];
	[tilespmem:v22+s7+$0x0] =	vst.idx.msk $0xffff, v11  }
0x359: {  	v11 =	vld [tilespmem:s19+$0x10]  }
0x35a: {  	v5 =	vor.u32 v4, v5;
	v22 =	vld [tilespmem:s2+$0x10]  }
0x35b: {  	v6 =	vor.u32 v4, v6;
	v19 =	vadd.f32 v20, v19;
	v20 =	vld [tilespmem:s1+$0x10]  }
0x35c: {  	v7 =	vor.u32 v4, v7;
	v23 =	vadd.f32 v25, v24;
	v24 =	vld [tilespmem:s30+$0x10]  }
0x35d: {  	v8 =	vor.u32 v4, v8;
	v15 =	vsub.f32 v19, v15;
	v16 =	vadd.f32 v21, v16  }
0x35e: {  	v17 =	vsub.f32 v23, v17;
	v13 =	vadd.f32 v18, v13;
	v18 =	vor.u32 v4, v26  }
0x35f: {  	[tilespmem:v5+s6+$0x0] =	vst.idx.msk $0xffff, v15;
	v12 =	vsub.f32 v16, v12;
	v11 =	vadd.f32 v22, v11  }
0x360: {  	v15 =	vld [tilespmem:s11+$0x10];
	[tilespmem:v6+s6+$0x0] =	vst.idx.msk $0xffff, v17;
	v17 =	vsub.f32 v13, v20  }
0x361: {  	[tilespmem:v7+s6+$0x0] =	vst.idx.msk $0xffff, v12;
	v20 =	vld [tilespmem:s12+$0x10];
	v12 =	vsub.f32 v11, v24  }
0x362: {  	v21 =	vld [tilespmem:s29+$0x10];
	[tilespmem:v8+s6+$0x0] =	vst.idx.msk $0xffff, v17  }
0x363: {  	v17 =	vld [tilespmem:s5+$0x10];
	[tilespmem:v18+s6+$0x0] =	vst.idx.msk $0xffff, v12  }
0x364: {  	v10 =	vsub.f32 v10, v14;
	v12 =	vld [tilespmem:s8+$0x10]  }
0x365: {  	v14 =	vsub.f32 v19, v15  }
0x366: {  	[tilespmem:v9+s7+$0x0] =	vst.idx.msk $0xffff, v10;
	v9 =	vsub.f32 v23, v20  }
0x367: {  	[tilespmem:v5+s7+$0x0] =	vst.idx.msk $0xffff, v14;
	v5 =	vsub.f32 v16, v21  }
0x368: {  	[tilespmem:v6+s7+$0x0] =	vst.idx.msk $0xffff, v9;
	v6 =	vsub.f32 v13, v17  }
0x369: {  	[tilespmem:v7+s7+$0x0] =	vst.idx.msk $0xffff, v5;
	v5 =	vsub.f32 v11, v12  }
0x36a: {  	[tilespmem:v8+s7+$0x0] =	vst.idx.msk $0xffff, v6  }
0x36b: {  	[tilespmem:v18+s7+$0x0] =	vst.idx.msk $0xffff, v5  }
0x36c: {  	s4 =	simm.s32 $0x20000;
	s12 =	simm.s32 $0x400;
	s11 =	rddreg [dreg:$0xf]  }
0x36d: {  	[hbm4b:s11+s12] =	stream.strided.scatter [tilespmem:s6], [sflag:$0x5], $0x2000, s4, s12, $0x38;
	[tilespmem:$0x11000] =	vst v63  }
0x36e: {  	s13 =	rddreg [dreg:$0x10]  }
0x36f: {  	[hbm4b:s13+s12] =	stream.strided.scatter [tilespmem:s7], [sflag:$0x5], $0x2000, s4, s12, $0x38;
	[tilespmem:$0x11000] =	vst v63  }
0x370: {  	s16 =	simm.s32 $0x940;
	s14 =	simm.s32 $0x40;
	s15 =	simm.s32 $0x5000  }
0x371: {  	[tilespmem:s15], [sflag:$0x3] =	stream.indirect.gather [hbm4b:s3+s14], $0x40, s16, s14, $0xb8;
	[tilespmem:$0x11000] =	vst v63  }
0x372: {  	s20 =	simm.s32 $0xB40;
	s19 =	simm.s32 $0x6000;
	s17 =	rddreg [dreg:$0x8]  }
0x373: {  	[tilespmem:s19], [sflag:$0x3] =	stream.indirect.gather [hbm4b:s17+s14], $0x40, s20, s14, $0xb8;
	[tilespmem:$0x11000] =	vst v63  }
0x374: {  	s21 =	simm.s32 $0x7000;
	s22 =	simm.s32 $0xD40  }
0x375: {  	[tilespmem:s21], [sflag:$0x3] =	stream.indirect.gather [hbm4b:s3+s14], $0x40, s22, s14, $0xb8;
	[tilespmem:$0x11000] =	vst v63  }
0x376: {  	s24 =	simm.s32 $0x8000;
	s26 =	simm.s32 $0x4;
	s25 =	simm.s32 $0xF40  }
0x377: {  	[tilespmem:s24], [sflag:$0x3] =	stream.indirect.gather [hbm4b:s3+s14], $0x40, s25, s14, $0xb8;
	[tilespmem:$0x11000] =	vst v63  }
0x378: {  	_ =	swait.ge [sflag:s26], $0x2000  }
0x379: {  	[sflag:s26] =	ssyncset.done $0x0  }
0x37a: {  	[sflag:s26] =	ssyncadd.s32 $0xFFFFE000  }
0x37b: {  	_ =	swait.ge [sflag:s26], $0x2000  }
0x37c: {  	[sflag:s26] =	ssyncset.done $0x0  }
0x37d: {  	[sflag:s26] =	ssyncadd.s32 $0xFFFFE000  }
0x37e: {  	_ =	swait.ge [sflag:s0], $0x1000  }
0x37f: {  	[sflag:s0] =	ssyncset.done $0x0  }
0x380: {  	[sflag:s0] =	ssyncadd.s32 $0xFFFFF000  }
0x381: {  	_ =	swait.ge [sflag:s0], $0x1000  }
0x382: {  	[sflag:s0] =	ssyncset.done $0x0  }
0x383: {  	[sflag:s0] =	ssyncadd.s32 $0xFFFFF000  }
0x384: {  	_ =	swait.ge [sflag:s0], $0x1000  }
0x385: {  	[sflag:s0] =	ssyncset.done $0x0  }
0x386: {  	[sflag:s0] =	ssyncadd.s32 $0xFFFFF000  }
0x387: {  	_ =	swait.ge [sflag:s0], $0x1000  }
0x388: {  	[sflag:s0] =	ssyncset.done $0x0  }
0x389: {  	s2 =	simm.s32 $0x1020;
	[sflag:s0] =	ssyncadd.s32 $0xFFFFF000  }
0x38a: {  	s19 =	simm.s32 $0x2020;
	v5 =	vld [tilespmem:s2+$0xFFFFFFE0]  }
0x38b: {  	v6 =	vld [tilespmem:s19+$0xFFFFFFE0]  }
0x38c: {  	s4 =	simm.s32 $0x0;
	s21 =	simm.s32 $0x3020  }
0x38d: {  	v8 =	vor.u32 s4, v1;
	v7 =	vld [tilespmem:s21+$0xFFFFFFE0]  }
0x38e: {  	v9 =	vand.u32 $0x3BF, v8  }
0x38f: {  	v8 =	vor.u32 v0, v9  }
0x390: {  	v5 =	vadd.f32 v6, v5;
	_ =	sdelay $0x1  }
0x391: {  	v6 =	vsub.f32 v5, v7;
	_ =	sdelay $0x1  }
0x392: {  	s5 =	simm.s32 $0x4020;
	[tilespmem:v8+s18+$0x0] =	vst.idx.msk $0xffff, v6  }
0x393: {  	v6 =	vld [tilespmem:s5+$0xFFFFFFE0];
	_ =	sdelay $0x1  }
0x394: {  	s16 =	simm.s32 $0x2060  }
0x395: {  	s13 =	simm.s32 $0x1060;
	v10 =	vld [tilespmem:s16+$0xFFFFFFE0]  }
0x396: {  	v7 =	vld [tilespmem:s13+$0xFFFFFFE0]  }
0x397: {  	s9 =	simm.s32 $0x1;
	s10 =	simm.s32 $0x3060;
	v6 =	vsub.f32 v5, v6  }
0x398: {  	v11 =	vld [tilespmem:s10+$0xFFFFFFE0];
	v5 =	vor.u32 s9, v1  }
0x399: {  	v5 =	vand.u32 $0x3BF, v5;
	[tilespmem:v8+s23+$0x0] =	vst.idx.msk $0xffff, v6  }
0x39a: {  	v8 =	vor.u32 v0, v5;
	v6 =	vld [tilespmem:s19+$0xFFFFFFF0]  }
0x39b: {  	v7 =	vadd.f32 v10, v7;
	v10 =	vld [tilespmem:s2+$0xFFFFFFF0];
	_ =	sdelay $0x1  }
0x39c: {  	v11 =	vsub.f32 v7, v11;
	v12 =	vld [tilespmem:s21+$0xFFFFFFF0];
	_ =	sdelay $0x1  }
0x39d: {  	s11 =	simm.s32 $0x4060;
	[tilespmem:v8+s18+$0x0] =	vst.idx.msk $0xffff, v11;
	v11 =	vor.u32 v2, v9  }
0x39e: {  	s15 =	simm.s32 $0x10A0;
	v13 =	vld [tilespmem:s11+$0xFFFFFFE0];
	v10 =	vadd.f32 v6, v10  }
0x39f: {  	s14 =	simm.s32 $0x20A0;
	v14 =	vld [tilespmem:s15+$0xFFFFFFE0]  }
0x3a0: {  	v15 =	vld [tilespmem:s14+$0xFFFFFFE0];
	v6 =	vsub.f32 v10, v12  }
0x3a1: {  	s12 =	simm.s32 $0x2;
	s17 =	simm.s32 $0x30A0  }
0x3a2: {  	v16 =	vor.u32 s12, v1;
	v12 =	vld [tilespmem:s17+$0xFFFFFFE0];
	[tilespmem:v11+s18+$0x0] =	vst.idx.msk $0xffff, v6  }
0x3a3: {  	v6 =	vand.u32 $0x3BF, v16;
	v7 =	vsub.f32 v7, v13;
	v13 =	vld [tilespmem:s5+$0xFFFFFFF0]  }
0x3a4: {  	v16 =	vor.u32 v0, v6  }
0x3a5: {  	s26 =	simm.s32 $0x20E0;
	v14 =	vadd.f32 v15, v14  }
0x3a6: {  	v17 =	vld [tilespmem:s26+$0xFFFFFFE0];
	[tilespmem:v8+s23+$0x0] =	vst.idx.msk $0xffff, v7  }
0x3a7: {  	v8 =	vsub.f32 v14, v12;
	v7 =	vld [tilespmem:s10+$0xFFFFFFF0]  }
0x3a8: {  	v12 =	vld [tilespmem:s16+$0xFFFFFFF0];
	v10 =	vsub.f32 v10, v13  }
0x3a9: {  	s12 =	simm.s32 $0x40A0;
	[tilespmem:v16+s18+$0x0] =	vst.idx.msk $0xffff, v8;
	v8 =	vld [tilespmem:s13+$0xFFFFFFF0]  }
0x3aa: {  	v13 =	vld [tilespmem:s12+$0xFFFFFFE0];
	[tilespmem:v11+s23+$0x0] =	vst.idx.msk $0xffff, v10  }
0x3ab: {  	v10 =	vld [tilespmem:s2+$0x0]  }
0x3ac: {  	s24 =	simm.s32 $0x10E0;
	v11 =	vld [tilespmem:s19+$0x0]  }
0x3ad: {  	v15 =	vld [tilespmem:s24+$0xFFFFFFE0];
	v18 =	vor.u32 v2, v5  }
0x3ae: {  	s20 =	simm.s32 $0x3;
	v19 =	vld [tilespmem:s21+$0x0];
	v8 =	vadd.f32 v12, v8  }
0x3af: {  	s31 =	simm.s32 $0x30E0;
	v20 =	vor.u32 s20, v1  }
0x3b0: {  	v12 =	vsub.f32 v14, v13;
	v13 =	vor.u32 v3, v9;
	v14 =	vld [tilespmem:s31+$0xFFFFFFE0];
	v21 =	vsub.f32 v8, v7  }
0x3b1: {  	s25 =	simm.s32 $0x2120;
	v7 =	vand.u32 $0x3BF, v20;
	v10 =	vadd.f32 v11, v10  }
0x3b2: {  	v22 =	vld [tilespmem:s25+$0xFFFFFFE0];
	v11 =	vor.u32 v0, v7;
	[tilespmem:v18+s18+$0x0] =	vst.idx.msk $0xffff, v21  }
0x3b3: {  	s1 =	simm.s32 $0x3120;
	v15 =	vadd.f32 v17, v15;
	[tilespmem:v16+s23+$0x0] =	vst.idx.msk $0xffff, v12;
	v16 =	vld [tilespmem:s11+$0xFFFFFFF0];
	v17 =	vsub.f32 v10, v19  }
0x3b4: {  	v20 =	vld [tilespmem:s1+$0xFFFFFFE0]  }
0x3b5: {  	v12 =	vld [tilespmem:s17+$0xFFFFFFF0];
	v14 =	vsub.f32 v15, v14;
	[tilespmem:v13+s18+$0x0] =	vst.idx.msk $0xffff, v17  }
0x3b6: {  	v17 =	vld [tilespmem:s5+$0x0]  }
0x3b7: {  	s29 =	simm.s32 $0x40E0;
	v19 =	vld [tilespmem:s14+$0xFFFFFFF0];
	[tilespmem:v11+s18+$0x0] =	vst.idx.msk $0xffff, v14  }
0x3b8: {  	v14 =	vld [tilespmem:s29+$0xFFFFFFE0];
	v8 =	vsub.f32 v8, v16  }
0x3b9: {  	s20 =	simm.s32 $0x1120;
	v16 =	vld [tilespmem:s15+$0xFFFFFFF0]  }
0x3ba: {  	v21 =	vld [tilespmem:s20+$0xFFFFFFE0];
	[tilespmem:v18+s23+$0x0] =	vst.idx.msk $0xffff, v8  }
0x3bb: {  	v18 =	vld [tilespmem:s13+$0x0];
	v8 =	vsub.f32 v10, v17  }
0x3bc: {  	v10 =	vld [tilespmem:s16+$0x0]  }
0x3bd: {  	v23 =	vor.u32 v2, v6;
	v24 =	vld [tilespmem:s10+$0x0];
	[tilespmem:v13+s23+$0x0] =	vst.idx.msk $0xffff, v8  }
0x3be: {  	v13 =	vsub.f32 v15, v14;
	v14 =	vadd.f32 v19, v16;
	v15 =	vld [tilespmem:s21+$0x10]  }
0x3bf: {  	v19 =	vld [tilespmem:s2+$0x10]  }
0x3c0: {  	s22 =	simm.s32 $0x4;
	v26 =	vor.u32 v3, v5;
	s21 =	simm.s32 $0x1160;
	[tilespmem:v11+s23+$0x0] =	vst.idx.msk $0xffff, v13;
	v11 =	vsub.f32 v14, v12;
	v12 =	vld [tilespmem:s19+$0x10]  }
0x3c1: {  	v8 =	vor.u32 s22, v1;
	s2 =	simm.s32 $0x2160;
	v27 =	vld [tilespmem:s21+$0xFFFFFFE0];
	v13 =	vadd.f32 v10, v18  }
0x3c2: {  	v8 =	vand.u32 $0x3BF, v8;
	v62 =	vld [tilespmem:s2+$0xFFFFFFE0];
	[tilespmem:v23+s18+$0x0] =	vst.idx.msk $0xffff, v11  }
0x3c3: {  	v17 =	vor.u32 v0, v8;
	v11 =	vld [tilespmem:s12+$0xFFFFFFF0];
	v10 =	vsub.f32 v13, v24  }
0x3c4: {  	v9 =	vor.u32 v4, v9;
	v16 =	vld [tilespmem:s31+$0xFFFFFFF0];
	v18 =	vadd.f32 v22, v21  }
0x3c5: {  	v22 =	vld [tilespmem:s26+$0xFFFFFFF0];
	[tilespmem:v26+s18+$0x0] =	vst.idx.msk $0xffff, v10;
	v10 =	vadd.f32 v12, v19  }
0x3c6: {  	v20 =	vsub.f32 v18, v20;
	v12 =	vld [tilespmem:s11+$0x0]  }
0x3c7: {  	s30 =	simm.s32 $0x3160;
	v63 =	vld [tilespmem:s24+$0xFFFFFFF0];
	v15 =	vsub.f32 v10, v15  }
0x3c8: {  	s8 =	simm.s32 $0x4120;
	v24 =	vld [tilespmem:s30+$0xFFFFFFE0];
	[tilespmem:v17+s18+$0x0] =	vst.idx.msk $0xffff, v20;
	v11 =	vsub.f32 v14, v11  }
0x3c9: {  	v19 =	vld [tilespmem:s8+$0xFFFFFFE0];
	[tilespmem:v9+s18+$0x0] =	vst.idx.msk $0xffff, v15  }
0x3ca: {  	[tilespmem:v23+s23+$0x0] =	vst.idx.msk $0xffff, v11;
	v14 =	vld [tilespmem:s5+$0x10]  }
0x3cb: {  	v21 =	vld [tilespmem:s15+$0x0];
	v15 =	vsub.f32 v13, v12  }
0x3cc: {  	v22 =	vadd.f32 v22, v63;
	v11 =	vor.u32 v3, v8;
	v23 =	vld [tilespmem:s14+$0x0]  }
0x3cd: {  	s9 =	simm.s32 $0x5;
	v13 =	vor.u32 v3, v6;
	v12 =	vor.u32 v3, v7;
	v20 =	vld [tilespmem:s17+$0x0];
	[tilespmem:v26+s23+$0x0] =	vst.idx.msk $0xffff, v15  }
0x3ce: {  	s22 =	simm.s32 $0x6;
	s19 =	simm.s32 $0x1160;
	s5 =	simm.s32 $0x4120;
	v25 =	vsub.f32 v18, v19;
	v19 =	vadd.f32 v62, v27;
	v18 =	vor.u32 v2, v7;
	v15 =	vld [tilespmem:s10+$0x10]  }
.LBB2_10:
0x3cf: {  	v26 =	vor.u32 s9, v1;
	s21 =	sadd.s32 $0x40, s21;
	s9 =	smov.u32 s22;
	s10 =	sadd.s32 $0x1, s22  }
0x3d0: {  	v27 =	vsub.f32 v19, v24;
	v28 =	vld [tilespmem:s13+$0x10];
	v10 =	vsub.f32 v10, v14;
	s4 =	smov.u32 s30;
	s30 =	sadd.s32 $0x40, s30;
	s13 =	smov.u32 s15  }
0x3d1: {  	p0 =	sne.s32 s22, $0x3F;
	s15 =	smov.u32 s24;
	s24 =	smov.u32 s20;
	v14 =	vand.u32 $0x3BF, v26;
	[tilespmem:v17+s23+$0x0] =	vst.idx.msk $0xffff, v25;
	v24 =	vsub.f32 v22, v16;
	v25 =	vld [tilespmem:s16+$0x10];
	v26 =	vor.u32 v4, v5  }
0x3d2: {  	s8 =	sadd.s32 $0x40, s8;
	s20 =	smov.u32 s19;
	v5 =	vmov v6;
	s19 =	smov.u32 s21;
	v17 =	vor.u32 v0, v14;
	v16 =	vld [tilespmem:s1+$0xFFFFFFF0];
	v23 =	vadd.f32 v23, v21;
	[tilespmem:v9+s23+$0x0] =	vst.idx.msk $0xffff, v10  }
0x3d3: {  	v6 =	vmovc v7;
	v7 =	vmov v8;
	s16 =	smov.u32 s14;
	s14 =	smov.u32 s26;
	s26 =	smov.u32 s25;
	v29 =	vor.u32 v3, v14;
	v8 =	vmov v14;
	v30 =	vld [tilespmem:s25+$0xFFFFFFF0];
	[tilespmem:v18+s18+$0x0] =	vst.idx.msk $0xffff, v24  }
0x3d4: {  	v9 =	vmov v26;
	s25 =	smov.u32 s2;
	v14 =	vld [tilespmem:s29+$0xFFFFFFF0];
	v10 =	vsub.f32 v23, v20  }
0x3d5: {  	v24 =	vld [tilespmem:s30+$0xFFFFFFE0]  }
0x3d6: {  	v20 =	vld [tilespmem:s21+$0xFFFFFFE0];
	[tilespmem:v13+s18+$0x0] =	vst.idx.msk $0xffff, v10;
	v10 =	vadd.f32 v25, v28  }
0x3d7: {  	[tilespmem:v17+s18+$0x0] =	vst.idx.msk $0xffff, v27;
	v25 =	vld [tilespmem:s12+$0x0]  }
0x3d8: {  	s2 =	sadd.s32 $0x40, s2;
	v26 =	vld [tilespmem:s8+$0xFFFFFFE0];
	v15 =	vsub.f32 v10, v15  }
0x3d9: {  	v27 =	vld [tilespmem:s2+$0xFFFFFFE0];
	v14 =	vsub.f32 v22, v14  }
0x3da: {  	v22 =	vld [tilespmem:s24+$0xFFFFFFF0];
	[tilespmem:v9+s18+$0x0] =	vst.idx.msk $0xffff, v15  }
.Ltmp4:
0x3db: {  	[tilespmem:v18+s23+$0x0] =	vst.idx.msk $0xffff, v14;
	v14 =	vld [tilespmem:s11+$0x10];
	s11 =	smov.u32 s12;
	s12 =	smov.u32 s29;
	(pc) =	sbr.rel @p0 .LBB2_10-.Ltmp4, $4  }
0x3dc: {  	s29 =	smov.u32 s5;
	s5 =	smov.u32 s8;
	v21 =	vld [tilespmem:s15+$0x0];
	v15 =	vsub.f32 v23, v25  }
0x3dd: {  	v25 =	vsub.f32 v19, v26;
	v23 =	vld [tilespmem:s14+$0x0]  }
0x3de: {  	s22 =	smov.u32 s10;
	v18 =	vor.u32 v2, v7;
	v19 =	vadd.f32 v27, v20;
	v20 =	vld [tilespmem:s31+$0x0];
	[tilespmem:v13+s23+$0x0] =	vst.idx.msk $0xffff, v15;
	v13 =	vmov v12  }
0x3df: {  	v12 =	vmov v11;
	v11 =	vmov v29;
	v22 =	vadd.f32 v30, v22;
	v15 =	vld [tilespmem:s17+$0x10];
	s17 =	smov.u32 s31;
	s31 =	smov.u32 s1;
	s1 =	smov.u32 s4  }
0x3e0: {  	v26 =	vor.u32 s9, v1  }
0x3e1: {  	v26 =	vand.u32 $0x3BF, v26  }
0x3e2: {  	v27 =	vor.u32 v0, v26;
	_ =	sdelay $0x2  }
0x3e3: {  	v24 =	vsub.f32 v19, v24;
	_ =	sdelay $0x1  }
0x3e4: {  	s8 =	sadd.s32 $0x40, s8;
	[tilespmem:v27+s18+$0x0] =	vst.idx.msk $0xffff, v24  }
0x3e5: {  	v24 =	vld [tilespmem:s8+$0xFFFFFFE0];
	_ =	sdelay $0x2  }
0x3e6: {  	[tilespmem:v17+s23+$0x0] =	vst.idx.msk $0xffff, v25;
	v16 =	vsub.f32 v22, v16  }
0x3e7: {  	v17 =	vld [tilespmem:s25+$0xFFFFFFF0]  }
0x3e8: {  	[tilespmem:v18+s18+$0x0] =	vst.idx.msk $0xffff, v16;
	v19 =	vsub.f32 v19, v24;
	v24 =	vld [tilespmem:s20+$0xFFFFFFF0]  }
0x3e9: {  	v16 =	vld [tilespmem:s29+$0xFFFFFFF0]  }
0x3ea: {  	v25 =	vld [tilespmem:s1+$0xFFFFFFF0];
	[tilespmem:v27+s23+$0x0] =	vst.idx.msk $0xffff, v19  }
0x3eb: {  	v19 =	vld [tilespmem:s2+$0xFFFFFFF0]  }
0x3ec: {  	v28 =	vor.u32 v2, v8;
	v27 =	vld [tilespmem:s19+$0xFFFFFFF0]  }
0x3ed: {  	v17 =	vadd.f32 v17, v24  }
0x3ee: {  	v16 =	vsub.f32 v22, v16;
	v24 =	vld [tilespmem:s30+$0xFFFFFFF0]  }
0x3ef: {  	v25 =	vsub.f32 v17, v25  }
0x3f0: {  	v29 =	vor.u32 v2, v26;
	[tilespmem:v18+s23+$0x0] =	vst.idx.msk $0xffff, v16  }
0x3f1: {  	v16 =	vld [tilespmem:s24+$0x0];
	v19 =	vadd.f32 v19, v27;
	[tilespmem:v28+s18+$0x0] =	vst.idx.msk $0xffff, v25  }
0x3f2: {  	v25 =	vld [tilespmem:s5+$0xFFFFFFF0]  }
0x3f3: {  	v18 =	vld [tilespmem:s26+$0x0];
	v24 =	vsub.f32 v19, v24;
	_ =	sdelay $0x1  }
0x3f4: {  	[tilespmem:v29+s18+$0x0] =	vst.idx.msk $0xffff, v24;
	v24 =	vld [tilespmem:s31+$0x0]  }
0x3f5: {  	v22 =	vld [tilespmem:s8+$0xFFFFFFF0]  }
0x3f6: {  	v17 =	vsub.f32 v17, v25  }
0x3f7: {  	v16 =	vadd.f32 v18, v16  }
0x3f8: {  	[tilespmem:v28+s23+$0x0] =	vst.idx.msk $0xffff, v17  }
0x3f9: {  	v17 =	vadd.f32 v23, v21;
	v24 =	vsub.f32 v16, v24;
	v21 =	vld [tilespmem:s20+$0x0]  }
0x3fa: {  	v19 =	vsub.f32 v19, v22;
	v22 =	vld [tilespmem:s25+$0x0]  }
0x3fb: {  	v23 =	vld [tilespmem:s1+$0x0];
	[tilespmem:v12+s18+$0x0] =	vst.idx.msk $0xffff, v24  }
0x3fc: {  	v20 =	vsub.f32 v17, v20;
	[tilespmem:v29+s23+$0x0] =	vst.idx.msk $0xffff, v19;
	v24 =	vld [tilespmem:s29+$0x0]  }
0x3fd: {  	v19 =	vld [tilespmem:s19+$0x0]  }
0x3fe: {  	[tilespmem:v13+s18+$0x0] =	vst.idx.msk $0xffff, v20;
	v18 =	vld [tilespmem:s2+$0x0]  }
0x3ff: {  	v20 =	vld [tilespmem:s12+$0x0]  }
0x400: {  	v25 =	vld [tilespmem:s30+$0x0];
	v21 =	vadd.f32 v22, v21;
	_ =	sdelay $0x1  }
0x401: {  	v22 =	vor.u32 v3, v26;
	v23 =	vsub.f32 v21, v23  }
0x402: {  	v16 =	vsub.f32 v16, v24;
	v18 =	vadd.f32 v18, v19  }
0x403: {  	v19 =	vld [tilespmem:s13+$0x10];
	v17 =	vsub.f32 v17, v20;
	[tilespmem:v11+s18+$0x0] =	vst.idx.msk $0xffff, v23  }
0x404: {  	v20 =	vld [tilespmem:s16+$0x10];
	[tilespmem:v12+s23+$0x0] =	vst.idx.msk $0xffff, v16;
	v23 =	vsub.f32 v18, v25  }
0x405: {  	[tilespmem:v13+s23+$0x0] =	vst.idx.msk $0xffff, v17;
	v13 =	vld [tilespmem:s5+$0x0]  }
0x406: {  	v12 =	vld [tilespmem:s31+$0x10];
	[tilespmem:v22+s18+$0x0] =	vst.idx.msk $0xffff, v23  }
0x407: {  	v23 =	vld [tilespmem:s8+$0x0]  }
0x408: {  	v16 =	vld [tilespmem:s24+$0x10]  }
0x409: {  	v17 =	vld [tilespmem:s17+$0x10]  }
0x40a: {  	v24 =	vld [tilespmem:s15+$0x10];
	v13 =	vsub.f32 v21, v13  }
0x40b: {  	v25 =	vld [tilespmem:s14+$0x10]  }
0x40c: {  	v21 =	vld [tilespmem:s26+$0x10];
	[tilespmem:v11+s23+$0x0] =	vst.idx.msk $0xffff, v13;
	v11 =	vsub.f32 v18, v23  }
0x40d: {  	v13 =	vld [tilespmem:s20+$0x10]  }
0x40e: {  	v18 =	vld [tilespmem:s25+$0x10];
	[tilespmem:v22+s23+$0x0] =	vst.idx.msk $0xffff, v11  }
0x40f: {  	v11 =	vld [tilespmem:s19+$0x10]  }
0x410: {  	v5 =	vor.u32 v4, v5;
	v22 =	vld [tilespmem:s2+$0x10]  }
0x411: {  	v6 =	vor.u32 v4, v6;
	v19 =	vadd.f32 v20, v19;
	v20 =	vld [tilespmem:s1+$0x10]  }
0x412: {  	v7 =	vor.u32 v4, v7;
	v23 =	vadd.f32 v25, v24;
	v24 =	vld [tilespmem:s30+$0x10]  }
0x413: {  	v8 =	vor.u32 v4, v8;
	v15 =	vsub.f32 v19, v15;
	v16 =	vadd.f32 v21, v16  }
0x414: {  	v17 =	vsub.f32 v23, v17;
	v13 =	vadd.f32 v18, v13;
	v18 =	vor.u32 v4, v26  }
0x415: {  	[tilespmem:v5+s18+$0x0] =	vst.idx.msk $0xffff, v15;
	v12 =	vsub.f32 v16, v12;
	v11 =	vadd.f32 v22, v11  }
0x416: {  	v15 =	vld [tilespmem:s11+$0x10];
	[tilespmem:v6+s18+$0x0] =	vst.idx.msk $0xffff, v17;
	v17 =	vsub.f32 v13, v20  }
0x417: {  	[tilespmem:v7+s18+$0x0] =	vst.idx.msk $0xffff, v12;
	v20 =	vld [tilespmem:s12+$0x10];
	v12 =	vsub.f32 v11, v24  }
0x418: {  	v21 =	vld [tilespmem:s29+$0x10];
	[tilespmem:v8+s18+$0x0] =	vst.idx.msk $0xffff, v17  }
0x419: {  	v17 =	vld [tilespmem:s5+$0x10];
	[tilespmem:v18+s18+$0x0] =	vst.idx.msk $0xffff, v12  }
0x41a: {  	v10 =	vsub.f32 v10, v14;
	v12 =	vld [tilespmem:s8+$0x10]  }
0x41b: {  	v14 =	vsub.f32 v19, v15  }
0x41c: {  	[tilespmem:v9+s23+$0x0] =	vst.idx.msk $0xffff, v10;
	v9 =	vsub.f32 v23, v20  }
0x41d: {  	[tilespmem:v5+s23+$0x0] =	vst.idx.msk $0xffff, v14;
	v5 =	vsub.f32 v16, v21  }
0x41e: {  	[tilespmem:v6+s23+$0x0] =	vst.idx.msk $0xffff, v9;
	v6 =	vsub.f32 v13, v17  }
0x41f: {  	[tilespmem:v7+s23+$0x0] =	vst.idx.msk $0xffff, v5;
	v5 =	vsub.f32 v11, v12  }
0x420: {  	[tilespmem:v8+s23+$0x0] =	vst.idx.msk $0xffff, v6  }
0x421: {  	s4 =	simm.s32 $0x980;
	s16 =	simm.s32 $0x40;
	s17 =	simm.s32 $0x1000;
	[tilespmem:v18+s23+$0x0] =	vst.idx.msk $0xffff, v5  }
0x422: {  	[tilespmem:s17], [sflag:$0x2] =	stream.indirect.gather [hbm4b:s3+s16], $0x40, s4, s16, $0xb8;
	[tilespmem:$0x11000] =	vst v63  }
0x423: {  	s21 =	simm.s32 $0xB80;
	s20 =	simm.s32 $0x2000;
	s19 =	rddreg [dreg:$0x8]  }
0x424: {  	[tilespmem:s20], [sflag:$0x2] =	stream.indirect.gather [hbm4b:s19+s16], $0x40, s21, s16, $0xb8;
	[tilespmem:$0x11000] =	vst v63  }
0x425: {  	s22 =	simm.s32 $0x3000;
	s24 =	simm.s32 $0xD80  }
0x426: {  	[tilespmem:s22], [sflag:$0x2] =	stream.indirect.gather [hbm4b:s3+s16], $0x40, s24, s16, $0xb8;
	[tilespmem:$0x11000] =	vst v63  }
0x427: {  	s26 =	simm.s32 $0xF80;
	s25 =	simm.s32 $0x4000  }
0x428: {  	[tilespmem:s25], [sflag:$0x2] =	stream.indirect.gather [hbm4b:s3+s16], $0x40, s26, s16, $0xb8;
	[tilespmem:$0x11000] =	vst v63  }
0x429: {  	_ =	swait.ge [sflag:s28], $0x1000  }
0x42a: {  	[sflag:s28] =	ssyncset.done $0x0  }
0x42b: {  	[sflag:s28] =	ssyncadd.s32 $0xFFFFF000  }
0x42c: {  	_ =	swait.ge [sflag:s28], $0x1000  }
0x42d: {  	[sflag:s28] =	ssyncset.done $0x0  }
0x42e: {  	[sflag:s28] =	ssyncadd.s32 $0xFFFFF000  }
0x42f: {  	_ =	swait.ge [sflag:s28], $0x1000  }
0x430: {  	[sflag:s28] =	ssyncset.done $0x0  }
0x431: {  	[sflag:s28] =	ssyncadd.s32 $0xFFFFF000  }
0x432: {  	_ =	swait.ge [sflag:s28], $0x1000  }
0x433: {  	[sflag:s28] =	ssyncset.done $0x0  }
0x434: {  	s2 =	simm.s32 $0x5020;
	[sflag:s28] =	ssyncadd.s32 $0xFFFFF000  }
0x435: {  	s19 =	simm.s32 $0x6020;
	v5 =	vld [tilespmem:s2+$0xFFFFFFE0]  }
0x436: {  	v6 =	vld [tilespmem:s19+$0xFFFFFFE0]  }
0x437: {  	s21 =	simm.s32 $0x7020  }
0x438: {  	v8 =	vor.u32 s16, v1;
	v7 =	vld [tilespmem:s21+$0xFFFFFFE0]  }
0x439: {  	v9 =	vand.u32 $0x3FF, v8  }
0x43a: {  	v8 =	vor.u32 v0, v9  }
0x43b: {  	v5 =	vadd.f32 v6, v5;
	_ =	sdelay $0x1  }
0x43c: {  	v6 =	vsub.f32 v5, v7;
	_ =	sdelay $0x1  }
0x43d: {  	s5 =	simm.s32 $0x8020;
	[tilespmem:v8+s18+$0x0] =	vst.idx.msk $0xffff, v6  }
0x43e: {  	v6 =	vld [tilespmem:s5+$0xFFFFFFE0];
	_ =	sdelay $0x1  }
0x43f: {  	s16 =	simm.s32 $0x6060  }
0x440: {  	s13 =	simm.s32 $0x5060;
	v10 =	vld [tilespmem:s16+$0xFFFFFFE0]  }
0x441: {  	v7 =	vld [tilespmem:s13+$0xFFFFFFE0]  }
0x442: {  	s9 =	simm.s32 $0x41;
	s10 =	simm.s32 $0x7060;
	v6 =	vsub.f32 v5, v6  }
0x443: {  	v11 =	vld [tilespmem:s10+$0xFFFFFFE0];
	v5 =	vor.u32 s9, v1  }
0x444: {  	v5 =	vand.u32 $0x3FF, v5;
	[tilespmem:v8+s23+$0x0] =	vst.idx.msk $0xffff, v6  }
0x445: {  	v8 =	vor.u32 v0, v5;
	v6 =	vld [tilespmem:s19+$0xFFFFFFF0]  }
0x446: {  	v7 =	vadd.f32 v10, v7;
	v10 =	vld [tilespmem:s2+$0xFFFFFFF0];
	_ =	sdelay $0x1  }
0x447: {  	v11 =	vsub.f32 v7, v11;
	v12 =	vld [tilespmem:s21+$0xFFFFFFF0];
	_ =	sdelay $0x1  }
0x448: {  	s11 =	simm.s32 $0x8060;
	[tilespmem:v8+s18+$0x0] =	vst.idx.msk $0xffff, v11;
	v11 =	vor.u32 v2, v9  }
0x449: {  	s15 =	simm.s32 $0x50A0;
	v13 =	vld [tilespmem:s11+$0xFFFFFFE0];
	v10 =	vadd.f32 v6, v10  }
0x44a: {  	s14 =	simm.s32 $0x60A0;
	v14 =	vld [tilespmem:s15+$0xFFFFFFE0]  }
0x44b: {  	v15 =	vld [tilespmem:s14+$0xFFFFFFE0];
	v6 =	vsub.f32 v10, v12  }
0x44c: {  	s12 =	simm.s32 $0x42;
	s17 =	simm.s32 $0x70A0  }
0x44d: {  	v16 =	vor.u32 s12, v1;
	v12 =	vld [tilespmem:s17+$0xFFFFFFE0];
	[tilespmem:v11+s18+$0x0] =	vst.idx.msk $0xffff, v6  }
0x44e: {  	v6 =	vand.u32 $0x3FF, v16;
	v7 =	vsub.f32 v7, v13;
	v13 =	vld [tilespmem:s5+$0xFFFFFFF0]  }
0x44f: {  	v16 =	vor.u32 v0, v6  }
0x450: {  	s26 =	simm.s32 $0x60E0;
	v14 =	vadd.f32 v15, v14  }
0x451: {  	v17 =	vld [tilespmem:s26+$0xFFFFFFE0];
	[tilespmem:v8+s23+$0x0] =	vst.idx.msk $0xffff, v7  }
0x452: {  	v8 =	vsub.f32 v14, v12;
	v7 =	vld [tilespmem:s10+$0xFFFFFFF0]  }
0x453: {  	v12 =	vld [tilespmem:s16+$0xFFFFFFF0];
	v10 =	vsub.f32 v10, v13  }
0x454: {  	s12 =	simm.s32 $0x80A0;
	[tilespmem:v16+s18+$0x0] =	vst.idx.msk $0xffff, v8;
	v8 =	vld [tilespmem:s13+$0xFFFFFFF0]  }
0x455: {  	v13 =	vld [tilespmem:s12+$0xFFFFFFE0];
	[tilespmem:v11+s23+$0x0] =	vst.idx.msk $0xffff, v10  }
0x456: {  	v10 =	vld [tilespmem:s2+$0x0]  }
0x457: {  	s24 =	simm.s32 $0x50E0;
	v11 =	vld [tilespmem:s19+$0x0]  }
0x458: {  	v15 =	vld [tilespmem:s24+$0xFFFFFFE0];
	v18 =	vor.u32 v2, v5  }
0x459: {  	s20 =	simm.s32 $0x43;
	v19 =	vld [tilespmem:s21+$0x0];
	v8 =	vadd.f32 v12, v8  }
0x45a: {  	s31 =	simm.s32 $0x70E0;
	v20 =	vor.u32 s20, v1  }
0x45b: {  	v12 =	vsub.f32 v14, v13;
	v13 =	vor.u32 v3, v9;
	v14 =	vld [tilespmem:s31+$0xFFFFFFE0];
	v21 =	vsub.f32 v8, v7  }
0x45c: {  	s25 =	simm.s32 $0x6120;
	v7 =	vand.u32 $0x3FF, v20;
	v10 =	vadd.f32 v11, v10  }
0x45d: {  	v22 =	vld [tilespmem:s25+$0xFFFFFFE0];
	v11 =	vor.u32 v0, v7;
	[tilespmem:v18+s18+$0x0] =	vst.idx.msk $0xffff, v21  }
0x45e: {  	s1 =	simm.s32 $0x7120;
	v15 =	vadd.f32 v17, v15;
	[tilespmem:v16+s23+$0x0] =	vst.idx.msk $0xffff, v12;
	v16 =	vld [tilespmem:s11+$0xFFFFFFF0];
	v17 =	vsub.f32 v10, v19  }
0x45f: {  	v20 =	vld [tilespmem:s1+$0xFFFFFFE0]  }
0x460: {  	v12 =	vld [tilespmem:s17+$0xFFFFFFF0];
	v14 =	vsub.f32 v15, v14;
	[tilespmem:v13+s18+$0x0] =	vst.idx.msk $0xffff, v17  }
0x461: {  	v17 =	vld [tilespmem:s5+$0x0]  }
0x462: {  	s29 =	simm.s32 $0x80E0;
	v19 =	vld [tilespmem:s14+$0xFFFFFFF0];
	[tilespmem:v11+s18+$0x0] =	vst.idx.msk $0xffff, v14  }
0x463: {  	v14 =	vld [tilespmem:s29+$0xFFFFFFE0];
	v8 =	vsub.f32 v8, v16  }
0x464: {  	s20 =	simm.s32 $0x5120;
	v16 =	vld [tilespmem:s15+$0xFFFFFFF0]  }
0x465: {  	v21 =	vld [tilespmem:s20+$0xFFFFFFE0];
	[tilespmem:v18+s23+$0x0] =	vst.idx.msk $0xffff, v8  }
0x466: {  	v18 =	vld [tilespmem:s13+$0x0];
	v8 =	vsub.f32 v10, v17  }
0x467: {  	v10 =	vld [tilespmem:s16+$0x0]  }
0x468: {  	v23 =	vor.u32 v2, v6;
	v24 =	vld [tilespmem:s10+$0x0];
	[tilespmem:v13+s23+$0x0] =	vst.idx.msk $0xffff, v8  }
0x469: {  	v13 =	vsub.f32 v15, v14;
	v14 =	vadd.f32 v19, v16;
	v15 =	vld [tilespmem:s21+$0x10]  }
0x46a: {  	v19 =	vld [tilespmem:s2+$0x10]  }
0x46b: {  	s22 =	simm.s32 $0x44;
	v26 =	vor.u32 v3, v5;
	s21 =	simm.s32 $0x5160;
	[tilespmem:v11+s23+$0x0] =	vst.idx.msk $0xffff, v13;
	v11 =	vsub.f32 v14, v12;
	v12 =	vld [tilespmem:s19+$0x10]  }
0x46c: {  	v8 =	vor.u32 s22, v1;
	s2 =	simm.s32 $0x6160;
	v27 =	vld [tilespmem:s21+$0xFFFFFFE0];
	v13 =	vadd.f32 v10, v18  }
0x46d: {  	v8 =	vand.u32 $0x3FF, v8;
	v62 =	vld [tilespmem:s2+$0xFFFFFFE0];
	[tilespmem:v23+s18+$0x0] =	vst.idx.msk $0xffff, v11  }
0x46e: {  	v17 =	vor.u32 v0, v8;
	v11 =	vld [tilespmem:s12+$0xFFFFFFF0];
	v10 =	vsub.f32 v13, v24  }
0x46f: {  	v9 =	vor.u32 v4, v9;
	v16 =	vld [tilespmem:s31+$0xFFFFFFF0];
	v18 =	vadd.f32 v22, v21  }
0x470: {  	v22 =	vld [tilespmem:s26+$0xFFFFFFF0];
	[tilespmem:v26+s18+$0x0] =	vst.idx.msk $0xffff, v10;
	v10 =	vadd.f32 v12, v19  }
0x471: {  	v20 =	vsub.f32 v18, v20;
	v12 =	vld [tilespmem:s11+$0x0]  }
0x472: {  	s30 =	simm.s32 $0x7160;
	v63 =	vld [tilespmem:s24+$0xFFFFFFF0];
	v15 =	vsub.f32 v10, v15  }
0x473: {  	s8 =	simm.s32 $0x8120;
	v24 =	vld [tilespmem:s30+$0xFFFFFFE0];
	[tilespmem:v17+s18+$0x0] =	vst.idx.msk $0xffff, v20;
	v11 =	vsub.f32 v14, v11  }
0x474: {  	v19 =	vld [tilespmem:s8+$0xFFFFFFE0];
	[tilespmem:v9+s18+$0x0] =	vst.idx.msk $0xffff, v15  }
0x475: {  	[tilespmem:v23+s23+$0x0] =	vst.idx.msk $0xffff, v11;
	v14 =	vld [tilespmem:s5+$0x10]  }
0x476: {  	v21 =	vld [tilespmem:s15+$0x0];
	v15 =	vsub.f32 v13, v12  }
0x477: {  	v22 =	vadd.f32 v22, v63;
	v11 =	vor.u32 v3, v8;
	v23 =	vld [tilespmem:s14+$0x0]  }
0x478: {  	s9 =	simm.s32 $0x45;
	v13 =	vor.u32 v3, v6;
	v12 =	vor.u32 v3, v7;
	v20 =	vld [tilespmem:s17+$0x0];
	[tilespmem:v26+s23+$0x0] =	vst.idx.msk $0xffff, v15  }
0x479: {  	s22 =	simm.s32 $0x46;
	s19 =	simm.s32 $0x5160;
	s5 =	simm.s32 $0x8120;
	v25 =	vsub.f32 v18, v19;
	v19 =	vadd.f32 v62, v27;
	v18 =	vor.u32 v2, v7;
	v15 =	vld [tilespmem:s10+$0x10]  }
.LBB2_12:
0x47a: {  	v26 =	vor.u32 s9, v1;
	s21 =	sadd.s32 $0x40, s21;
	s9 =	smov.u32 s22;
	s10 =	sadd.s32 $0x1, s22  }
0x47b: {  	v27 =	vsub.f32 v19, v24;
	v28 =	vld [tilespmem:s13+$0x10];
	v10 =	vsub.f32 v10, v14;
	s4 =	smov.u32 s30;
	s30 =	sadd.s32 $0x40, s30;
	s13 =	smov.u32 s15  }
0x47c: {  	p0 =	sne.s32 s22, $0x7F;
	s15 =	smov.u32 s24;
	s24 =	smov.u32 s20;
	v14 =	vand.u32 $0x3FF, v26;
	[tilespmem:v17+s23+$0x0] =	vst.idx.msk $0xffff, v25;
	v24 =	vsub.f32 v22, v16;
	v25 =	vld [tilespmem:s16+$0x10];
	v26 =	vor.u32 v4, v5  }
0x47d: {  	s8 =	sadd.s32 $0x40, s8;
	s20 =	smov.u32 s19;
	v5 =	vmov v6;
	s19 =	smov.u32 s21;
	v17 =	vor.u32 v0, v14;
	v16 =	vld [tilespmem:s1+$0xFFFFFFF0];
	v23 =	vadd.f32 v23, v21;
	[tilespmem:v9+s23+$0x0] =	vst.idx.msk $0xffff, v10  }
0x47e: {  	v6 =	vmovc v7;
	v7 =	vmov v8;
	s16 =	smov.u32 s14;
	s14 =	smov.u32 s26;
	s26 =	smov.u32 s25;
	v29 =	vor.u32 v3, v14;
	v8 =	vmov v14;
	v30 =	vld [tilespmem:s25+$0xFFFFFFF0];
	[tilespmem:v18+s18+$0x0] =	vst.idx.msk $0xffff, v24  }
0x47f: {  	v9 =	vmov v26;
	s25 =	smov.u32 s2;
	v14 =	vld [tilespmem:s29+$0xFFFFFFF0];
	v10 =	vsub.f32 v23, v20  }
0x480: {  	v24 =	vld [tilespmem:s30+$0xFFFFFFE0]  }
0x481: {  	v20 =	vld [tilespmem:s21+$0xFFFFFFE0];
	[tilespmem:v13+s18+$0x0] =	vst.idx.msk $0xffff, v10;
	v10 =	vadd.f32 v25, v28  }
0x482: {  	[tilespmem:v17+s18+$0x0] =	vst.idx.msk $0xffff, v27;
	v25 =	vld [tilespmem:s12+$0x0]  }
0x483: {  	s2 =	sadd.s32 $0x40, s2;
	v26 =	vld [tilespmem:s8+$0xFFFFFFE0];
	v15 =	vsub.f32 v10, v15  }
0x484: {  	v27 =	vld [tilespmem:s2+$0xFFFFFFE0];
	v14 =	vsub.f32 v22, v14  }
0x485: {  	v22 =	vld [tilespmem:s24+$0xFFFFFFF0];
	[tilespmem:v9+s18+$0x0] =	vst.idx.msk $0xffff, v15  }
.Ltmp5:
0x486: {  	[tilespmem:v18+s23+$0x0] =	vst.idx.msk $0xffff, v14;
	v14 =	vld [tilespmem:s11+$0x10];
	s11 =	smov.u32 s12;
	s12 =	smov.u32 s29;
	(pc) =	sbr.rel @p0 .LBB2_12-.Ltmp5, $4  }
0x487: {  	s29 =	smov.u32 s5;
	s5 =	smov.u32 s8;
	v21 =	vld [tilespmem:s15+$0x0];
	v15 =	vsub.f32 v23, v25  }
0x488: {  	v25 =	vsub.f32 v19, v26;
	v23 =	vld [tilespmem:s14+$0x0]  }
0x489: {  	s22 =	smov.u32 s10;
	v18 =	vor.u32 v2, v7;
	v19 =	vadd.f32 v27, v20;
	v20 =	vld [tilespmem:s31+$0x0];
	[tilespmem:v13+s23+$0x0] =	vst.idx.msk $0xffff, v15;
	v13 =	vmov v12  }
0x48a: {  	v12 =	vmov v11;
	v11 =	vmov v29;
	v22 =	vadd.f32 v30, v22;
	v15 =	vld [tilespmem:s17+$0x10];
	s17 =	smov.u32 s31;
	s31 =	smov.u32 s1;
	s1 =	smov.u32 s4  }
0x48b: {  	v26 =	vor.u32 s9, v1  }
0x48c: {  	v26 =	vand.u32 $0x3FF, v26  }
0x48d: {  	v27 =	vor.u32 v0, v26;
	_ =	sdelay $0x2  }
0x48e: {  	v24 =	vsub.f32 v19, v24;
	_ =	sdelay $0x1  }
0x48f: {  	s8 =	sadd.s32 $0x40, s8;
	[tilespmem:v27+s18+$0x0] =	vst.idx.msk $0xffff, v24  }
0x490: {  	v24 =	vld [tilespmem:s8+$0xFFFFFFE0];
	_ =	sdelay $0x2  }
0x491: {  	[tilespmem:v17+s23+$0x0] =	vst.idx.msk $0xffff, v25;
	v16 =	vsub.f32 v22, v16  }
0x492: {  	v17 =	vld [tilespmem:s25+$0xFFFFFFF0]  }
0x493: {  	[tilespmem:v18+s18+$0x0] =	vst.idx.msk $0xffff, v16;
	v19 =	vsub.f32 v19, v24;
	v24 =	vld [tilespmem:s20+$0xFFFFFFF0]  }
0x494: {  	v16 =	vld [tilespmem:s29+$0xFFFFFFF0]  }
0x495: {  	v25 =	vld [tilespmem:s1+$0xFFFFFFF0];
	[tilespmem:v27+s23+$0x0] =	vst.idx.msk $0xffff, v19  }
0x496: {  	v19 =	vld [tilespmem:s2+$0xFFFFFFF0]  }
0x497: {  	v28 =	vor.u32 v2, v8;
	v27 =	vld [tilespmem:s19+$0xFFFFFFF0]  }
0x498: {  	v17 =	vadd.f32 v17, v24  }
0x499: {  	v16 =	vsub.f32 v22, v16;
	v24 =	vld [tilespmem:s30+$0xFFFFFFF0]  }
0x49a: {  	v25 =	vsub.f32 v17, v25  }
0x49b: {  	v29 =	vor.u32 v2, v26;
	[tilespmem:v18+s23+$0x0] =	vst.idx.msk $0xffff, v16  }
0x49c: {  	v16 =	vld [tilespmem:s24+$0x0];
	v19 =	vadd.f32 v19, v27;
	[tilespmem:v28+s18+$0x0] =	vst.idx.msk $0xffff, v25  }
0x49d: {  	v25 =	vld [tilespmem:s5+$0xFFFFFFF0]  }
0x49e: {  	v18 =	vld [tilespmem:s26+$0x0];
	v24 =	vsub.f32 v19, v24;
	_ =	sdelay $0x1  }
0x49f: {  	[tilespmem:v29+s18+$0x0] =	vst.idx.msk $0xffff, v24;
	v24 =	vld [tilespmem:s31+$0x0]  }
0x4a0: {  	v22 =	vld [tilespmem:s8+$0xFFFFFFF0]  }
0x4a1: {  	v17 =	vsub.f32 v17, v25  }
0x4a2: {  	v16 =	vadd.f32 v18, v16  }
0x4a3: {  	[tilespmem:v28+s23+$0x0] =	vst.idx.msk $0xffff, v17  }
0x4a4: {  	v17 =	vadd.f32 v23, v21;
	v24 =	vsub.f32 v16, v24;
	v21 =	vld [tilespmem:s20+$0x0]  }
0x4a5: {  	v19 =	vsub.f32 v19, v22;
	v22 =	vld [tilespmem:s25+$0x0]  }
0x4a6: {  	v23 =	vld [tilespmem:s1+$0x0];
	[tilespmem:v12+s18+$0x0] =	vst.idx.msk $0xffff, v24  }
0x4a7: {  	v20 =	vsub.f32 v17, v20;
	[tilespmem:v29+s23+$0x0] =	vst.idx.msk $0xffff, v19;
	v24 =	vld [tilespmem:s29+$0x0]  }
0x4a8: {  	v19 =	vld [tilespmem:s19+$0x0]  }
0x4a9: {  	[tilespmem:v13+s18+$0x0] =	vst.idx.msk $0xffff, v20;
	v18 =	vld [tilespmem:s2+$0x0]  }
0x4aa: {  	v20 =	vld [tilespmem:s12+$0x0]  }
0x4ab: {  	v25 =	vld [tilespmem:s30+$0x0];
	v21 =	vadd.f32 v22, v21;
	_ =	sdelay $0x1  }
0x4ac: {  	v22 =	vor.u32 v3, v26;
	v23 =	vsub.f32 v21, v23  }
0x4ad: {  	v16 =	vsub.f32 v16, v24;
	v18 =	vadd.f32 v18, v19  }
0x4ae: {  	v19 =	vld [tilespmem:s13+$0x10];
	v17 =	vsub.f32 v17, v20;
	[tilespmem:v11+s18+$0x0] =	vst.idx.msk $0xffff, v23  }
0x4af: {  	v20 =	vld [tilespmem:s16+$0x10];
	[tilespmem:v12+s23+$0x0] =	vst.idx.msk $0xffff, v16;
	v23 =	vsub.f32 v18, v25  }
0x4b0: {  	[tilespmem:v13+s23+$0x0] =	vst.idx.msk $0xffff, v17;
	v13 =	vld [tilespmem:s5+$0x0]  }
0x4b1: {  	v12 =	vld [tilespmem:s31+$0x10];
	[tilespmem:v22+s18+$0x0] =	vst.idx.msk $0xffff, v23  }
0x4b2: {  	v23 =	vld [tilespmem:s8+$0x0]  }
0x4b3: {  	v16 =	vld [tilespmem:s24+$0x10]  }
0x4b4: {  	v17 =	vld [tilespmem:s17+$0x10]  }
0x4b5: {  	v24 =	vld [tilespmem:s15+$0x10];
	v13 =	vsub.f32 v21, v13  }
0x4b6: {  	v25 =	vld [tilespmem:s14+$0x10]  }
0x4b7: {  	v21 =	vld [tilespmem:s26+$0x10];
	[tilespmem:v11+s23+$0x0] =	vst.idx.msk $0xffff, v13;
	v11 =	vsub.f32 v18, v23  }
0x4b8: {  	v13 =	vld [tilespmem:s20+$0x10]  }
0x4b9: {  	v18 =	vld [tilespmem:s25+$0x10];
	[tilespmem:v22+s23+$0x0] =	vst.idx.msk $0xffff, v11  }
0x4ba: {  	v11 =	vld [tilespmem:s19+$0x10]  }
0x4bb: {  	v5 =	vor.u32 v4, v5;
	v22 =	vld [tilespmem:s2+$0x10]  }
0x4bc: {  	v6 =	vor.u32 v4, v6;
	v19 =	vadd.f32 v20, v19;
	v20 =	vld [tilespmem:s1+$0x10]  }
0x4bd: {  	v7 =	vor.u32 v4, v7;
	v23 =	vadd.f32 v25, v24;
	v24 =	vld [tilespmem:s30+$0x10]  }
0x4be: {  	v8 =	vor.u32 v4, v8;
	v15 =	vsub.f32 v19, v15;
	v16 =	vadd.f32 v21, v16  }
0x4bf: {  	v17 =	vsub.f32 v23, v17;
	v13 =	vadd.f32 v18, v13;
	v18 =	vor.u32 v4, v26  }
0x4c0: {  	[tilespmem:v5+s18+$0x0] =	vst.idx.msk $0xffff, v15;
	v12 =	vsub.f32 v16, v12;
	v11 =	vadd.f32 v22, v11  }
0x4c1: {  	v15 =	vld [tilespmem:s11+$0x10];
	[tilespmem:v6+s18+$0x0] =	vst.idx.msk $0xffff, v17;
	v17 =	vsub.f32 v13, v20  }
0x4c2: {  	[tilespmem:v7+s18+$0x0] =	vst.idx.msk $0xffff, v12;
	v20 =	vld [tilespmem:s12+$0x10];
	v12 =	vsub.f32 v11, v24  }
0x4c3: {  	v21 =	vld [tilespmem:s29+$0x10];
	[tilespmem:v8+s18+$0x0] =	vst.idx.msk $0xffff, v17  }
0x4c4: {  	v17 =	vld [tilespmem:s5+$0x10];
	[tilespmem:v18+s18+$0x0] =	vst.idx.msk $0xffff, v12  }
0x4c5: {  	v10 =	vsub.f32 v10, v14;
	v12 =	vld [tilespmem:s8+$0x10]  }
0x4c6: {  	v14 =	vsub.f32 v19, v15  }
0x4c7: {  	[tilespmem:v9+s23+$0x0] =	vst.idx.msk $0xffff, v10;
	v9 =	vsub.f32 v23, v20  }
0x4c8: {  	[tilespmem:v5+s23+$0x0] =	vst.idx.msk $0xffff, v14;
	v5 =	vsub.f32 v16, v21  }
0x4c9: {  	[tilespmem:v6+s23+$0x0] =	vst.idx.msk $0xffff, v9;
	v6 =	vsub.f32 v13, v17  }
0x4ca: {  	[tilespmem:v7+s23+$0x0] =	vst.idx.msk $0xffff, v5;
	v5 =	vsub.f32 v11, v12  }
0x4cb: {  	[tilespmem:v8+s23+$0x0] =	vst.idx.msk $0xffff, v6  }
0x4cc: {  	[tilespmem:v18+s23+$0x0] =	vst.idx.msk $0xffff, v5  }
0x4cd: {  	s4 =	simm.s32 $0x20000;
	s12 =	simm.s32 $0x400;
	s11 =	rddreg [dreg:$0x11]  }
0x4ce: {  	[hbm4b:s11+s12] =	stream.strided.scatter [tilespmem:s18], [sflag:$0x4], $0x2000, s4, s12, $0x38;
	[tilespmem:$0x11000] =	vst v63  }
0x4cf: {  	s13 =	rddreg [dreg:$0x12]  }
0x4d0: {  	[hbm4b:s13+s12] =	stream.strided.scatter [tilespmem:s23], [sflag:$0x4], $0x2000, s4, s12, $0x38;
	[tilespmem:$0x11000] =	vst v63  }
0x4d1: {  	s16 =	simm.s32 $0x9C0;
	s14 =	simm.s32 $0x40;
	s15 =	simm.s32 $0x5000  }
0x4d2: {  	[tilespmem:s15], [sflag:$0x3] =	stream.indirect.gather [hbm4b:s3+s14], $0x40, s16, s14, $0xb8;
	[tilespmem:$0x11000] =	vst v63  }
0x4d3: {  	s20 =	simm.s32 $0xBC0;
	s19 =	simm.s32 $0x6000;
	s17 =	rddreg [dreg:$0x8]  }
0x4d4: {  	[tilespmem:s19], [sflag:$0x3] =	stream.indirect.gather [hbm4b:s17+s14], $0x40, s20, s14, $0xb8;
	[tilespmem:$0x11000] =	vst v63  }
0x4d5: {  	s21 =	simm.s32 $0x7000;
	s22 =	simm.s32 $0xDC0  }
0x4d6: {  	[tilespmem:s21], [sflag:$0x3] =	stream.indirect.gather [hbm4b:s3+s14], $0x40, s22, s14, $0xb8;
	[tilespmem:$0x11000] =	vst v63  }
0x4d7: {  	s24 =	simm.s32 $0x8000;
	s26 =	simm.s32 $0x5;
	s25 =	simm.s32 $0xFC0  }
0x4d8: {  	[tilespmem:s24], [sflag:$0x3] =	stream.indirect.gather [hbm4b:s3+s14], $0x40, s25, s14, $0xb8;
	[tilespmem:$0x11000] =	vst v63  }
0x4d9: {  	_ =	swait.ge [sflag:s26], $0x2000  }
0x4da: {  	[sflag:s26] =	ssyncset.done $0x0  }
0x4db: {  	[sflag:s26] =	ssyncadd.s32 $0xFFFFE000  }
0x4dc: {  	_ =	swait.ge [sflag:s26], $0x2000  }
0x4dd: {  	[sflag:s26] =	ssyncset.done $0x0  }
0x4de: {  	[sflag:s26] =	ssyncadd.s32 $0xFFFFE000  }
0x4df: {  	_ =	swait.ge [sflag:s0], $0x1000  }
0x4e0: {  	[sflag:s0] =	ssyncset.done $0x0  }
0x4e1: {  	[sflag:s0] =	ssyncadd.s32 $0xFFFFF000  }
0x4e2: {  	_ =	swait.ge [sflag:s0], $0x1000  }
0x4e3: {  	[sflag:s0] =	ssyncset.done $0x0  }
0x4e4: {  	[sflag:s0] =	ssyncadd.s32 $0xFFFFF000  }
0x4e5: {  	_ =	swait.ge [sflag:s0], $0x1000  }
0x4e6: {  	[sflag:s0] =	ssyncset.done $0x0  }
0x4e7: {  	[sflag:s0] =	ssyncadd.s32 $0xFFFFF000  }
0x4e8: {  	_ =	swait.ge [sflag:s0], $0x1000  }
0x4e9: {  	[sflag:s0] =	ssyncset.done $0x0  }
0x4ea: {  	s2 =	simm.s32 $0x1020;
	[sflag:s0] =	ssyncadd.s32 $0xFFFFF000  }
0x4eb: {  	s19 =	simm.s32 $0x2020;
	v5 =	vld [tilespmem:s2+$0xFFFFFFE0]  }
0x4ec: {  	v6 =	vld [tilespmem:s19+$0xFFFFFFE0]  }
0x4ed: {  	s4 =	simm.s32 $0x0;
	s21 =	simm.s32 $0x3020  }
0x4ee: {  	v8 =	vor.u32 s4, v1;
	v7 =	vld [tilespmem:s21+$0xFFFFFFE0]  }
0x4ef: {  	v9 =	vand.u32 $0x3BF, v8  }
0x4f0: {  	v8 =	vor.u32 v0, v9  }
0x4f1: {  	v5 =	vadd.f32 v6, v5;
	_ =	sdelay $0x1  }
0x4f2: {  	v6 =	vsub.f32 v5, v7;
	_ =	sdelay $0x1  }
0x4f3: {  	s5 =	simm.s32 $0x4020;
	[tilespmem:v8+s6+$0x0] =	vst.idx.msk $0xffff, v6  }
0x4f4: {  	v6 =	vld [tilespmem:s5+$0xFFFFFFE0];
	_ =	sdelay $0x1  }
0x4f5: {  	s16 =	simm.s32 $0x2060  }
0x4f6: {  	s13 =	simm.s32 $0x1060;
	v10 =	vld [tilespmem:s16+$0xFFFFFFE0]  }
0x4f7: {  	v7 =	vld [tilespmem:s13+$0xFFFFFFE0]  }
0x4f8: {  	s9 =	simm.s32 $0x1;
	s10 =	simm.s32 $0x3060;
	v6 =	vsub.f32 v5, v6  }
0x4f9: {  	v11 =	vld [tilespmem:s10+$0xFFFFFFE0];
	v5 =	vor.u32 s9, v1  }
0x4fa: {  	v5 =	vand.u32 $0x3BF, v5;
	[tilespmem:v8+s7+$0x0] =	vst.idx.msk $0xffff, v6  }
0x4fb: {  	v8 =	vor.u32 v0, v5;
	v6 =	vld [tilespmem:s19+$0xFFFFFFF0]  }
0x4fc: {  	v7 =	vadd.f32 v10, v7;
	v10 =	vld [tilespmem:s2+$0xFFFFFFF0];
	_ =	sdelay $0x1  }
0x4fd: {  	v11 =	vsub.f32 v7, v11;
	v12 =	vld [tilespmem:s21+$0xFFFFFFF0];
	_ =	sdelay $0x1  }
0x4fe: {  	s11 =	simm.s32 $0x4060;
	[tilespmem:v8+s6+$0x0] =	vst.idx.msk $0xffff, v11;
	v11 =	vor.u32 v2, v9  }
0x4ff: {  	s15 =	simm.s32 $0x10A0;
	v13 =	vld [tilespmem:s11+$0xFFFFFFE0];
	v10 =	vadd.f32 v6, v10  }
0x500: {  	s14 =	simm.s32 $0x20A0;
	v14 =	vld [tilespmem:s15+$0xFFFFFFE0]  }
0x501: {  	v15 =	vld [tilespmem:s14+$0xFFFFFFE0];
	v6 =	vsub.f32 v10, v12  }
0x502: {  	s12 =	simm.s32 $0x2;
	s17 =	simm.s32 $0x30A0  }
0x503: {  	v16 =	vor.u32 s12, v1;
	v12 =	vld [tilespmem:s17+$0xFFFFFFE0];
	[tilespmem:v11+s6+$0x0] =	vst.idx.msk $0xffff, v6  }
0x504: {  	v6 =	vand.u32 $0x3BF, v16;
	v7 =	vsub.f32 v7, v13;
	v13 =	vld [tilespmem:s5+$0xFFFFFFF0]  }
0x505: {  	v16 =	vor.u32 v0, v6  }
0x506: {  	s26 =	simm.s32 $0x20E0;
	v14 =	vadd.f32 v15, v14  }
0x507: {  	v17 =	vld [tilespmem:s26+$0xFFFFFFE0];
	[tilespmem:v8+s7+$0x0] =	vst.idx.msk $0xffff, v7  }
0x508: {  	v8 =	vsub.f32 v14, v12;
	v7 =	vld [tilespmem:s10+$0xFFFFFFF0]  }
0x509: {  	v12 =	vld [tilespmem:s16+$0xFFFFFFF0];
	v10 =	vsub.f32 v10, v13  }
0x50a: {  	s12 =	simm.s32 $0x40A0;
	[tilespmem:v16+s6+$0x0] =	vst.idx.msk $0xffff, v8;
	v8 =	vld [tilespmem:s13+$0xFFFFFFF0]  }
0x50b: {  	v13 =	vld [tilespmem:s12+$0xFFFFFFE0];
	[tilespmem:v11+s7+$0x0] =	vst.idx.msk $0xffff, v10  }
0x50c: {  	v10 =	vld [tilespmem:s2+$0x0]  }
0x50d: {  	s24 =	simm.s32 $0x10E0;
	v11 =	vld [tilespmem:s19+$0x0]  }
0x50e: {  	v15 =	vld [tilespmem:s24+$0xFFFFFFE0];
	v18 =	vor.u32 v2, v5  }
0x50f: {  	s20 =	simm.s32 $0x3;
	v19 =	vld [tilespmem:s21+$0x0];
	v8 =	vadd.f32 v12, v8  }
0x510: {  	s31 =	simm.s32 $0x30E0;
	v20 =	vor.u32 s20, v1  }
0x511: {  	v12 =	vsub.f32 v14, v13;
	v13 =	vor.u32 v3, v9;
	v14 =	vld [tilespmem:s31+$0xFFFFFFE0];
	v21 =	vsub.f32 v8, v7  }
0x512: {  	s25 =	simm.s32 $0x2120;
	v7 =	vand.u32 $0x3BF, v20;
	v10 =	vadd.f32 v11, v10  }
0x513: {  	v22 =	vld [tilespmem:s25+$0xFFFFFFE0];
	v11 =	vor.u32 v0, v7;
	[tilespmem:v18+s6+$0x0] =	vst.idx.msk $0xffff, v21  }
0x514: {  	s1 =	simm.s32 $0x3120;
	v15 =	vadd.f32 v17, v15;
	[tilespmem:v16+s7+$0x0] =	vst.idx.msk $0xffff, v12;
	v16 =	vld [tilespmem:s11+$0xFFFFFFF0];
	v17 =	vsub.f32 v10, v19  }
0x515: {  	v20 =	vld [tilespmem:s1+$0xFFFFFFE0]  }
0x516: {  	v12 =	vld [tilespmem:s17+$0xFFFFFFF0];
	v14 =	vsub.f32 v15, v14;
	[tilespmem:v13+s6+$0x0] =	vst.idx.msk $0xffff, v17  }
0x517: {  	v17 =	vld [tilespmem:s5+$0x0]  }
0x518: {  	s29 =	simm.s32 $0x40E0;
	v19 =	vld [tilespmem:s14+$0xFFFFFFF0];
	[tilespmem:v11+s6+$0x0] =	vst.idx.msk $0xffff, v14  }
0x519: {  	v14 =	vld [tilespmem:s29+$0xFFFFFFE0];
	v8 =	vsub.f32 v8, v16  }
0x51a: {  	s20 =	simm.s32 $0x1120;
	v16 =	vld [tilespmem:s15+$0xFFFFFFF0]  }
0x51b: {  	v21 =	vld [tilespmem:s20+$0xFFFFFFE0];
	[tilespmem:v18+s7+$0x0] =	vst.idx.msk $0xffff, v8  }
0x51c: {  	v18 =	vld [tilespmem:s13+$0x0];
	v8 =	vsub.f32 v10, v17  }
0x51d: {  	v10 =	vld [tilespmem:s16+$0x0]  }
0x51e: {  	v23 =	vor.u32 v2, v6;
	v24 =	vld [tilespmem:s10+$0x0];
	[tilespmem:v13+s7+$0x0] =	vst.idx.msk $0xffff, v8  }
0x51f: {  	v13 =	vsub.f32 v15, v14;
	v14 =	vadd.f32 v19, v16;
	v15 =	vld [tilespmem:s21+$0x10]  }
0x520: {  	v19 =	vld [tilespmem:s2+$0x10]  }
0x521: {  	s22 =	simm.s32 $0x4;
	v26 =	vor.u32 v3, v5;
	s21 =	simm.s32 $0x1160;
	[tilespmem:v11+s7+$0x0] =	vst.idx.msk $0xffff, v13;
	v11 =	vsub.f32 v14, v12;
	v12 =	vld [tilespmem:s19+$0x10]  }
0x522: {  	v8 =	vor.u32 s22, v1;
	s2 =	simm.s32 $0x2160;
	v27 =	vld [tilespmem:s21+$0xFFFFFFE0];
	v13 =	vadd.f32 v10, v18  }
0x523: {  	v8 =	vand.u32 $0x3BF, v8;
	v62 =	vld [tilespmem:s2+$0xFFFFFFE0];
	[tilespmem:v23+s6+$0x0] =	vst.idx.msk $0xffff, v11  }
0x524: {  	v17 =	vor.u32 v0, v8;
	v11 =	vld [tilespmem:s12+$0xFFFFFFF0];
	v10 =	vsub.f32 v13, v24  }
0x525: {  	v9 =	vor.u32 v4, v9;
	v16 =	vld [tilespmem:s31+$0xFFFFFFF0];
	v18 =	vadd.f32 v22, v21  }
0x526: {  	v22 =	vld [tilespmem:s26+$0xFFFFFFF0];
	[tilespmem:v26+s6+$0x0] =	vst.idx.msk $0xffff, v10;
	v10 =	vadd.f32 v12, v19  }
0x527: {  	v20 =	vsub.f32 v18, v20;
	v12 =	vld [tilespmem:s11+$0x0]  }
0x528: {  	s30 =	simm.s32 $0x3160;
	v63 =	vld [tilespmem:s24+$0xFFFFFFF0];
	v15 =	vsub.f32 v10, v15  }
0x529: {  	s8 =	simm.s32 $0x4120;
	v24 =	vld [tilespmem:s30+$0xFFFFFFE0];
	[tilespmem:v17+s6+$0x0] =	vst.idx.msk $0xffff, v20;
	v11 =	vsub.f32 v14, v11  }
0x52a: {  	v19 =	vld [tilespmem:s8+$0xFFFFFFE0];
	[tilespmem:v9+s6+$0x0] =	vst.idx.msk $0xffff, v15  }
0x52b: {  	[tilespmem:v23+s7+$0x0] =	vst.idx.msk $0xffff, v11;
	v14 =	vld [tilespmem:s5+$0x10]  }
0x52c: {  	v21 =	vld [tilespmem:s15+$0x0];
	v15 =	vsub.f32 v13, v12  }
0x52d: {  	v22 =	vadd.f32 v22, v63;
	v11 =	vor.u32 v3, v8;
	v23 =	vld [tilespmem:s14+$0x0]  }
0x52e: {  	s9 =	simm.s32 $0x5;
	v13 =	vor.u32 v3, v6;
	v12 =	vor.u32 v3, v7;
	v20 =	vld [tilespmem:s17+$0x0];
	[tilespmem:v26+s7+$0x0] =	vst.idx.msk $0xffff, v15  }
0x52f: {  	s22 =	simm.s32 $0x6;
	s19 =	simm.s32 $0x1160;
	s5 =	simm.s32 $0x4120;
	v25 =	vsub.f32 v18, v19;
	v19 =	vadd.f32 v62, v27;
	v18 =	vor.u32 v2, v7;
	v15 =	vld [tilespmem:s10+$0x10]  }
.LBB2_14:
0x530: {  	v26 =	vor.u32 s9, v1;
	s21 =	sadd.s32 $0x40, s21;
	s9 =	smov.u32 s22;
	s10 =	sadd.s32 $0x1, s22  }
0x531: {  	v27 =	vsub.f32 v19, v24;
	v28 =	vld [tilespmem:s13+$0x10];
	v10 =	vsub.f32 v10, v14;
	s4 =	smov.u32 s30;
	s30 =	sadd.s32 $0x40, s30;
	s13 =	smov.u32 s15  }
0x532: {  	p0 =	sne.s32 s22, $0x3F;
	s15 =	smov.u32 s24;
	s24 =	smov.u32 s20;
	v14 =	vand.u32 $0x3BF, v26;
	[tilespmem:v17+s7+$0x0] =	vst.idx.msk $0xffff, v25;
	v24 =	vsub.f32 v22, v16;
	v25 =	vld [tilespmem:s16+$0x10];
	v26 =	vor.u32 v4, v5  }
0x533: {  	s8 =	sadd.s32 $0x40, s8;
	s20 =	smov.u32 s19;
	v5 =	vmov v6;
	s19 =	smov.u32 s21;
	v17 =	vor.u32 v0, v14;
	v16 =	vld [tilespmem:s1+$0xFFFFFFF0];
	v23 =	vadd.f32 v23, v21;
	[tilespmem:v9+s7+$0x0] =	vst.idx.msk $0xffff, v10  }
0x534: {  	v6 =	vmovc v7;
	v7 =	vmov v8;
	s16 =	smov.u32 s14;
	s14 =	smov.u32 s26;
	s26 =	smov.u32 s25;
	v29 =	vor.u32 v3, v14;
	v8 =	vmov v14;
	v30 =	vld [tilespmem:s25+$0xFFFFFFF0];
	[tilespmem:v18+s6+$0x0] =	vst.idx.msk $0xffff, v24  }
0x535: {  	v9 =	vmov v26;
	s25 =	smov.u32 s2;
	v14 =	vld [tilespmem:s29+$0xFFFFFFF0];
	v10 =	vsub.f32 v23, v20  }
0x536: {  	v24 =	vld [tilespmem:s30+$0xFFFFFFE0]  }
0x537: {  	v20 =	vld [tilespmem:s21+$0xFFFFFFE0];
	[tilespmem:v13+s6+$0x0] =	vst.idx.msk $0xffff, v10;
	v10 =	vadd.f32 v25, v28  }
0x538: {  	[tilespmem:v17+s6+$0x0] =	vst.idx.msk $0xffff, v27;
	v25 =	vld [tilespmem:s12+$0x0]  }
0x539: {  	s2 =	sadd.s32 $0x40, s2;
	v26 =	vld [tilespmem:s8+$0xFFFFFFE0];
	v15 =	vsub.f32 v10, v15  }
0x53a: {  	v27 =	vld [tilespmem:s2+$0xFFFFFFE0];
	v14 =	vsub.f32 v22, v14  }
0x53b: {  	v22 =	vld [tilespmem:s24+$0xFFFFFFF0];
	[tilespmem:v9+s6+$0x0] =	vst.idx.msk $0xffff, v15  }
.Ltmp6:
0x53c: {  	[tilespmem:v18+s7+$0x0] =	vst.idx.msk $0xffff, v14;
	v14 =	vld [tilespmem:s11+$0x10];
	s11 =	smov.u32 s12;
	s12 =	smov.u32 s29;
	(pc) =	sbr.rel @p0 .LBB2_14-.Ltmp6, $4  }
0x53d: {  	s29 =	smov.u32 s5;
	s5 =	smov.u32 s8;
	v21 =	vld [tilespmem:s15+$0x0];
	v15 =	vsub.f32 v23, v25  }
0x53e: {  	v25 =	vsub.f32 v19, v26;
	v23 =	vld [tilespmem:s14+$0x0]  }
0x53f: {  	s22 =	smov.u32 s10;
	v18 =	vor.u32 v2, v7;
	v19 =	vadd.f32 v27, v20;
	v20 =	vld [tilespmem:s31+$0x0];
	[tilespmem:v13+s7+$0x0] =	vst.idx.msk $0xffff, v15;
	v13 =	vmov v12  }
0x540: {  	v12 =	vmov v11;
	v11 =	vmov v29;
	v22 =	vadd.f32 v30, v22;
	v15 =	vld [tilespmem:s17+$0x10];
	s17 =	smov.u32 s31;
	s31 =	smov.u32 s1;
	s1 =	smov.u32 s4  }
0x541: {  	v26 =	vor.u32 s9, v1  }
0x542: {  	v26 =	vand.u32 $0x3BF, v26  }
0x543: {  	v27 =	vor.u32 v0, v26;
	_ =	sdelay $0x2  }
0x544: {  	v24 =	vsub.f32 v19, v24;
	_ =	sdelay $0x1  }
0x545: {  	s8 =	sadd.s32 $0x40, s8;
	[tilespmem:v27+s6+$0x0] =	vst.idx.msk $0xffff, v24  }
0x546: {  	v24 =	vld [tilespmem:s8+$0xFFFFFFE0];
	_ =	sdelay $0x2  }
0x547: {  	[tilespmem:v17+s7+$0x0] =	vst.idx.msk $0xffff, v25;
	v16 =	vsub.f32 v22, v16  }
0x548: {  	v17 =	vld [tilespmem:s25+$0xFFFFFFF0]  }
0x549: {  	[tilespmem:v18+s6+$0x0] =	vst.idx.msk $0xffff, v16;
	v19 =	vsub.f32 v19, v24;
	v24 =	vld [tilespmem:s20+$0xFFFFFFF0]  }
0x54a: {  	v16 =	vld [tilespmem:s29+$0xFFFFFFF0]  }
0x54b: {  	v25 =	vld [tilespmem:s1+$0xFFFFFFF0];
	[tilespmem:v27+s7+$0x0] =	vst.idx.msk $0xffff, v19  }
0x54c: {  	v19 =	vld [tilespmem:s2+$0xFFFFFFF0]  }
0x54d: {  	v28 =	vor.u32 v2, v8;
	v27 =	vld [tilespmem:s19+$0xFFFFFFF0]  }
0x54e: {  	v17 =	vadd.f32 v17, v24  }
0x54f: {  	v16 =	vsub.f32 v22, v16;
	v24 =	vld [tilespmem:s30+$0xFFFFFFF0]  }
0x550: {  	v25 =	vsub.f32 v17, v25  }
0x551: {  	v29 =	vor.u32 v2, v26;
	[tilespmem:v18+s7+$0x0] =	vst.idx.msk $0xffff, v16  }
0x552: {  	v16 =	vld [tilespmem:s24+$0x0];
	v19 =	vadd.f32 v19, v27;
	[tilespmem:v28+s6+$0x0] =	vst.idx.msk $0xffff, v25  }
0x553: {  	v25 =	vld [tilespmem:s5+$0xFFFFFFF0]  }
0x554: {  	v18 =	vld [tilespmem:s26+$0x0];
	v24 =	vsub.f32 v19, v24;
	_ =	sdelay $0x1  }
0x555: {  	[tilespmem:v29+s6+$0x0] =	vst.idx.msk $0xffff, v24;
	v24 =	vld [tilespmem:s31+$0x0]  }
0x556: {  	v22 =	vld [tilespmem:s8+$0xFFFFFFF0]  }
0x557: {  	v17 =	vsub.f32 v17, v25  }
0x558: {  	v16 =	vadd.f32 v18, v16  }
0x559: {  	[tilespmem:v28+s7+$0x0] =	vst.idx.msk $0xffff, v17  }
0x55a: {  	v17 =	vadd.f32 v23, v21;
	v24 =	vsub.f32 v16, v24;
	v21 =	vld [tilespmem:s20+$0x0]  }
0x55b: {  	v19 =	vsub.f32 v19, v22;
	v22 =	vld [tilespmem:s25+$0x0]  }
0x55c: {  	v23 =	vld [tilespmem:s1+$0x0];
	[tilespmem:v12+s6+$0x0] =	vst.idx.msk $0xffff, v24  }
0x55d: {  	v20 =	vsub.f32 v17, v20;
	[tilespmem:v29+s7+$0x0] =	vst.idx.msk $0xffff, v19;
	v24 =	vld [tilespmem:s29+$0x0]  }
0x55e: {  	v19 =	vld [tilespmem:s19+$0x0]  }
0x55f: {  	[tilespmem:v13+s6+$0x0] =	vst.idx.msk $0xffff, v20;
	v18 =	vld [tilespmem:s2+$0x0]  }
0x560: {  	v20 =	vld [tilespmem:s12+$0x0]  }
0x561: {  	v25 =	vld [tilespmem:s30+$0x0];
	v21 =	vadd.f32 v22, v21;
	_ =	sdelay $0x1  }
0x562: {  	v22 =	vor.u32 v3, v26;
	v23 =	vsub.f32 v21, v23  }
0x563: {  	v16 =	vsub.f32 v16, v24;
	v18 =	vadd.f32 v18, v19  }
0x564: {  	v19 =	vld [tilespmem:s13+$0x10];
	v17 =	vsub.f32 v17, v20;
	[tilespmem:v11+s6+$0x0] =	vst.idx.msk $0xffff, v23  }
0x565: {  	v20 =	vld [tilespmem:s16+$0x10];
	[tilespmem:v12+s7+$0x0] =	vst.idx.msk $0xffff, v16;
	v23 =	vsub.f32 v18, v25  }
0x566: {  	[tilespmem:v13+s7+$0x0] =	vst.idx.msk $0xffff, v17;
	v13 =	vld [tilespmem:s5+$0x0]  }
0x567: {  	v12 =	vld [tilespmem:s31+$0x10];
	[tilespmem:v22+s6+$0x0] =	vst.idx.msk $0xffff, v23  }
0x568: {  	v23 =	vld [tilespmem:s8+$0x0]  }
0x569: {  	v16 =	vld [tilespmem:s24+$0x10]  }
0x56a: {  	v17 =	vld [tilespmem:s17+$0x10]  }
0x56b: {  	v24 =	vld [tilespmem:s15+$0x10];
	v13 =	vsub.f32 v21, v13  }
0x56c: {  	v25 =	vld [tilespmem:s14+$0x10]  }
0x56d: {  	v21 =	vld [tilespmem:s26+$0x10];
	[tilespmem:v11+s7+$0x0] =	vst.idx.msk $0xffff, v13;
	v11 =	vsub.f32 v18, v23  }
0x56e: {  	v13 =	vld [tilespmem:s20+$0x10]  }
0x56f: {  	v18 =	vld [tilespmem:s25+$0x10];
	[tilespmem:v22+s7+$0x0] =	vst.idx.msk $0xffff, v11  }
0x570: {  	v11 =	vld [tilespmem:s19+$0x10]  }
0x571: {  	v5 =	vor.u32 v4, v5;
	v22 =	vld [tilespmem:s2+$0x10]  }
0x572: {  	v6 =	vor.u32 v4, v6;
	v19 =	vadd.f32 v20, v19;
	v20 =	vld [tilespmem:s1+$0x10]  }
0x573: {  	v7 =	vor.u32 v4, v7;
	v23 =	vadd.f32 v25, v24;
	v24 =	vld [tilespmem:s30+$0x10]  }
0x574: {  	v8 =	vor.u32 v4, v8;
	v15 =	vsub.f32 v19, v15;
	v16 =	vadd.f32 v21, v16  }
0x575: {  	v17 =	vsub.f32 v23, v17;
	v13 =	vadd.f32 v18, v13;
	v18 =	vor.u32 v4, v26  }
0x576: {  	[tilespmem:v5+s6+$0x0] =	vst.idx.msk $0xffff, v15;
	v12 =	vsub.f32 v16, v12;
	v11 =	vadd.f32 v22, v11  }
0x577: {  	v15 =	vld [tilespmem:s11+$0x10];
	[tilespmem:v6+s6+$0x0] =	vst.idx.msk $0xffff, v17;
	v17 =	vsub.f32 v13, v20  }
0x578: {  	[tilespmem:v7+s6+$0x0] =	vst.idx.msk $0xffff, v12;
	v20 =	vld [tilespmem:s12+$0x10];
	v12 =	vsub.f32 v11, v24  }
0x579: {  	v21 =	vld [tilespmem:s29+$0x10];
	[tilespmem:v8+s6+$0x0] =	vst.idx.msk $0xffff, v17  }
0x57a: {  	v17 =	vld [tilespmem:s5+$0x10];
	[tilespmem:v18+s6+$0x0] =	vst.idx.msk $0xffff, v12  }
0x57b: {  	v10 =	vsub.f32 v10, v14;
	v12 =	vld [tilespmem:s8+$0x10]  }
0x57c: {  	v14 =	vsub.f32 v19, v15  }
0x57d: {  	[tilespmem:v9+s7+$0x0] =	vst.idx.msk $0xffff, v10;
	v9 =	vsub.f32 v23, v20  }
0x57e: {  	[tilespmem:v5+s7+$0x0] =	vst.idx.msk $0xffff, v14;
	v5 =	vsub.f32 v16, v21  }
0x57f: {  	[tilespmem:v6+s7+$0x0] =	vst.idx.msk $0xffff, v9;
	v6 =	vsub.f32 v13, v17  }
0x580: {  	[tilespmem:v7+s7+$0x0] =	vst.idx.msk $0xffff, v5;
	v5 =	vsub.f32 v11, v12  }
0x581: {  	[tilespmem:v8+s7+$0x0] =	vst.idx.msk $0xffff, v6  }
0x582: {  	[tilespmem:v18+s7+$0x0] =	vst.idx.msk $0xffff, v5  }
0x583: {  	_ =	swait.ge [sflag:s28], $0x1000  }
0x584: {  	[sflag:s28] =	ssyncset.done $0x0  }
0x585: {  	[sflag:s28] =	ssyncadd.s32 $0xFFFFF000  }
0x586: {  	_ =	swait.ge [sflag:s28], $0x1000  }
0x587: {  	[sflag:s28] =	ssyncset.done $0x0  }
0x588: {  	[sflag:s28] =	ssyncadd.s32 $0xFFFFF000  }
0x589: {  	_ =	swait.ge [sflag:s28], $0x1000  }
0x58a: {  	[sflag:s28] =	ssyncset.done $0x0  }
0x58b: {  	[sflag:s28] =	ssyncadd.s32 $0xFFFFF000  }
0x58c: {  	_ =	swait.ge [sflag:s28], $0x1000  }
0x58d: {  	[sflag:s28] =	ssyncset.done $0x0  }
0x58e: {  	s19 =	simm.s32 $0x5020;
	[sflag:s28] =	ssyncadd.s32 $0xFFFFF000  }
0x58f: {  	s22 =	simm.s32 $0x6020;
	v5 =	vld [tilespmem:s19+$0xFFFFFFE0]  }
0x590: {  	v6 =	vld [tilespmem:s22+$0xFFFFFFE0]  }
0x591: {  	s21 =	simm.s32 $0x7020;
	s26 =	simm.s32 $0x40  }
0x592: {  	v8 =	vor.u32 s26, v1;
	v7 =	vld [tilespmem:s21+$0xFFFFFFE0]  }
0x593: {  	v9 =	vand.u32 $0x3FF, v8  }
0x594: {  	v8 =	vor.u32 v0, v9  }
0x595: {  	v5 =	vadd.f32 v6, v5;
	_ =	sdelay $0x1  }
0x596: {  	v6 =	vsub.f32 v5, v7;
	_ =	sdelay $0x1  }
0x597: {  	s2 =	simm.s32 $0x8020;
	[tilespmem:v8+s6+$0x0] =	vst.idx.msk $0xffff, v6  }
0x598: {  	v6 =	vld [tilespmem:s2+$0xFFFFFFE0];
	_ =	sdelay $0x1  }
0x599: {  	s16 =	simm.s32 $0x6060  }
0x59a: {  	s13 =	simm.s32 $0x5060;
	v10 =	vld [tilespmem:s16+$0xFFFFFFE0]  }
0x59b: {  	v7 =	vld [tilespmem:s13+$0xFFFFFFE0]  }
0x59c: {  	s9 =	simm.s32 $0x41;
	s10 =	simm.s32 $0x7060;
	v6 =	vsub.f32 v5, v6  }
0x59d: {  	v11 =	vld [tilespmem:s10+$0xFFFFFFE0];
	v5 =	vor.u32 s9, v1  }
0x59e: {  	v5 =	vand.u32 $0x3FF, v5;
	[tilespmem:v8+s7+$0x0] =	vst.idx.msk $0xffff, v6  }
0x59f: {  	v8 =	vor.u32 v0, v5;
	v6 =	vld [tilespmem:s22+$0xFFFFFFF0]  }
0x5a0: {  	v7 =	vadd.f32 v10, v7;
	v10 =	vld [tilespmem:s19+$0xFFFFFFF0];
	_ =	sdelay $0x1  }
0x5a1: {  	v11 =	vsub.f32 v7, v11;
	v12 =	vld [tilespmem:s21+$0xFFFFFFF0]  }
0x5a2: {  	s15 =	simm.s32 $0x50A0  }
0x5a3: {  	s11 =	simm.s32 $0x8060;
	v14 =	vld [tilespmem:s15+$0xFFFFFFE0];
	[tilespmem:v8+s6+$0x0] =	vst.idx.msk $0xffff, v11;
	v11 =	vor.u32 v2, v9  }
0x5a4: {  	s14 =	simm.s32 $0x60A0;
	v13 =	vld [tilespmem:s11+$0xFFFFFFE0];
	v10 =	vadd.f32 v6, v10  }
0x5a5: {  	v15 =	vld [tilespmem:s14+$0xFFFFFFE0]  }
0x5a6: {  	s24 =	simm.s32 $0x42;
	s17 =	simm.s32 $0x70A0;
	v6 =	vsub.f32 v10, v12  }
0x5a7: {  	v16 =	vor.u32 s24, v1;
	v12 =	vld [tilespmem:s17+$0xFFFFFFE0]  }
0x5a8: {  	[tilespmem:v11+s6+$0x0] =	vst.idx.msk $0xffff, v6;
	v6 =	vand.u32 $0x3FF, v16  }
0x5a9: {  	v7 =	vsub.f32 v7, v13;
	v13 =	vld [tilespmem:s2+$0xFFFFFFF0];
	v16 =	vor.u32 v0, v6  }
0x5aa: {  	v14 =	vadd.f32 v15, v14  }
0x5ab: {  	s26 =	simm.s32 $0x60E0  }
0x5ac: {  	v17 =	vld [tilespmem:s26+$0xFFFFFFE0];
	[tilespmem:v8+s7+$0x0] =	vst.idx.msk $0xffff, v7;
	v8 =	vsub.f32 v14, v12  }
0x5ad: {  	v12 =	vld [tilespmem:s16+$0xFFFFFFF0]  }
0x5ae: {  	v10 =	vsub.f32 v10, v13;
	[tilespmem:v16+s6+$0x0] =	vst.idx.msk $0xffff, v8;
	v8 =	vld [tilespmem:s13+$0xFFFFFFF0]  }
0x5af: {  	s12 =	simm.s32 $0x80A0;
	v7 =	vld [tilespmem:s10+$0xFFFFFFF0]  }
0x5b0: {  	v13 =	vld [tilespmem:s12+$0xFFFFFFE0];
	[tilespmem:v11+s7+$0x0] =	vst.idx.msk $0xffff, v10  }
0x5b1: {  	v10 =	vld [tilespmem:s19+$0x0]  }
0x5b2: {  	s24 =	simm.s32 $0x50E0;
	v18 =	vor.u32 v2, v5;
	v11 =	vld [tilespmem:s22+$0x0]  }
0x5b3: {  	v15 =	vld [tilespmem:s24+$0xFFFFFFE0];
	v8 =	vadd.f32 v12, v8  }
0x5b4: {  	s31 =	simm.s32 $0x70E0;
	s25 =	simm.s32 $0x43;
	v19 =	vld [tilespmem:s21+$0x0]  }
0x5b5: {  	v20 =	vor.u32 s25, v1;
	v12 =	vsub.f32 v14, v13;
	v14 =	vld [tilespmem:s31+$0xFFFFFFE0];
	v21 =	vsub.f32 v8, v7  }
0x5b6: {  	s25 =	simm.s32 $0x6120;
	v13 =	vor.u32 v3, v9;
	v7 =	vand.u32 $0x3FF, v20  }
0x5b7: {  	v22 =	vld [tilespmem:s25+$0xFFFFFFE0];
	v10 =	vadd.f32 v11, v10;
	v11 =	vor.u32 v0, v7;
	[tilespmem:v18+s6+$0x0] =	vst.idx.msk $0xffff, v21  }
0x5b8: {  	s5 =	simm.s32 $0x6160;
	v15 =	vadd.f32 v17, v15;
	[tilespmem:v16+s7+$0x0] =	vst.idx.msk $0xffff, v12;
	v16 =	vld [tilespmem:s11+$0xFFFFFFF0]  }
0x5b9: {  	s1 =	simm.s32 $0x7120;
	v62 =	vld [tilespmem:s5+$0xFFFFFFE0];
	v17 =	vsub.f32 v10, v19  }
0x5ba: {  	v20 =	vld [tilespmem:s1+$0xFFFFFFE0];
	v14 =	vsub.f32 v15, v14  }
0x5bb: {  	v19 =	vld [tilespmem:s14+$0xFFFFFFF0];
	[tilespmem:v13+s6+$0x0] =	vst.idx.msk $0xffff, v17  }
0x5bc: {  	s29 =	simm.s32 $0x80E0;
	v17 =	vld [tilespmem:s2+$0x0];
	[tilespmem:v11+s6+$0x0] =	vst.idx.msk $0xffff, v14  }
0x5bd: {  	v14 =	vld [tilespmem:s29+$0xFFFFFFE0];
	v8 =	vsub.f32 v8, v16  }
0x5be: {  	v16 =	vld [tilespmem:s15+$0xFFFFFFF0]  }
0x5bf: {  	v12 =	vld [tilespmem:s17+$0xFFFFFFF0];
	[tilespmem:v18+s7+$0x0] =	vst.idx.msk $0xffff, v8  }
0x5c0: {  	v18 =	vld [tilespmem:s13+$0x0]  }
0x5c1: {  	s20 =	simm.s32 $0x5120;
	v8 =	vsub.f32 v10, v17;
	v10 =	vld [tilespmem:s16+$0x0]  }
0x5c2: {  	v23 =	vor.u32 v2, v6;
	v21 =	vld [tilespmem:s20+$0xFFFFFFE0]  }
0x5c3: {  	v24 =	vld [tilespmem:s10+$0x0];
	[tilespmem:v13+s7+$0x0] =	vst.idx.msk $0xffff, v8;
	v13 =	vsub.f32 v15, v14;
	v14 =	vadd.f32 v19, v16  }
0x5c4: {  	v19 =	vld [tilespmem:s19+$0x10]  }
0x5c5: {  	s4 =	simm.s32 $0x44;
	v26 =	vor.u32 v3, v5;
	[tilespmem:v11+s7+$0x0] =	vst.idx.msk $0xffff, v13;
	v11 =	vsub.f32 v14, v12;
	v12 =	vld [tilespmem:s22+$0x10]  }
0x5c6: {  	v8 =	vor.u32 s4, v1;
	v15 =	vld [tilespmem:s21+$0x10];
	s21 =	simm.s32 $0x5160;
	v13 =	vadd.f32 v10, v18  }
0x5c7: {  	v8 =	vand.u32 $0x3FF, v8;
	v27 =	vld [tilespmem:s21+$0xFFFFFFE0];
	[tilespmem:v23+s6+$0x0] =	vst.idx.msk $0xffff, v11  }
0x5c8: {  	v17 =	vor.u32 v0, v8;
	v11 =	vld [tilespmem:s12+$0xFFFFFFF0];
	v10 =	vsub.f32 v13, v24  }
0x5c9: {  	v9 =	vor.u32 v4, v9;
	v16 =	vld [tilespmem:s31+$0xFFFFFFF0];
	v18 =	vadd.f32 v22, v21  }
0x5ca: {  	v22 =	vld [tilespmem:s26+$0xFFFFFFF0];
	[tilespmem:v26+s6+$0x0] =	vst.idx.msk $0xffff, v10;
	v10 =	vadd.f32 v12, v19  }
0x5cb: {  	v20 =	vsub.f32 v18, v20;
	v12 =	vld [tilespmem:s11+$0x0]  }
0x5cc: {  	s30 =	simm.s32 $0x7160;
	v63 =	vld [tilespmem:s24+$0xFFFFFFF0];
	v15 =	vsub.f32 v10, v15  }
0x5cd: {  	s8 =	simm.s32 $0x8120;
	v24 =	vld [tilespmem:s30+$0xFFFFFFE0];
	[tilespmem:v17+s6+$0x0] =	vst.idx.msk $0xffff, v20;
	v11 =	vsub.f32 v14, v11  }
0x5ce: {  	v19 =	vld [tilespmem:s8+$0xFFFFFFE0];
	[tilespmem:v9+s6+$0x0] =	vst.idx.msk $0xffff, v15  }
0x5cf: {  	[tilespmem:v23+s7+$0x0] =	vst.idx.msk $0xffff, v11;
	v14 =	vld [tilespmem:s2+$0x10]  }
0x5d0: {  	v21 =	vld [tilespmem:s15+$0x0];
	v15 =	vsub.f32 v13, v12  }
0x5d1: {  	v22 =	vadd.f32 v22, v63;
	v11 =	vor.u32 v3, v8;
	v23 =	vld [tilespmem:s14+$0x0]  }
0x5d2: {  	s9 =	simm.s32 $0x45;
	v13 =	vor.u32 v3, v6;
	v12 =	vor.u32 v3, v7;
	v20 =	vld [tilespmem:s17+$0x0];
	[tilespmem:v26+s7+$0x0] =	vst.idx.msk $0xffff, v15  }
0x5d3: {  	s19 =	simm.s32 $0x5160;
	s22 =	simm.s32 $0x46;
	s2 =	simm.s32 $0x8120;
	v25 =	vsub.f32 v18, v19;
	v19 =	vadd.f32 v62, v27;
	v18 =	vor.u32 v2, v7;
	v15 =	vld [tilespmem:s10+$0x10]  }
.LBB2_16:
0x5d4: {  	v26 =	vor.u32 s9, v1;
	s21 =	sadd.s32 $0x40, s21;
	s9 =	smov.u32 s22;
	s10 =	sadd.s32 $0x1, s22  }
0x5d5: {  	v27 =	vsub.f32 v19, v24;
	v28 =	vld [tilespmem:s13+$0x10];
	v10 =	vsub.f32 v10, v14;
	s4 =	smov.u32 s30;
	s30 =	sadd.s32 $0x40, s30;
	s13 =	smov.u32 s15  }
0x5d6: {  	p0 =	sne.s32 s22, $0x7F;
	s15 =	smov.u32 s24;
	s24 =	smov.u32 s20;
	v14 =	vand.u32 $0x3FF, v26;
	[tilespmem:v17+s7+$0x0] =	vst.idx.msk $0xffff, v25;
	v24 =	vsub.f32 v22, v16;
	v25 =	vld [tilespmem:s16+$0x10];
	v26 =	vor.u32 v4, v5  }
0x5d7: {  	s8 =	sadd.s32 $0x40, s8;
	s20 =	smov.u32 s19;
	v5 =	vmov v6;
	s19 =	smov.u32 s21;
	v17 =	vor.u32 v0, v14;
	v16 =	vld [tilespmem:s1+$0xFFFFFFF0];
	v23 =	vadd.f32 v23, v21;
	[tilespmem:v9+s7+$0x0] =	vst.idx.msk $0xffff, v10  }
0x5d8: {  	v6 =	vmovc v7;
	v7 =	vmov v8;
	s16 =	smov.u32 s14;
	s14 =	smov.u32 s26;
	s26 =	smov.u32 s25;
	v29 =	vor.u32 v3, v14;
	v8 =	vmov v14;
	v30 =	vld [tilespmem:s25+$0xFFFFFFF0];
	[tilespmem:v18+s6+$0x0] =	vst.idx.msk $0xffff, v24  }
0x5d9: {  	v9 =	vmov v26;
	s25 =	smov.u32 s5;
	v14 =	vld [tilespmem:s29+$0xFFFFFFF0];
	v10 =	vsub.f32 v23, v20  }
0x5da: {  	v24 =	vld [tilespmem:s30+$0xFFFFFFE0]  }
0x5db: {  	v20 =	vld [tilespmem:s21+$0xFFFFFFE0];
	[tilespmem:v13+s6+$0x0] =	vst.idx.msk $0xffff, v10;
	v10 =	vadd.f32 v25, v28  }
0x5dc: {  	[tilespmem:v17+s6+$0x0] =	vst.idx.msk $0xffff, v27;
	v25 =	vld [tilespmem:s12+$0x0]  }
0x5dd: {  	s5 =	sadd.s32 $0x40, s5;
	v26 =	vld [tilespmem:s8+$0xFFFFFFE0];
	v15 =	vsub.f32 v10, v15  }
0x5de: {  	v27 =	vld [tilespmem:s5+$0xFFFFFFE0];
	v14 =	vsub.f32 v22, v14  }
0x5df: {  	v22 =	vld [tilespmem:s24+$0xFFFFFFF0];
	[tilespmem:v9+s6+$0x0] =	vst.idx.msk $0xffff, v15  }
.Ltmp7:
0x5e0: {  	[tilespmem:v18+s7+$0x0] =	vst.idx.msk $0xffff, v14;
	v14 =	vld [tilespmem:s11+$0x10];
	s11 =	smov.u32 s12;
	s12 =	smov.u32 s29;
	(pc) =	sbr.rel @p0 .LBB2_16-.Ltmp7, $4  }
0x5e1: {  	s29 =	smov.u32 s2;
	s2 =	smov.u32 s8;
	v21 =	vld [tilespmem:s15+$0x0];
	v15 =	vsub.f32 v23, v25  }
0x5e2: {  	v25 =	vsub.f32 v19, v26;
	v23 =	vld [tilespmem:s14+$0x0]  }
0x5e3: {  	s22 =	smov.u32 s10;
	v18 =	vor.u32 v2, v7;
	v19 =	vadd.f32 v27, v20;
	v20 =	vld [tilespmem:s31+$0x0];
	[tilespmem:v13+s7+$0x0] =	vst.idx.msk $0xffff, v15;
	v13 =	vmov v12  }
0x5e4: {  	v12 =	vmov v11;
	v11 =	vmov v29;
	v22 =	vadd.f32 v30, v22;
	v15 =	vld [tilespmem:s17+$0x10];
	s17 =	smov.u32 s31;
	s31 =	smov.u32 s1;
	s1 =	smov.u32 s4  }
0x5e5: {  	v26 =	vor.u32 s9, v1  }
0x5e6: {  	v26 =	vand.u32 $0x3FF, v26  }
0x5e7: {  	v27 =	vor.u32 v0, v26;
	_ =	sdelay $0x2  }
0x5e8: {  	v24 =	vsub.f32 v19, v24;
	_ =	sdelay $0x1  }
0x5e9: {  	s8 =	sadd.s32 $0x40, s8;
	[tilespmem:v27+s6+$0x0] =	vst.idx.msk $0xffff, v24  }
0x5ea: {  	v24 =	vld [tilespmem:s8+$0xFFFFFFE0];
	_ =	sdelay $0x3  }
0x5eb: {  	[tilespmem:v17+s7+$0x0] =	vst.idx.msk $0xffff, v25  }
0x5ec: {  	v17 =	vld [tilespmem:s25+$0xFFFFFFF0];
	v33 =	vsub.f32 v19, v24  }
0x5ed: {  	v34 =	vld [tilespmem:s20+$0xFFFFFFF0]  }
0x5ee: {  	v25 =	vld [tilespmem:s1+$0xFFFFFFF0];
	[tilespmem:v27+s7+$0x0] =	vst.idx.msk $0xffff, v33  }
0x5ef: {  	v19 =	vld [tilespmem:s5+$0xFFFFFFF0]  }
0x5f0: {  	v27 =	vld [tilespmem:s19+$0xFFFFFFF0]  }
0x5f1: {  	v28 =	vor.u32 v2, v8;
	v16 =	vsub.f32 v22, v16  }
0x5f2: {  	v17 =	vadd.f32 v17, v34;
	v35 =	vld [tilespmem:s30+$0xFFFFFFF0]  }
0x5f3: {  	[tilespmem:v18+s6+$0x0] =	vst.idx.msk $0xffff, v16  }
0x5f4: {  	v29 =	vor.u32 v2, v26;
	v16 =	vld [tilespmem:s29+$0xFFFFFFF0];
	v25 =	vsub.f32 v17, v25  }
0x5f5: {  	v19 =	vadd.f32 v19, v27  }
0x5f6: {  	[tilespmem:v28+s6+$0x0] =	vst.idx.msk $0xffff, v25  }
0x5f7: {  	v25 =	vld [tilespmem:s2+$0xFFFFFFF0];
	v24 =	vsub.f32 v19, v35;
	_ =	sdelay $0x1  }
0x5f8: {  	v16 =	vsub.f32 v22, v16;
	[tilespmem:v29+s6+$0x0] =	vst.idx.msk $0xffff, v24  }
0x5f9: {  	v36 =	vld [tilespmem:s8+$0xFFFFFFF0]  }
0x5fa: {  	[tilespmem:v18+s7+$0x0] =	vst.idx.msk $0xffff, v16  }
0x5fb: {  	v16 =	vld [tilespmem:s24+$0x0];
	v17 =	vsub.f32 v17, v25  }
0x5fc: {  	v18 =	vld [tilespmem:s26+$0x0]  }
0x5fd: {  	v37 =	vld [tilespmem:s31+$0x0];
	[tilespmem:v28+s7+$0x0] =	vst.idx.msk $0xffff, v17  }
0x5fe: {  	v38 =	vadd.f32 v23, v21;
	v39 =	vld [tilespmem:s20+$0x0];
	v19 =	vsub.f32 v19, v36  }
0x5ff: {  	v40 =	vld [tilespmem:s25+$0x0]  }
0x600: {  	v20 =	vsub.f32 v38, v20;
	v41 =	vld [tilespmem:s1+$0x0];
	[tilespmem:v29+s7+$0x0] =	vst.idx.msk $0xffff, v19  }
0x601: {  	v19 =	vld [tilespmem:s19+$0x0]  }
0x602: {  	[tilespmem:v13+s6+$0x0] =	vst.idx.msk $0xffff, v20;
	v16 =	vadd.f32 v18, v16;
	v42 =	vld [tilespmem:s5+$0x0]  }
0x603: {  	v20 =	vld [tilespmem:s12+$0x0]  }
0x604: {  	v24 =	vsub.f32 v16, v37;
	v43 =	vld [tilespmem:s30+$0x0]  }
0x605: {  	v21 =	vadd.f32 v40, v39  }
0x606: {  	v44 =	vor.u32 v3, v26;
	[tilespmem:v12+s6+$0x0] =	vst.idx.msk $0xffff, v24  }
0x607: {  	v23 =	vsub.f32 v21, v41;
	v24 =	vld [tilespmem:s29+$0x0];
	v18 =	vadd.f32 v42, v19  }
0x608: {  	v45 =	vld [tilespmem:s13+$0x10];
	v17 =	vsub.f32 v38, v20  }
0x609: {  	v46 =	vld [tilespmem:s16+$0x10];
	[tilespmem:v11+s6+$0x0] =	vst.idx.msk $0xffff, v23;
	v47 =	vsub.f32 v18, v43  }
0x60a: {  	[tilespmem:v13+s7+$0x0] =	vst.idx.msk $0xffff, v17;
	v48 =	vld [tilespmem:s2+$0x0]  }
0x60b: {  	v17 =	vld [tilespmem:s17+$0x10];
	[tilespmem:v44+s6+$0x0] =	vst.idx.msk $0xffff, v47  }
0x60c: {  	v16 =	vsub.f32 v16, v24;
	v23 =	vld [tilespmem:s8+$0x0]  }
0x60d: {  	v49 =	vld [tilespmem:s15+$0x10]  }
0x60e: {  	v50 =	vld [tilespmem:s14+$0x10];
	[tilespmem:v12+s7+$0x0] =	vst.idx.msk $0xffff, v16  }
0x60f: {  	v13 =	vsub.f32 v21, v48;
	v12 =	vld [tilespmem:s31+$0x10]  }
0x610: {  	v16 =	vld [tilespmem:s24+$0x10]  }
0x611: {  	v51 =	vld [tilespmem:s26+$0x10];
	[tilespmem:v11+s7+$0x0] =	vst.idx.msk $0xffff, v13;
	v52 =	vsub.f32 v18, v23  }
0x612: {  	v13 =	vld [tilespmem:s20+$0x10]  }
0x613: {  	v53 =	vld [tilespmem:s25+$0x10];
	[tilespmem:v44+s7+$0x0] =	vst.idx.msk $0xffff, v52  }
0x614: {  	v11 =	vld [tilespmem:s19+$0x10]  }
0x615: {  	v5 =	vor.u32 v4, v5;
	v22 =	vld [tilespmem:s5+$0x10]  }
0x616: {  	v6 =	vor.u32 v4, v6;
	v54 =	vld [tilespmem:s1+$0x10];
	v19 =	vadd.f32 v46, v45  }
0x617: {  	v7 =	vor.u32 v4, v7;
	v24 =	vadd.f32 v50, v49;
	v55 =	vld [tilespmem:s30+$0x10]  }
0x618: {  	v56 =	vor.u32 v4, v8;
	v15 =	vsub.f32 v19, v15;
	v16 =	vadd.f32 v51, v16  }
0x619: {  	v57 =	vor.u32 v4, v26;
	v17 =	vsub.f32 v24, v17;
	v13 =	vadd.f32 v53, v13  }
0x61a: {  	[tilespmem:v5+s6+$0x0] =	vst.idx.msk $0xffff, v15;
	v12 =	vsub.f32 v16, v12;
	v11 =	vadd.f32 v22, v11  }
0x61b: {  	[tilespmem:v6+s6+$0x0] =	vst.idx.msk $0xffff, v17;
	v15 =	vld [tilespmem:s11+$0x10];
	v58 =	vsub.f32 v13, v54  }
0x61c: {  	v59 =	vld [tilespmem:s12+$0x10];
	[tilespmem:v7+s6+$0x0] =	vst.idx.msk $0xffff, v12;
	v60 =	vsub.f32 v11, v55  }
0x61d: {  	v61 =	vld [tilespmem:s29+$0x10];
	[tilespmem:v56+s6+$0x0] =	vst.idx.msk $0xffff, v58  }
0x61e: {  	v17 =	vld [tilespmem:s2+$0x10];
	[tilespmem:v57+s6+$0x0] =	vst.idx.msk $0xffff, v60  }
0x61f: {  	v10 =	vsub.f32 v10, v14;
	v12 =	vld [tilespmem:s8+$0x10]  }
0x620: {  	v62 =	vsub.f32 v19, v15  }
0x621: {  	[tilespmem:v9+s7+$0x0] =	vst.idx.msk $0xffff, v10;
	v63 =	vsub.f32 v24, v59  }
0x622: {  	[tilespmem:v5+s7+$0x0] =	vst.idx.msk $0xffff, v62;
	v5 =	vsub.f32 v16, v61  }
0x623: {  	[tilespmem:v6+s7+$0x0] =	vst.idx.msk $0xffff, v63;
	v6 =	vsub.f32 v13, v17  }
0x624: {  	[tilespmem:v7+s7+$0x0] =	vst.idx.msk $0xffff, v5;
	v5 =	vsub.f32 v11, v12  }
0x625: {  	[tilespmem:v56+s7+$0x0] =	vst.idx.msk $0xffff, v6  }
0x626: {  	[tilespmem:v57+s7+$0x0] =	vst.idx.msk $0xffff, v5  }
0x627: {  	s25 =	simm.s32 $0x20000;
	s5 =	simm.s32 $0x400;
	s24 =	rddreg [dreg:$0x13]  }
0x628: {  	[hbm4b:s24+s5] =	stream.strided.scatter [tilespmem:s6], [sflag:$0x5], $0x2000, s25, s5, $0x38;
	[tilespmem:$0x11000] =	vst v63  }
0x629: {  	s29 =	simm.s32 $0x4;
	s26 =	rddreg [dreg:$0x14]  }
0x62a: {  	[hbm4b:s26+s5] =	stream.strided.scatter [tilespmem:s7], [sflag:$0x5], $0x2000, s25, s5, $0x38;
	[tilespmem:$0x11000] =	vst v63  }
0x62b: {  	_ =	swait.ge [sflag:s29], $0x2000  }
0x62c: {  	[sflag:s29] =	ssyncset.done $0x0  }
0x62d: {  	[sflag:s29] =	ssyncadd.s32 $0xFFFFE000  }
0x62e: {  	_ =	swait.ge [sflag:s29], $0x2000  }
0x62f: {  	[sflag:s29] =	ssyncset.done $0x0  }
0x630: {  	s30 =	simm.s32 $0x5;
	[sflag:s29] =	ssyncadd.s32 $0xFFFFE000  }
0x631: {  	_ =	swait.ge [sflag:s30], $0x2000  }
0x632: {  	[sflag:s30] =	ssyncset.done $0x0  }
0x633: {  	[sflag:s30] =	ssyncadd.s32 $0xFFFFE000  }
0x634: {  	_ =	swait.ge [sflag:s30], $0x2000  }
0x635: {  	s4 =	rddreg [dreg:$0x16]  }
0x636: {  	s31 =	rddreg [dreg:$0x15];
	s4 =	sadd.s32 $0x1, s4  }
0x637: {  	p0 =	sne.s32 s4, s31  }
.Ltmp8:
0x638: {  	_ = 	snop;
	(pc) =	sbr.rel @p0 .LBB2_1-.Ltmp8, $3  }
0x639: {  	_ =	sdelay $0x1  }
0x63a: {  	[sflag:s30] =	ssyncset.done $0x0  }
0x63b: {  	[sflag:s30] =	ssyncadd.s32 $0xFFFFE000  }
0x63c: {  	_ =	sfence.sel $0x180000  }
0x63d: {  	[bflag:$0x0] =	sbarrier.arrive $0xFFFF  }
0x63e: {  	_ =	strace $0x90000047  }
0x63f: {  	s0 =	stileid.u32;
	[bflag:$0x2] =	sbarrier.arrive $0xFFFF  }
0x640: {  	p0 =	sne.s32 s0, $0x0;
	s0 =	rddreg [dreg:$0x7]  }
0x641: {  	s0 =	sadd.s32 @!p0 $0x100000, s0  }
0x642: {  	[sflag:s0] =	ssyncadd.tile.s32 @!p0 $0x1;
	_ =	shalt  }
.Lfunc_end2:
_tile_overlayer_lowered:
.L_overlay_start_2:
0x643: {  	(tag) =	ssettag $0x2  }
0x644: {  	s0 =	rddreg [dreg:$0x0];
	s2 =	stileid.u32  }
0x645: {  	s1 =	rddreg [dreg:$0x1];
	p0 =	sne.s32 s2, $0x0  }
0x646: {  	s3 =	rddreg [dreg:$0x2];
	[bflag:$0x3] =	sbarrier.arrive $0xFFFF;
	s2 =	simm.s32 @!p0 $0x1C06  }
0x647: {  	[timem:s3], [sflag:s2] =	dma.local @!p0 [hbm:s0], s1  }
0x648: {  	s0 =	simm.s32 @!p0 $0x6  }
0x649: {  	_ =	swait.ge @!p0 [sflag:s0], s1  }
0x64a: {  	s1 =	ssub.s32 @!p0 $0x0, s1;
	[sflag:s0] =	ssyncset.done @!p0 $0x0  }
0x64b: {  	[sflag:s0] =	ssyncadd.s32 @!p0 s1  }
0x64c: {  	[bflag:$0x3] =	sbarrier.arrive $0xFFFF  }
0x64d: {  	_ =	shalt  }

</sc_bundles>
